<compile_context>
chip_gen: v7x
topology: tpu7x:2x2x1
jax: 0.10.2.dev20260603
libtpu: 0.0.44.dev20260713+nightly
codegen_flags: <defaults>
</compile_context>

<pallas_src>
import functools

import jax
import jax.numpy as jnp
from jax import lax
from jax.experimental import pallas as pl
from jax.experimental.pallas import tpu as pltpu
from jax.experimental.pallas import tpu_sc as plsc

N = 10000
E = 320000
IN_DIM = 128
OUT_DIM = 32
HEADS = 4
NUM_REL = 48
EPS = 1e-16
HD = HEADS * OUT_DIM
SW = 16
CW = HD + SW
NC = 2
NS = 16
NW = NC * NS
EPW = E // NW
CH = 80
NCHUNK = EPW // CH
RPT = 624
TAIL = N - NS * RPT


def _k1_body(x_ref, wcat_ref, a2_ref, brow_ref, p_ref, s3_ref):
    x = x_ref[...]
    p = lax.dot_general(x, wcat_ref[...], (((1,), (1,)), ((), ())),
                        preferred_element_type=jnp.float32)
    p_ref[...] = p
    s3 = lax.dot_general(p, a2_ref[...], (((1,), (1,)), ((), ())),
                         preferred_element_type=jnp.float32)
    s3_ref[...] = s3 + brow_ref[...]


def _k1(x, wcat, a2, brow):
    blk = 1000
    grid = N // blk
    return pl.pallas_call(
        _k1_body,
        grid=(grid,),
        in_specs=[
            pl.BlockSpec((blk, IN_DIM), lambda i: (i, 0)),
            pl.BlockSpec((HD, IN_DIM), lambda i: (0, 0)),
            pl.BlockSpec((NUM_REL * SW, HD), lambda i: (0, 0)),
            pl.BlockSpec((1, NUM_REL * SW), lambda i: (0, 0)),
        ],
        out_specs=[
            pl.BlockSpec((blk, HD), lambda i: (i, 0)),
            pl.BlockSpec((blk, NUM_REL * SW), lambda i: (i, 0)),
        ],
        out_shape=[
            jax.ShapeDtypeStruct((N, HD), jnp.float32),
            jax.ShapeDtypeStruct((N, NUM_REL * SW), jnp.float32),
        ],
    )(x, wcat, a2, brow)


def _k2_body(s3_hbm, p_hbm, src_hbm, dst_hbm, rt_hbm,
             accs_hbm, daccs_hbm,
             acc_sh, dacc_sh,
             src_v, dst_v, rt_v, sidx_v, dsti_v, srow_v, prow_v,
             esem, gsem, ssem):
    cid = lax.axis_index("c")
    sid = lax.axis_index("s")
    wid = sid * NC + cid

    @plsc.parallel_loop(0, CH, 1, unroll=8)
    def _zrow(i):
        for k in range(HD // 16):
            prow_v[0][i, pl.ds(16 * k, 16)] = jnp.zeros((16,), jnp.float32)
        srow_v[0][i, pl.ds(0, 16)] = jnp.zeros((16,), jnp.float32)

    for j in range(7):
        pltpu.sync_copy(prow_v[0], acc_sh.at[pl.ds(sid * RPT + j * CH, CH)])
        pltpu.sync_copy(srow_v[0], dacc_sh.at[pl.ds(sid * RPT + j * CH, CH)])
    pltpu.sync_copy(prow_v[0].at[pl.ds(0, 64)], acc_sh.at[pl.ds(sid * RPT + 7 * CH, 64)])
    pltpu.sync_copy(srow_v[0].at[pl.ds(0, 64)], dacc_sh.at[pl.ds(sid * RPT + 7 * CH, 64)])

    @pl.when(sid == 0)
    def _ztail():
        pltpu.sync_copy(prow_v[0].at[pl.ds(0, TAIL)], acc_sh.at[pl.ds(NS * RPT, TAIL)])
        pltpu.sync_copy(srow_v[0].at[pl.ds(0, TAIL)], dacc_sh.at[pl.ds(NS * RPT, TAIL)])

    plsc.subcore_barrier()

    lanes = lax.iota(jnp.int32, 16)
    expmask = lanes < HEADS

    def fire_l(c, b):
        base = wid * EPW + c * CH
        pltpu.async_copy(src_hbm.at[pl.ds(base, CH)], src_v[b], esem[b])
        pltpu.async_copy(dst_hbm.at[pl.ds(base, CH)], dst_v[b], esem[b])
        pltpu.async_copy(rt_hbm.at[pl.ds(base, CH)], rt_v[b], esem[b])

    def wait_l(b):
        pltpu.make_async_copy(src_hbm.at[pl.ds(0, CH)], src_v[b], esem[b]).wait()
        pltpu.make_async_copy(dst_hbm.at[pl.ds(0, CH)], dst_v[b], esem[b]).wait()
        pltpu.make_async_copy(rt_hbm.at[pl.ds(0, CH)], rt_v[b], esem[b]).wait()

    def do_x(b):
        for i in range(CH // 16):
            sl = pl.ds(16 * i, 16)
            sidx_v[b][sl] = src_v[b][sl] * NUM_REL + rt_v[b][sl]
            dsti_v[b][sl] = dst_v[b][sl]

    def fire_g(b):
        pltpu.async_copy(s3_hbm.at[sidx_v[b]], srow_v[b], gsem[b])
        pltpu.async_copy(p_hbm.at[src_v[b]], prow_v[b], gsem[b])

    def wait_g(b):
        pltpu.make_async_copy(s3_hbm.at[sidx_v[b]], srow_v[b], gsem[b]).wait()
        pltpu.make_async_copy(p_hbm.at[src_v[b]], prow_v[b], gsem[b]).wait()

    def do_c(b):
        @plsc.parallel_loop(0, CH, 1, unroll=8)
        def _scale(e):
            row = srow_v[b][e, pl.ds(0, 16)]
            tt = jnp.exp(jnp.maximum(row, 0.2 * row))
            rowx = jnp.where(expmask, tt, row)
            for h in range(HEADS):
                exs = rowx[h]
                s0 = pl.ds(h * 2 * 16, 16)
                s1 = pl.ds((h * 2 + 1) * 16, 16)
                prow_v[b][e, s0] = prow_v[b][e, s0] * exs
                prow_v[b][e, s1] = prow_v[b][e, s1] * exs
            srow_v[b][e, pl.ds(0, 16)] = rowx

    def fire_s(b):
        pltpu.async_copy(srow_v[b], dacc_sh.at[dsti_v[b]], ssem[b], add=True)
        pltpu.async_copy(prow_v[b], acc_sh.at[dsti_v[b]], ssem[b], add=True)

    def wait_s(b):
        pltpu.make_async_copy(srow_v[b], dacc_sh.at[dsti_v[b]], ssem[b]).wait()
        pltpu.make_async_copy(prow_v[b], acc_sh.at[dsti_v[b]], ssem[b]).wait()

    def sub_a(b, first=False):
        wait_l(b)
        if not first:
            wait_s(b)
        do_x(b)
        fire_g(b)

    def sub_b(c, b, last=False):
        wait_g(b)
        do_c(b)
        fire_s(b)
        if not last:
            if isinstance(c, int):
                if c + 2 < NCHUNK:
                    fire_l(c + 2, b)
            else:
                @pl.when(c + 2 < NCHUNK)
                def _():
                    fire_l(c + 2, b)

    fire_l(0, 0)
    fire_l(1, 1)
    sub_a(0, first=True)
    sub_a(1, first=True)

    def _pipe(k, _):
        c = 2 * k
        sub_b(c, 0)
        sub_a(0)
        sub_b(c + 1, 1)

        @pl.when(c + 3 < NCHUNK)
        def _():
            sub_a(1)
        return 0

    lax.fori_loop(0, (NCHUNK - 1) // 2, _pipe, 0)

    sub_b(NCHUNK - 1, 0, last=True)
    wait_s(0)
    wait_s(1)

    plsc.subcore_barrier()

    r0 = sid * RPT
    pltpu.sync_copy(acc_sh.at[pl.ds(r0, RPT)], accs_hbm.at[cid, pl.ds(r0, RPT)])
    pltpu.sync_copy(dacc_sh.at[pl.ds(r0, RPT)], daccs_hbm.at[cid, pl.ds(r0, RPT)])

    @pl.when(sid == 0)
    def _wtail():
        pltpu.sync_copy(acc_sh.at[pl.ds(NS * RPT, TAIL)],
                        accs_hbm.at[cid, pl.ds(NS * RPT, TAIL)])
        pltpu.sync_copy(dacc_sh.at[pl.ds(NS * RPT, TAIL)],
                        daccs_hbm.at[cid, pl.ds(NS * RPT, TAIL)])


def _k2(s3r, p, src, dst, rt):
    mesh = plsc.VectorSubcoreMesh(core_axis_name="c", subcore_axis_name="s")
    ivec = pltpu.VMEM((CH,), jnp.int32)
    f = functools.partial(
        pl.kernel,
        out_type=[
            jax.ShapeDtypeStruct((NC, N, HD), jnp.float32),
            jax.ShapeDtypeStruct((NC, N, SW), jnp.float32),
        ],
        mesh=mesh,
        compiler_params=pltpu.CompilerParams(needs_layout_passes=False,
                                             use_tc_tiling_on_sc=False),
        scratch_types=[
            pltpu.VMEM_SHARED((N, HD), jnp.float32),
            pltpu.VMEM_SHARED((N, SW), jnp.float32),
            [ivec, ivec], [ivec, ivec], [ivec, ivec], [ivec, ivec],
            [ivec, ivec],
            [pltpu.VMEM((CH, SW), jnp.float32), pltpu.VMEM((CH, SW), jnp.float32)],
            [pltpu.VMEM((CH, HD), jnp.float32), pltpu.VMEM((CH, HD), jnp.float32)],
            [pltpu.SemaphoreType.DMA, pltpu.SemaphoreType.DMA],
            [pltpu.SemaphoreType.DMA, pltpu.SemaphoreType.DMA],
            [pltpu.SemaphoreType.DMA, pltpu.SemaphoreType.DMA],
        ],
    )(_k2_body)
    return f(s3r, p, src, dst, rt)


def _k3_body(acc_ref, d_ref, out_ref):
    a = acc_ref[0] + acc_ref[1]
    d = d_ref[0] + d_ref[1]
    bias = d[:, 4:5]
    parts = []
    for h in range(HEADS):
        den = d[:, h:h + 1] + EPS
        parts.append(a[:, h * OUT_DIM:(h + 1) * OUT_DIM] / den + bias)
    out_ref[...] = jnp.concatenate(parts, axis=1)


def _k3(acc, dacc):
    blk = 1000
    grid = N // blk
    return pl.pallas_call(
        _k3_body,
        grid=(grid,),
        in_specs=[
            pl.BlockSpec((NC, blk, HD), lambda i: (0, i, 0)),
            pl.BlockSpec((NC, blk, SW), lambda i: (0, i, 0)),
        ],
        out_specs=pl.BlockSpec((blk, HD), lambda i: (i, 0)),
        out_shape=jax.ShapeDtypeStruct((N, HD), jnp.float32),
    )(acc, dacc)


def kernel(node_emb, edge_index, edge_type, W, attn_vec, rel_bias):
    wcat = W.reshape(HD, IN_DIM)
    tmp = attn_vec.transpose(1, 0, 2)
    a2 = jnp.zeros((NUM_REL, SW, HEADS, OUT_DIM), jnp.float32)
    a2 = a2.at[:, jnp.arange(HEADS), jnp.arange(HEADS), :].set(tmp)
    a2 = a2.reshape(NUM_REL * SW, HD)
    brow = jnp.zeros((NUM_REL, SW), jnp.float32).at[:, 4].set(rel_bias)
    brow = brow.reshape(1, NUM_REL * SW)

    p, s3 = _k1(node_emb, wcat, a2, brow)
    s3r = s3.reshape(N * NUM_REL, SW)

    src = edge_index[0].astype(jnp.int32)
    dst = edge_index[1].astype(jnp.int32)
    rt = edge_type.astype(jnp.int32)

    accs, daccs = _k2(s3r, p, src, dst, rt)
    return _k3(accs, daccs)

# --- scband reference (transcript-rebuilt; emitter-appended) ---
"""Pipeline reference for scband-rel-gatlayer-28484223107262 (READ-ONLY COPY).

The authoritative reference and input builder live on the scoring server;
editing this copy changes nothing except your own understanding.
"""

import jax, jax.numpy as jnp
import numpy as np

N = 10000
E = 320000
IN_DIM = 128
OUT_DIM = 32
HEADS = 4
NUM_REL = 48
EPS = 1e-16


def setup_inputs(seed: int = 0) -> dict:
    key = jax.random.key(seed)
    k1, k2, k3, k4, k5 = jax.random.split(key, 5)
    node_emb = jax.random.normal(k1, (N, IN_DIM), dtype=jnp.float32)
    edge_index = jax.random.randint(k2, (2, E), 0, N)
    edge_type = jax.random.randint(k3, (E,), 0, NUM_REL)
    # Xavier-uniform init for per-head projection weights [H, out_dim, in_dim]
    lim_w = float(np.sqrt(6.0 / (IN_DIM + OUT_DIM)))
    W = jax.random.uniform(k4, (HEADS, OUT_DIM, IN_DIM), dtype=jnp.float32, minval=-lim_w, maxval=lim_w)
    # Xavier-uniform init for per-head relation attention vectors [H, num_rel, out_dim]
    lim_a = float(np.sqrt(6.0 / (NUM_REL + OUT_DIM)))
    attn_vec = jax.random.uniform(k5, (HEADS, NUM_REL, OUT_DIM), dtype=jnp.float32, minval=-lim_a, maxval=lim_a)
    rel_bias = jnp.zeros((NUM_REL,), dtype=jnp.float32)
    return {
        "node_emb": node_emb,
        "edge_index": edge_index,
        "edge_type": edge_type,
        "W": W,
        "attn_vec": attn_vec,
        "rel_bias": rel_bias,
    }


def reference(node_emb, edge_index, edge_type, W, attn_vec, rel_bias):
    src = edge_index[0]
    dst = edge_index[1]
    outs = []
    for h in range(HEADS):
        # linear projection (no bias), shared across relations
        p = node_emb @ W[h].T                        # [N, out_dim]
        proj_src = jnp.take(p, src, axis=0)          # [E, out_dim] gather
        a = jnp.take(attn_vec[h], edge_type, axis=0) # [E, out_dim] relation-specific gather
        score = jnp.sum(proj_src * a, axis=-1)       # [E]
        score = jnp.where(score > 0, score, 0.2 * score)  # LeakyReLU(0.2)
        ex = jnp.exp(score)
        denom = jax.ops.segment_sum(ex, dst, num_segments=N)  # per-dst softmax denominator
        alpha = ex / (jnp.take(denom, dst, axis=0) + EPS)
        msg = alpha[:, None] * proj_src
        msg = msg + jnp.take(rel_bias, edge_type, axis=0)[:, None]  # relation bias beta_r
        out_h = jax.ops.segment_sum(msg, dst, num_segments=N)       # scatter-add aggregation
        outs.append(out_h)
    out = jnp.concatenate(outs, axis=-1)  # [N, heads*out_dim]
    # dropout p=0.0 -> identity
    return out

if __name__ == "__main__":
    import jax
    _d = setup_inputs()
    print(jax.jit(kernel)(*tuple(_d.values())))

</pallas_src>

<mosaic_0001>
#map = affine_map<(d0, d1) -> (0, 0)>
#map1 = affine_map<(d0, d1) -> (0)>
#map2 = affine_map<(d0, d1) -> (0, 0, 0)>
module attributes {stable_mosaic.version = 14 : i64} {
  func.func @_k2_body(%arg0: i32, %arg1: i32, %arg2: memref<480000x16xf32, #tpu.memory_space<hbm>>, %arg3: memref<10000x128xf32, #tpu.memory_space<hbm>>, %arg4: memref<320000xi32, #tpu.memory_space<hbm>>, %arg5: memref<320000xi32, #tpu.memory_space<hbm>>, %arg6: memref<320000xi32, #tpu.memory_space<hbm>>, %arg7: memref<2x10000x128xf32, #tpu.memory_space<hbm>>, %arg8: memref<2x10000x16xf32, #tpu.memory_space<hbm>>, %arg9: memref<10000x128xf32, #tpu.memory_space<vmem_shared>>, %arg10: memref<10000x16xf32, #tpu.memory_space<vmem_shared>>, %arg11: memref<80xi32, #tpu.memory_space<vmem>>, %arg12: memref<80xi32, #tpu.memory_space<vmem>>, %arg13: memref<80xi32, #tpu.memory_space<vmem>>, %arg14: memref<80xi32, #tpu.memory_space<vmem>>, %arg15: memref<80xi32, #tpu.memory_space<vmem>>, %arg16: memref<80xi32, #tpu.memory_space<vmem>>, %arg17: memref<80xi32, #tpu.memory_space<vmem>>, %arg18: memref<80xi32, #tpu.memory_space<vmem>>, %arg19: memref<80xi32, #tpu.memory_space<vmem>>, %arg20: memref<80xi32, #tpu.memory_space<vmem>>, %arg21: memref<80x16xf32, #tpu.memory_space<vmem>>, %arg22: memref<80x16xf32, #tpu.memory_space<vmem>>, %arg23: memref<80x128xf32, #tpu.memory_space<vmem>>, %arg24: memref<80x128xf32, #tpu.memory_space<vmem>>, %arg25: memref<!tpu.dma_semaphore, #tpu.memory_space<semaphore_mem>>, %arg26: memref<!tpu.dma_semaphore, #tpu.memory_space<semaphore_mem>>, %arg27: memref<!tpu.dma_semaphore, #tpu.memory_space<semaphore_mem>>, %arg28: memref<!tpu.dma_semaphore, #tpu.memory_space<semaphore_mem>>, %arg29: memref<!tpu.dma_semaphore, #tpu.memory_space<semaphore_mem>>, %arg30: memref<!tpu.dma_semaphore, #tpu.memory_space<semaphore_mem>>) attributes {dimension_semantics = [#tpu.dimension_semantics<core_parallel>, #tpu.dimension_semantics<subcore_parallel>], iteration_bounds = array<i64: 2, 16>, scalar_prefetch = 0 : i64, scratch_operands = 22 : i64, tpu.core_type = #tpu.core_type<sc_vector_subcore>, window_params = [{transform_indices = #map}, {transform_indices = #map}, {transform_indices = #map1}, {transform_indices = #map1}, {transform_indices = #map1}, {transform_indices = #map2}, {transform_indices = #map2}]} {
    %mul3A = arith.constant 2 : i32
    %mul3A_0 = arith.muli %arg1, %mul3A : i32
    %add3A = arith.addi %mul3A_0, %arg0 : i32
    %parallel_loop3A = arith.constant 0 : i32
    %parallel_loop3A_1 = arith.constant 80 : i32
    %parallel_loop3A_2 = arith.constant 1 : i32
    scf.for %parallel_loop3A_304 = %parallel_loop3A to %parallel_loop3A_1 step %parallel_loop3A_2  : i32 {
      %parallel_loop3A_305 = arith.constant 0.000000e+00 : f32
      %parallel_loop3A_306 = vector.broadcast %parallel_loop3A_305 : f32 to vector<16xf32>
      %parallel_loop3A_307 = arith.index_cast %parallel_loop3A_304 : i32 to index
      %parallel_loop3A_308 = arith.constant 0 : index
      %parallel_loop3A_309 = tpu.vector_load %arg23[%parallel_loop3A_307, %parallel_loop3A_308] {strides = array<i32>} : memref<80x128xf32, #tpu.memory_space<vmem>>, vector<16xf32>,
      tpu.vector_store %arg23[%parallel_loop3A_307, %parallel_loop3A_308], %parallel_loop3A_306 {strides = array<i32>} : memref<80x128xf32, #tpu.memory_space<vmem>>, vector<16xf32>,
      %parallel_loop3A_310 = arith.constant 0.000000e+00 : f32
      %parallel_loop3A_311 = vector.broadcast %parallel_loop3A_310 : f32 to vector<16xf32>
      %parallel_loop3A_312 = arith.index_cast %parallel_loop3A_304 : i32 to index
      %parallel_loop3A_313 = arith.constant 16 : index
      %parallel_loop3A_314 = tpu.vector_load %arg23[%parallel_loop3A_312, %parallel_loop3A_313] {strides = array<i32>} : memref<80x128xf32, #tpu.memory_space<vmem>>, vector<16xf32>,
      tpu.vector_store %arg23[%parallel_loop3A_312, %parallel_loop3A_313], %parallel_loop3A_311 {strides = array<i32>} : memref<80x128xf32, #tpu.memory_space<vmem>>, vector<16xf32>,
      %parallel_loop3A_315 = arith.constant 0.000000e+00 : f32
      %parallel_loop3A_316 = vector.broadcast %parallel_loop3A_315 : f32 to vector<16xf32>
      %parallel_loop3A_317 = arith.index_cast %parallel_loop3A_304 : i32 to index
      %parallel_loop3A_318 = arith.constant 32 : index
      %parallel_loop3A_319 = tpu.vector_load %arg23[%parallel_loop3A_317, %parallel_loop3A_318] {strides = array<i32>} : memref<80x128xf32, #tpu.memory_space<vmem>>, vector<16xf32>,
      tpu.vector_store %arg23[%parallel_loop3A_317, %parallel_loop3A_318], %parallel_loop3A_316 {strides = array<i32>} : memref<80x128xf32, #tpu.memory_space<vmem>>, vector<16xf32>,
      %parallel_loop3A_320 = arith.constant 0.000000e+00 : f32
      %parallel_loop3A_321 = vector.broadcast %parallel_loop3A_320 : f32 to vector<16xf32>
      %parallel_loop3A_322 = arith.index_cast %parallel_loop3A_304 : i32 to index
      %parallel_loop3A_323 = arith.constant 48 : index
      %parallel_loop3A_324 = tpu.vector_load %arg23[%parallel_loop3A_322, %parallel_loop3A_323] {strides = array<i32>} : memref<80x128xf32, #tpu.memory_space<vmem>>, vector<16xf32>,
      tpu.vector_store %arg23[%parallel_loop3A_322, %parallel_loop3A_323], %parallel_loop3A_321 {strides = array<i32>} : memref<80x128xf32, #tpu.memory_space<vmem>>, vector<16xf32>,
      %parallel_loop3A_325 = arith.constant 0.000000e+00 : f32
      %parallel_loop3A_326 = vector.broadcast %parallel_loop3A_325 : f32 to vector<16xf32>
      %parallel_loop3A_327 = arith.index_cast %parallel_loop3A_304 : i32 to index
      %parallel_loop3A_328 = arith.constant 64 : index
      %parallel_loop3A_329 = tpu.vector_load %arg23[%parallel_loop3A_327, %parallel_loop3A_328] {strides = array<i32>} : memref<80x128xf32, #tpu.memory_space<vmem>>, vector<16xf32>,
      tpu.vector_store %arg23[%parallel_loop3A_327, %parallel_loop3A_328], %parallel_loop3A_326 {strides = array<i32>} : memref<80x128xf32, #tpu.memory_space<vmem>>, vector<16xf32>,
      %parallel_loop3A_330 = arith.constant 0.000000e+00 : f32
      %parallel_loop3A_331 = vector.broadcast %parallel_loop3A_330 : f32 to vector<16xf32>
      %parallel_loop3A_332 = arith.index_cast %parallel_loop3A_304 : i32 to index
      %parallel_loop3A_333 = arith.constant 80 : index
      %parallel_loop3A_334 = tpu.vector_load %arg23[%parallel_loop3A_332, %parallel_loop3A_333] {strides = array<i32>} : memref<80x128xf32, #tpu.memory_space<vmem>>, vector<16xf32>,
      tpu.vector_store %arg23[%parallel_loop3A_332, %parallel_loop3A_333], %parallel_loop3A_331 {strides = array<i32>} : memref<80x128xf32, #tpu.memory_space<vmem>>, vector<16xf32>,
      %parallel_loop3A_335 = arith.constant 0.000000e+00 : f32
      %parallel_loop3A_336 = vector.broadcast %parallel_loop3A_335 : f32 to vector<16xf32>
      %parallel_loop3A_337 = arith.index_cast %parallel_loop3A_304 : i32 to index
      %parallel_loop3A_338 = arith.constant 96 : index
      %parallel_loop3A_339 = tpu.vector_load %arg23[%parallel_loop3A_337, %parallel_loop3A_338] {strides = array<i32>} : memref<80x128xf32, #tpu.memory_space<vmem>>, vector<16xf32>,
      tpu.vector_store %arg23[%parallel_loop3A_337, %parallel_loop3A_338], %parallel_loop3A_336 {strides = array<i32>} : memref<80x128xf32, #tpu.memory_space<vmem>>, vector<16xf32>,
      %parallel_loop3A_340 = arith.constant 0.000000e+00 : f32
      %parallel_loop3A_341 = vector.broadcast %parallel_loop3A_340 : f32 to vector<16xf32>
      %parallel_loop3A_342 = arith.index_cast %parallel_loop3A_304 : i32 to index
      %parallel_loop3A_343 = arith.constant 112 : index
      %parallel_loop3A_344 = tpu.vector_load %arg23[%parallel_loop3A_342, %parallel_loop3A_343] {strides = array<i32>} : memref<80x128xf32, #tpu.memory_space<vmem>>, vector<16xf32>,
      tpu.vector_store %arg23[%parallel_loop3A_342, %parallel_loop3A_343], %parallel_loop3A_341 {strides = array<i32>} : memref<80x128xf32, #tpu.memory_space<vmem>>, vector<16xf32>,
      %parallel_loop3A_345 = arith.constant 0.000000e+00 : f32
      %parallel_loop3A_346 = vector.broadcast %parallel_loop3A_345 : f32 to vector<16xf32>
      %parallel_loop3A_347 = arith.index_cast %parallel_loop3A_304 : i32 to index
      %parallel_loop3A_348 = arith.constant 0 : index
      %parallel_loop3A_349 = tpu.vector_load %arg21[%parallel_loop3A_347, %parallel_loop3A_348] {strides = array<i32>} : memref<80x16xf32, #tpu.memory_space<vmem>>, vector<16xf32>,
      tpu.vector_store %arg21[%parallel_loop3A_347, %parallel_loop3A_348], %parallel_loop3A_346 {strides = array<i32>} : memref<80x16xf32, #tpu.memory_space<vmem>>, vector<16xf32>,
    } {sc.loop_unroll_factor = 8 : i64, sc.parallel_access}
    %mul3A_3 = arith.constant 624 : i32
    %mul3A_4 = arith.muli %arg1, %mul3A_3 : i32
    %add3A_5 = arith.constant 0 : i32
    %add3A_6 = arith.addi %mul3A_4, %add3A_5 : i32
    "tpu.region"() ({
      %run_scoped3A = tpu.sem_alloc : memref<!tpu.dma_semaphore, #tpu.memory_space<semaphore_mem>>
      %dma_start3A_304 = arith.constant 0 : i32
      %dma_start3A_305 = tpu.memref_slice %arg9[%add3A_6, %dma_start3A_304] : memref<10000x128xf32, #tpu.memory_space<vmem_shared>> -> memref<80x128xf32, #tpu.memory_space<vmem_shared>>
      %dma_start3A_306 = arith.constant 0 : i32
      %dma_start3A_307 = tpu.memref_slice %arg9[%add3A_6, %dma_start3A_306] : memref<10000x128xf32, #tpu.memory_space<vmem_shared>> -> memref<80x128xf32, #tpu.memory_space<vmem_shared>>
      tpu.enqueue_dma source(%arg23 : memref<80x128xf32, #tpu.memory_space<vmem>>) target(%dma_start3A_307 : memref<80x128xf32, #tpu.memory_space<vmem_shared>>) target_semaphore(%run_scoped3A : memref<!tpu.dma_semaphore, #tpu.memory_space<semaphore_mem>>)
      %dma_wait3A_308 = arith.constant 0 : i32
      %dma_wait3A_309 = tpu.memref_slice %arg9[%add3A_6, %dma_wait3A_308] : memref<10000x128xf32, #tpu.memory_space<vmem_shared>> -> memref<80x128xf32, #tpu.memory_space<vmem_shared>>
      %dma_wait3A_310 = arith.constant 0 : i32
      %dma_wait3A_311 = tpu.memref_slice %arg9[%add3A_6, %dma_wait3A_310] : memref<10000x128xf32, #tpu.memory_space<vmem_shared>> -> memref<80x128xf32, #tpu.memory_space<vmem_shared>>
      tpu.wait_dma2 semaphore(%run_scoped3A : memref<!tpu.dma_semaphore, #tpu.memory_space<semaphore_mem>>) src(%arg23 : memref<80x128xf32, #tpu.memory_space<vmem>>) dst(%dma_wait3A_311 : memref<80x128xf32, #tpu.memory_space<vmem_shared>>)
      tpu.yield
    }) : () -> ()
    %mul3A_7 = arith.constant 624 : i32
    %mul3A_8 = arith.muli %arg1, %mul3A_7 : i32
    %add3A_9 = arith.constant 0 : i32
    %add3A_10 = arith.addi %mul3A_8, %add3A_9 : i32
    "tpu.region"() ({
      %run_scoped3A = tpu.sem_alloc : memref<!tpu.dma_semaphore, #tpu.memory_space<semaphore_mem>>
      %dma_start3A_304 = arith.constant 0 : i32
      %dma_start3A_305 = tpu.memref_slice %arg10[%add3A_10, %dma_start3A_304] : memref<10000x16xf32, #tpu.memory_space<vmem_shared>> -> memref<80x16xf32, #tpu.memory_space<vmem_shared>>
      %dma_start3A_306 = arith.constant 0 : i32
      %dma_start3A_307 = tpu.memref_slice %arg10[%add3A_10, %dma_start3A_306] : memref<10000x16xf32, #tpu.memory_space<vmem_shared>> -> memref<80x16xf32, #tpu.memory_space<vmem_shared>>
      tpu.enqueue_dma source(%arg21 : memref<80x16xf32, #tpu.memory_space<vmem>>) target(%dma_start3A_307 : memref<80x16xf32, #tpu.memory_space<vmem_shared>>) target_semaphore(%run_scoped3A : memref<!tpu.dma_semaphore, #tpu.memory_space<semaphore_mem>>)
      %dma_wait3A_308 = arith.constant 0 : i32
      %dma_wait3A_309 = tpu.memref_slice %arg10[%add3A_10, %dma_wait3A_308] : memref<10000x16xf32, #tpu.memory_space<vmem_shared>> -> memref<80x16xf32, #tpu.memory_space<vmem_shared>>
      %dma_wait3A_310 = arith.constant 0 : i32
      %dma_wait3A_311 = tpu.memref_slice %arg10[%add3A_10, %dma_wait3A_310] : memref<10000x16xf32, #tpu.memory_space<vmem_shared>> -> memref<80x16xf32, #tpu.memory_space<vmem_shared>>
      tpu.wait_dma2 semaphore(%run_scoped3A : memref<!tpu.dma_semaphore, #tpu.memory_space<semaphore_mem>>) src(%arg21 : memref<80x16xf32, #tpu.memory_space<vmem>>) dst(%dma_wait3A_311 : memref<80x16xf32, #tpu.memory_space<vmem_shared>>)
      tpu.yield
    }) : () -> ()
    %mul3A_11 = arith.constant 624 : i32
    %mul3A_12 = arith.muli %arg1, %mul3A_11 : i32
    %add3A_13 = arith.constant 80 : i32
    %add3A_14 = arith.addi %mul3A_12, %add3A_13 : i32
    "tpu.region"() ({
      %run_scoped3A = tpu.sem_alloc : memref<!tpu.dma_semaphore, #tpu.memory_space<semaphore_mem>>
      %dma_start3A_304 = arith.constant 0 : i32
      %dma_start3A_305 = tpu.memref_slice %arg9[%add3A_14, %dma_start3A_304] : memref<10000x128xf32, #tpu.memory_space<vmem_shared>> -> memref<80x128xf32, #tpu.memory_space<vmem_shared>>
      %dma_start3A_306 = arith.constant 0 : i32
      %dma_start3A_307 = tpu.memref_slice %arg9[%add3A_14, %dma_start3A_306] : memref<10000x128xf32, #tpu.memory_space<vmem_shared>> -> memref<80x128xf32, #tpu.memory_space<vmem_shared>>
      tpu.enqueue_dma source(%arg23 : memref<80x128xf32, #tpu.memory_space<vmem>>) target(%dma_start3A_307 : memref<80x128xf32, #tpu.memory_space<vmem_shared>>) target_semaphore(%run_scoped3A : memref<!tpu.dma_semaphore, #tpu.memory_space<semaphore_mem>>)
      %dma_wait3A_308 = arith.constant 0 : i32
      %dma_wait3A_309 = tpu.memref_slice %arg9[%add3A_14, %dma_wait3A_308] : memref<10000x128xf32, #tpu.memory_space<vmem_shared>> -> memref<80x128xf32, #tpu.memory_space<vmem_shared>>
      %dma_wait3A_310 = arith.constant 0 : i32
      %dma_wait3A_311 = tpu.memref_slice %arg9[%add3A_14, %dma_wait3A_310] : memref<10000x128xf32, #tpu.memory_space<vmem_shared>> -> memref<80x128xf32, #tpu.memory_space<vmem_shared>>
      tpu.wait_dma2 semaphore(%run_scoped3A : memref<!tpu.dma_semaphore, #tpu.memory_space<semaphore_mem>>) src(%arg23 : memref<80x128xf32, #tpu.memory_space<vmem>>) dst(%dma_wait3A_311 : memref<80x128xf32, #tpu.memory_space<vmem_shared>>)
      tpu.yield
    }) : () -> ()
    %mul3A_15 = arith.constant 624 : i32
    %mul3A_16 = arith.muli %arg1, %mul3A_15 : i32
    %add3A_17 = arith.constant 80 : i32
    %add3A_18 = arith.addi %mul3A_16, %add3A_17 : i32
    "tpu.region"() ({
      %run_scoped3A = tpu.sem_alloc : memref<!tpu.dma_semaphore, #tpu.memory_space<semaphore_mem>>
      %dma_start3A_304 = arith.constant 0 : i32
      %dma_start3A_305 = tpu.memref_slice %arg10[%add3A_18, %dma_start3A_304] : memref<10000x16xf32, #tpu.memory_space<vmem_shared>> -> memref<80x16xf32, #tpu.memory_space<vmem_shared>>
      %dma_start3A_306 = arith.constant 0 : i32
      %dma_start3A_307 = tpu.memref_slice %arg10[%add3A_18, %dma_start3A_306] : memref<10000x16xf32, #tpu.memory_space<vmem_shared>> -> memref<80x16xf32, #tpu.memory_space<vmem_shared>>
      tpu.enqueue_dma source(%arg21 : memref<80x16xf32, #tpu.memory_space<vmem>>) target(%dma_start3A_307 : memref<80x16xf32, #tpu.memory_space<vmem_shared>>) target_semaphore(%run_scoped3A : memref<!tpu.dma_semaphore, #tpu.memory_space<semaphore_mem>>)
      %dma_wait3A_308 = arith.constant 0 : i32
      %dma_wait3A_309 = tpu.memref_slice %arg10[%add3A_18, %dma_wait3A_308] : memref<10000x16xf32, #tpu.memory_space<vmem_shared>> -> memref<80x16xf32, #tpu.memory_space<vmem_shared>>
      %dma_wait3A_310 = arith.constant 0 : i32
      %dma_wait3A_311 = tpu.memref_slice %arg10[%add3A_18, %dma_wait3A_310] : memref<10000x16xf32, #tpu.memory_space<vmem_shared>> -> memref<80x16xf32, #tpu.memory_space<vmem_shared>>
      tpu.wait_dma2 semaphore(%run_scoped3A : memref<!tpu.dma_semaphore, #tpu.memory_space<semaphore_mem>>) src(%arg21 : memref<80x16xf32, #tpu.memory_space<vmem>>) dst(%dma_wait3A_311 : memref<80x16xf32, #tpu.memory_space<vmem_shared>>)
      tpu.yield
    }) : () -> ()
    %mul3A_19 = arith.constant 624 : i32
    %mul3A_20 = arith.muli %arg1, %mul3A_19 : i32
    %add3A_21 = arith.constant 160 : i32
    %add3A_22 = arith.addi %mul3A_20, %add3A_21 : i32
    "tpu.region"() ({
      %run_scoped3A = tpu.sem_alloc : memref<!tpu.dma_semaphore, #tpu.memory_space<semaphore_mem>>
      %dma_start3A_304 = arith.constant 0 : i32
      %dma_start3A_305 = tpu.memref_slice %arg9[%add3A_22, %dma_start3A_304] : memref<10000x128xf32, #tpu.memory_space<vmem_shared>> -> memref<80x128xf32, #tpu.memory_space<vmem_shared>>
      %dma_start3A_306 = arith.constant 0 : i32
      %dma_start3A_307 = tpu.memref_slice %arg9[%add3A_22, %dma_start3A_306] : memref<10000x128xf32, #tpu.memory_space<vmem_shared>> -> memref<80x128xf32, #tpu.memory_space<vmem_shared>>
      tpu.enqueue_dma source(%arg23 : memref<80x128xf32, #tpu.memory_space<vmem>>) target(%dma_start3A_307 : memref<80x128xf32, #tpu.memory_space<vmem_shared>>) target_semaphore(%run_scoped3A : memref<!tpu.dma_semaphore, #tpu.memory_space<semaphore_mem>>)
      %dma_wait3A_308 = arith.constant 0 : i32
      %dma_wait3A_309 = tpu.memref_slice %arg9[%add3A_22, %dma_wait3A_308] : memref<10000x128xf32, #tpu.memory_space<vmem_shared>> -> memref<80x128xf32, #tpu.memory_space<vmem_shared>>
      %dma_wait3A_310 = arith.constant 0 : i32
      %dma_wait3A_311 = tpu.memref_slice %arg9[%add3A_22, %dma_wait3A_310] : memref<10000x128xf32, #tpu.memory_space<vmem_shared>> -> memref<80x128xf32, #tpu.memory_space<vmem_shared>>
      tpu.wait_dma2 semaphore(%run_scoped3A : memref<!tpu.dma_semaphore, #tpu.memory_space<semaphore_mem>>) src(%arg23 : memref<80x128xf32, #tpu.memory_space<vmem>>) dst(%dma_wait3A_311 : memref<80x128xf32, #tpu.memory_space<vmem_shared>>)
      tpu.yield
    }) : () -> ()
    %mul3A_23 = arith.constant 624 : i32
    %mul3A_24 = arith.muli %arg1, %mul3A_23 : i32
    %add3A_25 = arith.constant 160 : i32
    %add3A_26 = arith.addi %mul3A_24, %add3A_25 : i32
    "tpu.region"() ({
      %run_scoped3A = tpu.sem_alloc : memref<!tpu.dma_semaphore, #tpu.memory_space<semaphore_mem>>
      %dma_start3A_304 = arith.constant 0 : i32
      %dma_start3A_305 = tpu.memref_slice %arg10[%add3A_26, %dma_start3A_304] : memref<10000x16xf32, #tpu.memory_space<vmem_shared>> -> memref<80x16xf32, #tpu.memory_space<vmem_shared>>
      %dma_start3A_306 = arith.constant 0 : i32
      %dma_start3A_307 = tpu.memref_slice %arg10[%add3A_26, %dma_start3A_306] : memref<10000x16xf32, #tpu.memory_space<vmem_shared>> -> memref<80x16xf32, #tpu.memory_space<vmem_shared>>
      tpu.enqueue_dma source(%arg21 : memref<80x16xf32, #tpu.memory_space<vmem>>) target(%dma_start3A_307 : memref<80x16xf32, #tpu.memory_space<vmem_shared>>) target_semaphore(%run_scoped3A : memref<!tpu.dma_semaphore, #tpu.memory_space<semaphore_mem>>)
      %dma_wait3A_308 = arith.constant 0 : i32
      %dma_wait3A_309 = tpu.memref_slice %arg10[%add3A_26, %dma_wait3A_308] : memref<10000x16xf32, #tpu.memory_space<vmem_shared>> -> memref<80x16xf32, #tpu.memory_space<vmem_shared>>
      %dma_wait3A_310 = arith.constant 0 : i32
      %dma_wait3A_311 = tpu.memref_slice %arg10[%add3A_26, %dma_wait3A_310] : memref<10000x16xf32, #tpu.memory_space<vmem_shared>> -> memref<80x16xf32, #tpu.memory_space<vmem_shared>>
      tpu.wait_dma2 semaphore(%run_scoped3A : memref<!tpu.dma_semaphore, #tpu.memory_space<semaphore_mem>>) src(%arg21 : memref<80x16xf32, #tpu.memory_space<vmem>>) dst(%dma_wait3A_311 : memref<80x16xf32, #tpu.memory_space<vmem_shared>>)
      tpu.yield
    }) : () -> ()
    %mul3A_27 = arith.constant 624 : i32
    %mul3A_28 = arith.muli %arg1, %mul3A_27 : i32
    %add3A_29 = arith.constant 240 : i32
    %add3A_30 = arith.addi %mul3A_28, %add3A_29 : i32
    "tpu.region"() ({
      %run_scoped3A = tpu.sem_alloc : memref<!tpu.dma_semaphore, #tpu.memory_space<semaphore_mem>>
      %dma_start3A_304 = arith.constant 0 : i32
      %dma_start3A_305 = tpu.memref_slice %arg9[%add3A_30, %dma_start3A_304] : memref<10000x128xf32, #tpu.memory_space<vmem_shared>> -> memref<80x128xf32, #tpu.memory_space<vmem_shared>>
      %dma_start3A_306 = arith.constant 0 : i32
      %dma_start3A_307 = tpu.memref_slice %arg9[%add3A_30, %dma_start3A_306] : memref<10000x128xf32, #tpu.memory_space<vmem_shared>> -> memref<80x128xf32, #tpu.memory_space<vmem_shared>>
      tpu.enqueue_dma source(%arg23 : memref<80x128xf32, #tpu.memory_space<vmem>>) target(%dma_start3A_307 : memref<80x128xf32, #tpu.memory_space<vmem_shared>>) target_semaphore(%run_scoped3A : memref<!tpu.dma_semaphore, #tpu.memory_space<semaphore_mem>>)
      %dma_wait3A_308 = arith.constant 0 : i32
      %dma_wait3A_309 = tpu.memref_slice %arg9[%add3A_30, %dma_wait3A_308] : memref<10000x128xf32, #tpu.memory_space<vmem_shared>> -> memref<80x128xf32, #tpu.memory_space<vmem_shared>>
      %dma_wait3A_310 = arith.constant 0 : i32
      %dma_wait3A_311 = tpu.memref_slice %arg9[%add3A_30, %dma_wait3A_310] : memref<10000x128xf32, #tpu.memory_space<vmem_shared>> -> memref<80x128xf32, #tpu.memory_space<vmem_shared>>
      tpu.wait_dma2 semaphore(%run_scoped3A : memref<!tpu.dma_semaphore, #tpu.memory_space<semaphore_mem>>) src(%arg23 : memref<80x128xf32, #tpu.memory_space<vmem>>) dst(%dma_wait3A_311 : memref<80x128xf32, #tpu.memory_space<vmem_shared>>)
      tpu.yield
    }) : () -> ()
    %mul3A_31 = arith.constant 624 : i32
    %mul3A_32 = arith.muli %arg1, %mul3A_31 : i32
    %add3A_33 = arith.constant 240 : i32
    %add3A_34 = arith.addi %mul3A_32, %add3A_33 : i32
    "tpu.region"() ({
      %run_scoped3A = tpu.sem_alloc : memref<!tpu.dma_semaphore, #tpu.memory_space<semaphore_mem>>
      %dma_start3A_304 = arith.constant 0 : i32
      %dma_start3A_305 = tpu.memref_slice %arg10[%add3A_34, %dma_start3A_304] : memref<10000x16xf32, #tpu.memory_space<vmem_shared>> -> memref<80x16xf32, #tpu.memory_space<vmem_shared>>
      %dma_start3A_306 = arith.constant 0 : i32
      %dma_start3A_307 = tpu.memref_slice %arg10[%add3A_34, %dma_start3A_306] : memref<10000x16xf32, #tpu.memory_space<vmem_shared>> -> memref<80x16xf32, #tpu.memory_space<vmem_shared>>
      tpu.enqueue_dma source(%arg21 : memref<80x16xf32, #tpu.memory_space<vmem>>) target(%dma_start3A_307 : memref<80x16xf32, #tpu.memory_space<vmem_shared>>) target_semaphore(%run_scoped3A : memref<!tpu.dma_semaphore, #tpu.memory_space<semaphore_mem>>)
      %dma_wait3A_308 = arith.constant 0 : i32
      %dma_wait3A_309 = tpu.memref_slice %arg10[%add3A_34, %dma_wait3A_308] : memref<10000x16xf32, #tpu.memory_space<vmem_shared>> -> memref<80x16xf32, #tpu.memory_space<vmem_shared>>
      %dma_wait3A_310 = arith.constant 0 : i32
      %dma_wait3A_311 = tpu.memref_slice %arg10[%add3A_34, %dma_wait3A_310] : memref<10000x16xf32, #tpu.memory_space<vmem_shared>> -> memref<80x16xf32, #tpu.memory_space<vmem_shared>>
      tpu.wait_dma2 semaphore(%run_scoped3A : memref<!tpu.dma_semaphore, #tpu.memory_space<semaphore_mem>>) src(%arg21 : memref<80x16xf32, #tpu.memory_space<vmem>>) dst(%dma_wait3A_311 : memref<80x16xf32, #tpu.memory_space<vmem_shared>>)
      tpu.yield
    }) : () -> ()
    %mul3A_35 = arith.constant 624 : i32
    %mul3A_36 = arith.muli %arg1, %mul3A_35 : i32
    %add3A_37 = arith.constant 320 : i32
    %add3A_38 = arith.addi %mul3A_36, %add3A_37 : i32
    "tpu.region"() ({
      %run_scoped3A = tpu.sem_alloc : memref<!tpu.dma_semaphore, #tpu.memory_space<semaphore_mem>>
      %dma_start3A_304 = arith.constant 0 : i32
      %dma_start3A_305 = tpu.memref_slice %arg9[%add3A_38, %dma_start3A_304] : memref<10000x128xf32, #tpu.memory_space<vmem_shared>> -> memref<80x128xf32, #tpu.memory_space<vmem_shared>>
      %dma_start3A_306 = arith.constant 0 : i32
      %dma_start3A_307 = tpu.memref_slice %arg9[%add3A_38, %dma_start3A_306] : memref<10000x128xf32, #tpu.memory_space<vmem_shared>> -> memref<80x128xf32, #tpu.memory_space<vmem_shared>>
      tpu.enqueue_dma source(%arg23 : memref<80x128xf32, #tpu.memory_space<vmem>>) target(%dma_start3A_307 : memref<80x128xf32, #tpu.memory_space<vmem_shared>>) target_semaphore(%run_scoped3A : memref<!tpu.dma_semaphore, #tpu.memory_space<semaphore_mem>>)
      %dma_wait3A_308 = arith.constant 0 : i32
      %dma_wait3A_309 = tpu.memref_slice %arg9[%add3A_38, %dma_wait3A_308] : memref<10000x128xf32, #tpu.memory_space<vmem_shared>> -> memref<80x128xf32, #tpu.memory_space<vmem_shared>>
      %dma_wait3A_310 = arith.constant 0 : i32
      %dma_wait3A_311 = tpu.memref_slice %arg9[%add3A_38, %dma_wait3A_310] : memref<10000x128xf32, #tpu.memory_space<vmem_shared>> -> memref<80x128xf32, #tpu.memory_space<vmem_shared>>
      tpu.wait_dma2 semaphore(%run_scoped3A : memref<!tpu.dma_semaphore, #tpu.memory_space<semaphore_mem>>) src(%arg23 : memref<80x128xf32, #tpu.memory_space<vmem>>) dst(%dma_wait3A_311 : memref<80x128xf32, #tpu.memory_space<vmem_shared>>)
      tpu.yield
    }) : () -> ()
    %mul3A_39 = arith.constant 624 : i32
    %mul3A_40 = arith.muli %arg1, %mul3A_39 : i32
    %add3A_41 = arith.constant 320 : i32
    %add3A_42 = arith.addi %mul3A_40, %add3A_41 : i32
    "tpu.region"() ({
      %run_scoped3A = tpu.sem_alloc : memref<!tpu.dma_semaphore, #tpu.memory_space<semaphore_mem>>
      %dma_start3A_304 = arith.constant 0 : i32
      %dma_start3A_305 = tpu.memref_slice %arg10[%add3A_42, %dma_start3A_304] : memref<10000x16xf32, #tpu.memory_space<vmem_shared>> -> memref<80x16xf32, #tpu.memory_space<vmem_shared>>
      %dma_start3A_306 = arith.constant 0 : i32
      %dma_start3A_307 = tpu.memref_slice %arg10[%add3A_42, %dma_start3A_306] : memref<10000x16xf32, #tpu.memory_space<vmem_shared>> -> memref<80x16xf32, #tpu.memory_space<vmem_shared>>
      tpu.enqueue_dma source(%arg21 : memref<80x16xf32, #tpu.memory_space<vmem>>) target(%dma_start3A_307 : memref<80x16xf32, #tpu.memory_space<vmem_shared>>) target_semaphore(%run_scoped3A : memref<!tpu.dma_semaphore, #tpu.memory_space<semaphore_mem>>)
      %dma_wait3A_308 = arith.constant 0 : i32
      %dma_wait3A_309 = tpu.memref_slice %arg10[%add3A_42, %dma_wait3A_308] : memref<10000x16xf32, #tpu.memory_space<vmem_shared>> -> memref<80x16xf32, #tpu.memory_space<vmem_shared>>
      %dma_wait3A_310 = arith.constant 0 : i32
      %dma_wait3A_311 = tpu.memref_slice %arg10[%add3A_42, %dma_wait3A_310] : memref<10000x16xf32, #tpu.memory_space<vmem_shared>> -> memref<80x16xf32, #tpu.memory_space<vmem_shared>>
      tpu.wait_dma2 semaphore(%run_scoped3A : memref<!tpu.dma_semaphore, #tpu.memory_space<semaphore_mem>>) src(%arg21 : memref<80x16xf32, #tpu.memory_space<vmem>>) dst(%dma_wait3A_311 : memref<80x16xf32, #tpu.memory_space<vmem_shared>>)
      tpu.yield
    }) : () -> ()
    %mul3A_43 = arith.constant 624 : i32
    %mul3A_44 = arith.muli %arg1, %mul3A_43 : i32
    %add3A_45 = arith.constant 400 : i32
    %add3A_46 = arith.addi %mul3A_44, %add3A_45 : i32
    "tpu.region"() ({
      %run_scoped3A = tpu.sem_alloc : memref<!tpu.dma_semaphore, #tpu.memory_space<semaphore_mem>>
      %dma_start3A_304 = arith.constant 0 : i32
      %dma_start3A_305 = tpu.memref_slice %arg9[%add3A_46, %dma_start3A_304] : memref<10000x128xf32, #tpu.memory_space<vmem_shared>> -> memref<80x128xf32, #tpu.memory_space<vmem_shared>>
      %dma_start3A_306 = arith.constant 0 : i32
      %dma_start3A_307 = tpu.memref_slice %arg9[%add3A_46, %dma_start3A_306] : memref<10000x128xf32, #tpu.memory_space<vmem_shared>> -> memref<80x128xf32, #tpu.memory_space<vmem_shared>>
      tpu.enqueue_dma source(%arg23 : memref<80x128xf32, #tpu.memory_space<vmem>>) target(%dma_start3A_307 : memref<80x128xf32, #tpu.memory_space<vmem_shared>>) target_semaphore(%run_scoped3A : memref<!tpu.dma_semaphore, #tpu.memory_space<semaphore_mem>>)
      %dma_wait3A_308 = arith.constant 0 : i32
      %dma_wait3A_309 = tpu.memref_slice %arg9[%add3A_46, %dma_wait3A_308] : memref<10000x128xf32, #tpu.memory_space<vmem_shared>> -> memref<80x128xf32, #tpu.memory_space<vmem_shared>>
      %dma_wait3A_310 = arith.constant 0 : i32
      %dma_wait3A_311 = tpu.memref_slice %arg9[%add3A_46, %dma_wait3A_310] : memref<10000x128xf32, #tpu.memory_space<vmem_shared>> -> memref<80x128xf32, #tpu.memory_space<vmem_shared>>
      tpu.wait_dma2 semaphore(%run_scoped3A : memref<!tpu.dma_semaphore, #tpu.memory_space<semaphore_mem>>) src(%arg23 : memref<80x128xf32, #tpu.memory_space<vmem>>) dst(%dma_wait3A_311 : memref<80x128xf32, #tpu.memory_space<vmem_shared>>)
      tpu.yield
    }) : () -> ()
    %mul3A_47 = arith.constant 624 : i32
    %mul3A_48 = arith.muli %arg1, %mul3A_47 : i32
    %add3A_49 = arith.constant 400 : i32
    %add3A_50 = arith.addi %mul3A_48, %add3A_49 : i32
    "tpu.region"() ({
      %run_scoped3A = tpu.sem_alloc : memref<!tpu.dma_semaphore, #tpu.memory_space<semaphore_mem>>
      %dma_start3A_304 = arith.constant 0 : i32
      %dma_start3A_305 = tpu.memref_slice %arg10[%add3A_50, %dma_start3A_304] : memref<10000x16xf32, #tpu.memory_space<vmem_shared>> -> memref<80x16xf32, #tpu.memory_space<vmem_shared>>
      %dma_start3A_306 = arith.constant 0 : i32
      %dma_start3A_307 = tpu.memref_slice %arg10[%add3A_50, %dma_start3A_306] : memref<10000x16xf32, #tpu.memory_space<vmem_shared>> -> memref<80x16xf32, #tpu.memory_space<vmem_shared>>
      tpu.enqueue_dma source(%arg21 : memref<80x16xf32, #tpu.memory_space<vmem>>) target(%dma_start3A_307 : memref<80x16xf32, #tpu.memory_space<vmem_shared>>) target_semaphore(%run_scoped3A : memref<!tpu.dma_semaphore, #tpu.memory_space<semaphore_mem>>)
      %dma_wait3A_308 = arith.constant 0 : i32
      %dma_wait3A_309 = tpu.memref_slice %arg10[%add3A_50, %dma_wait3A_308] : memref<10000x16xf32, #tpu.memory_space<vmem_shared>> -> memref<80x16xf32, #tpu.memory_space<vmem_shared>>
      %dma_wait3A_310 = arith.constant 0 : i32
      %dma_wait3A_311 = tpu.memref_slice %arg10[%add3A_50, %dma_wait3A_310] : memref<10000x16xf32, #tpu.memory_space<vmem_shared>> -> memref<80x16xf32, #tpu.memory_space<vmem_shared>>
      tpu.wait_dma2 semaphore(%run_scoped3A : memref<!tpu.dma_semaphore, #tpu.memory_space<semaphore_mem>>) src(%arg21 : memref<80x16xf32, #tpu.memory_space<vmem>>) dst(%dma_wait3A_311 : memref<80x16xf32, #tpu.memory_space<vmem_shared>>)
      tpu.yield
    }) : () -> ()
    %mul3A_51 = arith.constant 624 : i32
    %mul3A_52 = arith.muli %arg1, %mul3A_51 : i32
    %add3A_53 = arith.constant 480 : i32
    %add3A_54 = arith.addi %mul3A_52, %add3A_53 : i32
    "tpu.region"() ({
      %run_scoped3A = tpu.sem_alloc : memref<!tpu.dma_semaphore, #tpu.memory_space<semaphore_mem>>
      %dma_start3A_304 = arith.constant 0 : i32
      %dma_start3A_305 = tpu.memref_slice %arg9[%add3A_54, %dma_start3A_304] : memref<10000x128xf32, #tpu.memory_space<vmem_shared>> -> memref<80x128xf32, #tpu.memory_space<vmem_shared>>
      %dma_start3A_306 = arith.constant 0 : i32
      %dma_start3A_307 = tpu.memref_slice %arg9[%add3A_54, %dma_start3A_306] : memref<10000x128xf32, #tpu.memory_space<vmem_shared>> -> memref<80x128xf32, #tpu.memory_space<vmem_shared>>
      tpu.enqueue_dma source(%arg23 : memref<80x128xf32, #tpu.memory_space<vmem>>) target(%dma_start3A_307 : memref<80x128xf32, #tpu.memory_space<vmem_shared>>) target_semaphore(%run_scoped3A : memref<!tpu.dma_semaphore, #tpu.memory_space<semaphore_mem>>)
      %dma_wait3A_308 = arith.constant 0 : i32
      %dma_wait3A_309 = tpu.memref_slice %arg9[%add3A_54, %dma_wait3A_308] : memref<10000x128xf32, #tpu.memory_space<vmem_shared>> -> memref<80x128xf32, #tpu.memory_space<vmem_shared>>
      %dma_wait3A_310 = arith.constant 0 : i32
      %dma_wait3A_311 = tpu.memref_slice %arg9[%add3A_54, %dma_wait3A_310] : memref<10000x128xf32, #tpu.memory_space<vmem_shared>> -> memref<80x128xf32, #tpu.memory_space<vmem_shared>>
      tpu.wait_dma2 semaphore(%run_scoped3A : memref<!tpu.dma_semaphore, #tpu.memory_space<semaphore_mem>>) src(%arg23 : memref<80x128xf32, #tpu.memory_space<vmem>>) dst(%dma_wait3A_311 : memref<80x128xf32, #tpu.memory_space<vmem_shared>>)
      tpu.yield
    }) : () -> ()
    %mul3A_55 = arith.constant 624 : i32
    %mul3A_56 = arith.muli %arg1, %mul3A_55 : i32
    %add3A_57 = arith.constant 480 : i32
    %add3A_58 = arith.addi %mul3A_56, %add3A_57 : i32
    "tpu.region"() ({
      %run_scoped3A = tpu.sem_alloc : memref<!tpu.dma_semaphore, #tpu.memory_space<semaphore_mem>>
      %dma_start3A_304 = arith.constant 0 : i32
      %dma_start3A_305 = tpu.memref_slice %arg10[%add3A_58, %dma_start3A_304] : memref<10000x16xf32, #tpu.memory_space<vmem_shared>> -> memref<80x16xf32, #tpu.memory_space<vmem_shared>>
      %dma_start3A_306 = arith.constant 0 : i32
      %dma_start3A_307 = tpu.memref_slice %arg10[%add3A_58, %dma_start3A_306] : memref<10000x16xf32, #tpu.memory_space<vmem_shared>> -> memref<80x16xf32, #tpu.memory_space<vmem_shared>>
      tpu.enqueue_dma source(%arg21 : memref<80x16xf32, #tpu.memory_space<vmem>>) target(%dma_start3A_307 : memref<80x16xf32, #tpu.memory_space<vmem_shared>>) target_semaphore(%run_scoped3A : memref<!tpu.dma_semaphore, #tpu.memory_space<semaphore_mem>>)
      %dma_wait3A_308 = arith.constant 0 : i32
      %dma_wait3A_309 = tpu.memref_slice %arg10[%add3A_58, %dma_wait3A_308] : memref<10000x16xf32, #tpu.memory_space<vmem_shared>> -> memref<80x16xf32, #tpu.memory_space<vmem_shared>>
      %dma_wait3A_310 = arith.constant 0 : i32
      %dma_wait3A_311 = tpu.memref_slice %arg10[%add3A_58, %dma_wait3A_310] : memref<10000x16xf32, #tpu.memory_space<vmem_shared>> -> memref<80x16xf32, #tpu.memory_space<vmem_shared>>
      tpu.wait_dma2 semaphore(%run_scoped3A : memref<!tpu.dma_semaphore, #tpu.memory_space<semaphore_mem>>) src(%arg21 : memref<80x16xf32, #tpu.memory_space<vmem>>) dst(%dma_wait3A_311 : memref<80x16xf32, #tpu.memory_space<vmem_shared>>)
      tpu.yield
    }) : () -> ()
    %mul3A_59 = arith.constant 624 : i32
    %mul3A_60 = arith.muli %arg1, %mul3A_59 : i32
    %add3A_61 = arith.constant 560 : i32
    %add3A_62 = arith.addi %mul3A_60, %add3A_61 : i32
    "tpu.region"() ({
      %run_scoped3A = tpu.sem_alloc : memref<!tpu.dma_semaphore, #tpu.memory_space<semaphore_mem>>
      %dma_start3A_304 = arith.constant 0 : i32
      %dma_start3A_305 = arith.constant 0 : i32
      %dma_start3A_306 = tpu.memref_slice %arg23[%dma_start3A_304, %dma_start3A_305] : memref<80x128xf32, #tpu.memory_space<vmem>> -> memref<64x128xf32, #tpu.memory_space<vmem>>
      %dma_start3A_307 = arith.constant 0 : i32
      %dma_start3A_308 = tpu.memref_slice %arg9[%add3A_62, %dma_start3A_307] : memref<10000x128xf32, #tpu.memory_space<vmem_shared>> -> memref<64x128xf32, #tpu.memory_space<vmem_shared>>
      %dma_start3A_309 = arith.constant 0 : i32
      %dma_start3A_310 = tpu.memref_slice %arg9[%add3A_62, %dma_start3A_309] : memref<10000x128xf32, #tpu.memory_space<vmem_shared>> -> memref<64x128xf32, #tpu.memory_space<vmem_shared>>
      %dma_start3A_311 = arith.constant 0 : i32
      %dma_start3A_312 = arith.constant 0 : i32
      %dma_start3A_313 = tpu.memref_slice %arg23[%dma_start3A_311, %dma_start3A_312] : memref<80x128xf32, #tpu.memory_space<vmem>> -> memref<64x128xf32, #tpu.memory_space<vmem>>
      tpu.enqueue_dma source(%dma_start3A_313 : memref<64x128xf32, #tpu.memory_space<vmem>>) target(%dma_start3A_310 : memref<64x128xf32, #tpu.memory_space<vmem_shared>>) target_semaphore(%run_scoped3A : memref<!tpu.dma_semaphore, #tpu.memory_space<semaphore_mem>>)
      %dma_wait3A_314 = arith.constant 0 : i32
      %dma_wait3A_315 = arith.constant 0 : i32
      %dma_wait3A_316 = tpu.memref_slice %arg23[%dma_wait3A_314, %dma_wait3A_315] : memref<80x128xf32, #tpu.memory_space<vmem>> -> memref<64x128xf32, #tpu.memory_space<vmem>>
      %dma_wait3A_317 = arith.constant 0 : i32
      %dma_wait3A_318 = tpu.memref_slice %arg9[%add3A_62, %dma_wait3A_317] : memref<10000x128xf32, #tpu.memory_space<vmem_shared>> -> memref<64x128xf32, #tpu.memory_space<vmem_shared>>
      %dma_wait3A_319 = arith.constant 0 : i32
      %dma_wait3A_320 = tpu.memref_slice %arg9[%add3A_62, %dma_wait3A_319] : memref<10000x128xf32, #tpu.memory_space<vmem_shared>> -> memref<64x128xf32, #tpu.memory_space<vmem_shared>>
      %dma_wait3A_321 = arith.constant 0 : i32
      %dma_wait3A_322 = arith.constant 0 : i32
      %dma_wait3A_323 = tpu.memref_slice %arg23[%dma_wait3A_321, %dma_wait3A_322] : memref<80x128xf32, #tpu.memory_space<vmem>> -> memref<64x128xf32, #tpu.memory_space<vmem>>
      tpu.wait_dma2 semaphore(%run_scoped3A : memref<!tpu.dma_semaphore, #tpu.memory_space<semaphore_mem>>) src(%dma_wait3A_323 : memref<64x128xf32, #tpu.memory_space<vmem>>) dst(%dma_wait3A_320 : memref<64x128xf32, #tpu.memory_space<vmem_shared>>)
      tpu.yield
    }) : () -> ()
    %mul3A_63 = arith.constant 624 : i32
    %mul3A_64 = arith.muli %arg1, %mul3A_63 : i32
    %add3A_65 = arith.constant 560 : i32
    %add3A_66 = arith.addi %mul3A_64, %add3A_65 : i32
    "tpu.region"() ({
      %run_scoped3A = tpu.sem_alloc : memref<!tpu.dma_semaphore, #tpu.memory_space<semaphore_mem>>
      %dma_start3A_304 = arith.constant 0 : i32
      %dma_start3A_305 = arith.constant 0 : i32
      %dma_start3A_306 = tpu.memref_slice %arg21[%dma_start3A_304, %dma_start3A_305] : memref<80x16xf32, #tpu.memory_space<vmem>> -> memref<64x16xf32, #tpu.memory_space<vmem>>
      %dma_start3A_307 = arith.constant 0 : i32
      %dma_start3A_308 = tpu.memref_slice %arg10[%add3A_66, %dma_start3A_307] : memref<10000x16xf32, #tpu.memory_space<vmem_shared>> -> memref<64x16xf32, #tpu.memory_space<vmem_shared>>
      %dma_start3A_309 = arith.constant 0 : i32
      %dma_start3A_310 = tpu.memref_slice %arg10[%add3A_66, %dma_start3A_309] : memref<10000x16xf32, #tpu.memory_space<vmem_shared>> -> memref<64x16xf32, #tpu.memory_space<vmem_shared>>
      %dma_start3A_311 = arith.constant 0 : i32
      %dma_start3A_312 = arith.constant 0 : i32
      %dma_start3A_313 = tpu.memref_slice %arg21[%dma_start3A_311, %dma_start3A_312] : memref<80x16xf32, #tpu.memory_space<vmem>> -> memref<64x16xf32, #tpu.memory_space<vmem>>
      tpu.enqueue_dma source(%dma_start3A_313 : memref<64x16xf32, #tpu.memory_space<vmem>>) target(%dma_start3A_310 : memref<64x16xf32, #tpu.memory_space<vmem_shared>>) target_semaphore(%run_scoped3A : memref<!tpu.dma_semaphore, #tpu.memory_space<semaphore_mem>>)
      %dma_wait3A_314 = arith.constant 0 : i32
      %dma_wait3A_315 = arith.constant 0 : i32
      %dma_wait3A_316 = tpu.memref_slice %arg21[%dma_wait3A_314, %dma_wait3A_315] : memref<80x16xf32, #tpu.memory_space<vmem>> -> memref<64x16xf32, #tpu.memory_space<vmem>>
      %dma_wait3A_317 = arith.constant 0 : i32
      %dma_wait3A_318 = tpu.memref_slice %arg10[%add3A_66, %dma_wait3A_317] : memref<10000x16xf32, #tpu.memory_space<vmem_shared>> -> memref<64x16xf32, #tpu.memory_space<vmem_shared>>
      %dma_wait3A_319 = arith.constant 0 : i32
      %dma_wait3A_320 = tpu.memref_slice %arg10[%add3A_66, %dma_wait3A_319] : memref<10000x16xf32, #tpu.memory_space<vmem_shared>> -> memref<64x16xf32, #tpu.memory_space<vmem_shared>>
      %dma_wait3A_321 = arith.constant 0 : i32
      %dma_wait3A_322 = arith.constant 0 : i32
      %dma_wait3A_323 = tpu.memref_slice %arg21[%dma_wait3A_321, %dma_wait3A_322] : memref<80x16xf32, #tpu.memory_space<vmem>> -> memref<64x16xf32, #tpu.memory_space<vmem>>
      tpu.wait_dma2 semaphore(%run_scoped3A : memref<!tpu.dma_semaphore, #tpu.memory_space<semaphore_mem>>) src(%dma_wait3A_323 : memref<64x16xf32, #tpu.memory_space<vmem>>) dst(%dma_wait3A_320 : memref<64x16xf32, #tpu.memory_space<vmem_shared>>)
      tpu.yield
    }) : () -> ()
    %eq3A = arith.constant 0 : i32
    %eq3A_67 = arith.cmpi eq, %arg1, %eq3A : i32
    %convert_element_type3A = arith.extui %eq3A_67 : i1 to i32
    %cond3A = arith.constant 0 : i32
    %cond3A_68 = arith.cmpi ne, %convert_element_type3A, %cond3A : i32
    scf.if %cond3A_68 {
      "tpu.region"() ({
        %run_scoped3A = tpu.sem_alloc : memref<!tpu.dma_semaphore, #tpu.memory_space<semaphore_mem>>
        %dma_start3A_304 = arith.constant 0 : i32
        %dma_start3A_305 = arith.constant 0 : i32
        %dma_start3A_306 = tpu.memref_slice %arg23[%dma_start3A_304, %dma_start3A_305] : memref<80x128xf32, #tpu.memory_space<vmem>> -> memref<16x128xf32, #tpu.memory_space<vmem>>
        %dma_start3A_307 = arith.constant 9984 : i32
        %dma_start3A_308 = arith.constant 0 : i32
        %dma_start3A_309 = tpu.memref_slice %arg9[%dma_start3A_307, %dma_start3A_308] : memref<10000x128xf32, #tpu.memory_space<vmem_shared>> -> memref<16x128xf32, #tpu.memory_space<vmem_shared>>
        %dma_start3A_310 = arith.constant 9984 : i32
        %dma_start3A_311 = arith.constant 0 : i32
        %dma_start3A_312 = tpu.memref_slice %arg9[%dma_start3A_310, %dma_start3A_311] : memref<10000x128xf32, #tpu.memory_space<vmem_shared>> -> memref<16x128xf32, #tpu.memory_space<vmem_shared>>
        %dma_start3A_313 = arith.constant 0 : i32
        %dma_start3A_314 = arith.constant 0 : i32
        %dma_start3A_315 = tpu.memref_slice %arg23[%dma_start3A_313, %dma_start3A_314] : memref<80x128xf32, #tpu.memory_space<vmem>> -> memref<16x128xf32, #tpu.memory_space<vmem>>
        tpu.enqueue_dma source(%dma_start3A_315 : memref<16x128xf32, #tpu.memory_space<vmem>>) target(%dma_start3A_312 : memref<16x128xf32, #tpu.memory_space<vmem_shared>>) target_semaphore(%run_scoped3A : memref<!tpu.dma_semaphore, #tpu.memory_space<semaphore_mem>>)
        %dma_wait3A_316 = arith.constant 0 : i32
        %dma_wait3A_317 = arith.constant 0 : i32
        %dma_wait3A_318 = tpu.memref_slice %arg23[%dma_wait3A_316, %dma_wait3A_317] : memref<80x128xf32, #tpu.memory_space<vmem>> -> memref<16x128xf32, #tpu.memory_space<vmem>>
        %dma_wait3A_319 = arith.constant 9984 : i32
        %dma_wait3A_320 = arith.constant 0 : i32
        %dma_wait3A_321 = tpu.memref_slice %arg9[%dma_wait3A_319, %dma_wait3A_320] : memref<10000x128xf32, #tpu.memory_space<vmem_shared>> -> memref<16x128xf32, #tpu.memory_space<vmem_shared>>
        %dma_wait3A_322 = arith.constant 9984 : i32
        %dma_wait3A_323 = arith.constant 0 : i32
        %dma_wait3A_324 = tpu.memref_slice %arg9[%dma_wait3A_322, %dma_wait3A_323] : memref<10000x128xf32, #tpu.memory_space<vmem_shared>> -> memref<16x128xf32, #tpu.memory_space<vmem_shared>>
        %dma_wait3A_325 = arith.constant 0 : i32
        %dma_wait3A_326 = arith.constant 0 : i32
        %dma_wait3A_327 = tpu.memref_slice %arg23[%dma_wait3A_325, %dma_wait3A_326] : memref<80x128xf32, #tpu.memory_space<vmem>> -> memref<16x128xf32, #tpu.memory_space<vmem>>
        tpu.wait_dma2 semaphore(%run_scoped3A : memref<!tpu.dma_semaphore, #tpu.memory_space<semaphore_mem>>) src(%dma_wait3A_327 : memref<16x128xf32, #tpu.memory_space<vmem>>) dst(%dma_wait3A_324 : memref<16x128xf32, #tpu.memory_space<vmem_shared>>)
        tpu.yield
      }) : () -> ()
      "tpu.region"() ({
        %run_scoped3A = tpu.sem_alloc : memref<!tpu.dma_semaphore, #tpu.memory_space<semaphore_mem>>
        %dma_start3A_304 = arith.constant 0 : i32
        %dma_start3A_305 = arith.constant 0 : i32
        %dma_start3A_306 = tpu.memref_slice %arg21[%dma_start3A_304, %dma_start3A_305] : memref<80x16xf32, #tpu.memory_space<vmem>> -> memref<16x16xf32, #tpu.memory_space<vmem>>
        %dma_start3A_307 = arith.constant 9984 : i32
        %dma_start3A_308 = arith.constant 0 : i32
        %dma_start3A_309 = tpu.memref_slice %arg10[%dma_start3A_307, %dma_start3A_308] : memref<10000x16xf32, #tpu.memory_space<vmem_shared>> -> memref<16x16xf32, #tpu.memory_space<vmem_shared>>
        %dma_start3A_310 = arith.constant 9984 : i32
        %dma_start3A_311 = arith.constant 0 : i32
        %dma_start3A_312 = tpu.memref_slice %arg10[%dma_start3A_310, %dma_start3A_311] : memref<10000x16xf32, #tpu.memory_space<vmem_shared>> -> memref<16x16xf32, #tpu.memory_space<vmem_shared>>
        %dma_start3A_313 = arith.constant 0 : i32
        %dma_start3A_314 = arith.constant 0 : i32
        %dma_start3A_315 = tpu.memref_slice %arg21[%dma_start3A_313, %dma_start3A_314] : memref<80x16xf32, #tpu.memory_space<vmem>> -> memref<16x16xf32, #tpu.memory_space<vmem>>
        tpu.enqueue_dma source(%dma_start3A_315 : memref<16x16xf32, #tpu.memory_space<vmem>>) target(%dma_start3A_312 : memref<16x16xf32, #tpu.memory_space<vmem_shared>>) target_semaphore(%run_scoped3A : memref<!tpu.dma_semaphore, #tpu.memory_space<semaphore_mem>>)
        %dma_wait3A_316 = arith.constant 0 : i32
        %dma_wait3A_317 = arith.constant 0 : i32
        %dma_wait3A_318 = tpu.memref_slice %arg21[%dma_wait3A_316, %dma_wait3A_317] : memref<80x16xf32, #tpu.memory_space<vmem>> -> memref<16x16xf32, #tpu.memory_space<vmem>>
        %dma_wait3A_319 = arith.constant 9984 : i32
        %dma_wait3A_320 = arith.constant 0 : i32
        %dma_wait3A_321 = tpu.memref_slice %arg10[%dma_wait3A_319, %dma_wait3A_320] : memref<10000x16xf32, #tpu.memory_space<vmem_shared>> -> memref<16x16xf32, #tpu.memory_space<vmem_shared>>
        %dma_wait3A_322 = arith.constant 9984 : i32
        %dma_wait3A_323 = arith.constant 0 : i32
        %dma_wait3A_324 = tpu.memref_slice %arg10[%dma_wait3A_322, %dma_wait3A_323] : memref<10000x16xf32, #tpu.memory_space<vmem_shared>> -> memref<16x16xf32, #tpu.memory_space<vmem_shared>>
        %dma_wait3A_325 = arith.constant 0 : i32
        %dma_wait3A_326 = arith.constant 0 : i32
        %dma_wait3A_327 = tpu.memref_slice %arg21[%dma_wait3A_325, %dma_wait3A_326] : memref<80x16xf32, #tpu.memory_space<vmem>> -> memref<16x16xf32, #tpu.memory_space<vmem>>
        tpu.wait_dma2 semaphore(%run_scoped3A : memref<!tpu.dma_semaphore, #tpu.memory_space<semaphore_mem>>) src(%dma_wait3A_327 : memref<16x16xf32, #tpu.memory_space<vmem>>) dst(%dma_wait3A_324 : memref<16x16xf32, #tpu.memory_space<vmem_shared>>)
        tpu.yield
      }) : () -> ()
    } else {
    }
    %barrier3A = arith.constant 0 : index
    tpu.barrier barrier_id(%barrier3A)
    %iota3A = tpu.iota {dimensions = array<i32: 0>} : vector<16xi32>
    %lt3A = arith.constant 4 : i32
    %lt3A_69 = vector.broadcast %lt3A : i32 to vector<16xi32>
    %lt3A_70 = arith.cmpi slt, %iota3A, %lt3A_69 : vector<16xi32>
    %mul3A_71 = arith.constant 10000 : i32
    %mul3A_72 = arith.muli %add3A, %mul3A_71 : i32
    %add3A_73 = arith.constant 0 : i32
    %add3A_74 = arith.addi %mul3A_72, %add3A_73 : i32
    %dma_start3A = tpu.memref_slice %arg4[%add3A_74] : memref<320000xi32, #tpu.memory_space<hbm>> -> memref<80xi32, #tpu.memory_space<hbm>>
    %dma_start3A_75 = tpu.memref_slice %arg4[%add3A_74] : memref<320000xi32, #tpu.memory_space<hbm>> -> memref<80xi32, #tpu.memory_space<hbm>>
    tpu.enqueue_dma source(%dma_start3A_75 : memref<80xi32, #tpu.memory_space<hbm>>) target(%arg11 : memref<80xi32, #tpu.memory_space<vmem>>) target_semaphore(%arg25 : memref<!tpu.dma_semaphore, #tpu.memory_space<semaphore_mem>>)
    %dma_start3A_76 = tpu.memref_slice %arg5[%add3A_74] : memref<320000xi32, #tpu.memory_space<hbm>> -> memref<80xi32, #tpu.memory_space<hbm>>
    %dma_start3A_77 = tpu.memref_slice %arg5[%add3A_74] : memref<320000xi32, #tpu.memory_space<hbm>> -> memref<80xi32, #tpu.memory_space<hbm>>
    tpu.enqueue_dma source(%dma_start3A_77 : memref<80xi32, #tpu.memory_space<hbm>>) target(%arg13 : memref<80xi32, #tpu.memory_space<vmem>>) target_semaphore(%arg25 : memref<!tpu.dma_semaphore, #tpu.memory_space<semaphore_mem>>)
    %dma_start3A_78 = tpu.memref_slice %arg6[%add3A_74] : memref<320000xi32, #tpu.memory_space<hbm>> -> memref<80xi32, #tpu.memory_space<hbm>>
    %dma_start3A_79 = tpu.memref_slice %arg6[%add3A_74] : memref<320000xi32, #tpu.memory_space<hbm>> -> memref<80xi32, #tpu.memory_space<hbm>>
    tpu.enqueue_dma source(%dma_start3A_79 : memref<80xi32, #tpu.memory_space<hbm>>) target(%arg15 : memref<80xi32, #tpu.memory_space<vmem>>) target_semaphore(%arg25 : memref<!tpu.dma_semaphore, #tpu.memory_space<semaphore_mem>>)
    %mul3A_80 = arith.constant 10000 : i32
    %mul3A_81 = arith.muli %add3A, %mul3A_80 : i32
    %add3A_82 = arith.constant 80 : i32
    %add3A_83 = arith.addi %mul3A_81, %add3A_82 : i32
    %dma_start3A_84 = tpu.memref_slice %arg4[%add3A_83] : memref<320000xi32, #tpu.memory_space<hbm>> -> memref<80xi32, #tpu.memory_space<hbm>>
    %dma_start3A_85 = tpu.memref_slice %arg4[%add3A_83] : memref<320000xi32, #tpu.memory_space<hbm>> -> memref<80xi32, #tpu.memory_space<hbm>>
    tpu.enqueue_dma source(%dma_start3A_85 : memref<80xi32, #tpu.memory_space<hbm>>) target(%arg12 : memref<80xi32, #tpu.memory_space<vmem>>) target_semaphore(%arg26 : memref<!tpu.dma_semaphore, #tpu.memory_space<semaphore_mem>>)
    %dma_start3A_86 = tpu.memref_slice %arg5[%add3A_83] : memref<320000xi32, #tpu.memory_space<hbm>> -> memref<80xi32, #tpu.memory_space<hbm>>
    %dma_start3A_87 = tpu.memref_slice %arg5[%add3A_83] : memref<320000xi32, #tpu.memory_space<hbm>> -> memref<80xi32, #tpu.memory_space<hbm>>
    tpu.enqueue_dma source(%dma_start3A_87 : memref<80xi32, #tpu.memory_space<hbm>>) target(%arg14 : memref<80xi32, #tpu.memory_space<vmem>>) target_semaphore(%arg26 : memref<!tpu.dma_semaphore, #tpu.memory_space<semaphore_mem>>)
    %dma_start3A_88 = tpu.memref_slice %arg6[%add3A_83] : memref<320000xi32, #tpu.memory_space<hbm>> -> memref<80xi32, #tpu.memory_space<hbm>>
    %dma_start3A_89 = tpu.memref_slice %arg6[%add3A_83] : memref<320000xi32, #tpu.memory_space<hbm>> -> memref<80xi32, #tpu.memory_space<hbm>>
    tpu.enqueue_dma source(%dma_start3A_89 : memref<80xi32, #tpu.memory_space<hbm>>) target(%arg16 : memref<80xi32, #tpu.memory_space<vmem>>) target_semaphore(%arg26 : memref<!tpu.dma_semaphore, #tpu.memory_space<semaphore_mem>>)
    %dma_wait3A = arith.constant 0 : i32
    %dma_wait3A_90 = tpu.memref_slice %arg4[%dma_wait3A] : memref<320000xi32, #tpu.memory_space<hbm>> -> memref<80xi32, #tpu.memory_space<hbm>>
    %dma_wait3A_91 = arith.constant 0 : i32
    %dma_wait3A_92 = tpu.memref_slice %arg4[%dma_wait3A_91] : memref<320000xi32, #tpu.memory_space<hbm>> -> memref<80xi32, #tpu.memory_space<hbm>>
    tpu.wait_dma2 semaphore(%arg25 : memref<!tpu.dma_semaphore, #tpu.memory_space<semaphore_mem>>) src(%dma_wait3A_92 : memref<80xi32, #tpu.memory_space<hbm>>) dst(%arg11 : memref<80xi32, #tpu.memory_space<vmem>>)
    %dma_wait3A_93 = arith.constant 0 : i32
    %dma_wait3A_94 = tpu.memref_slice %arg5[%dma_wait3A_93] : memref<320000xi32, #tpu.memory_space<hbm>> -> memref<80xi32, #tpu.memory_space<hbm>>
    %dma_wait3A_95 = arith.constant 0 : i32
    %dma_wait3A_96 = tpu.memref_slice %arg5[%dma_wait3A_95] : memref<320000xi32, #tpu.memory_space<hbm>> -> memref<80xi32, #tpu.memory_space<hbm>>
    tpu.wait_dma2 semaphore(%arg25 : memref<!tpu.dma_semaphore, #tpu.memory_space<semaphore_mem>>) src(%dma_wait3A_96 : memref<80xi32, #tpu.memory_space<hbm>>) dst(%arg13 : memref<80xi32, #tpu.memory_space<vmem>>)
    %dma_wait3A_97 = arith.constant 0 : i32
    %dma_wait3A_98 = tpu.memref_slice %arg6[%dma_wait3A_97] : memref<320000xi32, #tpu.memory_space<hbm>> -> memref<80xi32, #tpu.memory_space<hbm>>
    %dma_wait3A_99 = arith.constant 0 : i32
    %dma_wait3A_100 = tpu.memref_slice %arg6[%dma_wait3A_99] : memref<320000xi32, #tpu.memory_space<hbm>> -> memref<80xi32, #tpu.memory_space<hbm>>
    tpu.wait_dma2 semaphore(%arg25 : memref<!tpu.dma_semaphore, #tpu.memory_space<semaphore_mem>>) src(%dma_wait3A_100 : memref<80xi32, #tpu.memory_space<hbm>>) dst(%arg15 : memref<80xi32, #tpu.memory_space<vmem>>)
    %get3A = arith.constant 0 : index
    %get3A_101 = tpu.vector_load %arg11[%get3A] {strides = array<i32>} : memref<80xi32, #tpu.memory_space<vmem>>, vector<16xi32>,
    %mul3A_102 = arith.constant 48 : i32
    %mul3A_103 = vector.broadcast %mul3A_102 : i32 to vector<16xi32>
    %mul3A_104 = arith.muli %get3A_101, %mul3A_103 : vector<16xi32>
    %get3A_105 = arith.constant 0 : index
    %get3A_106 = tpu.vector_load %arg15[%get3A_105] {strides = array<i32>} : memref<80xi32, #tpu.memory_space<vmem>>, vector<16xi32>,
    %add3A_107 = arith.addi %mul3A_104, %get3A_106 : vector<16xi32>
    %swap3A = arith.constant 0 : index
    %swap3A_108 = tpu.vector_load %arg17[%swap3A] {strides = array<i32>} : memref<80xi32, #tpu.memory_space<vmem>>, vector<16xi32>,
    tpu.vector_store %arg17[%swap3A], %add3A_107 {strides = array<i32>} : memref<80xi32, #tpu.memory_space<vmem>>, vector<16xi32>,
    %get3A_109 = arith.constant 0 : index
    %get3A_110 = tpu.vector_load %arg13[%get3A_109] {strides = array<i32>} : memref<80xi32, #tpu.memory_space<vmem>>, vector<16xi32>,
    %swap3A_111 = arith.constant 0 : index
    %swap3A_112 = tpu.vector_load %arg19[%swap3A_111] {strides = array<i32>} : memref<80xi32, #tpu.memory_space<vmem>>, vector<16xi32>,
    tpu.vector_store %arg19[%swap3A_111], %get3A_110 {strides = array<i32>} : memref<80xi32, #tpu.memory_space<vmem>>, vector<16xi32>,
    %get3A_113 = arith.constant 16 : index
    %get3A_114 = tpu.vector_load %arg11[%get3A_113] {strides = array<i32>} : memref<80xi32, #tpu.memory_space<vmem>>, vector<16xi32>,
    %mul3A_115 = arith.constant 48 : i32
    %mul3A_116 = vector.broadcast %mul3A_115 : i32 to vector<16xi32>
    %mul3A_117 = arith.muli %get3A_114, %mul3A_116 : vector<16xi32>
    %get3A_118 = arith.constant 16 : index
    %get3A_119 = tpu.vector_load %arg15[%get3A_118] {strides = array<i32>} : memref<80xi32, #tpu.memory_space<vmem>>, vector<16xi32>,
    %add3A_120 = arith.addi %mul3A_117, %get3A_119 : vector<16xi32>
    %swap3A_121 = arith.constant 16 : index
    %swap3A_122 = tpu.vector_load %arg17[%swap3A_121] {strides = array<i32>} : memref<80xi32, #tpu.memory_space<vmem>>, vector<16xi32>,
    tpu.vector_store %arg17[%swap3A_121], %add3A_120 {strides = array<i32>} : memref<80xi32, #tpu.memory_space<vmem>>, vector<16xi32>,
    %get3A_123 = arith.constant 16 : index
    %get3A_124 = tpu.vector_load %arg13[%get3A_123] {strides = array<i32>} : memref<80xi32, #tpu.memory_space<vmem>>, vector<16xi32>,
    %swap3A_125 = arith.constant 16 : index
    %swap3A_126 = tpu.vector_load %arg19[%swap3A_125] {strides = array<i32>} : memref<80xi32, #tpu.memory_space<vmem>>, vector<16xi32>,
    tpu.vector_store %arg19[%swap3A_125], %get3A_124 {strides = array<i32>} : memref<80xi32, #tpu.memory_space<vmem>>, vector<16xi32>,
    %get3A_127 = arith.constant 32 : index
    %get3A_128 = tpu.vector_load %arg11[%get3A_127] {strides = array<i32>} : memref<80xi32, #tpu.memory_space<vmem>>, vector<16xi32>,
    %mul3A_129 = arith.constant 48 : i32
    %mul3A_130 = vector.broadcast %mul3A_129 : i32 to vector<16xi32>
    %mul3A_131 = arith.muli %get3A_128, %mul3A_130 : vector<16xi32>
    %get3A_132 = arith.constant 32 : index
    %get3A_133 = tpu.vector_load %arg15[%get3A_132] {strides = array<i32>} : memref<80xi32, #tpu.memory_space<vmem>>, vector<16xi32>,
    %add3A_134 = arith.addi %mul3A_131, %get3A_133 : vector<16xi32>
    %swap3A_135 = arith.constant 32 : index
    %swap3A_136 = tpu.vector_load %arg17[%swap3A_135] {strides = array<i32>} : memref<80xi32, #tpu.memory_space<vmem>>, vector<16xi32>,
    tpu.vector_store %arg17[%swap3A_135], %add3A_134 {strides = array<i32>} : memref<80xi32, #tpu.memory_space<vmem>>, vector<16xi32>,
    %get3A_137 = arith.constant 32 : index
    %get3A_138 = tpu.vector_load %arg13[%get3A_137] {strides = array<i32>} : memref<80xi32, #tpu.memory_space<vmem>>, vector<16xi32>,
    %swap3A_139 = arith.constant 32 : index
    %swap3A_140 = tpu.vector_load %arg19[%swap3A_139] {strides = array<i32>} : memref<80xi32, #tpu.memory_space<vmem>>, vector<16xi32>,
    tpu.vector_store %arg19[%swap3A_139], %get3A_138 {strides = array<i32>} : memref<80xi32, #tpu.memory_space<vmem>>, vector<16xi32>,
    %get3A_141 = arith.constant 48 : index
    %get3A_142 = tpu.vector_load %arg11[%get3A_141] {strides = array<i32>} : memref<80xi32, #tpu.memory_space<vmem>>, vector<16xi32>,
    %mul3A_143 = arith.constant 48 : i32
    %mul3A_144 = vector.broadcast %mul3A_143 : i32 to vector<16xi32>
    %mul3A_145 = arith.muli %get3A_142, %mul3A_144 : vector<16xi32>
    %get3A_146 = arith.constant 48 : index
    %get3A_147 = tpu.vector_load %arg15[%get3A_146] {strides = array<i32>} : memref<80xi32, #tpu.memory_space<vmem>>, vector<16xi32>,
    %add3A_148 = arith.addi %mul3A_145, %get3A_147 : vector<16xi32>
    %swap3A_149 = arith.constant 48 : index
    %swap3A_150 = tpu.vector_load %arg17[%swap3A_149] {strides = array<i32>} : memref<80xi32, #tpu.memory_space<vmem>>, vector<16xi32>,
    tpu.vector_store %arg17[%swap3A_149], %add3A_148 {strides = array<i32>} : memref<80xi32, #tpu.memory_space<vmem>>, vector<16xi32>,
    %get3A_151 = arith.constant 48 : index
    %get3A_152 = tpu.vector_load %arg13[%get3A_151] {strides = array<i32>} : memref<80xi32, #tpu.memory_space<vmem>>, vector<16xi32>,
    %swap3A_153 = arith.constant 48 : index
    %swap3A_154 = tpu.vector_load %arg19[%swap3A_153] {strides = array<i32>} : memref<80xi32, #tpu.memory_space<vmem>>, vector<16xi32>,
    tpu.vector_store %arg19[%swap3A_153], %get3A_152 {strides = array<i32>} : memref<80xi32, #tpu.memory_space<vmem>>, vector<16xi32>,
    %get3A_155 = arith.constant 64 : index
    %get3A_156 = tpu.vector_load %arg11[%get3A_155] {strides = array<i32>} : memref<80xi32, #tpu.memory_space<vmem>>, vector<16xi32>,
    %mul3A_157 = arith.constant 48 : i32
    %mul3A_158 = vector.broadcast %mul3A_157 : i32 to vector<16xi32>
    %mul3A_159 = arith.muli %get3A_156, %mul3A_158 : vector<16xi32>
    %get3A_160 = arith.constant 64 : index
    %get3A_161 = tpu.vector_load %arg15[%get3A_160] {strides = array<i32>} : memref<80xi32, #tpu.memory_space<vmem>>, vector<16xi32>,
    %add3A_162 = arith.addi %mul3A_159, %get3A_161 : vector<16xi32>
    %swap3A_163 = arith.constant 64 : index
    %swap3A_164 = tpu.vector_load %arg17[%swap3A_163] {strides = array<i32>} : memref<80xi32, #tpu.memory_space<vmem>>, vector<16xi32>,
    tpu.vector_store %arg17[%swap3A_163], %add3A_162 {strides = array<i32>} : memref<80xi32, #tpu.memory_space<vmem>>, vector<16xi32>,
    %get3A_165 = arith.constant 64 : index
    %get3A_166 = tpu.vector_load %arg13[%get3A_165] {strides = array<i32>} : memref<80xi32, #tpu.memory_space<vmem>>, vector<16xi32>,
    %swap3A_167 = arith.constant 64 : index
    %swap3A_168 = tpu.vector_load %arg19[%swap3A_167] {strides = array<i32>} : memref<80xi32, #tpu.memory_space<vmem>>, vector<16xi32>,
    tpu.vector_store %arg19[%swap3A_167], %get3A_166 {strides = array<i32>} : memref<80xi32, #tpu.memory_space<vmem>>, vector<16xi32>,
    %dma_start3A_169 = arith.constant 0 : i32
    %dma_start3A_170 = arith.constant 0 : i32
    %dma_start3A_171 = tpu.memref_slice %arg2[%dma_start3A_169, %dma_start3A_170] : memref<480000x16xf32, #tpu.memory_space<hbm>> -> memref<480000x16xf32, #tpu.memory_space<hbm>>
    tpu.enqueue_indirect_dma source(%dma_start3A_171 : memref<480000x16xf32, #tpu.memory_space<hbm>>) target(%arg21 : memref<80x16xf32, #tpu.memory_space<vmem>>) offsets(%arg17 : memref<80xi32, #tpu.memory_space<vmem>>) semaphore(%arg27 : memref<!tpu.dma_semaphore, #tpu.memory_space<semaphore_mem>>)
    %dma_start3A_172 = arith.constant 0 : i32
    %dma_start3A_173 = arith.constant 0 : i32
    %dma_start3A_174 = tpu.memref_slice %arg3[%dma_start3A_172, %dma_start3A_173] : memref<10000x128xf32, #tpu.memory_space<hbm>> -> memref<10000x128xf32, #tpu.memory_space<hbm>>
    tpu.enqueue_indirect_dma source(%dma_start3A_174 : memref<10000x128xf32, #tpu.memory_space<hbm>>) target(%arg23 : memref<80x128xf32, #tpu.memory_space<vmem>>) offsets(%arg11 : memref<80xi32, #tpu.memory_space<vmem>>) semaphore(%arg27 : memref<!tpu.dma_semaphore, #tpu.memory_space<semaphore_mem>>)
    %dma_wait3A_175 = arith.constant 0 : i32
    %dma_wait3A_176 = tpu.memref_slice %arg4[%dma_wait3A_175] : memref<320000xi32, #tpu.memory_space<hbm>> -> memref<80xi32, #tpu.memory_space<hbm>>
    %dma_wait3A_177 = arith.constant 0 : i32
    %dma_wait3A_178 = tpu.memref_slice %arg4[%dma_wait3A_177] : memref<320000xi32, #tpu.memory_space<hbm>> -> memref<80xi32, #tpu.memory_space<hbm>>
    tpu.wait_dma2 semaphore(%arg26 : memref<!tpu.dma_semaphore, #tpu.memory_space<semaphore_mem>>) src(%dma_wait3A_178 : memref<80xi32, #tpu.memory_space<hbm>>) dst(%arg12 : memref<80xi32, #tpu.memory_space<vmem>>)
    %dma_wait3A_179 = arith.constant 0 : i32
    %dma_wait3A_180 = tpu.memref_slice %arg5[%dma_wait3A_179] : memref<320000xi32, #tpu.memory_space<hbm>> -> memref<80xi32, #tpu.memory_space<hbm>>
    %dma_wait3A_181 = arith.constant 0 : i32
    %dma_wait3A_182 = tpu.memref_slice %arg5[%dma_wait3A_181] : memref<320000xi32, #tpu.memory_space<hbm>> -> memref<80xi32, #tpu.memory_space<hbm>>
    tpu.wait_dma2 semaphore(%arg26 : memref<!tpu.dma_semaphore, #tpu.memory_space<semaphore_mem>>) src(%dma_wait3A_182 : memref<80xi32, #tpu.memory_space<hbm>>) dst(%arg14 : memref<80xi32, #tpu.memory_space<vmem>>)
    %dma_wait3A_183 = arith.constant 0 : i32
    %dma_wait3A_184 = tpu.memref_slice %arg6[%dma_wait3A_183] : memref<320000xi32, #tpu.memory_space<hbm>> -> memref<80xi32, #tpu.memory_space<hbm>>
    %dma_wait3A_185 = arith.constant 0 : i32
    %dma_wait3A_186 = tpu.memref_slice %arg6[%dma_wait3A_185] : memref<320000xi32, #tpu.memory_space<hbm>> -> memref<80xi32, #tpu.memory_space<hbm>>
    tpu.wait_dma2 semaphore(%arg26 : memref<!tpu.dma_semaphore, #tpu.memory_space<semaphore_mem>>) src(%dma_wait3A_186 : memref<80xi32, #tpu.memory_space<hbm>>) dst(%arg16 : memref<80xi32, #tpu.memory_space<vmem>>)
    %get3A_187 = arith.constant 0 : index
    %get3A_188 = tpu.vector_load %arg12[%get3A_187] {strides = array<i32>} : memref<80xi32, #tpu.memory_space<vmem>>, vector<16xi32>,
    %mul3A_189 = arith.constant 48 : i32
    %mul3A_190 = vector.broadcast %mul3A_189 : i32 to vector<16xi32>
    %mul3A_191 = arith.muli %get3A_188, %mul3A_190 : vector<16xi32>
    %get3A_192 = arith.constant 0 : index
    %get3A_193 = tpu.vector_load %arg16[%get3A_192] {strides = array<i32>} : memref<80xi32, #tpu.memory_space<vmem>>, vector<16xi32>,
    %add3A_194 = arith.addi %mul3A_191, %get3A_193 : vector<16xi32>
    %swap3A_195 = arith.constant 0 : index
    %swap3A_196 = tpu.vector_load %arg18[%swap3A_195] {strides = array<i32>} : memref<80xi32, #tpu.memory_space<vmem>>, vector<16xi32>,
    tpu.vector_store %arg18[%swap3A_195], %add3A_194 {strides = array<i32>} : memref<80xi32, #tpu.memory_space<vmem>>, vector<16xi32>,
    %get3A_197 = arith.constant 0 : index
    %get3A_198 = tpu.vector_load %arg14[%get3A_197] {strides = array<i32>} : memref<80xi32, #tpu.memory_space<vmem>>, vector<16xi32>,
    %swap3A_199 = arith.constant 0 : index
    %swap3A_200 = tpu.vector_load %arg20[%swap3A_199] {strides = array<i32>} : memref<80xi32, #tpu.memory_space<vmem>>, vector<16xi32>,
    tpu.vector_store %arg20[%swap3A_199], %get3A_198 {strides = array<i32>} : memref<80xi32, #tpu.memory_space<vmem>>, vector<16xi32>,
    %get3A_201 = arith.constant 16 : index
    %get3A_202 = tpu.vector_load %arg12[%get3A_201] {strides = array<i32>} : memref<80xi32, #tpu.memory_space<vmem>>, vector<16xi32>,
    %mul3A_203 = arith.constant 48 : i32
    %mul3A_204 = vector.broadcast %mul3A_203 : i32 to vector<16xi32>
    %mul3A_205 = arith.muli %get3A_202, %mul3A_204 : vector<16xi32>
    %get3A_206 = arith.constant 16 : index
    %get3A_207 = tpu.vector_load %arg16[%get3A_206] {strides = array<i32>} : memref<80xi32, #tpu.memory_space<vmem>>, vector<16xi32>,
    %add3A_208 = arith.addi %mul3A_205, %get3A_207 : vector<16xi32>
    %swap3A_209 = arith.constant 16 : index
    %swap3A_210 = tpu.vector_load %arg18[%swap3A_209] {strides = array<i32>} : memref<80xi32, #tpu.memory_space<vmem>>, vector<16xi32>,
    tpu.vector_store %arg18[%swap3A_209], %add3A_208 {strides = array<i32>} : memref<80xi32, #tpu.memory_space<vmem>>, vector<16xi32>,
    %get3A_211 = arith.constant 16 : index
    %get3A_212 = tpu.vector_load %arg14[%get3A_211] {strides = array<i32>} : memref<80xi32, #tpu.memory_space<vmem>>, vector<16xi32>,
    %swap3A_213 = arith.constant 16 : index
    %swap3A_214 = tpu.vector_load %arg20[%swap3A_213] {strides = array<i32>} : memref<80xi32, #tpu.memory_space<vmem>>, vector<16xi32>,
    tpu.vector_store %arg20[%swap3A_213], %get3A_212 {strides = array<i32>} : memref<80xi32, #tpu.memory_space<vmem>>, vector<16xi32>,
    %get3A_215 = arith.constant 32 : index
    %get3A_216 = tpu.vector_load %arg12[%get3A_215] {strides = array<i32>} : memref<80xi32, #tpu.memory_space<vmem>>, vector<16xi32>,
    %mul3A_217 = arith.constant 48 : i32
    %mul3A_218 = vector.broadcast %mul3A_217 : i32 to vector<16xi32>
    %mul3A_219 = arith.muli %get3A_216, %mul3A_218 : vector<16xi32>
    %get3A_220 = arith.constant 32 : index
    %get3A_221 = tpu.vector_load %arg16[%get3A_220] {strides = array<i32>} : memref<80xi32, #tpu.memory_space<vmem>>, vector<16xi32>,
    %add3A_222 = arith.addi %mul3A_219, %get3A_221 : vector<16xi32>
    %swap3A_223 = arith.constant 32 : index
    %swap3A_224 = tpu.vector_load %arg18[%swap3A_223] {strides = array<i32>} : memref<80xi32, #tpu.memory_space<vmem>>, vector<16xi32>,
    tpu.vector_store %arg18[%swap3A_223], %add3A_222 {strides = array<i32>} : memref<80xi32, #tpu.memory_space<vmem>>, vector<16xi32>,
    %get3A_225 = arith.constant 32 : index
    %get3A_226 = tpu.vector_load %arg14[%get3A_225] {strides = array<i32>} : memref<80xi32, #tpu.memory_space<vmem>>, vector<16xi32>,
    %swap3A_227 = arith.constant 32 : index
    %swap3A_228 = tpu.vector_load %arg20[%swap3A_227] {strides = array<i32>} : memref<80xi32, #tpu.memory_space<vmem>>, vector<16xi32>,
    tpu.vector_store %arg20[%swap3A_227], %get3A_226 {strides = array<i32>} : memref<80xi32, #tpu.memory_space<vmem>>, vector<16xi32>,
    %get3A_229 = arith.constant 48 : index
    %get3A_230 = tpu.vector_load %arg12[%get3A_229] {strides = array<i32>} : memref<80xi32, #tpu.memory_space<vmem>>, vector<16xi32>,
    %mul3A_231 = arith.constant 48 : i32
    %mul3A_232 = vector.broadcast %mul3A_231 : i32 to vector<16xi32>
    %mul3A_233 = arith.muli %get3A_230, %mul3A_232 : vector<16xi32>
    %get3A_234 = arith.constant 48 : index
    %get3A_235 = tpu.vector_load %arg16[%get3A_234] {strides = array<i32>} : memref<80xi32, #tpu.memory_space<vmem>>, vector<16xi32>,
    %add3A_236 = arith.addi %mul3A_233, %get3A_235 : vector<16xi32>
    %swap3A_237 = arith.constant 48 : index
    %swap3A_238 = tpu.vector_load %arg18[%swap3A_237] {strides = array<i32>} : memref<80xi32, #tpu.memory_space<vmem>>, vector<16xi32>,
    tpu.vector_store %arg18[%swap3A_237], %add3A_236 {strides = array<i32>} : memref<80xi32, #tpu.memory_space<vmem>>, vector<16xi32>,
    %get3A_239 = arith.constant 48 : index
    %get3A_240 = tpu.vector_load %arg14[%get3A_239] {strides = array<i32>} : memref<80xi32, #tpu.memory_space<vmem>>, vector<16xi32>,
    %swap3A_241 = arith.constant 48 : index
    %swap3A_242 = tpu.vector_load %arg20[%swap3A_241] {strides = array<i32>} : memref<80xi32, #tpu.memory_space<vmem>>, vector<16xi32>,
    tpu.vector_store %arg20[%swap3A_241], %get3A_240 {strides = array<i32>} : memref<80xi32, #tpu.memory_space<vmem>>, vector<16xi32>,
    %get3A_243 = arith.constant 64 : index
    %get3A_244 = tpu.vector_load %arg12[%get3A_243] {strides = array<i32>} : memref<80xi32, #tpu.memory_space<vmem>>, vector<16xi32>,
    %mul3A_245 = arith.constant 48 : i32
    %mul3A_246 = vector.broadcast %mul3A_245 : i32 to vector<16xi32>
    %mul3A_247 = arith.muli %get3A_244, %mul3A_246 : vector<16xi32>
    %get3A_248 = arith.constant 64 : index
    %get3A_249 = tpu.vector_load %arg16[%get3A_248] {strides = array<i32>} : memref<80xi32, #tpu.memory_space<vmem>>, vector<16xi32>,
    %add3A_250 = arith.addi %mul3A_247, %get3A_249 : vector<16xi32>
    %swap3A_251 = arith.constant 64 : index
    %swap3A_252 = tpu.vector_load %arg18[%swap3A_251] {strides = array<i32>} : memref<80xi32, #tpu.memory_space<vmem>>, vector<16xi32>,
    tpu.vector_store %arg18[%swap3A_251], %add3A_250 {strides = array<i32>} : memref<80xi32, #tpu.memory_space<vmem>>, vector<16xi32>,
    %get3A_253 = arith.constant 64 : index
    %get3A_254 = tpu.vector_load %arg14[%get3A_253] {strides = array<i32>} : memref<80xi32, #tpu.memory_space<vmem>>, vector<16xi32>,
    %swap3A_255 = arith.constant 64 : index
    %swap3A_256 = tpu.vector_load %arg20[%swap3A_255] {strides = array<i32>} : memref<80xi32, #tpu.memory_space<vmem>>, vector<16xi32>,
    tpu.vector_store %arg20[%swap3A_255], %get3A_254 {strides = array<i32>} : memref<80xi32, #tpu.memory_space<vmem>>, vector<16xi32>,
    %dma_start3A_257 = arith.constant 0 : i32
    %dma_start3A_258 = arith.constant 0 : i32
    %dma_start3A_259 = tpu.memref_slice %arg2[%dma_start3A_257, %dma_start3A_258] : memref<480000x16xf32, #tpu.memory_space<hbm>> -> memref<480000x16xf32, #tpu.memory_space<hbm>>
    tpu.enqueue_indirect_dma source(%dma_start3A_259 : memref<480000x16xf32, #tpu.memory_space<hbm>>) target(%arg22 : memref<80x16xf32, #tpu.memory_space<vmem>>) offsets(%arg18 : memref<80xi32, #tpu.memory_space<vmem>>) semaphore(%arg28 : memref<!tpu.dma_semaphore, #tpu.memory_space<semaphore_mem>>)
    %dma_start3A_260 = arith.constant 0 : i32
    %dma_start3A_261 = arith.constant 0 : i32
    %dma_start3A_262 = tpu.memref_slice %arg3[%dma_start3A_260, %dma_start3A_261] : memref<10000x128xf32, #tpu.memory_space<hbm>> -> memref<10000x128xf32, #tpu.memory_space<hbm>>
    tpu.enqueue_indirect_dma source(%dma_start3A_262 : memref<10000x128xf32, #tpu.memory_space<hbm>>) target(%arg24 : memref<80x128xf32, #tpu.memory_space<vmem>>) offsets(%arg12 : memref<80xi32, #tpu.memory_space<vmem>>) semaphore(%arg28 : memref<!tpu.dma_semaphore, #tpu.memory_space<semaphore_mem>>)
    %scan3A = arith.constant 0 : i32
    %scan3A_263 = arith.constant 0 : i32
    %scan3A_264 = arith.constant 62 : i32
    %scan3A_265 = arith.addi %scan3A_263, %scan3A_264 : i32
    %scan3A_266 = arith.constant 1 : i32
    %scan3A_267 = scf.for %scan3A_304 = %scan3A_263 to %scan3A_265 step %scan3A_266 iter_args(%scan3A_305 = %scan3A) -> (i32)  : i32 {
      %mul3A_306 = arith.constant 2 : i32
      %mul3A_307 = arith.muli %mul3A_306, %scan3A_304 : i32
      %dma_wait3A_308 = arith.constant 0 : i32
      %dma_wait3A_309 = arith.constant 0 : i32
      %dma_wait3A_310 = tpu.memref_slice %arg2[%dma_wait3A_308, %dma_wait3A_309] : memref<480000x16xf32, #tpu.memory_space<hbm>> -> memref<480000x16xf32, #tpu.memory_space<hbm>>
      tpu.wait_indirect_dma semaphore(%arg27 : memref<!tpu.dma_semaphore, #tpu.memory_space<semaphore_mem>>) src(%dma_wait3A_310 : memref<480000x16xf32, #tpu.memory_space<hbm>>) dst(%arg21 : memref<80x16xf32, #tpu.memory_space<vmem>>)
      %dma_wait3A_311 = arith.constant 0 : i32
      %dma_wait3A_312 = arith.constant 0 : i32
      %dma_wait3A_313 = tpu.memref_slice %arg3[%dma_wait3A_311, %dma_wait3A_312] : memref<10000x128xf32, #tpu.memory_space<hbm>> -> memref<10000x128xf32, #tpu.memory_space<hbm>>
      tpu.wait_indirect_dma semaphore(%arg27 : memref<!tpu.dma_semaphore, #tpu.memory_space<semaphore_mem>>) src(%dma_wait3A_313 : memref<10000x128xf32, #tpu.memory_space<hbm>>) dst(%arg23 : memref<80x128xf32, #tpu.memory_space<vmem>>)
      %parallel_loop3A_314 = arith.constant 0 : i32
      %parallel_loop3A_315 = arith.constant 80 : i32
      %parallel_loop3A_316 = arith.constant 1 : i32
      scf.for %parallel_loop3A_456 = %parallel_loop3A_314 to %parallel_loop3A_315 step %parallel_loop3A_316  : i32 {
        %parallel_loop3A_457 = arith.index_cast %parallel_loop3A_456 : i32 to index
        %parallel_loop3A_458 = arith.constant 0 : index
        %parallel_loop3A_459 = tpu.vector_load %arg21[%parallel_loop3A_457, %parallel_loop3A_458] {strides = array<i32>} : memref<80x16xf32, #tpu.memory_space<vmem>>, vector<16xf32>,
        %parallel_loop3A_460 = arith.constant 2.000000e-01 : f32
        %parallel_loop3A_461 = vector.broadcast %parallel_loop3A_460 : f32 to vector<16xf32>
        %parallel_loop3A_462 = arith.mulf %parallel_loop3A_461, %parallel_loop3A_459 : vector<16xf32>
        %parallel_loop3A_463 = arith.maximumf %parallel_loop3A_459, %parallel_loop3A_462 : vector<16xf32>
        %parallel_loop3A_464 = math.exp %parallel_loop3A_463 : vector<16xf32>
        %parallel_loop3A_465 = arith.select %lt3A_70, %parallel_loop3A_464, %parallel_loop3A_459 : vector<16xi1>, vector<16xf32>
        %parallel_loop3A_466 = vector.extract_strided_slice %parallel_loop3A_465 {offsets = [0], sizes = [1], strides = [1]} : vector<16xf32> to vector<1xf32>
        %parallel_loop3A_467 = vector.extract %parallel_loop3A_466[0] : f32 from vector<1xf32>
        %parallel_loop3A_468 = arith.index_cast %parallel_loop3A_456 : i32 to index
        %parallel_loop3A_469 = arith.constant 0 : index
        %parallel_loop3A_470 = tpu.vector_load %arg23[%parallel_loop3A_468, %parallel_loop3A_469] {strides = array<i32>} : memref<80x128xf32, #tpu.memory_space<vmem>>, vector<16xf32>,
        %parallel_loop3A_471 = vector.broadcast %parallel_loop3A_467 : f32 to vector<16xf32>
        %parallel_loop3A_472 = arith.mulf %parallel_loop3A_470, %parallel_loop3A_471 : vector<16xf32>
        %parallel_loop3A_473 = arith.index_cast %parallel_loop3A_456 : i32 to index
        %parallel_loop3A_474 = arith.constant 0 : index
        %parallel_loop3A_475 = tpu.vector_load %arg23[%parallel_loop3A_473, %parallel_loop3A_474] {strides = array<i32>} : memref<80x128xf32, #tpu.memory_space<vmem>>, vector<16xf32>,
        tpu.vector_store %arg23[%parallel_loop3A_473, %parallel_loop3A_474], %parallel_loop3A_472 {strides = array<i32>} : memref<80x128xf32, #tpu.memory_space<vmem>>, vector<16xf32>,
        %parallel_loop3A_476 = arith.index_cast %parallel_loop3A_456 : i32 to index
        %parallel_loop3A_477 = arith.constant 16 : index
        %parallel_loop3A_478 = tpu.vector_load %arg23[%parallel_loop3A_476, %parallel_loop3A_477] {strides = array<i32>} : memref<80x128xf32, #tpu.memory_space<vmem>>, vector<16xf32>,
        %parallel_loop3A_479 = vector.broadcast %parallel_loop3A_467 : f32 to vector<16xf32>
        %parallel_loop3A_480 = arith.mulf %parallel_loop3A_478, %parallel_loop3A_479 : vector<16xf32>
        %parallel_loop3A_481 = arith.index_cast %parallel_loop3A_456 : i32 to index
        %parallel_loop3A_482 = arith.constant 16 : index
        %parallel_loop3A_483 = tpu.vector_load %arg23[%parallel_loop3A_481, %parallel_loop3A_482] {strides = array<i32>} : memref<80x128xf32, #tpu.memory_space<vmem>>, vector<16xf32>,
        tpu.vector_store %arg23[%parallel_loop3A_481, %parallel_loop3A_482], %parallel_loop3A_480 {strides = array<i32>} : memref<80x128xf32, #tpu.memory_space<vmem>>, vector<16xf32>,
        %parallel_loop3A_484 = vector.extract_strided_slice %parallel_loop3A_465 {offsets = [1], sizes = [1], strides = [1]} : vector<16xf32> to vector<1xf32>
        %parallel_loop3A_485 = vector.extract %parallel_loop3A_484[0] : f32 from vector<1xf32>
        %parallel_loop3A_486 = arith.index_cast %parallel_loop3A_456 : i32 to index
        %parallel_loop3A_487 = arith.constant 32 : index
        %parallel_loop3A_488 = tpu.vector_load %arg23[%parallel_loop3A_486, %parallel_loop3A_487] {strides = array<i32>} : memref<80x128xf32, #tpu.memory_space<vmem>>, vector<16xf32>,
        %parallel_loop3A_489 = vector.broadcast %parallel_loop3A_485 : f32 to vector<16xf32>
        %parallel_loop3A_490 = arith.mulf %parallel_loop3A_488, %parallel_loop3A_489 : vector<16xf32>
        %parallel_loop3A_491 = arith.index_cast %parallel_loop3A_456 : i32 to index
        %parallel_loop3A_492 = arith.constant 32 : index
        %parallel_loop3A_493 = tpu.vector_load %arg23[%parallel_loop3A_491, %parallel_loop3A_492] {strides = array<i32>} : memref<80x128xf32, #tpu.memory_space<vmem>>, vector<16xf32>,
        tpu.vector_store %arg23[%parallel_loop3A_491, %parallel_loop3A_492], %parallel_loop3A_490 {strides = array<i32>} : memref<80x128xf32, #tpu.memory_space<vmem>>, vector<16xf32>,
        %parallel_loop3A_494 = arith.index_cast %parallel_loop3A_456 : i32 to index
        %parallel_loop3A_495 = arith.constant 48 : index
        %parallel_loop3A_496 = tpu.vector_load %arg23[%parallel_loop3A_494, %parallel_loop3A_495] {strides = array<i32>} : memref<80x128xf32, #tpu.memory_space<vmem>>, vector<16xf32>,
        %parallel_loop3A_497 = vector.broadcast %parallel_loop3A_485 : f32 to vector<16xf32>
        %parallel_loop3A_498 = arith.mulf %parallel_loop3A_496, %parallel_loop3A_497 : vector<16xf32>
        %parallel_loop3A_499 = arith.index_cast %parallel_loop3A_456 : i32 to index
        %parallel_loop3A_500 = arith.constant 48 : index
        %parallel_loop3A_501 = tpu.vector_load %arg23[%parallel_loop3A_499, %parallel_loop3A_500] {strides = array<i32>} : memref<80x128xf32, #tpu.memory_space<vmem>>, vector<16xf32>,
        tpu.vector_store %arg23[%parallel_loop3A_499, %parallel_loop3A_500], %parallel_loop3A_498 {strides = array<i32>} : memref<80x128xf32, #tpu.memory_space<vmem>>, vector<16xf32>,
        %parallel_loop3A_502 = vector.extract_strided_slice %parallel_loop3A_465 {offsets = [2], sizes = [1], strides = [1]} : vector<16xf32> to vector<1xf32>
        %parallel_loop3A_503 = vector.extract %parallel_loop3A_502[0] : f32 from vector<1xf32>
        %parallel_loop3A_504 = arith.index_cast %parallel_loop3A_456 : i32 to index
        %parallel_loop3A_505 = arith.constant 64 : index
        %parallel_loop3A_506 = tpu.vector_load %arg23[%parallel_loop3A_504, %parallel_loop3A_505] {strides = array<i32>} : memref<80x128xf32, #tpu.memory_space<vmem>>, vector<16xf32>,
        %parallel_loop3A_507 = vector.broadcast %parallel_loop3A_503 : f32 to vector<16xf32>
        %parallel_loop3A_508 = arith.mulf %parallel_loop3A_506, %parallel_loop3A_507 : vector<16xf32>
        %parallel_loop3A_509 = arith.index_cast %parallel_loop3A_456 : i32 to index
        %parallel_loop3A_510 = arith.constant 64 : index
        %parallel_loop3A_511 = tpu.vector_load %arg23[%parallel_loop3A_509, %parallel_loop3A_510] {strides = array<i32>} : memref<80x128xf32, #tpu.memory_space<vmem>>, vector<16xf32>,
        tpu.vector_store %arg23[%parallel_loop3A_509, %parallel_loop3A_510], %parallel_loop3A_508 {strides = array<i32>} : memref<80x128xf32, #tpu.memory_space<vmem>>, vector<16xf32>,
        %parallel_loop3A_512 = arith.index_cast %parallel_loop3A_456 : i32 to index
        %parallel_loop3A_513 = arith.constant 80 : index
        %parallel_loop3A_514 = tpu.vector_load %arg23[%parallel_loop3A_512, %parallel_loop3A_513] {strides = array<i32>} : memref<80x128xf32, #tpu.memory_space<vmem>>, vector<16xf32>,
        %parallel_loop3A_515 = vector.broadcast %parallel_loop3A_503 : f32 to vector<16xf32>
        %parallel_loop3A_516 = arith.mulf %parallel_loop3A_514, %parallel_loop3A_515 : vector<16xf32>
        %parallel_loop3A_517 = arith.index_cast %parallel_loop3A_456 : i32 to index
        %parallel_loop3A_518 = arith.constant 80 : index
        %parallel_loop3A_519 = tpu.vector_load %arg23[%parallel_loop3A_517, %parallel_loop3A_518] {strides = array<i32>} : memref<80x128xf32, #tpu.memory_space<vmem>>, vector<16xf32>,
        tpu.vector_store %arg23[%parallel_loop3A_517, %parallel_loop3A_518], %parallel_loop3A_516 {strides = array<i32>} : memref<80x128xf32, #tpu.memory_space<vmem>>, vector<16xf32>,
        %parallel_loop3A_520 = vector.extract_strided_slice %parallel_loop3A_465 {offsets = [3], sizes = [1], strides = [1]} : vector<16xf32> to vector<1xf32>
        %parallel_loop3A_521 = vector.extract %parallel_loop3A_520[0] : f32 from vector<1xf32>
        %parallel_loop3A_522 = arith.index_cast %parallel_loop3A_456 : i32 to index
        %parallel_loop3A_523 = arith.constant 96 : index
        %parallel_loop3A_524 = tpu.vector_load %arg23[%parallel_loop3A_522, %parallel_loop3A_523] {strides = array<i32>} : memref<80x128xf32, #tpu.memory_space<vmem>>, vector<16xf32>,
        %parallel_loop3A_525 = vector.broadcast %parallel_loop3A_521 : f32 to vector<16xf32>
        %parallel_loop3A_526 = arith.mulf %parallel_loop3A_524, %parallel_loop3A_525 : vector<16xf32>
        %parallel_loop3A_527 = arith.index_cast %parallel_loop3A_456 : i32 to index
        %parallel_loop3A_528 = arith.constant 96 : index
        %parallel_loop3A_529 = tpu.vector_load %arg23[%parallel_loop3A_527, %parallel_loop3A_528] {strides = array<i32>} : memref<80x128xf32, #tpu.memory_space<vmem>>, vector<16xf32>,
        tpu.vector_store %arg23[%parallel_loop3A_527, %parallel_loop3A_528], %parallel_loop3A_526 {strides = array<i32>} : memref<80x128xf32, #tpu.memory_space<vmem>>, vector<16xf32>,
        %parallel_loop3A_530 = arith.index_cast %parallel_loop3A_456 : i32 to index
        %parallel_loop3A_531 = arith.constant 112 : index
        %parallel_loop3A_532 = tpu.vector_load %arg23[%parallel_loop3A_530, %parallel_loop3A_531] {strides = array<i32>} : memref<80x128xf32, #tpu.memory_space<vmem>>, vector<16xf32>,
        %parallel_loop3A_533 = vector.broadcast %parallel_loop3A_521 : f32 to vector<16xf32>
        %parallel_loop3A_534 = arith.mulf %parallel_loop3A_532, %parallel_loop3A_533 : vector<16xf32>
        %parallel_loop3A_535 = arith.index_cast %parallel_loop3A_456 : i32 to index
        %parallel_loop3A_536 = arith.constant 112 : index
        %parallel_loop3A_537 = tpu.vector_load %arg23[%parallel_loop3A_535, %parallel_loop3A_536] {strides = array<i32>} : memref<80x128xf32, #tpu.memory_space<vmem>>, vector<16xf32>,
        tpu.vector_store %arg23[%parallel_loop3A_535, %parallel_loop3A_536], %parallel_loop3A_534 {strides = array<i32>} : memref<80x128xf32, #tpu.memory_space<vmem>>, vector<16xf32>,
        %parallel_loop3A_538 = arith.index_cast %parallel_loop3A_456 : i32 to index
        %parallel_loop3A_539 = arith.constant 0 : index
        %parallel_loop3A_540 = tpu.vector_load %arg21[%parallel_loop3A_538, %parallel_loop3A_539] {strides = array<i32>} : memref<80x16xf32, #tpu.memory_space<vmem>>, vector<16xf32>,
        tpu.vector_store %arg21[%parallel_loop3A_538, %parallel_loop3A_539], %parallel_loop3A_465 {strides = array<i32>} : memref<80x16xf32, #tpu.memory_space<vmem>>, vector<16xf32>,
      } {sc.loop_unroll_factor = 8 : i64, sc.parallel_access}
      %dma_start3A_317 = arith.constant 0 : i32
      %dma_start3A_318 = arith.constant 0 : i32
      %dma_start3A_319 = tpu.memref_slice %arg10[%dma_start3A_317, %dma_start3A_318] : memref<10000x16xf32, #tpu.memory_space<vmem_shared>> -> memref<10000x16xf32, #tpu.memory_space<vmem_shared>>
      tpu.enqueue_indirect_dma source(%arg21 : memref<80x16xf32, #tpu.memory_space<vmem>>) target(%dma_start3A_319 : memref<10000x16xf32, #tpu.memory_space<vmem_shared>>) offsets(%arg19 : memref<80xi32, #tpu.memory_space<vmem>>) semaphore(%arg29 : memref<!tpu.dma_semaphore, #tpu.memory_space<semaphore_mem>>) {add = true}
      %dma_start3A_320 = arith.constant 0 : i32
      %dma_start3A_321 = arith.constant 0 : i32
      %dma_start3A_322 = tpu.memref_slice %arg9[%dma_start3A_320, %dma_start3A_321] : memref<10000x128xf32, #tpu.memory_space<vmem_shared>> -> memref<10000x128xf32, #tpu.memory_space<vmem_shared>>
      tpu.enqueue_indirect_dma source(%arg23 : memref<80x128xf32, #tpu.memory_space<vmem>>) target(%dma_start3A_322 : memref<10000x128xf32, #tpu.memory_space<vmem_shared>>) offsets(%arg19 : memref<80xi32, #tpu.memory_space<vmem>>) semaphore(%arg29 : memref<!tpu.dma_semaphore, #tpu.memory_space<semaphore_mem>>) {add = true}
      %add3A_323 = arith.constant 2 : i32
      %add3A_324 = arith.addi %mul3A_307, %add3A_323 : i32
      %lt3A_325 = arith.constant 125 : i32
      %lt3A_326 = arith.cmpi slt, %add3A_324, %lt3A_325 : i32
      %convert_element_type3A_327 = arith.extui %lt3A_326 : i1 to i32
      %cond3A_328 = arith.constant 0 : i32
      %cond3A_329 = arith.cmpi ne, %convert_element_type3A_327, %cond3A_328 : i32
      scf.if %cond3A_329 {
        %add3A_456 = arith.constant 2 : i32
        %add3A_457 = arith.addi %mul3A_307, %add3A_456 : i32
        %mul3A_458 = arith.constant 10000 : i32
        %mul3A_459 = arith.muli %add3A, %mul3A_458 : i32
        %mul3A_460 = arith.constant 80 : i32
        %mul3A_461 = arith.muli %add3A_457, %mul3A_460 : i32
        %add3A_462 = arith.addi %mul3A_459, %mul3A_461 : i32
        %dma_start3A_463 = tpu.memref_slice %arg4[%add3A_462] : memref<320000xi32, #tpu.memory_space<hbm>> -> memref<80xi32, #tpu.memory_space<hbm>>
        %dma_start3A_464 = tpu.memref_slice %arg4[%add3A_462] : memref<320000xi32, #tpu.memory_space<hbm>> -> memref<80xi32, #tpu.memory_space<hbm>>
        tpu.enqueue_dma source(%dma_start3A_464 : memref<80xi32, #tpu.memory_space<hbm>>) target(%arg11 : memref<80xi32, #tpu.memory_space<vmem>>) target_semaphore(%arg25 : memref<!tpu.dma_semaphore, #tpu.memory_space<semaphore_mem>>)
        %dma_start3A_465 = tpu.memref_slice %arg5[%add3A_462] : memref<320000xi32, #tpu.memory_space<hbm>> -> memref<80xi32, #tpu.memory_space<hbm>>
        %dma_start3A_466 = tpu.memref_slice %arg5[%add3A_462] : memref<320000xi32, #tpu.memory_space<hbm>> -> memref<80xi32, #tpu.memory_space<hbm>>
        tpu.enqueue_dma source(%dma_start3A_466 : memref<80xi32, #tpu.memory_space<hbm>>) target(%arg13 : memref<80xi32, #tpu.memory_space<vmem>>) target_semaphore(%arg25 : memref<!tpu.dma_semaphore, #tpu.memory_space<semaphore_mem>>)
        %dma_start3A_467 = tpu.memref_slice %arg6[%add3A_462] : memref<320000xi32, #tpu.memory_space<hbm>> -> memref<80xi32, #tpu.memory_space<hbm>>
        %dma_start3A_468 = tpu.memref_slice %arg6[%add3A_462] : memref<320000xi32, #tpu.memory_space<hbm>> -> memref<80xi32, #tpu.memory_space<hbm>>
        tpu.enqueue_dma source(%dma_start3A_468 : memref<80xi32, #tpu.memory_space<hbm>>) target(%arg15 : memref<80xi32, #tpu.memory_space<vmem>>) target_semaphore(%arg25 : memref<!tpu.dma_semaphore, #tpu.memory_space<semaphore_mem>>)
      } else {
      }
      %dma_wait3A_330 = arith.constant 0 : i32
      %dma_wait3A_331 = tpu.memref_slice %arg4[%dma_wait3A_330] : memref<320000xi32, #tpu.memory_space<hbm>> -> memref<80xi32, #tpu.memory_space<hbm>>
      %dma_wait3A_332 = arith.constant 0 : i32
      %dma_wait3A_333 = tpu.memref_slice %arg4[%dma_wait3A_332] : memref<320000xi32, #tpu.memory_space<hbm>> -> memref<80xi32, #tpu.memory_space<hbm>>
      tpu.wait_dma2 semaphore(%arg25 : memref<!tpu.dma_semaphore, #tpu.memory_space<semaphore_mem>>) src(%dma_wait3A_333 : memref<80xi32, #tpu.memory_space<hbm>>) dst(%arg11 : memref<80xi32, #tpu.memory_space<vmem>>)
      %dma_wait3A_334 = arith.constant 0 : i32
      %dma_wait3A_335 = tpu.memref_slice %arg5[%dma_wait3A_334] : memref<320000xi32, #tpu.memory_space<hbm>> -> memref<80xi32, #tpu.memory_space<hbm>>
      %dma_wait3A_336 = arith.constant 0 : i32
      %dma_wait3A_337 = tpu.memref_slice %arg5[%dma_wait3A_336] : memref<320000xi32, #tpu.memory_space<hbm>> -> memref<80xi32, #tpu.memory_space<hbm>>
      tpu.wait_dma2 semaphore(%arg25 : memref<!tpu.dma_semaphore, #tpu.memory_space<semaphore_mem>>) src(%dma_wait3A_337 : memref<80xi32, #tpu.memory_space<hbm>>) dst(%arg13 : memref<80xi32, #tpu.memory_space<vmem>>)
      %dma_wait3A_338 = arith.constant 0 : i32
      %dma_wait3A_339 = tpu.memref_slice %arg6[%dma_wait3A_338] : memref<320000xi32, #tpu.memory_space<hbm>> -> memref<80xi32, #tpu.memory_space<hbm>>
      %dma_wait3A_340 = arith.constant 0 : i32
      %dma_wait3A_341 = tpu.memref_slice %arg6[%dma_wait3A_340] : memref<320000xi32, #tpu.memory_space<hbm>> -> memref<80xi32, #tpu.memory_space<hbm>>
      tpu.wait_dma2 semaphore(%arg25 : memref<!tpu.dma_semaphore, #tpu.memory_space<semaphore_mem>>) src(%dma_wait3A_341 : memref<80xi32, #tpu.memory_space<hbm>>) dst(%arg15 : memref<80xi32, #tpu.memory_space<vmem>>)
      %dma_wait3A_342 = arith.constant 0 : i32
      %dma_wait3A_343 = arith.constant 0 : i32
      %dma_wait3A_344 = tpu.memref_slice %arg10[%dma_wait3A_342, %dma_wait3A_343] : memref<10000x16xf32, #tpu.memory_space<vmem_shared>> -> memref<10000x16xf32, #tpu.memory_space<vmem_shared>>
      tpu.wait_indirect_dma semaphore(%arg29 : memref<!tpu.dma_semaphore, #tpu.memory_space<semaphore_mem>>) src(%arg21 : memref<80x16xf32, #tpu.memory_space<vmem>>) dst(%dma_wait3A_344 : memref<10000x16xf32, #tpu.memory_space<vmem_shared>>)
      %dma_wait3A_345 = arith.constant 0 : i32
      %dma_wait3A_346 = arith.constant 0 : i32
      %dma_wait3A_347 = tpu.memref_slice %arg9[%dma_wait3A_345, %dma_wait3A_346] : memref<10000x128xf32, #tpu.memory_space<vmem_shared>> -> memref<10000x128xf32, #tpu.memory_space<vmem_shared>>
      tpu.wait_indirect_dma semaphore(%arg29 : memref<!tpu.dma_semaphore, #tpu.memory_space<semaphore_mem>>) src(%arg23 : memref<80x128xf32, #tpu.memory_space<vmem>>) dst(%dma_wait3A_347 : memref<10000x128xf32, #tpu.memory_space<vmem_shared>>)
      %get3A_348 = arith.constant 0 : index
      %get3A_349 = tpu.vector_load %arg11[%get3A_348] {strides = array<i32>} : memref<80xi32, #tpu.memory_space<vmem>>, vector<16xi32>,
      %mul3A_350 = arith.constant 48 : i32
      %mul3A_351 = vector.broadcast %mul3A_350 : i32 to vector<16xi32>
      %mul3A_352 = arith.muli %get3A_349, %mul3A_351 : vector<16xi32>
      %get3A_353 = arith.constant 0 : index
      %get3A_354 = tpu.vector_load %arg15[%get3A_353] {strides = array<i32>} : memref<80xi32, #tpu.memory_space<vmem>>, vector<16xi32>,
      %add3A_355 = arith.addi %mul3A_352, %get3A_354 : vector<16xi32>
      %swap3A_356 = arith.constant 0 : index
      %swap3A_357 = tpu.vector_load %arg17[%swap3A_356] {strides = array<i32>} : memref<80xi32, #tpu.memory_space<vmem>>, vector<16xi32>,
      tpu.vector_store %arg17[%swap3A_356], %add3A_355 {strides = array<i32>} : memref<80xi32, #tpu.memory_space<vmem>>, vector<16xi32>,
      %get3A_358 = arith.constant 0 : index
      %get3A_359 = tpu.vector_load %arg13[%get3A_358] {strides = array<i32>} : memref<80xi32, #tpu.memory_space<vmem>>, vector<16xi32>,
      %swap3A_360 = arith.constant 0 : index
      %swap3A_361 = tpu.vector_load %arg19[%swap3A_360] {strides = array<i32>} : memref<80xi32, #tpu.memory_space<vmem>>, vector<16xi32>,
      tpu.vector_store %arg19[%swap3A_360], %get3A_359 {strides = array<i32>} : memref<80xi32, #tpu.memory_space<vmem>>, vector<16xi32>,
      %get3A_362 = arith.constant 16 : index
      %get3A_363 = tpu.vector_load %arg11[%get3A_362] {strides = array<i32>} : memref<80xi32, #tpu.memory_space<vmem>>, vector<16xi32>,
      %mul3A_364 = arith.constant 48 : i32
      %mul3A_365 = vector.broadcast %mul3A_364 : i32 to vector<16xi32>
      %mul3A_366 = arith.muli %get3A_363, %mul3A_365 : vector<16xi32>
      %get3A_367 = arith.constant 16 : index
      %get3A_368 = tpu.vector_load %arg15[%get3A_367] {strides = array<i32>} : memref<80xi32, #tpu.memory_space<vmem>>, vector<16xi32>,
      %add3A_369 = arith.addi %mul3A_366, %get3A_368 : vector<16xi32>
      %swap3A_370 = arith.constant 16 : index
      %swap3A_371 = tpu.vector_load %arg17[%swap3A_370] {strides = array<i32>} : memref<80xi32, #tpu.memory_space<vmem>>, vector<16xi32>,
      tpu.vector_store %arg17[%swap3A_370], %add3A_369 {strides = array<i32>} : memref<80xi32, #tpu.memory_space<vmem>>, vector<16xi32>,
      %get3A_372 = arith.constant 16 : index
      %get3A_373 = tpu.vector_load %arg13[%get3A_372] {strides = array<i32>} : memref<80xi32, #tpu.memory_space<vmem>>, vector<16xi32>,
      %swap3A_374 = arith.constant 16 : index
      %swap3A_375 = tpu.vector_load %arg19[%swap3A_374] {strides = array<i32>} : memref<80xi32, #tpu.memory_space<vmem>>, vector<16xi32>,
      tpu.vector_store %arg19[%swap3A_374], %get3A_373 {strides = array<i32>} : memref<80xi32, #tpu.memory_space<vmem>>, vector<16xi32>,
      %get3A_376 = arith.constant 32 : index
      %get3A_377 = tpu.vector_load %arg11[%get3A_376] {strides = array<i32>} : memref<80xi32, #tpu.memory_space<vmem>>, vector<16xi32>,
      %mul3A_378 = arith.constant 48 : i32
      %mul3A_379 = vector.broadcast %mul3A_378 : i32 to vector<16xi32>
      %mul3A_380 = arith.muli %get3A_377, %mul3A_379 : vector<16xi32>
      %get3A_381 = arith.constant 32 : index
      %get3A_382 = tpu.vector_load %arg15[%get3A_381] {strides = array<i32>} : memref<80xi32, #tpu.memory_space<vmem>>, vector<16xi32>,
      %add3A_383 = arith.addi %mul3A_380, %get3A_382 : vector<16xi32>
      %swap3A_384 = arith.constant 32 : index
      %swap3A_385 = tpu.vector_load %arg17[%swap3A_384] {strides = array<i32>} : memref<80xi32, #tpu.memory_space<vmem>>, vector<16xi32>,
      tpu.vector_store %arg17[%swap3A_384], %add3A_383 {strides = array<i32>} : memref<80xi32, #tpu.memory_space<vmem>>, vector<16xi32>,
      %get3A_386 = arith.constant 32 : index
      %get3A_387 = tpu.vector_load %arg13[%get3A_386] {strides = array<i32>} : memref<80xi32, #tpu.memory_space<vmem>>, vector<16xi32>,
      %swap3A_388 = arith.constant 32 : index
      %swap3A_389 = tpu.vector_load %arg19[%swap3A_388] {strides = array<i32>} : memref<80xi32, #tpu.memory_space<vmem>>, vector<16xi32>,
      tpu.vector_store %arg19[%swap3A_388], %get3A_387 {strides = array<i32>} : memref<80xi32, #tpu.memory_space<vmem>>, vector<16xi32>,
      %get3A_390 = arith.constant 48 : index
      %get3A_391 = tpu.vector_load %arg11[%get3A_390] {strides = array<i32>} : memref<80xi32, #tpu.memory_space<vmem>>, vector<16xi32>,
      %mul3A_392 = arith.constant 48 : i32
      %mul3A_393 = vector.broadcast %mul3A_392 : i32 to vector<16xi32>
      %mul3A_394 = arith.muli %get3A_391, %mul3A_393 : vector<16xi32>
      %get3A_395 = arith.constant 48 : index
      %get3A_396 = tpu.vector_load %arg15[%get3A_395] {strides = array<i32>} : memref<80xi32, #tpu.memory_space<vmem>>, vector<16xi32>,
      %add3A_397 = arith.addi %mul3A_394, %get3A_396 : vector<16xi32>
      %swap3A_398 = arith.constant 48 : index
      %swap3A_399 = tpu.vector_load %arg17[%swap3A_398] {strides = array<i32>} : memref<80xi32, #tpu.memory_space<vmem>>, vector<16xi32>,
      tpu.vector_store %arg17[%swap3A_398], %add3A_397 {strides = array<i32>} : memref<80xi32, #tpu.memory_space<vmem>>, vector<16xi32>,
      %get3A_400 = arith.constant 48 : index
      %get3A_401 = tpu.vector_load %arg13[%get3A_400] {strides = array<i32>} : memref<80xi32, #tpu.memory_space<vmem>>, vector<16xi32>,
      %swap3A_402 = arith.constant 48 : index
      %swap3A_403 = tpu.vector_load %arg19[%swap3A_402] {strides = array<i32>} : memref<80xi32, #tpu.memory_space<vmem>>, vector<16xi32>,
      tpu.vector_store %arg19[%swap3A_402], %get3A_401 {strides = array<i32>} : memref<80xi32, #tpu.memory_space<vmem>>, vector<16xi32>,
      %get3A_404 = arith.constant 64 : index
      %get3A_405 = tpu.vector_load %arg11[%get3A_404] {strides = array<i32>} : memref<80xi32, #tpu.memory_space<vmem>>, vector<16xi32>,
      %mul3A_406 = arith.constant 48 : i32
      %mul3A_407 = vector.broadcast %mul3A_406 : i32 to vector<16xi32>
      %mul3A_408 = arith.muli %get3A_405, %mul3A_407 : vector<16xi32>
      %get3A_409 = arith.constant 64 : index
      %get3A_410 = tpu.vector_load %arg15[%get3A_409] {strides = array<i32>} : memref<80xi32, #tpu.memory_space<vmem>>, vector<16xi32>,
      %add3A_411 = arith.addi %mul3A_408, %get3A_410 : vector<16xi32>
      %swap3A_412 = arith.constant 64 : index
      %swap3A_413 = tpu.vector_load %arg17[%swap3A_412] {strides = array<i32>} : memref<80xi32, #tpu.memory_space<vmem>>, vector<16xi32>,
      tpu.vector_store %arg17[%swap3A_412], %add3A_411 {strides = array<i32>} : memref<80xi32, #tpu.memory_space<vmem>>, vector<16xi32>,
      %get3A_414 = arith.constant 64 : index
      %get3A_415 = tpu.vector_load %arg13[%get3A_414] {strides = array<i32>} : memref<80xi32, #tpu.memory_space<vmem>>, vector<16xi32>,
      %swap3A_416 = arith.constant 64 : index
      %swap3A_417 = tpu.vector_load %arg19[%swap3A_416] {strides = array<i32>} : memref<80xi32, #tpu.memory_space<vmem>>, vector<16xi32>,
      tpu.vector_store %arg19[%swap3A_416], %get3A_415 {strides = array<i32>} : memref<80xi32, #tpu.memory_space<vmem>>, vector<16xi32>,
      %dma_start3A_418 = arith.constant 0 : i32
      %dma_start3A_419 = arith.constant 0 : i32
      %dma_start3A_420 = tpu.memref_slice %arg2[%dma_start3A_418, %dma_start3A_419] : memref<480000x16xf32, #tpu.memory_space<hbm>> -> memref<480000x16xf32, #tpu.memory_space<hbm>>
      tpu.enqueue_indirect_dma source(%dma_start3A_420 : memref<480000x16xf32, #tpu.memory_space<hbm>>) target(%arg21 : memref<80x16xf32, #tpu.memory_space<vmem>>) offsets(%arg17 : memref<80xi32, #tpu.memory_space<vmem>>) semaphore(%arg27 : memref<!tpu.dma_semaphore, #tpu.memory_space<semaphore_mem>>)
      %dma_start3A_421 = arith.constant 0 : i32
      %dma_start3A_422 = arith.constant 0 : i32
      %dma_start3A_423 = tpu.memref_slice %arg3[%dma_start3A_421, %dma_start3A_422] : memref<10000x128xf32, #tpu.memory_space<hbm>> -> memref<10000x128xf32, #tpu.memory_space<hbm>>
      tpu.enqueue_indirect_dma source(%dma_start3A_423 : memref<10000x128xf32, #tpu.memory_space<hbm>>) target(%arg23 : memref<80x128xf32, #tpu.memory_space<vmem>>) offsets(%arg11 : memref<80xi32, #tpu.memory_space<vmem>>) semaphore(%arg27 : memref<!tpu.dma_semaphore, #tpu.memory_space<semaphore_mem>>)
      %add3A_424 = arith.constant 1 : i32
      %add3A_425 = arith.addi %mul3A_307, %add3A_424 : i32
      %dma_wait3A_426 = arith.constant 0 : i32
      %dma_wait3A_427 = arith.constant 0 : i32
      %dma_wait3A_428 = tpu.memref_slice %arg2[%dma_wait3A_426, %dma_wait3A_427] : memref<480000x16xf32, #tpu.memory_space<hbm>> -> memref<480000x16xf32, #tpu.memory_space<hbm>>
      tpu.wait_indirect_dma semaphore(%arg28 : memref<!tpu.dma_semaphore, #tpu.memory_space<semaphore_mem>>) src(%dma_wait3A_428 : memref<480000x16xf32, #tpu.memory_space<hbm>>) dst(%arg22 : memref<80x16xf32, #tpu.memory_space<vmem>>)
      %dma_wait3A_429 = arith.constant 0 : i32
      %dma_wait3A_430 = arith.constant 0 : i32
      %dma_wait3A_431 = tpu.memref_slice %arg3[%dma_wait3A_429, %dma_wait3A_430] : memref<10000x128xf32, #tpu.memory_space<hbm>> -> memref<10000x128xf32, #tpu.memory_space<hbm>>
      tpu.wait_indirect_dma semaphore(%arg28 : memref<!tpu.dma_semaphore, #tpu.memory_space<semaphore_mem>>) src(%dma_wait3A_431 : memref<10000x128xf32, #tpu.memory_space<hbm>>) dst(%arg24 : memref<80x128xf32, #tpu.memory_space<vmem>>)
      %parallel_loop3A_432 = arith.constant 0 : i32
      %parallel_loop3A_433 = arith.constant 80 : i32
      %parallel_loop3A_434 = arith.constant 1 : i32
      scf.for %parallel_loop3A_456 = %parallel_loop3A_432 to %parallel_loop3A_433 step %parallel_loop3A_434  : i32 {
        %parallel_loop3A_457 = arith.index_cast %parallel_loop3A_456 : i32 to index
        %parallel_loop3A_458 = arith.constant 0 : index
        %parallel_loop3A_459 = tpu.vector_load %arg22[%parallel_loop3A_457, %parallel_loop3A_458] {strides = array<i32>} : memref<80x16xf32, #tpu.memory_space<vmem>>, vector<16xf32>,
        %parallel_loop3A_460 = arith.constant 2.000000e-01 : f32
        %parallel_loop3A_461 = vector.broadcast %parallel_loop3A_460 : f32 to vector<16xf32>
        %parallel_loop3A_462 = arith.mulf %parallel_loop3A_461, %parallel_loop3A_459 : vector<16xf32>
        %parallel_loop3A_463 = arith.maximumf %parallel_loop3A_459, %parallel_loop3A_462 : vector<16xf32>
        %parallel_loop3A_464 = math.exp %parallel_loop3A_463 : vector<16xf32>
        %parallel_loop3A_465 = arith.select %lt3A_70, %parallel_loop3A_464, %parallel_loop3A_459 : vector<16xi1>, vector<16xf32>
        %parallel_loop3A_466 = vector.extract_strided_slice %parallel_loop3A_465 {offsets = [0], sizes = [1], strides = [1]} : vector<16xf32> to vector<1xf32>
        %parallel_loop3A_467 = vector.extract %parallel_loop3A_466[0] : f32 from vector<1xf32>
        %parallel_loop3A_468 = arith.index_cast %parallel_loop3A_456 : i32 to index
        %parallel_loop3A_469 = arith.constant 0 : index
        %parallel_loop3A_470 = tpu.vector_load %arg24[%parallel_loop3A_468, %parallel_loop3A_469] {strides = array<i32>} : memref<80x128xf32, #tpu.memory_space<vmem>>, vector<16xf32>,
        %parallel_loop3A_471 = vector.broadcast %parallel_loop3A_467 : f32 to vector<16xf32>
        %parallel_loop3A_472 = arith.mulf %parallel_loop3A_470, %parallel_loop3A_471 : vector<16xf32>
        %parallel_loop3A_473 = arith.index_cast %parallel_loop3A_456 : i32 to index
        %parallel_loop3A_474 = arith.constant 0 : index
        %parallel_loop3A_475 = tpu.vector_load %arg24[%parallel_loop3A_473, %parallel_loop3A_474] {strides = array<i32>} : memref<80x128xf32, #tpu.memory_space<vmem>>, vector<16xf32>,
        tpu.vector_store %arg24[%parallel_loop3A_473, %parallel_loop3A_474], %parallel_loop3A_472 {strides = array<i32>} : memref<80x128xf32, #tpu.memory_space<vmem>>, vector<16xf32>,
        %parallel_loop3A_476 = arith.index_cast %parallel_loop3A_456 : i32 to index
        %parallel_loop3A_477 = arith.constant 16 : index
        %parallel_loop3A_478 = tpu.vector_load %arg24[%parallel_loop3A_476, %parallel_loop3A_477] {strides = array<i32>} : memref<80x128xf32, #tpu.memory_space<vmem>>, vector<16xf32>,
        %parallel_loop3A_479 = vector.broadcast %parallel_loop3A_467 : f32 to vector<16xf32>
        %parallel_loop3A_480 = arith.mulf %parallel_loop3A_478, %parallel_loop3A_479 : vector<16xf32>
        %parallel_loop3A_481 = arith.index_cast %parallel_loop3A_456 : i32 to index
        %parallel_loop3A_482 = arith.constant 16 : index
        %parallel_loop3A_483 = tpu.vector_load %arg24[%parallel_loop3A_481, %parallel_loop3A_482] {strides = array<i32>} : memref<80x128xf32, #tpu.memory_space<vmem>>, vector<16xf32>,
        tpu.vector_store %arg24[%parallel_loop3A_481, %parallel_loop3A_482], %parallel_loop3A_480 {strides = array<i32>} : memref<80x128xf32, #tpu.memory_space<vmem>>, vector<16xf32>,
        %parallel_loop3A_484 = vector.extract_strided_slice %parallel_loop3A_465 {offsets = [1], sizes = [1], strides = [1]} : vector<16xf32> to vector<1xf32>
        %parallel_loop3A_485 = vector.extract %parallel_loop3A_484[0] : f32 from vector<1xf32>
        %parallel_loop3A_486 = arith.index_cast %parallel_loop3A_456 : i32 to index
        %parallel_loop3A_487 = arith.constant 32 : index
        %parallel_loop3A_488 = tpu.vector_load %arg24[%parallel_loop3A_486, %parallel_loop3A_487] {strides = array<i32>} : memref<80x128xf32, #tpu.memory_space<vmem>>, vector<16xf32>,
        %parallel_loop3A_489 = vector.broadcast %parallel_loop3A_485 : f32 to vector<16xf32>
        %parallel_loop3A_490 = arith.mulf %parallel_loop3A_488, %parallel_loop3A_489 : vector<16xf32>
        %parallel_loop3A_491 = arith.index_cast %parallel_loop3A_456 : i32 to index
        %parallel_loop3A_492 = arith.constant 32 : index
        %parallel_loop3A_493 = tpu.vector_load %arg24[%parallel_loop3A_491, %parallel_loop3A_492] {strides = array<i32>} : memref<80x128xf32, #tpu.memory_space<vmem>>, vector<16xf32>,
        tpu.vector_store %arg24[%parallel_loop3A_491, %parallel_loop3A_492], %parallel_loop3A_490 {strides = array<i32>} : memref<80x128xf32, #tpu.memory_space<vmem>>, vector<16xf32>,
        %parallel_loop3A_494 = arith.index_cast %parallel_loop3A_456 : i32 to index
        %parallel_loop3A_495 = arith.constant 48 : index
        %parallel_loop3A_496 = tpu.vector_load %arg24[%parallel_loop3A_494, %parallel_loop3A_495] {strides = array<i32>} : memref<80x128xf32, #tpu.memory_space<vmem>>, vector<16xf32>,
        %parallel_loop3A_497 = vector.broadcast %parallel_loop3A_485 : f32 to vector<16xf32>
        %parallel_loop3A_498 = arith.mulf %parallel_loop3A_496, %parallel_loop3A_497 : vector<16xf32>
        %parallel_loop3A_499 = arith.index_cast %parallel_loop3A_456 : i32 to index
        %parallel_loop3A_500 = arith.constant 48 : index
        %parallel_loop3A_501 = tpu.vector_load %arg24[%parallel_loop3A_499, %parallel_loop3A_500] {strides = array<i32>} : memref<80x128xf32, #tpu.memory_space<vmem>>, vector<16xf32>,
        tpu.vector_store %arg24[%parallel_loop3A_499, %parallel_loop3A_500], %parallel_loop3A_498 {strides = array<i32>} : memref<80x128xf32, #tpu.memory_space<vmem>>, vector<16xf32>,
        %parallel_loop3A_502 = vector.extract_strided_slice %parallel_loop3A_465 {offsets = [2], sizes = [1], strides = [1]} : vector<16xf32> to vector<1xf32>
        %parallel_loop3A_503 = vector.extract %parallel_loop3A_502[0] : f32 from vector<1xf32>
        %parallel_loop3A_504 = arith.index_cast %parallel_loop3A_456 : i32 to index
        %parallel_loop3A_505 = arith.constant 64 : index
        %parallel_loop3A_506 = tpu.vector_load %arg24[%parallel_loop3A_504, %parallel_loop3A_505] {strides = array<i32>} : memref<80x128xf32, #tpu.memory_space<vmem>>, vector<16xf32>,
        %parallel_loop3A_507 = vector.broadcast %parallel_loop3A_503 : f32 to vector<16xf32>
        %parallel_loop3A_508 = arith.mulf %parallel_loop3A_506, %parallel_loop3A_507 : vector<16xf32>
        %parallel_loop3A_509 = arith.index_cast %parallel_loop3A_456 : i32 to index
        %parallel_loop3A_510 = arith.constant 64 : index
        %parallel_loop3A_511 = tpu.vector_load %arg24[%parallel_loop3A_509, %parallel_loop3A_510] {strides = array<i32>} : memref<80x128xf32, #tpu.memory_space<vmem>>, vector<16xf32>,
        tpu.vector_store %arg24[%parallel_loop3A_509, %parallel_loop3A_510], %parallel_loop3A_508 {strides = array<i32>} : memref<80x128xf32, #tpu.memory_space<vmem>>, vector<16xf32>,
        %parallel_loop3A_512 = arith.index_cast %parallel_loop3A_456 : i32 to index
        %parallel_loop3A_513 = arith.constant 80 : index
        %parallel_loop3A_514 = tpu.vector_load %arg24[%parallel_loop3A_512, %parallel_loop3A_513] {strides = array<i32>} : memref<80x128xf32, #tpu.memory_space<vmem>>, vector<16xf32>,
        %parallel_loop3A_515 = vector.broadcast %parallel_loop3A_503 : f32 to vector<16xf32>
        %parallel_loop3A_516 = arith.mulf %parallel_loop3A_514, %parallel_loop3A_515 : vector<16xf32>
        %parallel_loop3A_517 = arith.index_cast %parallel_loop3A_456 : i32 to index
        %parallel_loop3A_518 = arith.constant 80 : index
        %parallel_loop3A_519 = tpu.vector_load %arg24[%parallel_loop3A_517, %parallel_loop3A_518] {strides = array<i32>} : memref<80x128xf32, #tpu.memory_space<vmem>>, vector<16xf32>,
        tpu.vector_store %arg24[%parallel_loop3A_517, %parallel_loop3A_518], %parallel_loop3A_516 {strides = array<i32>} : memref<80x128xf32, #tpu.memory_space<vmem>>, vector<16xf32>,
        %parallel_loop3A_520 = vector.extract_strided_slice %parallel_loop3A_465 {offsets = [3], sizes = [1], strides = [1]} : vector<16xf32> to vector<1xf32>
        %parallel_loop3A_521 = vector.extract %parallel_loop3A_520[0] : f32 from vector<1xf32>
        %parallel_loop3A_522 = arith.index_cast %parallel_loop3A_456 : i32 to index
        %parallel_loop3A_523 = arith.constant 96 : index
        %parallel_loop3A_524 = tpu.vector_load %arg24[%parallel_loop3A_522, %parallel_loop3A_523] {strides = array<i32>} : memref<80x128xf32, #tpu.memory_space<vmem>>, vector<16xf32>,
        %parallel_loop3A_525 = vector.broadcast %parallel_loop3A_521 : f32 to vector<16xf32>
        %parallel_loop3A_526 = arith.mulf %parallel_loop3A_524, %parallel_loop3A_525 : vector<16xf32>
        %parallel_loop3A_527 = arith.index_cast %parallel_loop3A_456 : i32 to index
        %parallel_loop3A_528 = arith.constant 96 : index
        %parallel_loop3A_529 = tpu.vector_load %arg24[%parallel_loop3A_527, %parallel_loop3A_528] {strides = array<i32>} : memref<80x128xf32, #tpu.memory_space<vmem>>, vector<16xf32>,
        tpu.vector_store %arg24[%parallel_loop3A_527, %parallel_loop3A_528], %parallel_loop3A_526 {strides = array<i32>} : memref<80x128xf32, #tpu.memory_space<vmem>>, vector<16xf32>,
        %parallel_loop3A_530 = arith.index_cast %parallel_loop3A_456 : i32 to index
        %parallel_loop3A_531 = arith.constant 112 : index
        %parallel_loop3A_532 = tpu.vector_load %arg24[%parallel_loop3A_530, %parallel_loop3A_531] {strides = array<i32>} : memref<80x128xf32, #tpu.memory_space<vmem>>, vector<16xf32>,
        %parallel_loop3A_533 = vector.broadcast %parallel_loop3A_521 : f32 to vector<16xf32>
        %parallel_loop3A_534 = arith.mulf %parallel_loop3A_532, %parallel_loop3A_533 : vector<16xf32>
        %parallel_loop3A_535 = arith.index_cast %parallel_loop3A_456 : i32 to index
        %parallel_loop3A_536 = arith.constant 112 : index
        %parallel_loop3A_537 = tpu.vector_load %arg24[%parallel_loop3A_535, %parallel_loop3A_536] {strides = array<i32>} : memref<80x128xf32, #tpu.memory_space<vmem>>, vector<16xf32>,
        tpu.vector_store %arg24[%parallel_loop3A_535, %parallel_loop3A_536], %parallel_loop3A_534 {strides = array<i32>} : memref<80x128xf32, #tpu.memory_space<vmem>>, vector<16xf32>,
        %parallel_loop3A_538 = arith.index_cast %parallel_loop3A_456 : i32 to index
        %parallel_loop3A_539 = arith.constant 0 : index
        %parallel_loop3A_540 = tpu.vector_load %arg22[%parallel_loop3A_538, %parallel_loop3A_539] {strides = array<i32>} : memref<80x16xf32, #tpu.memory_space<vmem>>, vector<16xf32>,
        tpu.vector_store %arg22[%parallel_loop3A_538, %parallel_loop3A_539], %parallel_loop3A_465 {strides = array<i32>} : memref<80x16xf32, #tpu.memory_space<vmem>>, vector<16xf32>,
      } {sc.loop_unroll_factor = 8 : i64, sc.parallel_access}
      %dma_start3A_435 = arith.constant 0 : i32
      %dma_start3A_436 = arith.constant 0 : i32
      %dma_start3A_437 = tpu.memref_slice %arg10[%dma_start3A_435, %dma_start3A_436] : memref<10000x16xf32, #tpu.memory_space<vmem_shared>> -> memref<10000x16xf32, #tpu.memory_space<vmem_shared>>
      tpu.enqueue_indirect_dma source(%arg22 : memref<80x16xf32, #tpu.memory_space<vmem>>) target(%dma_start3A_437 : memref<10000x16xf32, #tpu.memory_space<vmem_shared>>) offsets(%arg20 : memref<80xi32, #tpu.memory_space<vmem>>) semaphore(%arg30 : memref<!tpu.dma_semaphore, #tpu.memory_space<semaphore_mem>>) {add = true}
      %dma_start3A_438 = arith.constant 0 : i32
      %dma_start3A_439 = arith.constant 0 : i32
      %dma_start3A_440 = tpu.memref_slice %arg9[%dma_start3A_438, %dma_start3A_439] : memref<10000x128xf32, #tpu.memory_space<vmem_shared>> -> memref<10000x128xf32, #tpu.memory_space<vmem_shared>>
      tpu.enqueue_indirect_dma source(%arg24 : memref<80x128xf32, #tpu.memory_space<vmem>>) target(%dma_start3A_440 : memref<10000x128xf32, #tpu.memory_space<vmem_shared>>) offsets(%arg20 : memref<80xi32, #tpu.memory_space<vmem>>) semaphore(%arg30 : memref<!tpu.dma_semaphore, #tpu.memory_space<semaphore_mem>>) {add = true}
      %add3A_441 = arith.constant 2 : i32
      %add3A_442 = arith.addi %add3A_425, %add3A_441 : i32
      %lt3A_443 = arith.constant 125 : i32
      %lt3A_444 = arith.cmpi slt, %add3A_442, %lt3A_443 : i32
      %convert_element_type3A_445 = arith.extui %lt3A_444 : i1 to i32
      %cond3A_446 = arith.constant 0 : i32
      %cond3A_447 = arith.cmpi ne, %convert_element_type3A_445, %cond3A_446 : i32
      scf.if %cond3A_447 {
        %add3A_456 = arith.constant 2 : i32
        %add3A_457 = arith.addi %add3A_425, %add3A_456 : i32
        %mul3A_458 = arith.constant 10000 : i32
        %mul3A_459 = arith.muli %add3A, %mul3A_458 : i32
        %mul3A_460 = arith.constant 80 : i32
        %mul3A_461 = arith.muli %add3A_457, %mul3A_460 : i32
        %add3A_462 = arith.addi %mul3A_459, %mul3A_461 : i32
        %dma_start3A_463 = tpu.memref_slice %arg4[%add3A_462] : memref<320000xi32, #tpu.memory_space<hbm>> -> memref<80xi32, #tpu.memory_space<hbm>>
        %dma_start3A_464 = tpu.memref_slice %arg4[%add3A_462] : memref<320000xi32, #tpu.memory_space<hbm>> -> memref<80xi32, #tpu.memory_space<hbm>>
        tpu.enqueue_dma source(%dma_start3A_464 : memref<80xi32, #tpu.memory_space<hbm>>) target(%arg12 : memref<80xi32, #tpu.memory_space<vmem>>) target_semaphore(%arg26 : memref<!tpu.dma_semaphore, #tpu.memory_space<semaphore_mem>>)
        %dma_start3A_465 = tpu.memref_slice %arg5[%add3A_462] : memref<320000xi32, #tpu.memory_space<hbm>> -> memref<80xi32, #tpu.memory_space<hbm>>
        %dma_start3A_466 = tpu.memref_slice %arg5[%add3A_462] : memref<320000xi32, #tpu.memory_space<hbm>> -> memref<80xi32, #tpu.memory_space<hbm>>
        tpu.enqueue_dma source(%dma_start3A_466 : memref<80xi32, #tpu.memory_space<hbm>>) target(%arg14 : memref<80xi32, #tpu.memory_space<vmem>>) target_semaphore(%arg26 : memref<!tpu.dma_semaphore, #tpu.memory_space<semaphore_mem>>)
        %dma_start3A_467 = tpu.memref_slice %arg6[%add3A_462] : memref<320000xi32, #tpu.memory_space<hbm>> -> memref<80xi32, #tpu.memory_space<hbm>>
        %dma_start3A_468 = tpu.memref_slice %arg6[%add3A_462] : memref<320000xi32, #tpu.memory_space<hbm>> -> memref<80xi32, #tpu.memory_space<hbm>>
        tpu.enqueue_dma source(%dma_start3A_468 : memref<80xi32, #tpu.memory_space<hbm>>) target(%arg16 : memref<80xi32, #tpu.memory_space<vmem>>) target_semaphore(%arg26 : memref<!tpu.dma_semaphore, #tpu.memory_space<semaphore_mem>>)
      } else {
      }
      %add3A_448 = arith.constant 3 : i32
      %add3A_449 = arith.addi %mul3A_307, %add3A_448 : i32
      %lt3A_450 = arith.constant 125 : i32
      %lt3A_451 = arith.cmpi slt, %add3A_449, %lt3A_450 : i32
      %convert_element_type3A_452 = arith.extui %lt3A_451 : i1 to i32
      %cond3A_453 = arith.constant 0 : i32
      %cond3A_454 = arith.cmpi ne, %convert_element_type3A_452, %cond3A_453 : i32
      scf.if %cond3A_454 {
        %dma_wait3A_456 = arith.constant 0 : i32
        %dma_wait3A_457 = tpu.memref_slice %arg4[%dma_wait3A_456] : memref<320000xi32, #tpu.memory_space<hbm>> -> memref<80xi32, #tpu.memory_space<hbm>>
        %dma_wait3A_458 = arith.constant 0 : i32
        %dma_wait3A_459 = tpu.memref_slice %arg4[%dma_wait3A_458] : memref<320000xi32, #tpu.memory_space<hbm>> -> memref<80xi32, #tpu.memory_space<hbm>>
        tpu.wait_dma2 semaphore(%arg26 : memref<!tpu.dma_semaphore, #tpu.memory_space<semaphore_mem>>) src(%dma_wait3A_459 : memref<80xi32, #tpu.memory_space<hbm>>) dst(%arg12 : memref<80xi32, #tpu.memory_space<vmem>>)
        %dma_wait3A_460 = arith.constant 0 : i32
        %dma_wait3A_461 = tpu.memref_slice %arg5[%dma_wait3A_460] : memref<320000xi32, #tpu.memory_space<hbm>> -> memref<80xi32, #tpu.memory_space<hbm>>
        %dma_wait3A_462 = arith.constant 0 : i32
        %dma_wait3A_463 = tpu.memref_slice %arg5[%dma_wait3A_462] : memref<320000xi32, #tpu.memory_space<hbm>> -> memref<80xi32, #tpu.memory_space<hbm>>
        tpu.wait_dma2 semaphore(%arg26 : memref<!tpu.dma_semaphore, #tpu.memory_space<semaphore_mem>>) src(%dma_wait3A_463 : memref<80xi32, #tpu.memory_space<hbm>>) dst(%arg14 : memref<80xi32, #tpu.memory_space<vmem>>)
        %dma_wait3A_464 = arith.constant 0 : i32
        %dma_wait3A_465 = tpu.memref_slice %arg6[%dma_wait3A_464] : memref<320000xi32, #tpu.memory_space<hbm>> -> memref<80xi32, #tpu.memory_space<hbm>>
        %dma_wait3A_466 = arith.constant 0 : i32
        %dma_wait3A_467 = tpu.memref_slice %arg6[%dma_wait3A_466] : memref<320000xi32, #tpu.memory_space<hbm>> -> memref<80xi32, #tpu.memory_space<hbm>>
        tpu.wait_dma2 semaphore(%arg26 : memref<!tpu.dma_semaphore, #tpu.memory_space<semaphore_mem>>) src(%dma_wait3A_467 : memref<80xi32, #tpu.memory_space<hbm>>) dst(%arg16 : memref<80xi32, #tpu.memory_space<vmem>>)
        %dma_wait3A_468 = arith.constant 0 : i32
        %dma_wait3A_469 = arith.constant 0 : i32
        %dma_wait3A_470 = tpu.memref_slice %arg10[%dma_wait3A_468, %dma_wait3A_469] : memref<10000x16xf32, #tpu.memory_space<vmem_shared>> -> memref<10000x16xf32, #tpu.memory_space<vmem_shared>>
        tpu.wait_indirect_dma semaphore(%arg30 : memref<!tpu.dma_semaphore, #tpu.memory_space<semaphore_mem>>) src(%arg22 : memref<80x16xf32, #tpu.memory_space<vmem>>) dst(%dma_wait3A_470 : memref<10000x16xf32, #tpu.memory_space<vmem_shared>>)
        %dma_wait3A_471 = arith.constant 0 : i32
        %dma_wait3A_472 = arith.constant 0 : i32
        %dma_wait3A_473 = tpu.memref_slice %arg9[%dma_wait3A_471, %dma_wait3A_472] : memref<10000x128xf32, #tpu.memory_space<vmem_shared>> -> memref<10000x128xf32, #tpu.memory_space<vmem_shared>>
        tpu.wait_indirect_dma semaphore(%arg30 : memref<!tpu.dma_semaphore, #tpu.memory_space<semaphore_mem>>) src(%arg24 : memref<80x128xf32, #tpu.memory_space<vmem>>) dst(%dma_wait3A_473 : memref<10000x128xf32, #tpu.memory_space<vmem_shared>>)
        %get3A_474 = arith.constant 0 : index
        %get3A_475 = tpu.vector_load %arg12[%get3A_474] {strides = array<i32>} : memref<80xi32, #tpu.memory_space<vmem>>, vector<16xi32>,
        %mul3A_476 = arith.constant 48 : i32
        %mul3A_477 = vector.broadcast %mul3A_476 : i32 to vector<16xi32>
        %mul3A_478 = arith.muli %get3A_475, %mul3A_477 : vector<16xi32>
        %get3A_479 = arith.constant 0 : index
        %get3A_480 = tpu.vector_load %arg16[%get3A_479] {strides = array<i32>} : memref<80xi32, #tpu.memory_space<vmem>>, vector<16xi32>,
        %add3A_481 = arith.addi %mul3A_478, %get3A_480 : vector<16xi32>
        %swap3A_482 = arith.constant 0 : index
        %swap3A_483 = tpu.vector_load %arg18[%swap3A_482] {strides = array<i32>} : memref<80xi32, #tpu.memory_space<vmem>>, vector<16xi32>,
        tpu.vector_store %arg18[%swap3A_482], %add3A_481 {strides = array<i32>} : memref<80xi32, #tpu.memory_space<vmem>>, vector<16xi32>,
        %get3A_484 = arith.constant 0 : index
        %get3A_485 = tpu.vector_load %arg14[%get3A_484] {strides = array<i32>} : memref<80xi32, #tpu.memory_space<vmem>>, vector<16xi32>,
        %swap3A_486 = arith.constant 0 : index
        %swap3A_487 = tpu.vector_load %arg20[%swap3A_486] {strides = array<i32>} : memref<80xi32, #tpu.memory_space<vmem>>, vector<16xi32>,
        tpu.vector_store %arg20[%swap3A_486], %get3A_485 {strides = array<i32>} : memref<80xi32, #tpu.memory_space<vmem>>, vector<16xi32>,
        %get3A_488 = arith.constant 16 : index
        %get3A_489 = tpu.vector_load %arg12[%get3A_488] {strides = array<i32>} : memref<80xi32, #tpu.memory_space<vmem>>, vector<16xi32>,
        %mul3A_490 = arith.constant 48 : i32
        %mul3A_491 = vector.broadcast %mul3A_490 : i32 to vector<16xi32>
        %mul3A_492 = arith.muli %get3A_489, %mul3A_491 : vector<16xi32>
        %get3A_493 = arith.constant 16 : index
        %get3A_494 = tpu.vector_load %arg16[%get3A_493] {strides = array<i32>} : memref<80xi32, #tpu.memory_space<vmem>>, vector<16xi32>,
        %add3A_495 = arith.addi %mul3A_492, %get3A_494 : vector<16xi32>
        %swap3A_496 = arith.constant 16 : index
        %swap3A_497 = tpu.vector_load %arg18[%swap3A_496] {strides = array<i32>} : memref<80xi32, #tpu.memory_space<vmem>>, vector<16xi32>,
        tpu.vector_store %arg18[%swap3A_496], %add3A_495 {strides = array<i32>} : memref<80xi32, #tpu.memory_space<vmem>>, vector<16xi32>,
        %get3A_498 = arith.constant 16 : index
        %get3A_499 = tpu.vector_load %arg14[%get3A_498] {strides = array<i32>} : memref<80xi32, #tpu.memory_space<vmem>>, vector<16xi32>,
        %swap3A_500 = arith.constant 16 : index
        %swap3A_501 = tpu.vector_load %arg20[%swap3A_500] {strides = array<i32>} : memref<80xi32, #tpu.memory_space<vmem>>, vector<16xi32>,
        tpu.vector_store %arg20[%swap3A_500], %get3A_499 {strides = array<i32>} : memref<80xi32, #tpu.memory_space<vmem>>, vector<16xi32>,
        %get3A_502 = arith.constant 32 : index
        %get3A_503 = tpu.vector_load %arg12[%get3A_502] {strides = array<i32>} : memref<80xi32, #tpu.memory_space<vmem>>, vector<16xi32>,
        %mul3A_504 = arith.constant 48 : i32
        %mul3A_505 = vector.broadcast %mul3A_504 : i32 to vector<16xi32>
        %mul3A_506 = arith.muli %get3A_503, %mul3A_505 : vector<16xi32>
        %get3A_507 = arith.constant 32 : index
        %get3A_508 = tpu.vector_load %arg16[%get3A_507] {strides = array<i32>} : memref<80xi32, #tpu.memory_space<vmem>>, vector<16xi32>,
        %add3A_509 = arith.addi %mul3A_506, %get3A_508 : vector<16xi32>
        %swap3A_510 = arith.constant 32 : index
        %swap3A_511 = tpu.vector_load %arg18[%swap3A_510] {strides = array<i32>} : memref<80xi32, #tpu.memory_space<vmem>>, vector<16xi32>,
        tpu.vector_store %arg18[%swap3A_510], %add3A_509 {strides = array<i32>} : memref<80xi32, #tpu.memory_space<vmem>>, vector<16xi32>,
        %get3A_512 = arith.constant 32 : index
        %get3A_513 = tpu.vector_load %arg14[%get3A_512] {strides = array<i32>} : memref<80xi32, #tpu.memory_space<vmem>>, vector<16xi32>,
        %swap3A_514 = arith.constant 32 : index
        %swap3A_515 = tpu.vector_load %arg20[%swap3A_514] {strides = array<i32>} : memref<80xi32, #tpu.memory_space<vmem>>, vector<16xi32>,
        tpu.vector_store %arg20[%swap3A_514], %get3A_513 {strides = array<i32>} : memref<80xi32, #tpu.memory_space<vmem>>, vector<16xi32>,
        %get3A_516 = arith.constant 48 : index
        %get3A_517 = tpu.vector_load %arg12[%get3A_516] {strides = array<i32>} : memref<80xi32, #tpu.memory_space<vmem>>, vector<16xi32>,
        %mul3A_518 = arith.constant 48 : i32
        %mul3A_519 = vector.broadcast %mul3A_518 : i32 to vector<16xi32>
        %mul3A_520 = arith.muli %get3A_517, %mul3A_519 : vector<16xi32>
        %get3A_521 = arith.constant 48 : index
        %get3A_522 = tpu.vector_load %arg16[%get3A_521] {strides = array<i32>} : memref<80xi32, #tpu.memory_space<vmem>>, vector<16xi32>,
        %add3A_523 = arith.addi %mul3A_520, %get3A_522 : vector<16xi32>
        %swap3A_524 = arith.constant 48 : index
        %swap3A_525 = tpu.vector_load %arg18[%swap3A_524] {strides = array<i32>} : memref<80xi32, #tpu.memory_space<vmem>>, vector<16xi32>,
        tpu.vector_store %arg18[%swap3A_524], %add3A_523 {strides = array<i32>} : memref<80xi32, #tpu.memory_space<vmem>>, vector<16xi32>,
        %get3A_526 = arith.constant 48 : index
        %get3A_527 = tpu.vector_load %arg14[%get3A_526] {strides = array<i32>} : memref<80xi32, #tpu.memory_space<vmem>>, vector<16xi32>,
        %swap3A_528 = arith.constant 48 : index
        %swap3A_529 = tpu.vector_load %arg20[%swap3A_528] {strides = array<i32>} : memref<80xi32, #tpu.memory_space<vmem>>, vector<16xi32>,
        tpu.vector_store %arg20[%swap3A_528], %get3A_527 {strides = array<i32>} : memref<80xi32, #tpu.memory_space<vmem>>, vector<16xi32>,
        %get3A_530 = arith.constant 64 : index
        %get3A_531 = tpu.vector_load %arg12[%get3A_530] {strides = array<i32>} : memref<80xi32, #tpu.memory_space<vmem>>, vector<16xi32>,
        %mul3A_532 = arith.constant 48 : i32
        %mul3A_533 = vector.broadcast %mul3A_532 : i32 to vector<16xi32>
        %mul3A_534 = arith.muli %get3A_531, %mul3A_533 : vector<16xi32>
        %get3A_535 = arith.constant 64 : index
        %get3A_536 = tpu.vector_load %arg16[%get3A_535] {strides = array<i32>} : memref<80xi32, #tpu.memory_space<vmem>>, vector<16xi32>,
        %add3A_537 = arith.addi %mul3A_534, %get3A_536 : vector<16xi32>
        %swap3A_538 = arith.constant 64 : index
        %swap3A_539 = tpu.vector_load %arg18[%swap3A_538] {strides = array<i32>} : memref<80xi32, #tpu.memory_space<vmem>>, vector<16xi32>,
        tpu.vector_store %arg18[%swap3A_538], %add3A_537 {strides = array<i32>} : memref<80xi32, #tpu.memory_space<vmem>>, vector<16xi32>,
        %get3A_540 = arith.constant 64 : index
        %get3A_541 = tpu.vector_load %arg14[%get3A_540] {strides = array<i32>} : memref<80xi32, #tpu.memory_space<vmem>>, vector<16xi32>,
        %swap3A_542 = arith.constant 64 : index
        %swap3A_543 = tpu.vector_load %arg20[%swap3A_542] {strides = array<i32>} : memref<80xi32, #tpu.memory_space<vmem>>, vector<16xi32>,
        tpu.vector_store %arg20[%swap3A_542], %get3A_541 {strides = array<i32>} : memref<80xi32, #tpu.memory_space<vmem>>, vector<16xi32>,
        %dma_start3A_544 = arith.constant 0 : i32
        %dma_start3A_545 = arith.constant 0 : i32
        %dma_start3A_546 = tpu.memref_slice %arg2[%dma_start3A_544, %dma_start3A_545] : memref<480000x16xf32, #tpu.memory_space<hbm>> -> memref<480000x16xf32, #tpu.memory_space<hbm>>
        tpu.enqueue_indirect_dma source(%dma_start3A_546 : memref<480000x16xf32, #tpu.memory_space<hbm>>) target(%arg22 : memref<80x16xf32, #tpu.memory_space<vmem>>) offsets(%arg18 : memref<80xi32, #tpu.memory_space<vmem>>) semaphore(%arg28 : memref<!tpu.dma_semaphore, #tpu.memory_space<semaphore_mem>>)
        %dma_start3A_547 = arith.constant 0 : i32
        %dma_start3A_548 = arith.constant 0 : i32
        %dma_start3A_549 = tpu.memref_slice %arg3[%dma_start3A_547, %dma_start3A_548] : memref<10000x128xf32, #tpu.memory_space<hbm>> -> memref<10000x128xf32, #tpu.memory_space<hbm>>
        tpu.enqueue_indirect_dma source(%dma_start3A_549 : memref<10000x128xf32, #tpu.memory_space<hbm>>) target(%arg24 : memref<80x128xf32, #tpu.memory_space<vmem>>) offsets(%arg12 : memref<80xi32, #tpu.memory_space<vmem>>) semaphore(%arg28 : memref<!tpu.dma_semaphore, #tpu.memory_space<semaphore_mem>>)
      } else {
      }
      %scan3A_455 = arith.constant 0 : i32
      scf.yield %scan3A_455 : i32
    }
    %scan3A_268 = arith.constant 62 : i32
    %dma_wait3A_269 = arith.constant 0 : i32
    %dma_wait3A_270 = arith.constant 0 : i32
    %dma_wait3A_271 = tpu.memref_slice %arg2[%dma_wait3A_269, %dma_wait3A_270] : memref<480000x16xf32, #tpu.memory_space<hbm>> -> memref<480000x16xf32, #tpu.memory_space<hbm>>
    tpu.wait_indirect_dma semaphore(%arg27 : memref<!tpu.dma_semaphore, #tpu.memory_space<semaphore_mem>>) src(%dma_wait3A_271 : memref<480000x16xf32, #tpu.memory_space<hbm>>) dst(%arg21 : memref<80x16xf32, #tpu.memory_space<vmem>>)
    %dma_wait3A_272 = arith.constant 0 : i32
    %dma_wait3A_273 = arith.constant 0 : i32
    %dma_wait3A_274 = tpu.memref_slice %arg3[%dma_wait3A_272, %dma_wait3A_273] : memref<10000x128xf32, #tpu.memory_space<hbm>> -> memref<10000x128xf32, #tpu.memory_space<hbm>>
    tpu.wait_indirect_dma semaphore(%arg27 : memref<!tpu.dma_semaphore, #tpu.memory_space<semaphore_mem>>) src(%dma_wait3A_274 : memref<10000x128xf32, #tpu.memory_space<hbm>>) dst(%arg23 : memref<80x128xf32, #tpu.memory_space<vmem>>)
    %parallel_loop3A_275 = arith.constant 0 : i32
    %parallel_loop3A_276 = arith.constant 80 : i32
    %parallel_loop3A_277 = arith.constant 1 : i32
    scf.for %parallel_loop3A_304 = %parallel_loop3A_275 to %parallel_loop3A_276 step %parallel_loop3A_277  : i32 {
      %parallel_loop3A_305 = arith.index_cast %parallel_loop3A_304 : i32 to index
      %parallel_loop3A_306 = arith.constant 0 : index
      %parallel_loop3A_307 = tpu.vector_load %arg21[%parallel_loop3A_305, %parallel_loop3A_306] {strides = array<i32>} : memref<80x16xf32, #tpu.memory_space<vmem>>, vector<16xf32>,
      %parallel_loop3A_308 = arith.constant 2.000000e-01 : f32
      %parallel_loop3A_309 = vector.broadcast %parallel_loop3A_308 : f32 to vector<16xf32>
      %parallel_loop3A_310 = arith.mulf %parallel_loop3A_309, %parallel_loop3A_307 : vector<16xf32>
      %parallel_loop3A_311 = arith.maximumf %parallel_loop3A_307, %parallel_loop3A_310 : vector<16xf32>
      %parallel_loop3A_312 = math.exp %parallel_loop3A_311 : vector<16xf32>
      %parallel_loop3A_313 = arith.select %lt3A_70, %parallel_loop3A_312, %parallel_loop3A_307 : vector<16xi1>, vector<16xf32>
      %parallel_loop3A_314 = vector.extract_strided_slice %parallel_loop3A_313 {offsets = [0], sizes = [1], strides = [1]} : vector<16xf32> to vector<1xf32>
      %parallel_loop3A_315 = vector.extract %parallel_loop3A_314[0] : f32 from vector<1xf32>
      %parallel_loop3A_316 = arith.index_cast %parallel_loop3A_304 : i32 to index
      %parallel_loop3A_317 = arith.constant 0 : index
      %parallel_loop3A_318 = tpu.vector_load %arg23[%parallel_loop3A_316, %parallel_loop3A_317] {strides = array<i32>} : memref<80x128xf32, #tpu.memory_space<vmem>>, vector<16xf32>,
      %parallel_loop3A_319 = vector.broadcast %parallel_loop3A_315 : f32 to vector<16xf32>
      %parallel_loop3A_320 = arith.mulf %parallel_loop3A_318, %parallel_loop3A_319 : vector<16xf32>
      %parallel_loop3A_321 = arith.index_cast %parallel_loop3A_304 : i32 to index
      %parallel_loop3A_322 = arith.constant 0 : index
      %parallel_loop3A_323 = tpu.vector_load %arg23[%parallel_loop3A_321, %parallel_loop3A_322] {strides = array<i32>} : memref<80x128xf32, #tpu.memory_space<vmem>>, vector<16xf32>,
      tpu.vector_store %arg23[%parallel_loop3A_321, %parallel_loop3A_322], %parallel_loop3A_320 {strides = array<i32>} : memref<80x128xf32, #tpu.memory_space<vmem>>, vector<16xf32>,
      %parallel_loop3A_324 = arith.index_cast %parallel_loop3A_304 : i32 to index
      %parallel_loop3A_325 = arith.constant 16 : index
      %parallel_loop3A_326 = tpu.vector_load %arg23[%parallel_loop3A_324, %parallel_loop3A_325] {strides = array<i32>} : memref<80x128xf32, #tpu.memory_space<vmem>>, vector<16xf32>,
      %parallel_loop3A_327 = vector.broadcast %parallel_loop3A_315 : f32 to vector<16xf32>
      %parallel_loop3A_328 = arith.mulf %parallel_loop3A_326, %parallel_loop3A_327 : vector<16xf32>
      %parallel_loop3A_329 = arith.index_cast %parallel_loop3A_304 : i32 to index
      %parallel_loop3A_330 = arith.constant 16 : index
      %parallel_loop3A_331 = tpu.vector_load %arg23[%parallel_loop3A_329, %parallel_loop3A_330] {strides = array<i32>} : memref<80x128xf32, #tpu.memory_space<vmem>>, vector<16xf32>,
      tpu.vector_store %arg23[%parallel_loop3A_329, %parallel_loop3A_330], %parallel_loop3A_328 {strides = array<i32>} : memref<80x128xf32, #tpu.memory_space<vmem>>, vector<16xf32>,
      %parallel_loop3A_332 = vector.extract_strided_slice %parallel_loop3A_313 {offsets = [1], sizes = [1], strides = [1]} : vector<16xf32> to vector<1xf32>
      %parallel_loop3A_333 = vector.extract %parallel_loop3A_332[0] : f32 from vector<1xf32>
      %parallel_loop3A_334 = arith.index_cast %parallel_loop3A_304 : i32 to index
      %parallel_loop3A_335 = arith.constant 32 : index
      %parallel_loop3A_336 = tpu.vector_load %arg23[%parallel_loop3A_334, %parallel_loop3A_335] {strides = array<i32>} : memref<80x128xf32, #tpu.memory_space<vmem>>, vector<16xf32>,
      %parallel_loop3A_337 = vector.broadcast %parallel_loop3A_333 : f32 to vector<16xf32>
      %parallel_loop3A_338 = arith.mulf %parallel_loop3A_336, %parallel_loop3A_337 : vector<16xf32>
      %parallel_loop3A_339 = arith.index_cast %parallel_loop3A_304 : i32 to index
      %parallel_loop3A_340 = arith.constant 32 : index
      %parallel_loop3A_341 = tpu.vector_load %arg23[%parallel_loop3A_339, %parallel_loop3A_340] {strides = array<i32>} : memref<80x128xf32, #tpu.memory_space<vmem>>, vector<16xf32>,
      tpu.vector_store %arg23[%parallel_loop3A_339, %parallel_loop3A_340], %parallel_loop3A_338 {strides = array<i32>} : memref<80x128xf32, #tpu.memory_space<vmem>>, vector<16xf32>,
      %parallel_loop3A_342 = arith.index_cast %parallel_loop3A_304 : i32 to index
      %parallel_loop3A_343 = arith.constant 48 : index
      %parallel_loop3A_344 = tpu.vector_load %arg23[%parallel_loop3A_342, %parallel_loop3A_343] {strides = array<i32>} : memref<80x128xf32, #tpu.memory_space<vmem>>, vector<16xf32>,
      %parallel_loop3A_345 = vector.broadcast %parallel_loop3A_333 : f32 to vector<16xf32>
      %parallel_loop3A_346 = arith.mulf %parallel_loop3A_344, %parallel_loop3A_345 : vector<16xf32>
      %parallel_loop3A_347 = arith.index_cast %parallel_loop3A_304 : i32 to index
      %parallel_loop3A_348 = arith.constant 48 : index
      %parallel_loop3A_349 = tpu.vector_load %arg23[%parallel_loop3A_347, %parallel_loop3A_348] {strides = array<i32>} : memref<80x128xf32, #tpu.memory_space<vmem>>, vector<16xf32>,
      tpu.vector_store %arg23[%parallel_loop3A_347, %parallel_loop3A_348], %parallel_loop3A_346 {strides = array<i32>} : memref<80x128xf32, #tpu.memory_space<vmem>>, vector<16xf32>,
      %parallel_loop3A_350 = vector.extract_strided_slice %parallel_loop3A_313 {offsets = [2], sizes = [1], strides = [1]} : vector<16xf32> to vector<1xf32>
      %parallel_loop3A_351 = vector.extract %parallel_loop3A_350[0] : f32 from vector<1xf32>
      %parallel_loop3A_352 = arith.index_cast %parallel_loop3A_304 : i32 to index
      %parallel_loop3A_353 = arith.constant 64 : index
      %parallel_loop3A_354 = tpu.vector_load %arg23[%parallel_loop3A_352, %parallel_loop3A_353] {strides = array<i32>} : memref<80x128xf32, #tpu.memory_space<vmem>>, vector<16xf32>,
      %parallel_loop3A_355 = vector.broadcast %parallel_loop3A_351 : f32 to vector<16xf32>
      %parallel_loop3A_356 = arith.mulf %parallel_loop3A_354, %parallel_loop3A_355 : vector<16xf32>
      %parallel_loop3A_357 = arith.index_cast %parallel_loop3A_304 : i32 to index
      %parallel_loop3A_358 = arith.constant 64 : index
      %parallel_loop3A_359 = tpu.vector_load %arg23[%parallel_loop3A_357, %parallel_loop3A_358] {strides = array<i32>} : memref<80x128xf32, #tpu.memory_space<vmem>>, vector<16xf32>,
      tpu.vector_store %arg23[%parallel_loop3A_357, %parallel_loop3A_358], %parallel_loop3A_356 {strides = array<i32>} : memref<80x128xf32, #tpu.memory_space<vmem>>, vector<16xf32>,
      %parallel_loop3A_360 = arith.index_cast %parallel_loop3A_304 : i32 to index
      %parallel_loop3A_361 = arith.constant 80 : index
      %parallel_loop3A_362 = tpu.vector_load %arg23[%parallel_loop3A_360, %parallel_loop3A_361] {strides = array<i32>} : memref<80x128xf32, #tpu.memory_space<vmem>>, vector<16xf32>,
      %parallel_loop3A_363 = vector.broadcast %parallel_loop3A_351 : f32 to vector<16xf32>
      %parallel_loop3A_364 = arith.mulf %parallel_loop3A_362, %parallel_loop3A_363 : vector<16xf32>
      %parallel_loop3A_365 = arith.index_cast %parallel_loop3A_304 : i32 to index
      %parallel_loop3A_366 = arith.constant 80 : index
      %parallel_loop3A_367 = tpu.vector_load %arg23[%parallel_loop3A_365, %parallel_loop3A_366] {strides = array<i32>} : memref<80x128xf32, #tpu.memory_space<vmem>>, vector<16xf32>,
      tpu.vector_store %arg23[%parallel_loop3A_365, %parallel_loop3A_366], %parallel_loop3A_364 {strides = array<i32>} : memref<80x128xf32, #tpu.memory_space<vmem>>, vector<16xf32>,
      %parallel_loop3A_368 = vector.extract_strided_slice %parallel_loop3A_313 {offsets = [3], sizes = [1], strides = [1]} : vector<16xf32> to vector<1xf32>
      %parallel_loop3A_369 = vector.extract %parallel_loop3A_368[0] : f32 from vector<1xf32>
      %parallel_loop3A_370 = arith.index_cast %parallel_loop3A_304 : i32 to index
      %parallel_loop3A_371 = arith.constant 96 : index
      %parallel_loop3A_372 = tpu.vector_load %arg23[%parallel_loop3A_370, %parallel_loop3A_371] {strides = array<i32>} : memref<80x128xf32, #tpu.memory_space<vmem>>, vector<16xf32>,
      %parallel_loop3A_373 = vector.broadcast %parallel_loop3A_369 : f32 to vector<16xf32>
      %parallel_loop3A_374 = arith.mulf %parallel_loop3A_372, %parallel_loop3A_373 : vector<16xf32>
      %parallel_loop3A_375 = arith.index_cast %parallel_loop3A_304 : i32 to index
      %parallel_loop3A_376 = arith.constant 96 : index
      %parallel_loop3A_377 = tpu.vector_load %arg23[%parallel_loop3A_375, %parallel_loop3A_376] {strides = array<i32>} : memref<80x128xf32, #tpu.memory_space<vmem>>, vector<16xf32>,
      tpu.vector_store %arg23[%parallel_loop3A_375, %parallel_loop3A_376], %parallel_loop3A_374 {strides = array<i32>} : memref<80x128xf32, #tpu.memory_space<vmem>>, vector<16xf32>,
      %parallel_loop3A_378 = arith.index_cast %parallel_loop3A_304 : i32 to index
      %parallel_loop3A_379 = arith.constant 112 : index
      %parallel_loop3A_380 = tpu.vector_load %arg23[%parallel_loop3A_378, %parallel_loop3A_379] {strides = array<i32>} : memref<80x128xf32, #tpu.memory_space<vmem>>, vector<16xf32>,
      %parallel_loop3A_381 = vector.broadcast %parallel_loop3A_369 : f32 to vector<16xf32>
      %parallel_loop3A_382 = arith.mulf %parallel_loop3A_380, %parallel_loop3A_381 : vector<16xf32>
      %parallel_loop3A_383 = arith.index_cast %parallel_loop3A_304 : i32 to index
      %parallel_loop3A_384 = arith.constant 112 : index
      %parallel_loop3A_385 = tpu.vector_load %arg23[%parallel_loop3A_383, %parallel_loop3A_384] {strides = array<i32>} : memref<80x128xf32, #tpu.memory_space<vmem>>, vector<16xf32>,
      tpu.vector_store %arg23[%parallel_loop3A_383, %parallel_loop3A_384], %parallel_loop3A_382 {strides = array<i32>} : memref<80x128xf32, #tpu.memory_space<vmem>>, vector<16xf32>,
      %parallel_loop3A_386 = arith.index_cast %parallel_loop3A_304 : i32 to index
      %parallel_loop3A_387 = arith.constant 0 : index
      %parallel_loop3A_388 = tpu.vector_load %arg21[%parallel_loop3A_386, %parallel_loop3A_387] {strides = array<i32>} : memref<80x16xf32, #tpu.memory_space<vmem>>, vector<16xf32>,
      tpu.vector_store %arg21[%parallel_loop3A_386, %parallel_loop3A_387], %parallel_loop3A_313 {strides = array<i32>} : memref<80x16xf32, #tpu.memory_space<vmem>>, vector<16xf32>,
    } {sc.loop_unroll_factor = 8 : i64, sc.parallel_access}
    %dma_start3A_278 = arith.constant 0 : i32
    %dma_start3A_279 = arith.constant 0 : i32
    %dma_start3A_280 = tpu.memref_slice %arg10[%dma_start3A_278, %dma_start3A_279] : memref<10000x16xf32, #tpu.memory_space<vmem_shared>> -> memref<10000x16xf32, #tpu.memory_space<vmem_shared>>
    tpu.enqueue_indirect_dma source(%arg21 : memref<80x16xf32, #tpu.memory_space<vmem>>) target(%dma_start3A_280 : memref<10000x16xf32, #tpu.memory_space<vmem_shared>>) offsets(%arg19 : memref<80xi32, #tpu.memory_space<vmem>>) semaphore(%arg29 : memref<!tpu.dma_semaphore, #tpu.memory_space<semaphore_mem>>) {add = true}
    %dma_start3A_281 = arith.constant 0 : i32
    %dma_start3A_282 = arith.constant 0 : i32
    %dma_start3A_283 = tpu.memref_slice %arg9[%dma_start3A_281, %dma_start3A_282] : memref<10000x128xf32, #tpu.memory_space<vmem_shared>> -> memref<10000x128xf32, #tpu.memory_space<vmem_shared>>
    tpu.enqueue_indirect_dma source(%arg23 : memref<80x128xf32, #tpu.memory_space<vmem>>) target(%dma_start3A_283 : memref<10000x128xf32, #tpu.memory_space<vmem_shared>>) offsets(%arg19 : memref<80xi32, #tpu.memory_space<vmem>>) semaphore(%arg29 : memref<!tpu.dma_semaphore, #tpu.memory_space<semaphore_mem>>) {add = true}
    %dma_wait3A_284 = arith.constant 0 : i32
    %dma_wait3A_285 = arith.constant 0 : i32
    %dma_wait3A_286 = tpu.memref_slice %arg10[%dma_wait3A_284, %dma_wait3A_285] : memref<10000x16xf32, #tpu.memory_space<vmem_shared>> -> memref<10000x16xf32, #tpu.memory_space<vmem_shared>>
    tpu.wait_indirect_dma semaphore(%arg29 : memref<!tpu.dma_semaphore, #tpu.memory_space<semaphore_mem>>) src(%arg21 : memref<80x16xf32, #tpu.memory_space<vmem>>) dst(%dma_wait3A_286 : memref<10000x16xf32, #tpu.memory_space<vmem_shared>>)
    %dma_wait3A_287 = arith.constant 0 : i32
    %dma_wait3A_288 = arith.constant 0 : i32
    %dma_wait3A_289 = tpu.memref_slice %arg9[%dma_wait3A_287, %dma_wait3A_288] : memref<10000x128xf32, #tpu.memory_space<vmem_shared>> -> memref<10000x128xf32, #tpu.memory_space<vmem_shared>>
    tpu.wait_indirect_dma semaphore(%arg29 : memref<!tpu.dma_semaphore, #tpu.memory_space<semaphore_mem>>) src(%arg23 : memref<80x128xf32, #tpu.memory_space<vmem>>) dst(%dma_wait3A_289 : memref<10000x128xf32, #tpu.memory_space<vmem_shared>>)
    %dma_wait3A_290 = arith.constant 0 : i32
    %dma_wait3A_291 = arith.constant 0 : i32
    %dma_wait3A_292 = tpu.memref_slice %arg10[%dma_wait3A_290, %dma_wait3A_291] : memref<10000x16xf32, #tpu.memory_space<vmem_shared>> -> memref<10000x16xf32, #tpu.memory_space<vmem_shared>>
    tpu.wait_indirect_dma semaphore(%arg30 : memref<!tpu.dma_semaphore, #tpu.memory_space<semaphore_mem>>) src(%arg22 : memref<80x16xf32, #tpu.memory_space<vmem>>) dst(%dma_wait3A_292 : memref<10000x16xf32, #tpu.memory_space<vmem_shared>>)
    %dma_wait3A_293 = arith.constant 0 : i32
    %dma_wait3A_294 = arith.constant 0 : i32
    %dma_wait3A_295 = tpu.memref_slice %arg9[%dma_wait3A_293, %dma_wait3A_294] : memref<10000x128xf32, #tpu.memory_space<vmem_shared>> -> memref<10000x128xf32, #tpu.memory_space<vmem_shared>>
    tpu.wait_indirect_dma semaphore(%arg30 : memref<!tpu.dma_semaphore, #tpu.memory_space<semaphore_mem>>) src(%arg24 : memref<80x128xf32, #tpu.memory_space<vmem>>) dst(%dma_wait3A_295 : memref<10000x128xf32, #tpu.memory_space<vmem_shared>>)
    %barrier3A_296 = arith.constant 0 : index
    tpu.barrier barrier_id(%barrier3A_296)
    %mul3A_297 = arith.constant 624 : i32
    %mul3A_298 = arith.muli %arg1, %mul3A_297 : i32
    "tpu.region"() ({
      %run_scoped3A = tpu.sem_alloc : memref<!tpu.dma_semaphore, #tpu.memory_space<semaphore_mem>>
      %dma_start3A_304 = arith.constant 0 : i32
      %dma_start3A_305 = tpu.memref_slice %arg7[%arg0, %mul3A_298, %dma_start3A_304] : memref<2x10000x128xf32, #tpu.memory_space<hbm>> -> memref<1x624x128xf32, #tpu.memory_space<hbm>>
      %dma_start3A_306 = tpu.memref_squeeze %dma_start3A_305 : memref<1x624x128xf32, #tpu.memory_space<hbm>> -> memref<624x128xf32, #tpu.memory_space<hbm>>
      %dma_start3A_307 = arith.constant 0 : i32
      %dma_start3A_308 = tpu.memref_slice %arg9[%mul3A_298, %dma_start3A_307] : memref<10000x128xf32, #tpu.memory_space<vmem_shared>> -> memref<624x128xf32, #tpu.memory_space<vmem_shared>>
      tpu.enqueue_dma source(%dma_start3A_308 : memref<624x128xf32, #tpu.memory_space<vmem_shared>>) target(%dma_start3A_306 : memref<624x128xf32, #tpu.memory_space<hbm>>) target_semaphore(%run_scoped3A : memref<!tpu.dma_semaphore, #tpu.memory_space<semaphore_mem>>)
      %dma_wait3A_309 = arith.constant 0 : i32
      %dma_wait3A_310 = tpu.memref_slice %arg7[%arg0, %mul3A_298, %dma_wait3A_309] : memref<2x10000x128xf32, #tpu.memory_space<hbm>> -> memref<1x624x128xf32, #tpu.memory_space<hbm>>
      %dma_wait3A_311 = tpu.memref_squeeze %dma_wait3A_310 : memref<1x624x128xf32, #tpu.memory_space<hbm>> -> memref<624x128xf32, #tpu.memory_space<hbm>>
      %dma_wait3A_312 = arith.constant 0 : i32
      %dma_wait3A_313 = tpu.memref_slice %arg9[%mul3A_298, %dma_wait3A_312] : memref<10000x128xf32, #tpu.memory_space<vmem_shared>> -> memref<624x128xf32, #tpu.memory_space<vmem_shared>>
      tpu.wait_dma2 semaphore(%run_scoped3A : memref<!tpu.dma_semaphore, #tpu.memory_space<semaphore_mem>>) src(%dma_wait3A_313 : memref<624x128xf32, #tpu.memory_space<vmem_shared>>) dst(%dma_wait3A_311 : memref<624x128xf32, #tpu.memory_space<hbm>>)
      tpu.yield
    }) : () -> ()
    "tpu.region"() ({
      %run_scoped3A = tpu.sem_alloc : memref<!tpu.dma_semaphore, #tpu.memory_space<semaphore_mem>>
      %dma_start3A_304 = arith.constant 0 : i32
      %dma_start3A_305 = tpu.memref_slice %arg8[%arg0, %mul3A_298, %dma_start3A_304] : memref<2x10000x16xf32, #tpu.memory_space<hbm>> -> memref<1x624x16xf32, #tpu.memory_space<hbm>>
      %dma_start3A_306 = tpu.memref_squeeze %dma_start3A_305 : memref<1x624x16xf32, #tpu.memory_space<hbm>> -> memref<624x16xf32, #tpu.memory_space<hbm>>
      %dma_start3A_307 = arith.constant 0 : i32
      %dma_start3A_308 = tpu.memref_slice %arg10[%mul3A_298, %dma_start3A_307] : memref<10000x16xf32, #tpu.memory_space<vmem_shared>> -> memref<624x16xf32, #tpu.memory_space<vmem_shared>>
      tpu.enqueue_dma source(%dma_start3A_308 : memref<624x16xf32, #tpu.memory_space<vmem_shared>>) target(%dma_start3A_306 : memref<624x16xf32, #tpu.memory_space<hbm>>) target_semaphore(%run_scoped3A : memref<!tpu.dma_semaphore, #tpu.memory_space<semaphore_mem>>)
      %dma_wait3A_309 = arith.constant 0 : i32
      %dma_wait3A_310 = tpu.memref_slice %arg8[%arg0, %mul3A_298, %dma_wait3A_309] : memref<2x10000x16xf32, #tpu.memory_space<hbm>> -> memref<1x624x16xf32, #tpu.memory_space<hbm>>
      %dma_wait3A_311 = tpu.memref_squeeze %dma_wait3A_310 : memref<1x624x16xf32, #tpu.memory_space<hbm>> -> memref<624x16xf32, #tpu.memory_space<hbm>>
      %dma_wait3A_312 = arith.constant 0 : i32
      %dma_wait3A_313 = tpu.memref_slice %arg10[%mul3A_298, %dma_wait3A_312] : memref<10000x16xf32, #tpu.memory_space<vmem_shared>> -> memref<624x16xf32, #tpu.memory_space<vmem_shared>>
      tpu.wait_dma2 semaphore(%run_scoped3A : memref<!tpu.dma_semaphore, #tpu.memory_space<semaphore_mem>>) src(%dma_wait3A_313 : memref<624x16xf32, #tpu.memory_space<vmem_shared>>) dst(%dma_wait3A_311 : memref<624x16xf32, #tpu.memory_space<hbm>>)
      tpu.yield
    }) : () -> ()
    %eq3A_299 = arith.constant 0 : i32
    %eq3A_300 = arith.cmpi eq, %arg1, %eq3A_299 : i32
    %convert_element_type3A_301 = arith.extui %eq3A_300 : i1 to i32
    %cond3A_302 = arith.constant 0 : i32
    %cond3A_303 = arith.cmpi ne, %convert_element_type3A_301, %cond3A_302 : i32
    scf.if %cond3A_303 {
      "tpu.region"() ({
        %run_scoped3A = tpu.sem_alloc : memref<!tpu.dma_semaphore, #tpu.memory_space<semaphore_mem>>
        %dma_start3A_304 = arith.constant 9984 : i32
        %dma_start3A_305 = arith.constant 0 : i32
        %dma_start3A_306 = tpu.memref_slice %arg7[%arg0, %dma_start3A_304, %dma_start3A_305] : memref<2x10000x128xf32, #tpu.memory_space<hbm>> -> memref<1x16x128xf32, #tpu.memory_space<hbm>>
        %dma_start3A_307 = tpu.memref_squeeze %dma_start3A_306 : memref<1x16x128xf32, #tpu.memory_space<hbm>> -> memref<16x128xf32, #tpu.memory_space<hbm>>
        %dma_start3A_308 = arith.constant 9984 : i32
        %dma_start3A_309 = arith.constant 0 : i32
        %dma_start3A_310 = tpu.memref_slice %arg9[%dma_start3A_308, %dma_start3A_309] : memref<10000x128xf32, #tpu.memory_space<vmem_shared>> -> memref<16x128xf32, #tpu.memory_space<vmem_shared>>
        tpu.enqueue_dma source(%dma_start3A_310 : memref<16x128xf32, #tpu.memory_space<vmem_shared>>) target(%dma_start3A_307 : memref<16x128xf32, #tpu.memory_space<hbm>>) target_semaphore(%run_scoped3A : memref<!tpu.dma_semaphore, #tpu.memory_space<semaphore_mem>>)
        %dma_wait3A_311 = arith.constant 9984 : i32
        %dma_wait3A_312 = arith.constant 0 : i32
        %dma_wait3A_313 = tpu.memref_slice %arg7[%arg0, %dma_wait3A_311, %dma_wait3A_312] : memref<2x10000x128xf32, #tpu.memory_space<hbm>> -> memref<1x16x128xf32, #tpu.memory_space<hbm>>
        %dma_wait3A_314 = tpu.memref_squeeze %dma_wait3A_313 : memref<1x16x128xf32, #tpu.memory_space<hbm>> -> memref<16x128xf32, #tpu.memory_space<hbm>>
        %dma_wait3A_315 = arith.constant 9984 : i32
        %dma_wait3A_316 = arith.constant 0 : i32
        %dma_wait3A_317 = tpu.memref_slice %arg9[%dma_wait3A_315, %dma_wait3A_316] : memref<10000x128xf32, #tpu.memory_space<vmem_shared>> -> memref<16x128xf32, #tpu.memory_space<vmem_shared>>
        tpu.wait_dma2 semaphore(%run_scoped3A : memref<!tpu.dma_semaphore, #tpu.memory_space<semaphore_mem>>) src(%dma_wait3A_317 : memref<16x128xf32, #tpu.memory_space<vmem_shared>>) dst(%dma_wait3A_314 : memref<16x128xf32, #tpu.memory_space<hbm>>)
        tpu.yield
      }) : () -> ()
      "tpu.region"() ({
        %run_scoped3A = tpu.sem_alloc : memref<!tpu.dma_semaphore, #tpu.memory_space<semaphore_mem>>
        %dma_start3A_304 = arith.constant 9984 : i32
        %dma_start3A_305 = arith.constant 0 : i32
        %dma_start3A_306 = tpu.memref_slice %arg8[%arg0, %dma_start3A_304, %dma_start3A_305] : memref<2x10000x16xf32, #tpu.memory_space<hbm>> -> memref<1x16x16xf32, #tpu.memory_space<hbm>>
        %dma_start3A_307 = tpu.memref_squeeze %dma_start3A_306 : memref<1x16x16xf32, #tpu.memory_space<hbm>> -> memref<16x16xf32, #tpu.memory_space<hbm>>
        %dma_start3A_308 = arith.constant 9984 : i32
        %dma_start3A_309 = arith.constant 0 : i32
        %dma_start3A_310 = tpu.memref_slice %arg10[%dma_start3A_308, %dma_start3A_309] : memref<10000x16xf32, #tpu.memory_space<vmem_shared>> -> memref<16x16xf32, #tpu.memory_space<vmem_shared>>
        tpu.enqueue_dma source(%dma_start3A_310 : memref<16x16xf32, #tpu.memory_space<vmem_shared>>) target(%dma_start3A_307 : memref<16x16xf32, #tpu.memory_space<hbm>>) target_semaphore(%run_scoped3A : memref<!tpu.dma_semaphore, #tpu.memory_space<semaphore_mem>>)
        %dma_wait3A_311 = arith.constant 9984 : i32
        %dma_wait3A_312 = arith.constant 0 : i32
        %dma_wait3A_313 = tpu.memref_slice %arg8[%arg0, %dma_wait3A_311, %dma_wait3A_312] : memref<2x10000x16xf32, #tpu.memory_space<hbm>> -> memref<1x16x16xf32, #tpu.memory_space<hbm>>
        %dma_wait3A_314 = tpu.memref_squeeze %dma_wait3A_313 : memref<1x16x16xf32, #tpu.memory_space<hbm>> -> memref<16x16xf32, #tpu.memory_space<hbm>>
        %dma_wait3A_315 = arith.constant 9984 : i32
        %dma_wait3A_316 = arith.constant 0 : i32
        %dma_wait3A_317 = tpu.memref_slice %arg10[%dma_wait3A_315, %dma_wait3A_316] : memref<10000x16xf32, #tpu.memory_space<vmem_shared>> -> memref<16x16xf32, #tpu.memory_space<vmem_shared>>
        tpu.wait_dma2 semaphore(%run_scoped3A : memref<!tpu.dma_semaphore, #tpu.memory_space<semaphore_mem>>) src(%dma_wait3A_317 : memref<16x16xf32, #tpu.memory_space<vmem_shared>>) dst(%dma_wait3A_314 : memref<16x16xf32, #tpu.memory_space<hbm>>)
        tpu.yield
      }) : () -> ()
    } else {
    }
    return
  }
}

module attributes {stable_mosaic.version = 14 : i64} {
  func.func @_k1_body(%arg0: i32, %arg1: memref<1000x128xf32, #tpu.memory_space<vmem>>, %arg2: memref<128x128xf32, #tpu.memory_space<vmem>>, %arg3: memref<768x128xf32, #tpu.memory_space<vmem>>, %arg4: memref<1x768xf32, #tpu.memory_space<vmem>>, %arg5: memref<1000x128xf32, #tpu.memory_space<vmem>>, %arg6: memref<1000x768xf32, #tpu.memory_space<vmem>>) attributes {dimension_semantics = [#tpu.dimension_semantics<arbitrary>], iteration_bounds = array<i64: 10>, scalar_prefetch = 0 : i64, scratch_operands = 0 : i64, tpu.core_type = #tpu.core_type<tc>, window_params = [{transform_indices = @transform_0, window_bounds = array<i64: 1000, 128>}, {pipeline_mode = #tpu.pipeline_mode<synchronous>, transform_indices = @transform_1, window_bounds = array<i64: 128, 128>}, {pipeline_mode = #tpu.pipeline_mode<synchronous>, transform_indices = @transform_2, window_bounds = array<i64: 768, 128>}, {pipeline_mode = #tpu.pipeline_mode<synchronous>, transform_indices = @transform_3, window_bounds = array<i64: 1, 768>}, {transform_indices = @transform_4, window_bounds = array<i64: 1000, 128>}, {transform_indices = @transform_5, window_bounds = array<i64: 1000, 768>}]} {
    %get3A = arith.constant 0 : index
    %get3A_0 = arith.constant 0 : index
    %get3A_1 = vector.load %arg1[%get3A, %get3A_0] : memref<1000x128xf32, #tpu.memory_space<vmem>>, vector<1000x128xf32>
    %get3A_2 = arith.constant 0 : index
    %get3A_3 = arith.constant 0 : index
    %get3A_4 = vector.load %arg2[%get3A_2, %get3A_3] : memref<128x128xf32, #tpu.memory_space<vmem>>, vector<128x128xf32>
    %dot_general3A = arith.constant dense<0.000000e+00> : vector<1000x128xf32>
    %dot_general3A_5 = tpu.matmul %get3A_1, %get3A_4, %dot_general3A {dimension_numbers = #tpu.dot_dimension_numbers<[1], [1], [0], [0], [0, 0, 1, 0], [], []>, transpose_lhs_hint = false} : vector<1000x128xf32>, vector<128x128xf32>, vector<1000x128xf32> -> vector<1000x128xf32>
    %swap3A = arith.constant 0 : index
    %swap3A_6 = arith.constant 0 : index
    %swap3A_7 = vector.load %arg5[%swap3A, %swap3A_6] : memref<1000x128xf32, #tpu.memory_space<vmem>>, vector<1000x128xf32>
    tpu.vector_store %arg5[%swap3A, %swap3A_6], %dot_general3A_5 {strides = array<i32>} : memref<1000x128xf32, #tpu.memory_space<vmem>>, vector<1000x128xf32>,
    %get3A_8 = arith.constant 0 : index
    %get3A_9 = arith.constant 0 : index
    %get3A_10 = vector.load %arg3[%get3A_8, %get3A_9] : memref<768x128xf32, #tpu.memory_space<vmem>>, vector<768x128xf32>
    %dot_general3A_11 = arith.constant dense<0.000000e+00> : vector<1000x768xf32>
    %dot_general3A_12 = tpu.matmul %dot_general3A_5, %get3A_10, %dot_general3A_11 {dimension_numbers = #tpu.dot_dimension_numbers<[1], [1], [0], [0], [0, 0, 1, 0], [], []>, transpose_lhs_hint = false} : vector<1000x128xf32>, vector<768x128xf32>, vector<1000x768xf32> -> vector<1000x768xf32>
    %get3A_13 = arith.constant 0 : index
    %get3A_14 = arith.constant 0 : index
    %get3A_15 = vector.load %arg4[%get3A_13, %get3A_14] : memref<1x768xf32, #tpu.memory_space<vmem>>, vector<1x768xf32>
    %add3A = vector.broadcast %get3A_15 : vector<1x768xf32> to vector<1000x768xf32>
    %add3A_16 = arith.addf %dot_general3A_12, %add3A : vector<1000x768xf32>
    %swap3A_17 = arith.constant 0 : index
    %swap3A_18 = arith.constant 0 : index
    %swap3A_19 = vector.load %arg6[%swap3A_17, %swap3A_18] : memref<1000x768xf32, #tpu.memory_space<vmem>>, vector<1000x768xf32>
    tpu.vector_store %arg6[%swap3A_17, %swap3A_18], %add3A_16 {strides = array<i32>} : memref<1000x768xf32, #tpu.memory_space<vmem>>, vector<1000x768xf32>,
    return
  }
  func.func @transform_0(%arg0: i32) -> (i32, i32) {
    %c0_i32 = arith.constant 0 : i32
    %c0_i32_0 = arith.constant 0 : i32
    return %arg0, %c0_i32 : i32, i32
  }
  func.func @transform_1(%arg0: i32) -> (i32, i32) {
    %c0_i32 = arith.constant 0 : i32
    %c0_i32_0 = arith.constant 0 : i32
    %c0_i32_1 = arith.constant 0 : i32
    return %c0_i32, %c0_i32_0 : i32, i32
  }
  func.func @transform_2(%arg0: i32) -> (i32, i32) {
    %c0_i32 = arith.constant 0 : i32
    %c0_i32_0 = arith.constant 0 : i32
    %c0_i32_1 = arith.constant 0 : i32
    return %c0_i32, %c0_i32_0 : i32, i32
  }
  func.func @transform_3(%arg0: i32) -> (i32, i32) {
    %c0_i32 = arith.constant 0 : i32
    %c0_i32_0 = arith.constant 0 : i32
    %c0_i32_1 = arith.constant 0 : i32
    return %c0_i32, %c0_i32_0 : i32, i32
  }
  func.func @transform_4(%arg0: i32) -> (i32, i32) {
    %c0_i32 = arith.constant 0 : i32
    %c0_i32_0 = arith.constant 0 : i32
    return %arg0, %c0_i32 : i32, i32
  }
  func.func @transform_5(%arg0: i32) -> (i32, i32) {
    %c0_i32 = arith.constant 0 : i32
    %c0_i32_0 = arith.constant 0 : i32
    return %arg0, %c0_i32 : i32, i32
  }
}

module attributes {stable_mosaic.version = 14 : i64} {
  func.func @_k3_body(%arg0: i32, %arg1: memref<2x1000x128xf32, #tpu.memory_space<vmem>>, %arg2: memref<2x1000x16xf32, #tpu.memory_space<vmem>>, %arg3: memref<1000x128xf32, #tpu.memory_space<vmem>>) attributes {dimension_semantics = [#tpu.dimension_semantics<arbitrary>], iteration_bounds = array<i64: 10>, scalar_prefetch = 0 : i64, scratch_operands = 0 : i64, tpu.core_type = #tpu.core_type<tc>, window_params = [{transform_indices = @transform_0, window_bounds = array<i64: 2, 1000, 128>}, {transform_indices = @transform_1, window_bounds = array<i64: 2, 1000, 16>}, {transform_indices = @transform_2, window_bounds = array<i64: 1000, 128>}]} {
    %get3A = arith.constant 0 : index
    %get3A_0 = arith.constant 0 : index
    %get3A_1 = arith.constant 0 : index
    %get3A_2 = vector.load %arg1[%get3A, %get3A_0, %get3A_1] : memref<2x1000x128xf32, #tpu.memory_space<vmem>>, vector<1x1000x128xf32>
    %get3A_3 = vector.shape_cast %get3A_2 : vector<1x1000x128xf32> to vector<1000x128xf32>
    %get3A_4 = arith.constant 1 : index
    %get3A_5 = arith.constant 0 : index
    %get3A_6 = arith.constant 0 : index
    %get3A_7 = vector.load %arg1[%get3A_4, %get3A_5, %get3A_6] : memref<2x1000x128xf32, #tpu.memory_space<vmem>>, vector<1x1000x128xf32>
    %get3A_8 = vector.shape_cast %get3A_7 : vector<1x1000x128xf32> to vector<1000x128xf32>
    %add3A = arith.addf %get3A_3, %get3A_8 : vector<1000x128xf32>
    %get3A_9 = arith.constant 0 : index
    %get3A_10 = arith.constant 0 : index
    %get3A_11 = arith.constant 0 : index
    %get3A_12 = vector.load %arg2[%get3A_9, %get3A_10, %get3A_11] : memref<2x1000x16xf32, #tpu.memory_space<vmem>>, vector<1x1000x16xf32>
    %get3A_13 = vector.shape_cast %get3A_12 : vector<1x1000x16xf32> to vector<1000x16xf32>
    %get3A_14 = arith.constant 1 : index
    %get3A_15 = arith.constant 0 : index
    %get3A_16 = arith.constant 0 : index
    %get3A_17 = vector.load %arg2[%get3A_14, %get3A_15, %get3A_16] : memref<2x1000x16xf32, #tpu.memory_space<vmem>>, vector<1x1000x16xf32>
    %get3A_18 = vector.shape_cast %get3A_17 : vector<1x1000x16xf32> to vector<1000x16xf32>
    %add3A_19 = arith.addf %get3A_13, %get3A_18 : vector<1000x16xf32>
    %slice3A = vector.extract_strided_slice %add3A_19 {offsets = [0, 4], sizes = [1000, 1], strides = [1, 1]} : vector<1000x16xf32> to vector<1000x1xf32>
    %slice3A_20 = vector.extract_strided_slice %add3A_19 {offsets = [0, 0], sizes = [1000, 1], strides = [1, 1]} : vector<1000x16xf32> to vector<1000x1xf32>
    %add3A_21 = arith.constant 1.000000e-16 : f32
    %add3A_22 = vector.broadcast %add3A_21 : f32 to vector<1000x1xf32>
    %add3A_23 = arith.addf %slice3A_20, %add3A_22 : vector<1000x1xf32>
    %slice3A_24 = vector.extract_strided_slice %add3A {offsets = [0, 0], sizes = [1000, 32], strides = [1, 1]} : vector<1000x128xf32> to vector<1000x32xf32>
    %div3A = vector.broadcast %add3A_23 : vector<1000x1xf32> to vector<1000x32xf32>
    %div3A_25 = arith.divf %slice3A_24, %div3A : vector<1000x32xf32>
    %add3A_26 = vector.broadcast %slice3A : vector<1000x1xf32> to vector<1000x32xf32>
    %add3A_27 = arith.addf %div3A_25, %add3A_26 : vector<1000x32xf32>
    %slice3A_28 = vector.extract_strided_slice %add3A_19 {offsets = [0, 1], sizes = [1000, 1], strides = [1, 1]} : vector<1000x16xf32> to vector<1000x1xf32>
    %add3A_29 = arith.constant 1.000000e-16 : f32
    %add3A_30 = vector.broadcast %add3A_29 : f32 to vector<1000x1xf32>
    %add3A_31 = arith.addf %slice3A_28, %add3A_30 : vector<1000x1xf32>
    %slice3A_32 = vector.extract_strided_slice %add3A {offsets = [0, 32], sizes = [1000, 32], strides = [1, 1]} : vector<1000x128xf32> to vector<1000x32xf32>
    %div3A_33 = vector.broadcast %add3A_31 : vector<1000x1xf32> to vector<1000x32xf32>
    %div3A_34 = arith.divf %slice3A_32, %div3A_33 : vector<1000x32xf32>
    %add3A_35 = vector.broadcast %slice3A : vector<1000x1xf32> to vector<1000x32xf32>
    %add3A_36 = arith.addf %div3A_34, %add3A_35 : vector<1000x32xf32>
    %slice3A_37 = vector.extract_strided_slice %add3A_19 {offsets = [0, 2], sizes = [1000, 1], strides = [1, 1]} : vector<1000x16xf32> to vector<1000x1xf32>
    %add3A_38 = arith.constant 1.000000e-16 : f32
    %add3A_39 = vector.broadcast %add3A_38 : f32 to vector<1000x1xf32>
    %add3A_40 = arith.addf %slice3A_37, %add3A_39 : vector<1000x1xf32>
    %slice3A_41 = vector.extract_strided_slice %add3A {offsets = [0, 64], sizes = [1000, 32], strides = [1, 1]} : vector<1000x128xf32> to vector<1000x32xf32>
    %div3A_42 = vector.broadcast %add3A_40 : vector<1000x1xf32> to vector<1000x32xf32>
    %div3A_43 = arith.divf %slice3A_41, %div3A_42 : vector<1000x32xf32>
    %add3A_44 = vector.broadcast %slice3A : vector<1000x1xf32> to vector<1000x32xf32>
    %add3A_45 = arith.addf %div3A_43, %add3A_44 : vector<1000x32xf32>
    %slice3A_46 = vector.extract_strided_slice %add3A_19 {offsets = [0, 3], sizes = [1000, 1], strides = [1, 1]} : vector<1000x16xf32> to vector<1000x1xf32>
    %add3A_47 = arith.constant 1.000000e-16 : f32
    %add3A_48 = vector.broadcast %add3A_47 : f32 to vector<1000x1xf32>
    %add3A_49 = arith.addf %slice3A_46, %add3A_48 : vector<1000x1xf32>
    %slice3A_50 = vector.extract_strided_slice %add3A {offsets = [0, 96], sizes = [1000, 32], strides = [1, 1]} : vector<1000x128xf32> to vector<1000x32xf32>
    %div3A_51 = vector.broadcast %add3A_49 : vector<1000x1xf32> to vector<1000x32xf32>
    %div3A_52 = arith.divf %slice3A_50, %div3A_51 : vector<1000x32xf32>
    %add3A_53 = vector.broadcast %slice3A : vector<1000x1xf32> to vector<1000x32xf32>
    %add3A_54 = arith.addf %div3A_52, %add3A_53 : vector<1000x32xf32>
    %concatenate3A = tpu.concatenate %add3A_27, %add3A_36, %add3A_45, %add3A_54 in 1 : vector<1000x32xf32>, vector<1000x32xf32>, vector<1000x32xf32>, vector<1000x32xf32> -> vector<1000x128xf32>
    %swap3A = arith.constant 0 : index
    %swap3A_55 = arith.constant 0 : index
    %swap3A_56 = vector.load %arg3[%swap3A, %swap3A_55] : memref<1000x128xf32, #tpu.memory_space<vmem>>, vector<1000x128xf32>
    tpu.vector_store %arg3[%swap3A, %swap3A_55], %concatenate3A {strides = array<i32>} : memref<1000x128xf32, #tpu.memory_space<vmem>>, vector<1000x128xf32>,
    return
  }
  func.func @transform_0(%arg0: i32) -> (i32, i32, i32) {
    %c0_i32 = arith.constant 0 : i32
    %c0_i32_0 = arith.constant 0 : i32
    %c0_i32_1 = arith.constant 0 : i32
    return %c0_i32, %arg0, %c0_i32_0 : i32, i32, i32
  }
  func.func @transform_1(%arg0: i32) -> (i32, i32, i32) {
    %c0_i32 = arith.constant 0 : i32
    %c0_i32_0 = arith.constant 0 : i32
    %c0_i32_1 = arith.constant 0 : i32
    return %c0_i32, %arg0, %c0_i32_0 : i32, i32, i32
  }
  func.func @transform_2(%arg0: i32) -> (i32, i32) {
    %c0_i32 = arith.constant 0 : i32
    %c0_i32_0 = arith.constant 0 : i32
    return %arg0, %c0_i32 : i32, i32
  }
}

</mosaic_0001>

<sc_bundles>
// kernel: kernel.5.cloned.1.call-start
scs
__scs_entry_jumppad:
0x0: {  	(pc) =	sbr.rel $0x88, $3  }
0x1: {  	(tag) =	ssettag $0x0;
	lr =	simm.s32 $0x1  }
0x2: {  	[smem:$0x3F9B] =	sst lr;
	_ =	strace $0xD0000000  }
0x3: {  	_ = 	snop  }
0x4: {  	_ = 	snop  }
0x5: {  	_ = 	snop  }
0x6: {  	_ = 	snop  }
0x7: {  	_ = 	snop  }
__scs_overlays_trampoline_lowered:
0x8: {  	[smem:$0x3FAA] =	sst s0  }
0x9: {  	[smem:$0x3FAB] =	sst s1  }
0xa: {  	[smem:$0x3FAC] =	sst s2  }
0xb: {  	[smem:$0x3FAD] =	sst s3  }
0xc: {  	[smem:$0x3FAE] =	sst s4  }
0xd: {  	[smem:$0x3FAF] =	sst s5  }
0xe: {  	[smem:$0x3FB0] =	sst s6  }
0xf: {  	[smem:$0x3FB1] =	sst s7  }
0x10: {  	[smem:$0x3FB2] =	sst s8  }
0x11: {  	[smem:$0x3FB3] =	sst s9;
	s0 =	simm.s32 @!p0 $0x0  }
0x12: {  	s1 =	sld [smem:$0x3F99];
	s0 =	simm.s32 @p0 $0x1  }
0x13: {  	[smem:$0x3FB4] =	sst s0;
	s0 =	simm.s32 @!p1 $0x0  }
0x14: {  	s2 =	sld [smem:$0x3F98];
	s0 =	simm.s32 @p1 $0x1  }
0x15: {  	[smem:$0x3FB5] =	sst s0;
	s0 =	simm.s32 @!p2 $0x0  }
0x16: {  	s3 =	sld [smem:$0x3FDB];
	s0 =	simm.s32 @p2 $0x1  }
0x17: {  	s4 =	simm.s32 $0x1BF5;
	[smem:$0x3FB7] =	sst s0  }
0x18: {  	s0 =	sld [smem:$0x3F9A];
	_ =	swait.ge [sflag:s4], $0x0  }
0x19: {  	s7 =	sld [smem:$0x3F9B]  }
0x1a: {  	s8 =	sadd.s32 $0xFFFFE003, lr  }
0x1b: {  	s9 =	sadd.s32 $0xFFFFFEF7, lr;
	s5 =	simm.s32 $0xFFFFFFFF;
	p2 =	slt.u32 s8, $0xFFFFF086  }
0x1c: {  	p1 =	slt.u32 s9, $0xF7A;
	s5 =	simm.s32 @!p2 $0x0  }
0x1d: {  	s5 =	simm.s32 @p1 $0x1;
	p0 =	seq.s32 s7, s2  }
0x1e: {  	s7 =	smul.u32 @!p0 $0xF7A, s2;
	p2 =	seq.s32 @!p0 s5, $0x0  }
0x1f: {  	s9 =	smul.u32 $0xF7A, s1;
	s8 =	simm.s32 @!p0 $0x1BF5;
	p2 =	por !p2, p0  }
0x20: {  	[sflag:s8] =	ssyncset.s32 @!p0 $0xFFFFF086;
	s6 =	sadd.s32 @!p0 s3, s7;
	s7 =	simm.s32 @!p0 $0x108  }
0x21: {  	s3 =	sadd.s32 s3, s9;
	s6 =	sadd.s32 @!p0 $0x88, s6;
	s7 =	simm.s32 @p2 $0x1082  }
0x22: {  	[simem:s7], [sflag:s8] =	dma.local @!p0 [hbm:s6], $0xF7A  }
0x23: {  	s9 =	sor.u32 $0xD0000000, s2;
	s6 =	simm.s32 $0x108;
	_ =	swait.ge @!p0 [sflag:s8], $0x0  }
0x24: {  	s3 =	sadd.s32 $0x88, s3;
	s6 =	simm.s32 @!p1 $0x1082;
	[sflag:s4] =	ssyncset.s32 $0xFFFFF086  }
0x25: {  	[simem:s6], [sflag:s4] =	dma.local [hbm:s3], $0xF7A  }
0x26: {  	[smem:$0x3F9B] =	sst s1;
	(tag) =	ssettag s2;
	_ =	strace s9  }
0x27: {  	s1 =	sld [smem:$0x3FAB]  }
0x28: {  	s2 =	sld [smem:$0x3FAC]  }
0x29: {  	s4 =	sld [smem:$0x3FAE]  }
0x2a: {  	p0 =	seq.s32 s5, $0x0;
	s5 =	sld [smem:$0x3FAF]  }
0x2b: {  	s6 =	sld [smem:$0x3FB0]  }
0x2c: {  	s7 =	sld [smem:$0x3FB1]  }
0x2d: {  	s3 =	simm.s32 $0x108;
	s8 =	sld [smem:$0x3FB2]  }
0x2e: {  	s3 =	simm.s32 @!p0 $0x1082;
	s9 =	sld [smem:$0x3FB3]  }
0x2f: {  	lr =	sadd.s32 s0, s3;
	s0 =	sld [smem:$0x3FAA]  }
0x30: {  	s3 =	sld [smem:$0x3FAD]  }
0x31: {  	[smem:$0x3FB6] =	sst s10  }
0x32: {  	s10 =	sld [smem:$0x3FB4];
	_ =	sdelay $0x3  }
0x33: {  	p0 =	seq.s32 s10, $0x1;
	s10 =	sld [smem:$0x3FB6];
	_ =	sdelay $0x3  }
0x34: {  	[smem:$0x3FB6] =	sst s10  }
0x35: {  	s10 =	sld [smem:$0x3FB5];
	_ =	sdelay $0x3  }
0x36: {  	p1 =	seq.s32 s10, $0x1;
	s10 =	sld [smem:$0x3FB6];
	_ =	sdelay $0x3  }
0x37: {  	[smem:$0x3FB6] =	sst s10  }
0x38: {  	s10 =	sld [smem:$0x3FB7]  }
0x39: {  	_ = 	snop;
	(pc) =	sbr.ind lr, $3  }
0x3a: {  	_ = 	snop  }
0x3b: {  	_ = 	snop  }
0x3c: {  	p2 =	seq.s32 s10, $0x1;
	s10 =	sld [smem:$0x3FB6]  }
0x3d: {  	_ =	shalt  }
0x3e: {  	_ =	shalt  }
0x3f: {  	_ =	shalt  }
0x40: {  	_ =	shalt  }
0x41: {  	_ =	shalt  }
0x42: {  	_ =	shalt  }
0x43: {  	_ =	shalt  }
0x44: {  	_ =	shalt  }
0x45: {  	_ =	shalt  }
0x46: {  	_ =	shalt  }
0x47: {  	_ =	shalt  }
0x48: {  	_ =	shalt  }
0x49: {  	_ =	shalt  }
0x4a: {  	_ =	shalt  }
0x4b: {  	_ =	shalt  }
0x4c: {  	_ =	shalt  }
0x4d: {  	_ =	shalt  }
0x4e: {  	_ =	shalt  }
0x4f: {  	_ =	shalt  }
0x50: {  	_ =	shalt  }
0x51: {  	_ =	shalt  }
0x52: {  	_ =	shalt  }
0x53: {  	_ =	shalt  }
0x54: {  	_ =	shalt  }
0x55: {  	_ =	shalt  }
0x56: {  	_ =	shalt  }
0x57: {  	_ =	shalt  }
0x58: {  	_ =	shalt  }
0x59: {  	_ =	shalt  }
0x5a: {  	_ =	shalt  }
0x5b: {  	_ =	shalt  }
0x5c: {  	_ =	shalt  }
0x5d: {  	_ =	shalt  }
0x5e: {  	_ =	shalt  }
0x5f: {  	_ =	shalt  }
0x60: {  	_ =	shalt  }
0x61: {  	_ =	shalt  }
0x62: {  	_ =	shalt  }
0x63: {  	_ =	shalt  }
0x64: {  	_ =	shalt  }
0x65: {  	_ =	shalt  }
0x66: {  	_ =	shalt  }
0x67: {  	_ =	shalt  }
0x68: {  	_ =	shalt  }
0x69: {  	_ =	shalt  }
0x6a: {  	_ =	shalt  }
0x6b: {  	_ =	shalt  }
0x6c: {  	_ =	shalt  }
0x6d: {  	_ =	shalt  }
0x6e: {  	_ =	shalt  }
0x6f: {  	_ =	shalt  }
0x70: {  	_ =	shalt  }
0x71: {  	_ =	shalt  }
0x72: {  	_ =	shalt  }
0x73: {  	_ =	shalt  }
0x74: {  	_ =	shalt  }
0x75: {  	_ =	shalt  }
0x76: {  	_ =	shalt  }
0x77: {  	_ =	shalt  }
0x78: {  	_ =	shalt  }
0x79: {  	_ =	shalt  }
0x7a: {  	_ =	shalt  }
0x7b: {  	_ =	shalt  }
0x7c: {  	_ =	shalt  }
0x7d: {  	_ =	shalt  }
0x7e: {  	_ =	shalt  }
0x7f: {  	_ =	shalt  }
0x80: {  	_ =	shalt  }
0x81: {  	_ =	shalt  }
0x82: {  	_ =	shalt  }
0x83: {  	_ =	shalt  }
0x84: {  	_ =	shalt  }
0x85: {  	_ =	shalt  }
0x86: {  	_ =	shalt  }
0x87: {  	_ =	shalt  }
.Lfunc_end0:
.L_simem_size_0:
called_computation_lowered:
.L_overlay_start_0:
0x88: {  	s2 =	sld [smem:$0x3FD9]  }
0x89: {  	s3 =	sld [smem:$0x3FFE];
	_ =	sdelay $0x1  }
0x8a: {  	s1 =	srdreg.scid  }
0x8b: {  	s0 =	sand.u32 $0x1, s1  }
0x8c: {  	s17 =	sshll.u32 s0, $0xA;
	s2 =	sadd.s32 s3, s2  }
0x8d: {  	s2 =	sadd.s32 s2, s17  }
0x8e: {  	[smem:$0x3FC2] =	sst s2  }
0x8f: {  	_ = 	snop  }
0x90: {  	s2 =	sld [smem:$0x3FC7]  }
0x91: {  	s18 =	sld [smem:$0x3FD0];
	(tm) =	ssettm $0x1  }
0x92: {  	s4 =	sld [smem:$0x3FFB];
	_ =	sdelay $0x3  }
0x93: {  	_ =	strace s4  }
0x94: {  	s4 =	sld [smem:$0x3FFC];
	_ =	sdelay $0x3  }
0x95: {  	_ =	strace s4  }
0x96: {  	s4 =	sld [smem:$0x3FFD];
	_ =	sdelay $0x3  }
0x97: {  	_ =	strace s4  }
0x98: {  	_ =	strace $0x8FFFFFFF  }
0x99: {  	s19 =	sld [smem:$0x3FDB];
	_ =	sdelay $0x1  }
0x9a: {  	s5 =	simm.s32 $_scs_section_size  }
0x9b: {  	s6 =	simm.s32 $_size__tile_overlayer_lowered;
	s7 =	simm.s32 $_tile_overlayer_lowered  }
0x9c: {  	s22 =	simm.s32 $0x1BFF;
	s21 =	sshll.u32 s7, $0x1;
	s4 =	sadd.s32 s5, s19  }
0x9d: {  	s8 =	simm.s32 $0x0;
	s20 =	sshll.u32 s6, $0x1;
	s6 =	sadd.s32 s21, s4  }
0x9e: {  	[timem:s8], [sflag:s22] =	dma.local [hbm:s6], s20  }
0x9f: {  	_ =	swait.ge [sflag:s22], s20  }
0xa0: {  	s5 =	ssub.s32 $0x0, s20;
	[sflag:s22] =	ssyncset.done $0x0  }
0xa1: {  	[sflag:s22] =	ssyncadd.s32 s5;
	_ =	sdelay $0x1  }
0xa2: {  	s23 =	simm.s32 $0x1B8B  }
0xa3: {  	_ =	swait.ge [sflag:s23], $0x1  }
0xa4: {  	[sflag:s23] =	ssyncset.done $0x0  }
0xa5: {  	s25 =	simm.s32 $0x1B8E;
	s24 =	sld [smem:$0x3FFE];
	[sflag:s23] =	ssyncadd.s32 $0xFFFFFFFF  }
0xa6: {  	s26 =	simm.s32 $execute0_lowered;
	[smem:$0x3FD2] =	sst s25  }
0xa7: {  	s6 =	sshll.u32 s26, $0x1;
	_ =	strace $0x80000046;
	[dreg:$0x1] =	wrdreg $0xFFFFFFFF  }
0xa8: {  	s28 =	simm.s32 $_size_execute0_lowered;
	s4 =	sadd.s32 s4, s6;
	[dreg:$0x0] =	wrdreg $0x0  }
0xa9: {  	s6 =	sshll.u32 s28, $0x1;
	[dreg:$0x2] =	wrdreg s4  }
0xaa: {  	[dreg:$0x3] =	wrdreg s6  }
0xab: {  	[dreg:$0x4] =	wrdreg $0xC0  }
0xac: {  	_ =	task [dreg:s8], $0x5FFFF  }
0xad: {  	[dreg:$0x1] =	wrdreg $0xFFFFFFFF  }
0xae: {  	[dreg:$0x0] =	wrdreg $0x60  }
0xaf: {  	[dreg:$0x2] =	wrdreg s24  }
0xb0: {  	[dreg:$0x3] =	wrdreg s18  }
0xb1: {  	[dreg:$0x4] =	wrdreg s2  }
0xb2: {  	[dreg:$0x5] =	wrdreg $0x0  }
0xb3: {  	[dreg:$0x6] =	wrdreg $0x138800  }
0xb4: {  	[dreg:$0x7] =	wrdreg $0x9  }
0xb5: {  	_ =	task.clear_ibuf [dreg:s8], $0x8FFFF;
	_ =	strace $0x90000046  }
0xb6: {  	s29 =	simm.s32 $0x9;
	_ =	strace $0x80000048  }
0xb7: {  	_ =	swait.ge [sflag:s29], $0x1  }
0xb8: {  	[sflag:s29] =	ssyncadd.s32 $0xFFFFFFFF  }
0xb9: {  	_ =	strace $0x90000048  }
0xba: {  	_ =	sfence  }
0xbb: {  	s30 =	sld [smem:$0x0];
	_ =	sdelay $0x2  }
0xbc: {  	s31 =	sshll.u32 s1, $0xD;
	s1 =	sshrl.u32 s1, $0x2  }
0xbd: {  	s3 =	sand.u32 $0x4000, s31;
	s1 =	sadd.s32 s1, s30  }
0xbe: {  	s0 =	sor.u32 s3, s0;
	s1 =	sshll.u32 s1, $0x11  }
0xbf: {  	s0 =	sor.u32 s1, s0  }
0xc0: {  	s0 =	sadd.s32 $0x8F2B, s0  }
0xc1: {  	[sflag:s0] =	ssyncadd.remote.s32 $0x1  }
0xc2: {  	_ =	sfence.sel $0xFFFF  }
0xc3: {  	[dreg:$0x0] =	wrdreg $0xFFFFFFFF;
	(pc) =	sbr.abs _section_cstart, $3  }
0xc4: {  	[dreg:$0x1] =	wrdreg $0xFFFFFFFF  }
0xc5: {  	_ =	task.clear_ibuf [dreg:s8], $0x2FFFF;
	_ =	strace $0x9FFFFFFF  }
0xc6: {  	(tm) =	ssettm $0x7FFFFFFF  }
0xc7: {  	_ =	shalt  }
tec
execute0_lowered:
.L_overlay_start_1:
0x0: {  	(tag) =	ssettag $0x1  }
0x1: {  	s0 =	rddreg [dreg:$0x0]  }
0x2: {  	s19 =	rddreg [dreg:$0x2]  }
0x3: {  	s3 =	rddreg [dreg:$0x3]  }
0x4: {  	s4 =	rddreg [dreg:$0x4]  }
0x5: {  	s5 =	simm.s32 $0x0;
	s1 =	srdreg.scid;
	s20 =	stileid.u32  }
0x6: {  	s29 =	simm.s32 $0x7;
	s30 =	simm.s32 $0x1;
	s31 =	simm.s32 $0x50  }
0x7: {  	s28 =	simm.s32 $0x6;
	[smem:$0x7FF] =	sst s5;
	s6 =	sadd.s32 $0xEAA00, s0  }
0x8: {  	s7 =	sadd.s32 $0xA200, s0;
	s8 =	sadd.s32 $0x400, s0;
	s10 =	smul.u32 $0x270, s20  }
0x9: {  	s1 =	sand.u32 $0x1, s1;
	s2 =	sadd.s32 $0x1DE00, s0;
	s12 =	smul.u32 $0x13800, s20  }
0xa: {  	s11 =	sadd.s32 $0x14000, s0;
	s16 =	sshll.u32 s20, $0x1;
	s13 =	smul.u32 $0x2700, s20  }
0xb: {  	p0 =	sne.s32 s20, $0x0;
	_ =	strace $0x80000047;
	s9 =	ssub.s32 $0x2, s1  }
0xc: {  	s18 =	smul.u32 $0x138800, s1;
	s15 =	sshrl.u32 s9, $0x1;
	s21 =	sadd.s32 s12, s3  }
0xd: {  	s14 =	sadd.s32 $0x50, s10;
	s24 =	sadd.s32 s13, s4;
	s23 =	sadd.s32 $0xF0, s10  }
0xe: {  	s0 =	ssub.s32 s9, s15;
	s9 =	sor.u32 s1, s16;
	s15 =	sshll.u32 s14, $0x7  }
0xf: {  	s16 =	sadd.s32 $0xA0, s10;
	s14 =	sshll.u32 s14, $0x4;
	s12 =	sadd.s32 s12, s18  }
0x10: {  	s1 =	smul.u32 $0x27100, s1;
	s25 =	sshrl.u32 s18, $0x3;
	[dreg:$0x6] =	wrdreg s21  }
0x11: {  	s26 =	sshll.u32 s23, $0x7;
	[dreg:$0x7] =	wrdreg s24;
	s17 =	sshll.u32 s16, $0x7  }
0x12: {  	s15 =	sadd.s32 s15, s3;
	s14 =	sadd.s32 s14, s4;
	s22 =	sshll.u32 s16, $0x4  }
0x13: {  	s12 =	sshrl.u32 s12, $0x3;
	s16 =	sshll.u32 s23, $0x4;
	[dreg:$0x8] =	wrdreg s15  }
0x14: {  	s23 =	sadd.s32 $0x190, s10;
	s0 =	smax.u32 s0, $0x1;
	[dreg:$0x9] =	wrdreg s14  }
0x15: {  	s9 =	smul.u32 $0x2710, s9;
	s17 =	sadd.s32 s17, s3;
	[smem:$0x7FB] =	sst s0  }
0x16: {  	s12 =	sadd.s32 s2, s12;
	s2 =	sadd.s32 s2, s25;
	[dreg:$0xa] =	wrdreg s17  }
0x17: {  	s14 =	sadd.s32 s22, s4;
	s18 =	sadd.s32 s16, s4;
	[dreg:$0xb] =	wrdreg s12  }
0x18: {  	[dreg:$0xc] =	wrdreg s14;
	s12 =	sadd.s32 s26, s3;
	s14 =	sadd.s32 s13, s1  }
0x19: {  	s1 =	sshrl.u32 s1, $0x3;
	s17 =	sadd.s32 $0x140, s10;
	[dreg:$0xf] =	wrdreg s18  }
0x1a: {  	s26 =	sadd.s32 $0x1E0, s10;
	s10 =	sadd.s32 $0x230, s10;
	s13 =	sadd.s32 $0xA0, s9  }
0x1b: {  	s2 =	sadd.s32 $0x27000, s2;
	[dreg:$0xd] =	wrdreg s12;
	s12 =	sshrl.u32 s14, $0x3  }
0x1c: {  	s1 =	sadd.s32 s11, s1;
	s22 =	sshll.u32 s17, $0x7;
	s14 =	sshll.u32 s26, $0x4  }
0x1d: {  	s16 =	sshll.u32 s10, $0x7;
	[dreg:$0x1f] =	wrdreg s2;
	s12 =	sadd.s32 s11, s12  }
0x1e: {  	s10 =	sshll.u32 s10, $0x4;
	s15 =	sadd.s32 s14, s4;
	[dreg:$0xe] =	wrdreg s12  }
0x1f: {  	s11 =	sshll.u32 s17, $0x4;
	s10 =	sadd.s32 s10, s4;
	[dreg:$0x15] =	wrdreg s15  }
0x20: {  	s17 =	sshrl.u32 s9, $0x3;
	s9 =	sadd.s32 $0xF0, s9;
	[dreg:$0x17] =	wrdreg s10  }
0x21: {  	s20 =	simm.s32 $0x16CB0;
	s1 =	sadd.s32 $0x4E00, s1;
	[dreg:$0x1e] =	wrdreg s9  }
0x22: {  	s25 =	sshll.u32 s23, $0x7;
	s14 =	sadd.s32 $0x138000, s3;
	[smem:$0x7FA] =	sst s1  }
0x23: {  	s2 =	simm.s32 $0x0;
	s12 =	sadd.s32 s22, s3;
	[smem:$0x7FC] =	sst s14  }
0x24: {  	s11 =	sadd.s32 s11, s4;
	s18 =	sadd.s32 s7, s17;
	[dreg:$0x10] =	wrdreg s12  }
0x25: {  	s22 =	sadd.s32 $0xA, s17;
	s9 =	simm.s32 $0x2;
	[dreg:$0x11] =	wrdreg s11  }
0x26: {  	s15 =	simm.s32 $0x167B0;
	s12 =	sadd.s32 s25, s3;
	[dreg:$0x18] =	wrdreg s18  }
0x27: {  	s11 =	sshll.u32 s23, $0x4;
	s23 =	sadd.s32 s8, s17;
	[dreg:$0x12] =	wrdreg s12  }
0x28: {  	s25 =	sadd.s32 s7, s22;
	s10 =	sadd.s32 s19, s22;
	[dreg:$0x19] =	wrdreg s23  }
0x29: {  	s18 =	simm.s32 $0x4;
	s11 =	sadd.s32 s11, s4;
	[dreg:$0x1b] =	wrdreg s25  }
0x2a: {  	s12 =	sshll.u32 s26, $0x7;
	s26 =	sadd.s32 s8, s22;
	[dreg:$0x1d] =	wrdreg s10  }
0x2b: {  	s25 =	sadd.s32 $0x27000, s4;
	s22 =	simm.s32 $0x162B0;
	[dreg:$0x13] =	wrdreg s11  }
0x2c: {  	s23 =	simm.s32 $0x15F90;
	s10 =	simm.s32 $0x16210;
	[dreg:$0x1c] =	wrdreg s26  }
0x2d: {  	s11 =	sadd.s32 s12, s3;
	s26 =	simm.s32 $0x15FE0;
	[smem:$0x7FD] =	sst s25  }
0x2e: {  	[dreg:$0x14] =	wrdreg s11;
	s11 =	sadd.s32 s16, s3;
	s16 =	simm.s32 $0x194B0  }
0x2f: {  	[dreg:$0x16] =	wrdreg s11;
	s11 =	sadd.s32 s19, s17;
	s17 =	simm.s32 $0x3  }
0x30: {  	v0 =	vimm.f32 $0.0e+00;
	vm0 =	vmmov $0xf;
	s19 =	simm.s32 $0x16260;
	[dreg:$0x1a] =	wrdreg s11;
	s11 =	simm.s32 $0x5  }
.LBB2_1:
0x31: {  	[smem:$0x7F9] =	sst s2;
	s0 =	simm.s32 $0x16EB0  }
0x32: {  	[tilespmem:s0+$0xFFFFFE00] =	vst v0  }
0x33: {  	[tilespmem:s0+$0xFFFFFE70] =	vst v0  }
0x34: {  	[tilespmem:s0+$0x1F0] =	vst v0  }
0x35: {  	[tilespmem:s0+$0x1E0] =	vst v0  }
0x36: {  	[tilespmem:s0+$0x1D0] =	vst v0  }
0x37: {  	[tilespmem:s0+$0x1C0] =	vst v0  }
0x38: {  	[tilespmem:s0+$0x1B0] =	vst v0  }
0x39: {  	[tilespmem:s0+$0x1A0] =	vst v0  }
0x3a: {  	[tilespmem:s0+$0x190] =	vst v0  }
0x3b: {  	[tilespmem:s0+$0x180] =	vst v0  }
0x3c: {  	[tilespmem:s0+$0x170] =	vst v0  }
0x3d: {  	[tilespmem:s0+$0x160] =	vst v0  }
0x3e: {  	[tilespmem:s0+$0x150] =	vst v0  }
0x3f: {  	[tilespmem:s0+$0x140] =	vst v0  }
0x40: {  	[tilespmem:s0+$0x130] =	vst v0  }
0x41: {  	[tilespmem:s0+$0x120] =	vst v0  }
0x42: {  	[tilespmem:s0+$0x110] =	vst v0  }
0x43: {  	[tilespmem:s0+$0x100] =	vst v0  }
0x44: {  	[tilespmem:s0+$0xF0] =	vst v0  }
0x45: {  	[tilespmem:s0+$0xE0] =	vst v0  }
0x46: {  	[tilespmem:s0+$0xD0] =	vst v0  }
0x47: {  	[tilespmem:s0+$0xC0] =	vst v0  }
0x48: {  	[tilespmem:s0+$0xB0] =	vst v0  }
0x49: {  	[tilespmem:s0+$0xA0] =	vst v0  }
0x4a: {  	[tilespmem:s0+$0x90] =	vst v0  }
0x4b: {  	[tilespmem:s0+$0x80] =	vst v0  }
0x4c: {  	[tilespmem:s0+$0xFFFFFEF0] =	vst v0  }
0x4d: {  	[tilespmem:s0+$0xFFFFFF70] =	vst v0  }
0x4e: {  	[tilespmem:s0+$0xFFFFFFF0] =	vst v0  }
0x4f: {  	[tilespmem:s0+$0x70] =	vst v0  }
0x50: {  	[tilespmem:s0+$0x60] =	vst v0  }
0x51: {  	[tilespmem:s0+$0x50] =	vst v0  }
0x52: {  	[tilespmem:s0+$0x40] =	vst v0  }
0x53: {  	[tilespmem:s0+$0x30] =	vst v0  }
0x54: {  	[tilespmem:s0+$0x20] =	vst v0  }
0x55: {  	[tilespmem:s0+$0x10] =	vst v0  }
0x56: {  	[tilespmem:s0+$0x0] =	vst v0  }
0x57: {  	[tilespmem:s0+$0xFFFFFFE0] =	vst v0  }
0x58: {  	[tilespmem:s0+$0xFFFFFFD0] =	vst v0  }
0x59: {  	[tilespmem:s0+$0xFFFFFFC0] =	vst v0  }
0x5a: {  	[tilespmem:s0+$0xFFFFFFB0] =	vst v0  }
0x5b: {  	[tilespmem:s0+$0xFFFFFFA0] =	vst v0  }
0x5c: {  	[tilespmem:s0+$0xFFFFFF90] =	vst v0  }
0x5d: {  	[tilespmem:s0+$0xFFFFFF80] =	vst v0  }
0x5e: {  	[tilespmem:s0+$0xFFFFFF60] =	vst v0  }
0x5f: {  	[tilespmem:s0+$0xFFFFFF50] =	vst v0  }
0x60: {  	[tilespmem:s0+$0xFFFFFF40] =	vst v0  }
0x61: {  	[tilespmem:s0+$0xFFFFFF30] =	vst v0  }
0x62: {  	[tilespmem:s0+$0xFFFFFF20] =	vst v0  }
0x63: {  	[tilespmem:s0+$0xFFFFFF10] =	vst v0  }
0x64: {  	[tilespmem:s0+$0xFFFFFF00] =	vst v0  }
0x65: {  	[tilespmem:s0+$0xFFFFFEE0] =	vst v0  }
0x66: {  	[tilespmem:s0+$0xFFFFFED0] =	vst v0  }
0x67: {  	[tilespmem:s0+$0xFFFFFEC0] =	vst v0  }
0x68: {  	[tilespmem:s0+$0xFFFFFEB0] =	vst v0  }
0x69: {  	[tilespmem:s0+$0xFFFFFEA0] =	vst v0  }
0x6a: {  	[tilespmem:s0+$0xFFFFFE90] =	vst v0  }
0x6b: {  	[tilespmem:s0+$0xFFFFFE80] =	vst v0  }
0x6c: {  	[tilespmem:s0+$0xFFFFFE60] =	vst v0  }
0x6d: {  	[tilespmem:s0+$0xFFFFFE50] =	vst v0  }
0x6e: {  	[tilespmem:s0+$0xFFFFFE40] =	vst v0  }
0x6f: {  	[tilespmem:s0+$0xFFFFFE30] =	vst v0  }
0x70: {  	[tilespmem:s0+$0xFFFFFE20] =	vst v0  }
0x71: {  	s1 =	simm.s32 $0x162F0;
	[tilespmem:s0+$0xFFFFFE10] =	vst v0  }
0x72: {  	[tilespmem:s1+$0x30] =	vst v0  }
0x73: {  	[tilespmem:s1+$0x20] =	vst v0  }
0x74: {  	[tilespmem:s1+$0x10] =	vst v0  }
0x75: {  	[tilespmem:s1+$0x0] =	vst v0  }
0x76: {  	[tilespmem:s1+$0xFFFFFFF0] =	vst v0  }
0x77: {  	[tilespmem:s1+$0xFFFFFFE0] =	vst v0  }
0x78: {  	s2 =	simm.s32 $0x0;
	[tilespmem:s1+$0xFFFFFFD0] =	vst v0  }
.LBB2_2:
0x79: {  	s2 =	sadd.s32 $0x8, s2;
	[tilespmem:s1+$0xFFFFFFC0] =	vst v0;
	s1 =	sadd.s32 $0x80, s1;
	s0 =	sadd.s32 $0x400, s0  }
0x7a: {  	[tilespmem:s0+$0xFFFFFE00] =	vst v0;
	p1 =	slt.u32 s2, $0x48  }
0x7b: {  	[tilespmem:s0+$0xFFFFFE70] =	vst v0  }
0x7c: {  	[tilespmem:s0+$0x1F0] =	vst v0  }
0x7d: {  	[tilespmem:s0+$0x1E0] =	vst v0  }
0x7e: {  	[tilespmem:s0+$0x1D0] =	vst v0  }
0x7f: {  	[tilespmem:s0+$0x1C0] =	vst v0  }
0x80: {  	[tilespmem:s0+$0x1B0] =	vst v0  }
0x81: {  	[tilespmem:s0+$0x1A0] =	vst v0  }
0x82: {  	[tilespmem:s0+$0x190] =	vst v0  }
0x83: {  	[tilespmem:s0+$0x180] =	vst v0  }
0x84: {  	[tilespmem:s1+$0x30] =	vst v0  }
0x85: {  	[tilespmem:s0+$0x170] =	vst v0  }
0x86: {  	[tilespmem:s0+$0x160] =	vst v0  }
0x87: {  	[tilespmem:s0+$0x150] =	vst v0  }
0x88: {  	[tilespmem:s0+$0x140] =	vst v0  }
0x89: {  	[tilespmem:s0+$0x130] =	vst v0  }
0x8a: {  	[tilespmem:s0+$0x120] =	vst v0  }
0x8b: {  	[tilespmem:s0+$0x110] =	vst v0  }
0x8c: {  	[tilespmem:s0+$0x100] =	vst v0  }
0x8d: {  	[tilespmem:s1+$0x20] =	vst v0  }
0x8e: {  	[tilespmem:s0+$0xF0] =	vst v0  }
0x8f: {  	[tilespmem:s0+$0xE0] =	vst v0  }
0x90: {  	[tilespmem:s0+$0xD0] =	vst v0  }
0x91: {  	[tilespmem:s0+$0xC0] =	vst v0  }
0x92: {  	[tilespmem:s0+$0xB0] =	vst v0  }
0x93: {  	[tilespmem:s0+$0xA0] =	vst v0  }
0x94: {  	[tilespmem:s0+$0x90] =	vst v0  }
0x95: {  	[tilespmem:s0+$0x80] =	vst v0  }
0x96: {  	[tilespmem:s1+$0x10] =	vst v0  }
0x97: {  	[tilespmem:s0+$0xFFFFFEF0] =	vst v0  }
0x98: {  	[tilespmem:s0+$0xFFFFFF70] =	vst v0  }
0x99: {  	[tilespmem:s0+$0xFFFFFFF0] =	vst v0  }
0x9a: {  	[tilespmem:s0+$0x70] =	vst v0  }
0x9b: {  	[tilespmem:s0+$0x60] =	vst v0  }
0x9c: {  	[tilespmem:s0+$0x50] =	vst v0  }
0x9d: {  	[tilespmem:s0+$0x40] =	vst v0  }
0x9e: {  	[tilespmem:s0+$0x30] =	vst v0  }
0x9f: {  	[tilespmem:s0+$0x20] =	vst v0  }
0xa0: {  	[tilespmem:s0+$0x10] =	vst v0  }
0xa1: {  	[tilespmem:s0+$0x0] =	vst v0  }
0xa2: {  	[tilespmem:s1+$0x0] =	vst v0  }
0xa3: {  	[tilespmem:s0+$0xFFFFFFE0] =	vst v0  }
0xa4: {  	[tilespmem:s0+$0xFFFFFFD0] =	vst v0  }
0xa5: {  	[tilespmem:s0+$0xFFFFFFC0] =	vst v0  }
0xa6: {  	[tilespmem:s0+$0xFFFFFFB0] =	vst v0  }
0xa7: {  	[tilespmem:s0+$0xFFFFFFA0] =	vst v0  }
0xa8: {  	[tilespmem:s0+$0xFFFFFF90] =	vst v0  }
0xa9: {  	[tilespmem:s0+$0xFFFFFF80] =	vst v0  }
0xaa: {  	[tilespmem:s1+$0xFFFFFFF0] =	vst v0  }
0xab: {  	[tilespmem:s0+$0xFFFFFF60] =	vst v0  }
0xac: {  	[tilespmem:s0+$0xFFFFFF50] =	vst v0  }
0xad: {  	[tilespmem:s0+$0xFFFFFF40] =	vst v0  }
0xae: {  	[tilespmem:s0+$0xFFFFFF30] =	vst v0  }
0xaf: {  	[tilespmem:s0+$0xFFFFFF20] =	vst v0  }
0xb0: {  	[tilespmem:s0+$0xFFFFFF10] =	vst v0  }
0xb1: {  	[tilespmem:s0+$0xFFFFFF00] =	vst v0  }
0xb2: {  	[tilespmem:s1+$0xFFFFFFE0] =	vst v0  }
0xb3: {  	[tilespmem:s0+$0xFFFFFEE0] =	vst v0  }
0xb4: {  	[tilespmem:s0+$0xFFFFFED0] =	vst v0  }
0xb5: {  	[tilespmem:s0+$0xFFFFFEC0] =	vst v0  }
0xb6: {  	[tilespmem:s0+$0xFFFFFEB0] =	vst v0  }
0xb7: {  	[tilespmem:s0+$0xFFFFFEA0] =	vst v0  }
0xb8: {  	[tilespmem:s0+$0xFFFFFE90] =	vst v0  }
0xb9: {  	[tilespmem:s0+$0xFFFFFE80] =	vst v0  }
0xba: {  	[tilespmem:s1+$0xFFFFFFD0] =	vst v0  }
0xbb: {  	[tilespmem:s0+$0xFFFFFE60] =	vst v0  }
.Ltmp0:
0xbc: {  	[tilespmem:s0+$0xFFFFFE50] =	vst v0;
	(pc) =	sbr.rel @p1 .LBB2_2-.Ltmp0, $4  }
0xbd: {  	[tilespmem:s0+$0xFFFFFE40] =	vst v0  }
0xbe: {  	[tilespmem:s0+$0xFFFFFE30] =	vst v0  }
0xbf: {  	[tilespmem:s0+$0xFFFFFE20] =	vst v0  }
0xc0: {  	[tilespmem:s0+$0xFFFFFE10] =	vst v0  }
0xc1: {  	[tilespmem:s1+$0xFFFFFFC0] =	vst v0  }
0xc2: {  	[spmem:s21] =	stream.linear.scatter [tilespmem:s20], [sflag:$0x7], $0x2800, $0x38;
	[tilespmem:$0x1BCB0] =	vst v63  }
0xc3: {  	_ =	swait.ge [sflag:s29], $0x2800  }
0xc4: {  	[sflag:s29] =	ssyncset.done $0x0  }
0xc5: {  	[sflag:s29] =	ssyncadd.s32 $0xFFFFD800  }
0xc6: {  	[spmem:s24] =	stream.linear.scatter [tilespmem:s22], [sflag:$0x7], $0x500, $0x38;
	[tilespmem:$0x1BCB0] =	vst v63  }
0xc7: {  	_ =	swait.ge [sflag:s29], $0x500  }
0xc8: {  	[sflag:s29] =	ssyncset.done $0x0  }
0xc9: {  	s0 =	rddreg [dreg:$0x8];
	[sflag:s29] =	ssyncadd.s32 $0xFFFFFB00  }
0xca: {  	[spmem:s0] =	stream.linear.scatter [tilespmem:s20], [sflag:$0x7], $0x2800, $0x38;
	[tilespmem:$0x1BCB0] =	vst v63  }
0xcb: {  	_ =	swait.ge [sflag:s29], $0x2800  }
0xcc: {  	[sflag:s29] =	ssyncset.done $0x0  }
0xcd: {  	s21 =	rddreg [dreg:$0x9];
	[sflag:s29] =	ssyncadd.s32 $0xFFFFD800  }
0xce: {  	[spmem:s21] =	stream.linear.scatter [tilespmem:s22], [sflag:$0x7], $0x500, $0x38;
	[tilespmem:$0x1BCB0] =	vst v63  }
0xcf: {  	_ =	swait.ge [sflag:s29], $0x500  }
0xd0: {  	[sflag:s29] =	ssyncset.done $0x0  }
0xd1: {  	s24 =	rddreg [dreg:$0xa];
	[sflag:s29] =	ssyncadd.s32 $0xFFFFFB00  }
0xd2: {  	[spmem:s24] =	stream.linear.scatter [tilespmem:s20], [sflag:$0x7], $0x2800, $0x38;
	[tilespmem:$0x1BCB0] =	vst v63  }
0xd3: {  	_ =	swait.ge [sflag:s29], $0x2800  }
0xd4: {  	[sflag:s29] =	ssyncset.done $0x0  }
0xd5: {  	s1 =	rddreg [dreg:$0xc];
	[sflag:s29] =	ssyncadd.s32 $0xFFFFD800  }
0xd6: {  	[spmem:s1] =	stream.linear.scatter [tilespmem:s22], [sflag:$0x7], $0x500, $0x38;
	[tilespmem:$0x1BCB0] =	vst v63  }
0xd7: {  	_ =	swait.ge [sflag:s29], $0x500  }
0xd8: {  	[sflag:s29] =	ssyncset.done $0x0  }
0xd9: {  	s2 =	rddreg [dreg:$0xd];
	[sflag:s29] =	ssyncadd.s32 $0xFFFFFB00  }
0xda: {  	[spmem:s2] =	stream.linear.scatter [tilespmem:s20], [sflag:$0x7], $0x2800, $0x38;
	[tilespmem:$0x1BCB0] =	vst v63  }
0xdb: {  	_ =	swait.ge [sflag:s29], $0x2800  }
0xdc: {  	[sflag:s29] =	ssyncset.done $0x0  }
0xdd: {  	s12 =	rddreg [dreg:$0xf];
	[sflag:s29] =	ssyncadd.s32 $0xFFFFD800  }
0xde: {  	[spmem:s12] =	stream.linear.scatter [tilespmem:s22], [sflag:$0x7], $0x500, $0x38;
	[tilespmem:$0x1BCB0] =	vst v63  }
0xdf: {  	_ =	swait.ge [sflag:s29], $0x500  }
0xe0: {  	[sflag:s29] =	ssyncset.done $0x0  }
0xe1: {  	s21 =	rddreg [dreg:$0x10];
	[sflag:s29] =	ssyncadd.s32 $0xFFFFFB00  }
0xe2: {  	[spmem:s21] =	stream.linear.scatter [tilespmem:s20], [sflag:$0x7], $0x2800, $0x38;
	[tilespmem:$0x1BCB0] =	vst v63  }
0xe3: {  	_ =	swait.ge [sflag:s29], $0x2800  }
0xe4: {  	[sflag:s29] =	ssyncset.done $0x0  }
0xe5: {  	s24 =	rddreg [dreg:$0x11];
	[sflag:s29] =	ssyncadd.s32 $0xFFFFD800  }
0xe6: {  	[spmem:s24] =	stream.linear.scatter [tilespmem:s22], [sflag:$0x7], $0x500, $0x38;
	[tilespmem:$0x1BCB0] =	vst v63  }
0xe7: {  	_ =	swait.ge [sflag:s29], $0x500  }
0xe8: {  	[sflag:s29] =	ssyncset.done $0x0  }
0xe9: {  	s1 =	rddreg [dreg:$0x12];
	[sflag:s29] =	ssyncadd.s32 $0xFFFFFB00  }
0xea: {  	[spmem:s1] =	stream.linear.scatter [tilespmem:s20], [sflag:$0x7], $0x2800, $0x38;
	[tilespmem:$0x1BCB0] =	vst v63  }
0xeb: {  	_ =	swait.ge [sflag:s29], $0x2800  }
0xec: {  	[sflag:s29] =	ssyncset.done $0x0  }
0xed: {  	s2 =	rddreg [dreg:$0x13];
	[sflag:s29] =	ssyncadd.s32 $0xFFFFD800  }
0xee: {  	[spmem:s2] =	stream.linear.scatter [tilespmem:s22], [sflag:$0x7], $0x500, $0x38;
	[tilespmem:$0x1BCB0] =	vst v63  }
0xef: {  	_ =	swait.ge [sflag:s29], $0x500  }
0xf0: {  	[sflag:s29] =	ssyncset.done $0x0  }
0xf1: {  	s12 =	rddreg [dreg:$0x14];
	[sflag:s29] =	ssyncadd.s32 $0xFFFFFB00  }
0xf2: {  	[spmem:s12] =	stream.linear.scatter [tilespmem:s20], [sflag:$0x7], $0x2800, $0x38;
	[tilespmem:$0x1BCB0] =	vst v63  }
0xf3: {  	_ =	swait.ge [sflag:s29], $0x2800  }
0xf4: {  	[sflag:s29] =	ssyncset.done $0x0  }
0xf5: {  	s21 =	rddreg [dreg:$0x15];
	[sflag:s29] =	ssyncadd.s32 $0xFFFFD800  }
0xf6: {  	[spmem:s21] =	stream.linear.scatter [tilespmem:s22], [sflag:$0x7], $0x500, $0x38;
	[tilespmem:$0x1BCB0] =	vst v63  }
0xf7: {  	_ =	swait.ge [sflag:s29], $0x500  }
0xf8: {  	[sflag:s29] =	ssyncset.done $0x0  }
0xf9: {  	s24 =	rddreg [dreg:$0x16];
	[sflag:s29] =	ssyncadd.s32 $0xFFFFFB00  }
0xfa: {  	[spmem:s24] =	stream.linear.scatter [tilespmem:s20], [sflag:$0x7], $0x2000, $0x38;
	[tilespmem:$0x1BCB0] =	vst v63  }
0xfb: {  	_ =	swait.ge [sflag:s29], $0x2000  }
0xfc: {  	[sflag:s29] =	ssyncset.done $0x0  }
0xfd: {  	s1 =	rddreg [dreg:$0x17];
	[sflag:s29] =	ssyncadd.s32 $0xFFFFE000  }
0xfe: {  	[spmem:s1] =	stream.linear.scatter [tilespmem:s22], [sflag:$0x7], $0x400, $0x38;
	[tilespmem:$0x1BCB0] =	vst v63  }
0xff: {  	_ =	swait.ge [sflag:s29], $0x400  }
0x100: {  	[sflag:s29] =	ssyncset.done $0x0  }
0x101: {  	s0 =	simm.s32 @!p0 $0x16CB0;
	[sflag:s29] =	ssyncadd.s32 $0xFFFFFC00  }
0x102: {  	[spmem:s14] =	stream.linear.scatter @!p0 [tilespmem:s0], [sflag:$0x7], $0x800, $0x38;
	[tilespmem:$0x1BCB0] =	vst v63  }
0x103: {  	s0 =	simm.s32 @!p0 $0x7  }
0x104: {  	_ =	swait.ge @!p0 [sflag:s0], $0x800  }
0x105: {  	[sflag:s0] =	ssyncset.done @!p0 $0x0  }
0x106: {  	s1 =	simm.s32 @!p0 $0x162B0;
	[sflag:s0] =	ssyncadd.s32 @!p0 $0xFFFFF800  }
0x107: {  	[spmem:s25] =	stream.linear.scatter @!p0 [tilespmem:s1], [sflag:$0x7], $0x100, $0x38;
	[tilespmem:$0x1BCB0] =	vst v63  }
0x108: {  	_ =	swait.ge @!p0 [sflag:s0], $0x100  }
0x109: {  	[sflag:s0] =	ssyncset.done @!p0 $0x0  }
0x10a: {  	[sflag:s0] =	ssyncadd.s32 @!p0 $0xFFFFFF00  }
0x10b: {  	[bflag:$0x0] =	sbarrier.arrive $0xFFFF  }
0x10c: {  	s29 =	simm.s32 $0x0;
	s2 =	rddreg [dreg:$0x18]  }
0x10d: {  	[tilespmem:s23], [sflag:$0x1] =	stream.linear.gather [hbm4b:s2+s29], $0x50, $0x38;
	[tilespmem:$0x1BCB0] =	vst v63  }
0x10e: {  	s14 =	simm.s32 $0x16030;
	s12 =	rddreg [dreg:$0x19]  }
0x10f: {  	[tilespmem:s14], [sflag:$0x1] =	stream.linear.gather [hbm4b:s12+s29], $0x50, $0x38;
	[tilespmem:$0x1BCB0] =	vst v63  }
0x110: {  	s24 =	simm.s32 $0x160D0;
	s21 =	rddreg [dreg:$0x1a]  }
0x111: {  	[tilespmem:s24], [sflag:$0x1] =	stream.linear.gather [hbm4b:s21+s29], $0x50, $0x38;
	[tilespmem:$0x1BCB0] =	vst v63  }
0x112: {  	s25 =	rddreg [dreg:$0x1b]  }
0x113: {  	[tilespmem:s26], [sflag:$0x2] =	stream.linear.gather [hbm4b:s25+s29], $0x50, $0x38;
	[tilespmem:$0x1BCB0] =	vst v63  }
0x114: {  	s1 =	rddreg [dreg:$0x1c];
	s2 =	simm.s32 $0x16080  }
0x115: {  	[tilespmem:s2], [sflag:$0x2] =	stream.linear.gather [hbm4b:s1+s29], $0x50, $0x38;
	[tilespmem:$0x1BCB0] =	vst v63  }
0x116: {  	s12 =	rddreg [dreg:$0x1d];
	s14 =	simm.s32 $0x16120  }
0x117: {  	[tilespmem:s14], [sflag:$0x2] =	stream.linear.gather [hbm4b:s12+s29], $0x50, $0x38;
	[tilespmem:$0x1BCB0] =	vst v63  }
0x118: {  	_ =	swait.ge [sflag:s30], $0x50  }
0x119: {  	[sflag:s30] =	ssyncset.done $0x0  }
0x11a: {  	[sflag:s30] =	ssyncadd.s32 $0xFFFFFFB0  }
0x11b: {  	_ =	swait.ge [sflag:s30], $0x50  }
0x11c: {  	[sflag:s30] =	ssyncset.done $0x0  }
0x11d: {  	[sflag:s30] =	ssyncadd.s32 $0xFFFFFFB0  }
0x11e: {  	_ =	swait.ge [sflag:s30], $0x50  }
0x11f: {  	[sflag:s30] =	ssyncset.done $0x0  }
0x120: {  	[sflag:s30] =	ssyncadd.s32 $0xFFFFFFB0  }
0x121: {  	v1 =	vld [tilespmem:$0x15F90]  }
0x122: {  	v2 =	vld [tilespmem:$0x160D0]  }
0x123: {  	v3 =	vld [tilespmem:$0x16030]  }
0x124: {  	v4 =	vld [tilespmem:$0x15FA0]  }
0x125: {  	v5 =	vld [tilespmem:$0x160E0]  }
0x126: {  	v7 =	vld [tilespmem:$0x15FB0]  }
0x127: {  	v6 =	vld [tilespmem:$0x16040]  }
0x128: {  	v8 =	vld [tilespmem:$0x160F0]  }
0x129: {  	v9 =	vld [tilespmem:$0x16050]  }
0x12a: {  	v10 =	vld [tilespmem:$0x15FC0];
	v1 =	vmul.u32 $0x30, v1  }
0x12b: {  	v51 =	vld [tilespmem:$0x16100];
	[tilespmem:$0x16210] =	vst v3;
	v3 =	vmul.u32 $0x30, v7  }
0x12c: {  	v52 =	vld [tilespmem:$0x16060];
	v1 =	vadd.s32 v2, v1;
	v2 =	vmul.u32 $0x30, v4  }
0x12d: {  	v3 =	vadd.s32 v8, v3;
	[tilespmem:$0x16170] =	vst v1;
	v1 =	vld [tilespmem:$0x15FD0]  }
0x12e: {  	[tilespmem:$0x16190] =	vst v3;
	v3 =	vld [tilespmem:$0x16070];
	v2 =	vadd.s32 v5, v2  }
0x12f: {  	[tilespmem:$0x16180] =	vst v2;
	v2 =	vld [tilespmem:$0x16110]  }
0x130: {  	[tilespmem:$0x16220] =	vst v6;
	v53 =	vmul.u32 $0x30, v10  }
0x131: {  	[tilespmem:$0x16230] =	vst v9  }
0x132: {  	[tilespmem:$0x16240] =	vst v52;
	v4 =	vadd.s32 v51, v53;
	v1 =	vmul.u32 $0x30, v1  }
0x133: {  	[tilespmem:$0x161A0] =	vst v4  }
0x134: {  	[tilespmem:$0x16250] =	vst v3;
	v1 =	vadd.s32 v2, v1  }
0x135: {  	s21 =	simm.s32 $0x16170;
	[tilespmem:$0x161B0] =	vst v1  }
0x136: {  	[tilespmem:s22], [sflag:$0x3] =	stream.indirect.gather [hbm4b:s6+s31], $0x10, s21, s31, $0xb8;
	[tilespmem:$0x1BCB0] =	vst v63  }
0x137: {  	s24 =	rddreg [dreg:$0x1]  }
0x138: {  	[tilespmem:s20], [sflag:$0x3] =	stream.indirect.gather [hbm4b:s24+s31], $0x80, s23, s31, $0xb8;
	[tilespmem:$0x1BCB0] =	vst v63  }
0x139: {  	_ =	swait.ge [sflag:s9], $0x50  }
0x13a: {  	[sflag:s9] =	ssyncset.done $0x0  }
0x13b: {  	[sflag:s9] =	ssyncadd.s32 $0xFFFFFFB0  }
0x13c: {  	_ =	swait.ge [sflag:s9], $0x50  }
0x13d: {  	[sflag:s9] =	ssyncset.done $0x0  }
0x13e: {  	[sflag:s9] =	ssyncadd.s32 $0xFFFFFFB0  }
0x13f: {  	_ =	swait.ge [sflag:s9], $0x50  }
0x140: {  	[sflag:s9] =	ssyncset.done $0x0  }
0x141: {  	[sflag:s9] =	ssyncadd.s32 $0xFFFFFFB0  }
0x142: {  	v1 =	vld [tilespmem:$0x15FE0]  }
0x143: {  	v2 =	vld [tilespmem:$0x16120]  }
0x144: {  	v3 =	vld [tilespmem:$0x16080]  }
0x145: {  	v54 =	vld [tilespmem:$0x15FF0]  }
0x146: {  	v55 =	vld [tilespmem:$0x16130]  }
0x147: {  	v57 =	vld [tilespmem:$0x16000]  }
0x148: {  	v56 =	vld [tilespmem:$0x16090]  }
0x149: {  	v58 =	vld [tilespmem:$0x16140]  }
0x14a: {  	v59 =	vld [tilespmem:$0x160A0]  }
0x14b: {  	v60 =	vld [tilespmem:$0x16010];
	v1 =	vmul.u32 $0x30, v1  }
0x14c: {  	v61 =	vld [tilespmem:$0x16150];
	[tilespmem:$0x16260] =	vst v3;
	v3 =	vmul.u32 $0x30, v57  }
0x14d: {  	v62 =	vld [tilespmem:$0x160B0];
	v1 =	vadd.s32 v2, v1;
	v2 =	vmul.u32 $0x30, v54  }
0x14e: {  	v3 =	vadd.s32 v58, v3;
	[tilespmem:$0x161C0] =	vst v1;
	v1 =	vld [tilespmem:$0x16020]  }
0x14f: {  	[tilespmem:$0x161E0] =	vst v3;
	v3 =	vld [tilespmem:$0x160C0];
	v2 =	vadd.s32 v55, v2  }
0x150: {  	[tilespmem:$0x161D0] =	vst v2;
	v2 =	vld [tilespmem:$0x16160]  }
0x151: {  	[tilespmem:$0x16270] =	vst v56;
	v63 =	vmul.u32 $0x30, v60  }
0x152: {  	[tilespmem:$0x16280] =	vst v59  }
0x153: {  	[tilespmem:$0x16290] =	vst v62;
	v4 =	vadd.s32 v61, v63;
	v1 =	vmul.u32 $0x30, v1  }
0x154: {  	[tilespmem:$0x161F0] =	vst v4  }
0x155: {  	[tilespmem:$0x162A0] =	vst v3;
	v1 =	vadd.s32 v2, v1  }
0x156: {  	s25 =	simm.s32 $0x161C0;
	[tilespmem:$0x16200] =	vst v1  }
0x157: {  	[tilespmem:s15], [sflag:$0x4] =	stream.indirect.gather [hbm4b:s6+s31], $0x10, s25, s31, $0xb8;
	[tilespmem:$0x1BCB0] =	vst v63  }
0x158: {  	_ = 	snop  }
0x159: {  	[tilespmem:s16], [sflag:$0x4] =	stream.indirect.gather [hbm4b:s24+s31], $0x80, s26, s31, $0xb8;
	[tilespmem:$0x1BCB0] =	vst v63  }
.LBB2_4:
0x15a: {  	_ =	swait.ge [sflag:s17], $0x500  }
0x15b: {  	[sflag:s17] =	ssyncset.done $0x0  }
0x15c: {  	[sflag:s17] =	ssyncadd.s32 $0xFFFFFB00  }
0x15d: {  	_ =	swait.ge [sflag:s17], $0x2800  }
0x15e: {  	[sflag:s17] =	ssyncset.done $0x0  }
0x15f: {  	s12 =	simm.s32 $0x162F0;
	[sflag:s17] =	ssyncadd.s32 $0xFFFFD800  }
0x160: {  	v9 =	vld [tilespmem:s12+$0x30];
	_ =	sdelay $0x4  }
0x161: {  	v1 =	vmul.f32 $2.000000030e-01, v9;
	_ =	sdelay $0x1  }
0x162: {  	v1 =	vmax.f32 v9, v1  }
0x163: {  	v4 =	vld [tilespmem:s12+$0xFFFFFFD0];
	v1 =	vmul.f32 $1.442695020e+00, v1  }
0x164: {  	v3 =	vld [tilespmem:s12+$0xFFFFFFE0]  }
0x165: {  	v6 =	vld [tilespmem:s12+$0xFFFFFFF0];
	(erf) = vpow2.f32 v1  }
0x166: {  	v5 =	vld [tilespmem:s12+$0x0]  }
0x167: {  	s24 =	simm.s32 $0x16EB0;
	v10 =	vld [tilespmem:s12+$0xFFFFFFC0]  }
0x168: {  	v2 =	vld [tilespmem:s24+$0x180]  }
0x169: {  	v7 =	vld [tilespmem:s24+$0x190]  }
0x16a: {  	v8 =	vld [tilespmem:s24+$0x1A0]  }
0x16b: {  	v13 =	vld [tilespmem:s24+$0x1B0]  }
0x16c: {  	v14 =	vld [tilespmem:s24+$0x1C0]  }
0x16d: {  	v16 =	vld [tilespmem:s24+$0x1D0]  }
0x16e: {  	v17 =	vld [tilespmem:s24+$0x1E0];
	v11 =	vpop (erf)  }
0x16f: {  	v18 =	vld [tilespmem:s24+$0x1F0];
	v12 =	vbroadcast v11, $0x0  }
0x170: {  	v20 =	vld [tilespmem:s24+$0xFFFFFE00]  }
0x171: {  	v22 =	vld [tilespmem:s24+$0xFFFFFE10];
	v15 =	vmul.f32 v12, v2  }
0x172: {  	v24 =	vld [tilespmem:s24+$0xFFFFFE20]  }
0x173: {  	v25 =	vld [tilespmem:s24+$0xFFFFFE30];
	[tilespmem:s24+$0x180] =	vst v15;
	v15 =	vmul.f32 $2.000000030e-01, v4  }
0x174: {  	v26 =	vld [tilespmem:s24+$0xFFFFFE80];
	v19 =	vmul.f32 $2.000000030e-01, v3  }
0x175: {  	v27 =	vld [tilespmem:s24+$0xFFFFFE90];
	v21 =	vmul.f32 $2.000000030e-01, v6;
	v15 =	vmax.f32 v4, v15  }
0x176: {  	v29 =	vld [tilespmem:s24+$0xFFFFFEA0];
	v23 =	vmul.f32 $2.000000030e-01, v10;
	v19 =	vmax.f32 v3, v19;
	v15 =	vmul.f32 $1.442695020e+00, v15  }
0x177: {  	v32 =	vld [tilespmem:s24+$0xFFFFFEC0];
	v21 =	vmax.f32 v6, v21;
	v19 =	vmul.f32 $1.442695020e+00, v19  }
0x178: {  	v34 =	vld [tilespmem:s24+$0xFFFFFEE0];
	v23 =	vmax.f32 v10, v23;
	v21 =	vmul.f32 $1.442695020e+00, v21;
	(erf) = vpow2.f32 v15  }
0x179: {  	v61 =	vld [tilespmem:s24+$0xFFFFFFD0];
	v23 =	vmul.f32 $1.442695020e+00, v23;
	(erf) = vpow2.f32 v19  }
0x17a: {  	v63 =	vld [tilespmem:s24+$0x50];
	(erf) = vpow2.f32 v21  }
0x17b: {  	v48 =	vld [tilespmem:s24+$0x70];
	(erf) = vpow2.f32 v23  }
0x17c: {  	v49 =	vld [tilespmem:s24+$0x80];
	v28 =	vbroadcast v11, $0x1  }
0x17d: {  	v50 =	vld [tilespmem:s24+$0xA0];
	v7 =	vmul.f32 v12, v7  }
0x17e: {  	v39 =	vld [tilespmem:s24+$0xB0];
	v31 =	vbroadcast v11, $0x2;
	v30 =	vmul.f32 v28, v8  }
0x17f: {  	v43 =	vld [tilespmem:s24+$0xD0];
	v13 =	vmul.f32 v13, v28;
	[tilespmem:s24+$0x190] =	vst v7  }
0x180: {  	s0 =	simm.s32 $0x172B0;
	v45 =	vld [tilespmem:s24+$0xE0];
	v14 =	vmul.f32 v14, v31;
	[tilespmem:s24+$0x1A0] =	vst v30;
	v30 =	vbroadcast v11, $0x3  }
0x181: {  	v57 =	vld [tilespmem:s0+$0x1A0];
	[tilespmem:s24+$0x1B0] =	vst v13;
	v13 =	vmul.f32 v16, v31;
	v33 =	vpop (erf)  }
0x182: {  	v1 =	vld [tilespmem:s12+$0x10];
	[tilespmem:s24+$0x1C0] =	vst v14;
	v14 =	vmul.f32 v17, v30;
	v8 =	vpop (erf)  }
0x183: {  	v2 =	vld [tilespmem:s12+$0x20];
	[tilespmem:s24+$0x1D0] =	vst v13;
	v13 =	vmul.f32 v18, v30;
	v36 =	vbroadcast v33, $0x0;
	v7 =	vpop (erf)  }
0x184: {  	v12 =	vld [tilespmem:s24+$0xFFFFFEB0];
	[tilespmem:s24+$0x1E0] =	vst v14;
	v31 =	vpop (erf)  }
0x185: {  	v9 =	vsel vm0, v11, v9;
	v28 =	vld [tilespmem:s24+$0xFFFFFED0];
	[tilespmem:s24+$0x1F0] =	vst v13;
	v26 =	vmul.f32 v36, v26;
	v35 =	vbroadcast v31, $0x0  }
0x186: {  	v15 =	vld [tilespmem:s24+$0xFFFFFE40];
	[tilespmem:s12+$0x30] =	vst v9;
	v27 =	vmul.f32 v36, v27  }
0x187: {  	v19 =	vld [tilespmem:s24+$0xFFFFFE50];
	v30 =	vbroadcast v31, $0x1;
	[tilespmem:s24+$0xFFFFFE80] =	vst v26;
	v11 =	vmul.f32 v35, v20  }
0x188: {  	v21 =	vld [tilespmem:s24+$0xFFFFFE60];
	[tilespmem:s24+$0xFFFFFE90] =	vst v27;
	v9 =	vmul.f32 v35, v22  }
0x189: {  	v23 =	vld [tilespmem:s24+$0xFFFFFE70];
	v22 =	vbroadcast v31, $0x2;
	v24 =	vmul.f32 v30, v24;
	[tilespmem:s24+$0xFFFFFE00] =	vst v11  }
0x18a: {  	v60 =	vmul.f32 $2.000000030e-01, v5;
	v16 =	vld [tilespmem:s24+$0xFFFFFEF0];
	v25 =	vmul.f32 v25, v30;
	[tilespmem:s24+$0xFFFFFE10] =	vst v9  }
0x18b: {  	v17 =	vld [tilespmem:s24+$0xFFFFFF00];
	v30 =	vbroadcast v31, $0x3;
	v15 =	vmul.f32 v15, v22;
	[tilespmem:s24+$0xFFFFFE20] =	vst v24  }
0x18c: {  	v18 =	vld [tilespmem:s24+$0xFFFFFF10];
	v10 =	vsel vm0, v31, v10;
	v19 =	vmul.f32 v19, v22;
	[tilespmem:s24+$0xFFFFFE30] =	vst v25  }
0x18d: {  	v14 =	vld [tilespmem:s24+$0xFFFFFF20];
	v35 =	vmax.f32 v5, v60;
	v31 =	vbroadcast v33, $0x1;
	v21 =	vmul.f32 v21, v30;
	[tilespmem:s24+$0xFFFFFE40] =	vst v15  }
0x18e: {  	v13 =	vld [tilespmem:s24+$0xFFFFFF30];
	v35 =	vmul.f32 $1.442695020e+00, v35;
	v23 =	vmul.f32 v23, v30;
	[tilespmem:s24+$0xFFFFFE50] =	vst v19  }
0x18f: {  	v26 =	vld [tilespmem:s24+$0xFFFFFFE0];
	v25 =	vmul.f32 $2.000000030e-01, v1;
	v29 =	vmul.f32 v31, v29;
	[tilespmem:s24+$0xFFFFFE60] =	vst v21  }
0x190: {  	v27 =	vld [tilespmem:s24+$0xFFFFFFF0];
	v12 =	vmul.f32 v12, v31;
	v31 =	vbroadcast v33, $0x3;
	[tilespmem:s24+$0xFFFFFE70] =	vst v23  }
0x191: {  	v62 =	vbroadcast v8, $0x0;
	v20 =	vld [tilespmem:s24+$0xFFFFFF40];
	v30 =	vmul.f32 $2.000000030e-01, v2;
	[tilespmem:s24+$0xFFFFFEA0] =	vst v29  }
0x192: {  	v60 =	vld [tilespmem:s0+$0x1B0];
	(erf) = vpow2.f32 v35;
	v25 =	vmax.f32 v1, v25;
	[tilespmem:s24+$0xFFFFFEB0] =	vst v12;
	v12 =	vmul.f32 v34, v31  }
0x193: {  	v11 =	vld [tilespmem:s24+$0xFFFFFF50];
	v16 =	vmul.f32 v16, v31;
	v25 =	vmul.f32 $1.442695020e+00, v25;
	[tilespmem:s12+$0xFFFFFFC0] =	vst v10  }
0x194: {  	v9 =	vld [tilespmem:s24+$0xFFFFFF60];
	v10 =	vmax.f32 v2, v30;
	v30 =	vbroadcast v33, $0x2;
	[tilespmem:s24+$0xFFFFFEE0] =	vst v12;
	v12 =	vmul.f32 v62, v17  }
0x195: {  	v24 =	vld [tilespmem:s24+$0xFFFFFF70];
	v10 =	vmul.f32 $1.442695020e+00, v10;
	[tilespmem:s24+$0xFFFFFEF0] =	vst v16;
	v17 =	vmul.f32 v62, v18  }
0x196: {  	v22 =	vld [tilespmem:s24+$0xFFFFFF80];
	v16 =	vbroadcast v8, $0x2;
	v32 =	vmul.f32 v32, v30;
	[tilespmem:s24+$0xFFFFFF00] =	vst v12  }
0x197: {  	v35 =	vld [tilespmem:s0+$0xFFFFFF40];
	v28 =	vmul.f32 v28, v30;
	(erf) = vpow2.f32 v25;
	[tilespmem:s24+$0xFFFFFF10] =	vst v17  }
0x198: {  	v38 =	vbroadcast v7, $0x3;
	v15 =	vld [tilespmem:s24+$0xFFFFFF90];
	(erf) = vpow2.f32 v10;
	[tilespmem:s24+$0xFFFFFEC0] =	vst v32  }
0x199: {  	v4 =	vsel vm0, v33, v4;
	v19 =	vld [tilespmem:s24+$0xFFFFFFA0];
	v10 =	vbroadcast v8, $0x1;
	v17 =	vmul.f32 v20, v16;
	[tilespmem:s24+$0xFFFFFED0] =	vst v28  }
0x19a: {  	v21 =	vld [tilespmem:s24+$0xFFFFFFB0];
	v12 =	vbroadcast v7, $0x0;
	v11 =	vmul.f32 v11, v16;
	[tilespmem:s12+$0xFFFFFFD0] =	vst v4  }
0x19b: {  	s25 =	simm.s32 $0x16370;
	v23 =	vld [tilespmem:s24+$0xFFFFFFC0];
	v20 =	vbroadcast v7, $0x2;
	v14 =	vmul.f32 v10, v14;
	[tilespmem:s24+$0xFFFFFF40] =	vst v17  }
0x19c: {  	v16 =	vld [tilespmem:s25+$0xFFFFFFD0];
	v4 =	vbroadcast v8, $0x3;
	v10 =	vmul.f32 v13, v10;
	[tilespmem:s24+$0xFFFFFF50] =	vst v11  }
0x19d: {  	v29 =	vld [tilespmem:s24+$0x0];
	v13 =	vbroadcast v7, $0x1;
	v17 =	vmul.f32 v26, v38;
	[tilespmem:s24+$0xFFFFFF20] =	vst v14  }
0x19e: {  	v30 =	vld [tilespmem:s24+$0x10];
	v26 =	vmul.f32 v27, v38;
	[tilespmem:s24+$0xFFFFFF30] =	vst v10;
	v37 =	vpop (erf);
	v9 =	vmul.f32 v9, v4  }
0x19f: {  	v25 =	vld [tilespmem:s24+$0x20];
	v4 =	vmul.f32 v24, v4;
	[tilespmem:s24+$0xFFFFFFE0] =	vst v17;
	v40 =	vbroadcast v37, $0x0  }
0x1a0: {  	v18 =	vld [tilespmem:s24+$0x60];
	[tilespmem:s24+$0xFFFFFFF0] =	vst v26;
	v41 =	vbroadcast v37, $0x1;
	v42 =	vbroadcast v37, $0x2  }
0x1a1: {  	v31 =	vld [tilespmem:s24+$0x40];
	v44 =	vbroadcast v37, $0x3;
	v53 =	vmul.f32 $2.000000030e-01, v16;
	[tilespmem:s24+$0xFFFFFF60] =	vst v9  }
0x1a2: {  	v3 =	vsel vm0, v8, v3;
	v28 =	vld [tilespmem:s24+$0x30];
	v9 =	vmul.f32 v12, v22;
	[tilespmem:s24+$0xFFFFFF70] =	vst v4;
	v4 =	vmul.f32 v12, v15  }
0x1a3: {  	v32 =	vld [tilespmem:s0+$0xFFFFFF10];
	[tilespmem:s12+$0xFFFFFFE0] =	vst v3;
	v3 =	vmul.f32 v13, v19;
	v29 =	vmul.f32 v40, v29  }
0x1a4: {  	v11 =	vld [tilespmem:s25+$0xFFFFFFE0];
	v26 =	vmul.f32 v40, v30;
	v25 =	vmul.f32 v41, v25;
	[tilespmem:s24+$0xFFFFFF80] =	vst v9  }
0x1a5: {  	v7 =	vsel vm0, v7, v6;
	v10 =	vld [tilespmem:s25+$0x30];
	v30 =	vmul.f32 v63, v42;
	v18 =	vmul.f32 v18, v44;
	[tilespmem:s24+$0xFFFFFF90] =	vst v4  }
0x1a6: {  	v6 =	vld [tilespmem:s25+$0xFFFFFFC0];
	v34 =	vmax.f32 v16, v53;
	v8 =	vpop (erf);
	v9 =	vmul.f32 v21, v13;
	v4 =	vmul.f32 v23, v20;
	[tilespmem:s24+$0xFFFFFFA0] =	vst v3  }
0x1a7: {  	v14 =	vld [tilespmem:s24+$0x90];
	v34 =	vmul.f32 $1.442695020e+00, v34;
	v22 =	vbroadcast v8, $0x0;
	[tilespmem:s24+$0x0] =	vst v29  }
0x1a8: {  	v24 =	vld [tilespmem:s24+$0xC0];
	v46 =	vbroadcast v8, $0x1;
	v47 =	vbroadcast v8, $0x2;
	[tilespmem:s24+$0x10] =	vst v26  }
0x1a9: {  	v19 =	vld [tilespmem:s24+$0xF0];
	v21 =	vbroadcast v8, $0x3;
	v3 =	vmul.f32 v61, v20;
	[tilespmem:s24+$0x20] =	vst v25  }
0x1aa: {  	v13 =	vld [tilespmem:s25+$0x0];
	v12 =	vmul.f32 $2.000000030e-01, v10;
	v29 =	vmul.f32 v31, v42;
	[tilespmem:s24+$0x50] =	vst v30  }
0x1ab: {  	v15 =	vpop (erf);
	v26 =	vld [tilespmem:s24+$0x120];
	v31 =	vmul.f32 v48, v44;
	[tilespmem:s24+$0x60] =	vst v18;
	v61 =	vmul.f32 $2.000000030e-01, v6  }
0x1ac: {  	v25 =	vld [tilespmem:s24+$0x130];
	[tilespmem:s24+$0xFFFFFFB0] =	vst v9;
	v20 =	vbroadcast v15, $0x0;
	v23 =	vbroadcast v15, $0x1  }
0x1ad: {  	v30 =	vld [tilespmem:s24+$0x160];
	[tilespmem:s24+$0xFFFFFFC0] =	vst v4;
	v17 =	vbroadcast v15, $0x3;
	v27 =	vmax.f32 v10, v12;
	v12 =	vbroadcast v15, $0x2  }
0x1ae: {  	v18 =	vld [tilespmem:s0+$0x180];
	[tilespmem:s24+$0xFFFFFFD0] =	vst v3;
	v51 =	vmul.f32 v22, v49;
	v14 =	vmul.f32 v22, v14  }
0x1af: {  	v9 =	vld [tilespmem:s25+$0xFFFFFFF0];
	v52 =	vmul.f32 v39, v46;
	[tilespmem:s24+$0x40] =	vst v29;
	v27 =	vmul.f32 $1.442695020e+00, v27  }
0x1b0: {  	v4 =	vld [tilespmem:s25+$0x10];
	v24 =	vmul.f32 v24, v47;
	v54 =	vmul.f32 v43, v47;
	[tilespmem:s24+$0x70] =	vst v31  }
0x1b1: {  	v3 =	vld [tilespmem:s25+$0x20];
	v55 =	vmul.f32 v45, v21;
	[tilespmem:s12+$0xFFFFFFF0] =	vst v7;
	(erf) = vpow2.f32 v27  }
0x1b2: {  	v22 =	vld [tilespmem:s24+$0x140];
	v21 =	vmul.f32 v19, v21;
	v19 =	vmul.f32 $2.000000030e-01, v11;
	[tilespmem:s24+$0x80] =	vst v51  }
0x1b3: {  	v29 =	vld [tilespmem:s24+$0x150];
	v58 =	vmul.f32 $2.000000030e-01, v13;
	[tilespmem:s24+$0x90] =	vst v14;
	v27 =	vmul.f32 v28, v41  }
0x1b4: {  	v7 =	vld [tilespmem:s24+$0x100];
	[tilespmem:s24+$0xB0] =	vst v52;
	v26 =	vmul.f32 v23, v26;
	v23 =	vmul.f32 v25, v23  }
0x1b5: {  	v5 =	vsel vm0, v37, v5;
	v31 =	vld [tilespmem:s0+$0x190];
	[tilespmem:s24+$0xC0] =	vst v24;
	v56 =	vmul.f32 $2.000000030e-01, v9;
	(erf) = vpow2.f32 v34  }
0x1b6: {  	v47 =	vld [tilespmem:s0+$0x1E0];
	v53 =	vmax.f32 v13, v58;
	[tilespmem:s24+$0x30] =	vst v27;
	v27 =	vmul.f32 v46, v50;
	v63 =	vmul.f32 $2.000000030e-01, v3  }
0x1b7: {  	v1 =	vsel vm0, v8, v1;
	[tilespmem:s24+$0xD0] =	vst v54;
	v28 =	vld [tilespmem:s24+$0x110];
	v34 =	vmul.f32 $1.442695020e+00, v53;
	v8 =	vmul.f32 v22, v12  }
0x1b8: {  	v49 =	vld [tilespmem:s0+$0xFFFFFE00];
	v12 =	vmul.f32 v29, v12;
	v22 =	vmul.f32 v30, v17;
	[tilespmem:s12+$0x0] =	vst v5;
	v5 =	vmax.f32 v11, v19  }
0x1b9: {  	v45 =	vld [tilespmem:s0+$0xFFFFFF00];
	[tilespmem:s24+$0xE0] =	vst v55;
	v19 =	vmul.f32 $2.000000030e-01, v4;
	v37 =	vmax.f32 v9, v56;
	v7 =	vmul.f32 v20, v7  }
0x1ba: {  	v14 =	vld [tilespmem:s0+$0x1C0];
	[tilespmem:s24+$0xF0] =	vst v21;
	v62 =	vmul.f32 $1.442695020e+00, v5;
	v37 =	vmul.f32 $1.442695020e+00, v37;
	v5 =	vmax.f32 v6, v61;
	v39 =	vpop (erf)  }
0x1bb: {  	v24 =	vld [tilespmem:s0+$0x1F0];
	[tilespmem:s24+$0x120] =	vst v26;
	v56 =	vmax.f32 v3, v63;
	v48 =	vmul.f32 $1.442695020e+00, v5;
	v59 =	vbroadcast v39, $0x0  }
0x1bc: {  	v52 =	vld [tilespmem:s0+$0xFFFFFE10];
	[tilespmem:s24+$0x130] =	vst v23;
	v36 =	vmul.f32 $1.442695020e+00, v56;
	v20 =	vmul.f32 v20, v28  }
0x1bd: {  	[tilespmem:s24+$0xA0] =	vst v27;
	v5 =	vld [tilespmem:s24+$0x170];
	v19 =	vmax.f32 v4, v19;
	(erf) = vpow2.f32 v62;
	v18 =	vmul.f32 v59, v18  }
0x1be: {  	v27 =	vld [tilespmem:s0+$0x1D0];
	[tilespmem:s24+$0x140] =	vst v8;
	v19 =	vmul.f32 $1.442695020e+00, v19;
	(erf) = vpow2.f32 v37  }
0x1bf: {  	v55 =	vld [tilespmem:s0+$0xFFFFFE30];
	(erf) = vpow2.f32 v48;
	[tilespmem:s0+$0x180] =	vst v18;
	v18 =	vbroadcast v39, $0x1  }
0x1c0: {  	v21 =	vld [tilespmem:s0+$0xFFFFFEA0];
	[tilespmem:s24+$0x150] =	vst v12;
	v51 =	vbroadcast v39, $0x2;
	v54 =	vbroadcast v39, $0x3  }
0x1c1: {  	v26 =	vld [tilespmem:s0+$0xFFFFFEE0];
	[tilespmem:s12+$0x10] =	vst v1;
	v50 =	vmul.f32 v18, v57;
	v18 =	vmul.f32 v60, v18  }
0x1c2: {  	v1 =	vld [tilespmem:s0+$0xFFFFFEB0];
	[tilespmem:s24+$0x110] =	vst v20;
	(erf) = vpow2.f32 v34;
	v5 =	vmul.f32 v5, v17  }
0x1c3: {  	v20 =	vld [tilespmem:s0+$0xFFFFFED0];
	v28 =	vpop (erf);
	(erf) = vpow2.f32 v19;
	[tilespmem:s0+$0x1B0] =	vst v18;
	v18 =	vmul.f32 v27, v51  }
0x1c4: {  	v23 =	vld [tilespmem:s0+$0xFFFFFEF0];
	[tilespmem:s24+$0x160] =	vst v22;
	v29 =	vbroadcast v28, $0x0;
	v62 =	vbroadcast v28, $0x1  }
0x1c5: {  	v58 =	vld [tilespmem:s0+$0xFFFFFE80];
	v31 =	vmul.f32 v59, v31;
	[tilespmem:s0+$0x1D0] =	vst v18;
	v18 =	vmul.f32 v24, v54  }
0x1c6: {  	v22 =	vld [tilespmem:s0+$0xFFFFFF20];
	[tilespmem:s24+$0x100] =	vst v7;
	v63 =	vbroadcast v28, $0x2;
	v14 =	vmul.f32 v14, v51  }
0x1c7: {  	v7 =	vld [tilespmem:s0+$0xFFFFFEC0];
	v42 =	vbroadcast v28, $0x3;
	(erf) = vpow2.f32 v36;
	[tilespmem:s0+$0x190] =	vst v31  }
0x1c8: {  	v37 =	vld [tilespmem:s0+$0xFFFFFF30];
	v1 =	vmul.f32 v1, v62;
	v20 =	vmul.f32 v20, v63;
	[tilespmem:s0+$0x1C0] =	vst v14  }
0x1c9: {  	v17 =	vld [tilespmem:s0+$0x60];
	v26 =	vmul.f32 v26, v42;
	v23 =	vmul.f32 v23, v42;
	[tilespmem:s0+$0x1F0] =	vst v18;
	v18 =	vpop (erf)  }
0x1ca: {  	v42 =	vld [tilespmem:s0+$0x20];
	v14 =	vmul.f32 v47, v54;
	[tilespmem:s0+$0xFFFFFEB0] =	vst v1;
	v43 =	vbroadcast v18, $0x0  }
0x1cb: {  	v31 =	vld [tilespmem:s0+$0xFFFFFE20];
	[tilespmem:s0+$0xFFFFFED0] =	vst v20;
	v19 =	vpop (erf);
	v44 =	vbroadcast v18, $0x1;
	v46 =	vbroadcast v18, $0x2  }
0x1cc: {  	v20 =	vld [tilespmem:s0+$0x10];
	[tilespmem:s0+$0xFFFFFEF0] =	vst v23;
	v47 =	vbroadcast v18, $0x3;
	v48 =	vbroadcast v19, $0x1  }
0x1cd: {  	v23 =	vld [tilespmem:s0+$0x30];
	[tilespmem:s0+$0x1A0] =	vst v50;
	v25 =	vpop (erf);
	v38 =	vbroadcast v19, $0x2;
	v50 =	vbroadcast v19, $0x3  }
0x1ce: {  	[tilespmem:s0+$0xFFFFFEE0] =	vst v26;
	v57 =	vld [tilespmem:s0+$0xFFFFFE50];
	v30 =	vbroadcast v25, $0x0;
	v59 =	vbroadcast v25, $0x1  }
0x1cf: {  	v10 =	vsel vm0, v39, v10;
	[tilespmem:s0+$0x1E0] =	vst v14;
	v14 =	vld [tilespmem:s0+$0xFFFFFE70];
	v60 =	vbroadcast v25, $0x2;
	v32 =	vmul.f32 v43, v32  }
0x1d0: {  	v27 =	vld [tilespmem:s0+$0xFFFFFE40];
	[tilespmem:s25+$0x30] =	vst v10;
	v61 =	vbroadcast v25, $0x3;
	v22 =	vmul.f32 v44, v22  }
0x1d1: {  	v24 =	vld [tilespmem:s0+$0xFFFFFE60];
	v26 =	vmul.f32 v37, v44;
	v35 =	vmul.f32 v35, v46;
	[tilespmem:s0+$0xFFFFFF10] =	vst v32  }
0x1d2: {  	v54 =	vld [tilespmem:s0+$0xFFFFFF90];
	v8 =	vmul.f32 v30, v49;
	v12 =	vmul.f32 v30, v52;
	[tilespmem:s0+$0xFFFFFF20] =	vst v22  }
0x1d3: {  	v10 =	vld [tilespmem:s0+$0xFFFFFE90];
	v30 =	vbroadcast v19, $0x0;
	v31 =	vmul.f32 v59, v31;
	v49 =	vpop (erf);
	[tilespmem:s0+$0xFFFFFF30] =	vst v26  }
0x1d4: {  	v6 =	vsel vm0, v25, v6;
	v25 =	vld [tilespmem:s0+$0xFFFFFFA0];
	v36 =	vbroadcast v49, $0x0;
	v51 =	vbroadcast v49, $0x1;
	[tilespmem:s0+$0xFFFFFE00] =	vst v8  }
0x1d5: {  	v52 =	vbroadcast v49, $0x2;
	[tilespmem:s0+$0xFFFFFE10] =	vst v12;
	v12 =	vmul.f32 v27, v60;
	v27 =	vld [tilespmem:s0+$0xFFFFFF50]  }
0x1d6: {  	v39 =	vpop (erf);
	v8 =	vmul.f32 v55, v59;
	[tilespmem:s0+$0xFFFFFE20] =	vst v31;
	v31 =	vmul.f32 v57, v60;
	v60 =	vld [tilespmem:s0+$0xFFFFFF60]  }
0x1d7: {  	[tilespmem:s0+$0xFFFFFF40] =	vst v35;
	v53 =	vbroadcast v49, $0x3;
	v55 =	vbroadcast v39, $0x0;
	v56 =	vpop (erf);
	v57 =	vld [tilespmem:s0+$0xFFFFFFE0]  }
0x1d8: {  	v54 =	vmul.f32 v30, v54;
	v59 =	vld [tilespmem:s0+$0x70];
	v1 =	vbroadcast v56, $0x3;
	[tilespmem:s0+$0xFFFFFE30] =	vst v8  }
0x1d9: {  	v25 =	vmul.f32 v48, v25;
	v8 =	vmul.f32 v24, v61;
	[tilespmem:s0+$0xFFFFFE40] =	vst v12;
	v24 =	vld [tilespmem:s0+$0xFFFFFF70]  }
0x1da: {  	v2 =	vsel vm0, v15, v2;
	v15 =	vmul.f32 v17, v53;
	v12 =	vmul.f32 v14, v61;
	[tilespmem:s0+$0xFFFFFE50] =	vst v31;
	v31 =	vld [tilespmem:s0+$0xFFFFFF80]  }
0x1db: {  	v14 =	vbroadcast v39, $0x1;
	v61 =	vld [tilespmem:s0+$0xFFFFFFB0];
	[tilespmem:s0+$0xFFFFFE60] =	vst v8;
	v8 =	vmul.f32 v29, v58  }
0x1dc: {  	[tilespmem:s0+$0xFFFFFE70] =	vst v12;
	v29 =	vmul.f32 v29, v10;
	v12 =	vbroadcast v39, $0x2;
	v58 =	vld [tilespmem:s0+$0x0]  }
0x1dd: {  	v10 =	vbroadcast v39, $0x3;
	[tilespmem:s25+$0xFFFFFFC0] =	vst v6;
	v6 =	vmul.f32 v62, v21;
	v21 =	vld [tilespmem:s0+$0xFFFFFFC0]  }
0x1de: {  	v62 =	vld [tilespmem:s0+$0xFFFFFFD0];
	v27 =	vmul.f32 v27, v46;
	v33 =	vmul.f32 v60, v47;
	[tilespmem:s0+$0xFFFFFE80] =	vst v8  }
0x1df: {  	v60 =	vld [tilespmem:s0+$0x80];
	[tilespmem:s0+$0xFFFFFE90] =	vst v29;
	v8 =	vbroadcast v56, $0x0;
	v29 =	vmul.f32 v7, v63  }
0x1e0: {  	v7 =	vbroadcast v56, $0x1;
	v63 =	vld [tilespmem:s0+$0xFFFFFFF0];
	[tilespmem:s0+$0xFFFFFEA0] =	vst v6;
	v6 =	vbroadcast v56, $0x2  }
0x1e1: {  	v16 =	vsel vm0, v28, v16;
	v37 =	vmul.f32 v24, v47;
	v28 =	vmul.f32 v61, v48;
	v61 =	vld [tilespmem:s0+$0x90];
	[tilespmem:s0+$0xFFFFFF50] =	vst v27  }
0x1e2: {  	v44 =	vmul.f32 v30, v31;
	[tilespmem:s0+$0xFFFFFEC0] =	vst v29;
	v29 =	vmul.f32 v43, v45;
	v43 =	vld [tilespmem:s0+$0x50]  }
0x1e3: {  	v31 =	vmul.f32 v57, v50;
	v27 =	vmul.f32 v36, v20;
	[tilespmem:s25+$0xFFFFFFD0] =	vst v16;
	v16 =	vld [tilespmem:s0+$0x40]  }
0x1e4: {  	[tilespmem:s0+$0xFFFFFF90] =	vst v54;
	v24 =	vmul.f32 v23, v51;
	v30 =	vmul.f32 v62, v38;
	v62 =	vld [tilespmem:s0+$0xA0]  }
0x1e5: {  	v4 =	vsel vm0, v39, v4;
	[tilespmem:s0+$0xFFFFFF60] =	vst v33;
	v33 =	vld [tilespmem:s0+$0xB0];
	v23 =	vmul.f32 v59, v53;
	v26 =	vmul.f32 v36, v58  }
0x1e6: {  	[tilespmem:s0+$0xFFFFFF00] =	vst v29;
	v29 =	vmul.f32 v21, v38;
	v32 =	vmul.f32 v63, v50;
	v63 =	vsel vm0, v18, v11;
	v18 =	vld [tilespmem:s0+$0xC0]  }
0x1e7: {  	v34 =	vld [tilespmem:s0+$0xD0];
	[tilespmem:s0+$0xFFFFFF70] =	vst v37;
	v21 =	vmul.f32 v51, v42;
	v11 =	vsel vm0, v19, v9;
	v19 =	vmul.f32 v55, v61  }
0x1e8: {  	v35 =	vld [tilespmem:s0+$0xE0];
	v3 =	vsel vm0, v56, v3;
	[tilespmem:s0+$0xFFFFFF80] =	vst v44;
	v22 =	vmul.f32 v43, v52;
	v20 =	vmul.f32 v16, v52  }
0x1e9: {  	s2 =	simm.s32 $0x8;
	s14 =	simm.s32 $0x163F0;
	s21 =	simm.s32 $0x172B0;
	v36 =	vld [tilespmem:s0+$0xF0];
	v9 =	vsel vm0, v49, v13;
	[tilespmem:s25+$0xFFFFFFE0] =	vst v63;
	v16 =	vmul.f32 v55, v60;
	v13 =	vmul.f32 v14, v62  }
.LBB2_5:
0x1ea: {  	v17 =	vld [tilespmem:s14+$0x30];
	[tilespmem:s0+$0xFFFFFFA0] =	vst v25;
	v25 =	vmul.f32 v33, v14  }
0x1eb: {  	v33 =	vld [tilespmem:s14+$0xFFFFFFD0];
	[tilespmem:s0+$0xFFFFFFB0] =	vst v28;
	v28 =	vmul.f32 v18, v12  }
0x1ec: {  	v37 =	vld [tilespmem:s14+$0xFFFFFFE0];
	[tilespmem:s0+$0xFFFFFFC0] =	vst v29;
	v29 =	vmul.f32 v34, v12  }
0x1ed: {  	v34 =	vld [tilespmem:s14+$0xFFFFFFF0];
	[tilespmem:s0+$0xFFFFFFD0] =	vst v30;
	v30 =	vmul.f32 v35, v10  }
0x1ee: {  	v18 =	vld [tilespmem:s14+$0x0];
	[tilespmem:s0+$0xFFFFFFE0] =	vst v31;
	v10 =	vmul.f32 v36, v10  }
0x1ef: {  	v14 =	vld [tilespmem:s14+$0x10];
	v31 =	vmul.f32 $2.000000030e-01, v17;
	[tilespmem:s0+$0xFFFFFFF0] =	vst v32  }
0x1f0: {  	s2 =	sadd.s32 $0x8, s2;
	v32 =	vmul.f32 $2.000000030e-01, v33;
	v12 =	vld [tilespmem:s14+$0x20];
	[tilespmem:s25+$0xFFFFFFF0] =	vst v11  }
0x1f1: {  	p1 =	slt.u32 s2, $0x48;
	v35 =	vld [tilespmem:s14+$0xFFFFFFC0];
	v11 =	vmul.f32 $2.000000030e-01, v37;
	v31 =	vmax.f32 v17, v31;
	[tilespmem:s0+$0x0] =	vst v26  }
0x1f2: {  	v26 =	vmax.f32 v33, v32;
	v32 =	vmul.f32 $2.000000030e-01, v34;
	v31 =	vmul.f32 $1.442695020e+00, v31;
	[tilespmem:s0+$0x10] =	vst v27;
	v27 =	vld [tilespmem:s0+$0x100]  }
0x1f3: {  	v26 =	vmul.f32 $1.442695020e+00, v26;
	v11 =	vmax.f32 v37, v11;
	v36 =	vmul.f32 $2.000000030e-01, v18;
	v38 =	vld [tilespmem:s0+$0x110]  }
0x1f4: {  	v32 =	vmax.f32 v34, v32;
	v39 =	vmul.f32 $2.000000030e-01, v14;
	(erf) = vpow2.f32 v31;
	[tilespmem:s0+$0x20] =	vst v21;
	v21 =	vld [tilespmem:s0+$0x120]  }
0x1f5: {  	v11 =	vmul.f32 $1.442695020e+00, v11;
	v31 =	vmax.f32 v18, v36;
	v36 =	vmul.f32 $2.000000030e-01, v12;
	[tilespmem:s0+$0x30] =	vst v24;
	v24 =	vld [tilespmem:s0+$0x130]  }
0x1f6: {  	v32 =	vmul.f32 $1.442695020e+00, v32;
	v40 =	vmul.f32 $2.000000030e-01, v35;
	v39 =	vmax.f32 v14, v39;
	[tilespmem:s0+$0x40] =	vst v20;
	v20 =	vld [tilespmem:s0+$0x140]  }
0x1f7: {  	v31 =	vmul.f32 $1.442695020e+00, v31;
	v39 =	vmul.f32 $1.442695020e+00, v39;
	v36 =	vmax.f32 v12, v36;
	[tilespmem:s0+$0x50] =	vst v22;
	v22 =	vld [tilespmem:s0+$0x150]  }
0x1f8: {  	v40 =	vmax.f32 v35, v40;
	v36 =	vmul.f32 $1.442695020e+00, v36;
	(erf) = vpow2.f32 v26;
	[tilespmem:s0+$0x60] =	vst v15;
	v26 =	vld [tilespmem:s0+$0x160]  }
0x1f9: {  	v40 =	vmul.f32 $1.442695020e+00, v40;
	(erf) = vpow2.f32 v11;
	[tilespmem:s0+$0x70] =	vst v23;
	v15 =	vld [tilespmem:s0+$0x170]  }
0x1fa: {  	v27 =	vmul.f32 v8, v27;
	s0 =	sadd.s32 $0x400, s0;
	(erf) = vpow2.f32 v32;
	[tilespmem:s25+$0x0] =	vst v9  }
0x1fb: {  	v8 =	vmul.f32 v8, v38;
	v9 =	vld [tilespmem:s0+$0x180];
	(erf) = vpow2.f32 v40;
	[tilespmem:s21+$0x80] =	vst v16  }
0x1fc: {  	v11 =	vld [tilespmem:s0+$0x190];
	(erf) = vpow2.f32 v31;
	[tilespmem:s21+$0x90] =	vst v19;
	v31 =	vmul.f32 v7, v21  }
0x1fd: {  	v7 =	vmul.f32 v24, v7;
	v19 =	vld [tilespmem:s0+$0x1A0];
	(erf) = vpow2.f32 v39;
	v23 =	vpop (erf);
	[tilespmem:s21+$0xA0] =	vst v13  }
0x1fe: {  	v13 =	vbroadcast v23, $0x0;
	v21 =	vld [tilespmem:s0+$0x1B0];
	(erf) = vpow2.f32 v36;
	[tilespmem:s21+$0xB0] =	vst v25  }
0x1ff: {  	v25 =	vmul.f32 v20, v6;
	v6 =	vmul.f32 v22, v6;
	v24 =	vld [tilespmem:s0+$0x1C0];
	[tilespmem:s21+$0xC0] =	vst v28  }
0x200: {  	v20 =	vbroadcast v23, $0x1;
	v9 =	vmul.f32 v13, v9;
	v22 =	vld [tilespmem:s0+$0x1D0];
	[tilespmem:s21+$0xD0] =	vst v29  }
0x201: {  	v26 =	vmul.f32 v26, v1;
	v11 =	vmul.f32 v13, v11;
	v28 =	vld [tilespmem:s0+$0x1E0];
	v29 =	vpop (erf);
	[tilespmem:s21+$0xE0] =	vst v30  }
0x202: {  	v16 =	vsel vm0, v29, v33;
	[tilespmem:s0+$0x180] =	vst v9;
	v9 =	vmul.f32 v20, v19;
	v19 =	vbroadcast v23, $0x2;
	v30 =	vld [tilespmem:s0+$0x1F0];
	v32 =	vpop (erf)  }
0x203: {  	v36 =	vbroadcast v29, $0x0;
	v33 =	vld [tilespmem:s0+$0xFFFFFE00];
	v13 =	vsel vm0, v32, v37;
	[tilespmem:s0+$0x190] =	vst v11;
	v20 =	vmul.f32 v21, v20;
	v37 =	vpop (erf)  }
0x204: {  	v38 =	vld [tilespmem:s0+$0xFFFFFE10];
	v11 =	vsel vm0, v37, v34;
	[tilespmem:s0+$0x1A0] =	vst v9;
	v44 =	vmul.f32 v24, v19;
	v34 =	vbroadcast v23, $0x3;
	v39 =	vpop (erf)  }
0x205: {  	v21 =	vsel vm0, v39, v35;
	v35 =	vbroadcast v39, $0x0;
	v40 =	vld [tilespmem:s0+$0xFFFFFE20];
	[tilespmem:s0+$0x1B0] =	vst v20;
	v19 =	vmul.f32 v22, v19;
	v41 =	vpop (erf)  }
0x206: {  	v42 =	vbroadcast v39, $0x1;
	v43 =	vld [tilespmem:s0+$0xFFFFFE30];
	v9 =	vsel vm0, v41, v18;
	[tilespmem:s0+$0x1C0] =	vst v44;
	v18 =	vmul.f32 v28, v34;
	v24 =	vpop (erf)  }
0x207: {  	v44 =	vbroadcast v39, $0x2;
	v28 =	vld [tilespmem:s0+$0xFFFFFE40];
	v14 =	vsel vm0, v24, v14;
	[tilespmem:s0+$0x1D0] =	vst v19;
	v19 =	vmul.f32 v30, v34;
	v30 =	vpop (erf)  }
0x208: {  	v45 =	vbroadcast v29, $0x1;
	v39 =	vbroadcast v39, $0x3;
	v34 =	vld [tilespmem:s0+$0xFFFFFE50];
	v46 =	vsel vm0, v30, v12;
	[tilespmem:s0+$0x1E0] =	vst v18  }
0x209: {  	v48 =	vbroadcast v29, $0x2;
	v29 =	vbroadcast v29, $0x3;
	v12 =	vsel vm0, v23, v17;
	v47 =	vld [tilespmem:s0+$0xFFFFFE60];
	[tilespmem:s0+$0x1F0] =	vst v19  }
0x20a: {  	v50 =	vbroadcast v32, $0x0;
	v51 =	vbroadcast v32, $0x1;
	v49 =	vld [tilespmem:s0+$0xFFFFFE70];
	[tilespmem:s14+$0x30] =	vst v12  }
0x20b: {  	v53 =	vbroadcast v32, $0x2;
	v32 =	vbroadcast v32, $0x3;
	v52 =	vld [tilespmem:s0+$0xFFFFFE80];
	[tilespmem:s21+$0xF0] =	vst v10  }
0x20c: {  	v55 =	vbroadcast v37, $0x0;
	v56 =	vbroadcast v37, $0x1;
	v54 =	vld [tilespmem:s0+$0xFFFFFE90];
	[tilespmem:s25+$0x10] =	vst v4;
	v4 =	vmov v14  }
0x20d: {  	v58 =	vbroadcast v37, $0x2;
	v23 =	vbroadcast v37, $0x3;
	v57 =	vld [tilespmem:s0+$0xFFFFFEA0];
	[tilespmem:s21+$0x100] =	vst v27  }
0x20e: {  	v22 =	vbroadcast v41, $0x0;
	v20 =	vbroadcast v41, $0x1;
	v27 =	vld [tilespmem:s0+$0xFFFFFEB0];
	[tilespmem:s21+$0x110] =	vst v8  }
0x20f: {  	v18 =	vbroadcast v41, $0x3;
	v19 =	vbroadcast v41, $0x2;
	v37 =	vld [tilespmem:s0+$0xFFFFFEC0];
	[tilespmem:s21+$0x120] =	vst v31  }
0x210: {  	v17 =	vbroadcast v24, $0x0;
	v14 =	vbroadcast v24, $0x1;
	v31 =	vld [tilespmem:s0+$0xFFFFFED0];
	[tilespmem:s21+$0x130] =	vst v7  }
0x211: {  	v12 =	vbroadcast v24, $0x2;
	v10 =	vbroadcast v24, $0x3;
	v41 =	vld [tilespmem:s0+$0xFFFFFEE0];
	[tilespmem:s21+$0x140] =	vst v25  }
0x212: {  	v8 =	vbroadcast v30, $0x0;
	v7 =	vbroadcast v30, $0x1;
	v24 =	vld [tilespmem:s0+$0xFFFFFEF0];
	[tilespmem:s21+$0x150] =	vst v6  }
0x213: {  	v6 =	vbroadcast v30, $0x2;
	v30 =	vbroadcast v30, $0x3;
	v25 =	vld [tilespmem:s0+$0xFFFFFF00];
	[tilespmem:s21+$0x160] =	vst v26  }
0x214: {  	v26 =	vmul.f32 v35, v33;
	v33 =	vmul.f32 v35, v38;
	v35 =	vld [tilespmem:s0+$0xFFFFFF10];
	[tilespmem:s24+$0x170] =	vst v5;
	s24 =	smov.u32 s21;
	s21 =	smov.u32 s0  }
0x215: {  	v38 =	vmul.f32 v43, v42;
	v5 =	vmul.f32 v42, v40;
	v40 =	vld [tilespmem:s0+$0xFFFFFF20];
	[tilespmem:s12+$0x20] =	vst v2;
	v2 =	vmovc v3;
	v3 =	vmov v46;
	s12 =	smov.u32 s25;
	s25 =	smov.u32 s14  }
0x216: {  	[tilespmem:s0+$0xFFFFFE00] =	vst v26;
	v26 =	vmul.f32 v28, v44;
	v28 =	vmul.f32 v34, v44;
	v34 =	vld [tilespmem:s0+$0xFFFFFF30]  }
0x217: {  	[tilespmem:s0+$0xFFFFFE10] =	vst v33;
	v33 =	vmul.f32 v47, v39;
	v39 =	vmul.f32 v49, v39;
	v42 =	vld [tilespmem:s0+$0xFFFFFF40]  }
0x218: {  	[tilespmem:s0+$0xFFFFFE20] =	vst v5;
	v5 =	vmul.f32 v36, v52;
	v36 =	vmul.f32 v36, v54;
	v43 =	vld [tilespmem:s0+$0xFFFFFF50]  }
0x219: {  	v27 =	vmul.f32 v27, v45;
	[tilespmem:s0+$0xFFFFFE30] =	vst v38;
	v38 =	vmul.f32 v45, v57;
	v44 =	vld [tilespmem:s0+$0xFFFFFF60]  }
0x21a: {  	v31 =	vmul.f32 v31, v48;
	[tilespmem:s0+$0xFFFFFE40] =	vst v26;
	v26 =	vmul.f32 v37, v48;
	v37 =	vld [tilespmem:s0+$0xFFFFFF70]  }
0x21b: {  	v41 =	vmul.f32 v41, v29;
	v24 =	vmul.f32 v24, v29;
	[tilespmem:s0+$0xFFFFFE50] =	vst v28;
	v28 =	vld [tilespmem:s0+$0xFFFFFF80]  }
0x21c: {  	v35 =	vmul.f32 v50, v35;
	[tilespmem:s0+$0xFFFFFE60] =	vst v33;
	v33 =	vmul.f32 v50, v25;
	v25 =	vld [tilespmem:s0+$0xFFFFFF90]  }
0x21d: {  	v34 =	vmul.f32 v34, v51;
	[tilespmem:s0+$0xFFFFFE70] =	vst v39;
	v39 =	vmul.f32 v51, v40;
	v29 =	vld [tilespmem:s0+$0xFFFFFFA0]  }
0x21e: {  	v40 =	vmul.f32 v42, v53;
	v42 =	vmul.f32 v43, v53;
	[tilespmem:s14+$0xFFFFFFC0] =	vst v21;
	v21 =	vld [tilespmem:s0+$0xFFFFFFB0]  }
0x21f: {  	v43 =	vmul.f32 v44, v32;
	[tilespmem:s0+$0xFFFFFE80] =	vst v5;
	v37 =	vmul.f32 v37, v32;
	v32 =	vld [tilespmem:s0+$0xFFFFFFC0]  }
0x220: {  	v5 =	vmul.f32 v15, v1;
	v1 =	vmov v30;
	[tilespmem:s0+$0xFFFFFE90] =	vst v36;
	v36 =	vmul.f32 v55, v28;
	v44 =	vld [tilespmem:s0+$0xFFFFFFD0]  }
0x221: {  	[tilespmem:s0+$0xFFFFFEA0] =	vst v38;
	v38 =	vmul.f32 v55, v25;
	v15 =	vld [tilespmem:s0+$0xFFFFFFE0]  }
0x222: {  	[tilespmem:s0+$0xFFFFFEB0] =	vst v27;
	v25 =	vmul.f32 v56, v29;
	v27 =	vld [tilespmem:s0+$0xFFFFFFF0]  }
0x223: {  	[tilespmem:s0+$0xFFFFFEC0] =	vst v26;
	v28 =	vmul.f32 v21, v56;
	v21 =	vld [tilespmem:s0+$0x0]  }
0x224: {  	[tilespmem:s0+$0xFFFFFED0] =	vst v31;
	v29 =	vmul.f32 v32, v58;
	v45 =	vld [tilespmem:s0+$0x10]  }
0x225: {  	[tilespmem:s0+$0xFFFFFEE0] =	vst v41;
	v30 =	vmul.f32 v44, v58;
	v41 =	vld [tilespmem:s0+$0x20]  }
0x226: {  	[tilespmem:s0+$0xFFFFFEF0] =	vst v24;
	v31 =	vmul.f32 v15, v23;
	v15 =	vld [tilespmem:s0+$0x30]  }
0x227: {  	[tilespmem:s14+$0xFFFFFFD0] =	vst v16;
	v32 =	vmul.f32 v27, v23;
	v16 =	vld [tilespmem:s0+$0x40]  }
0x228: {  	[tilespmem:s0+$0xFFFFFF00] =	vst v33;
	v26 =	vmul.f32 v22, v21;
	v23 =	vld [tilespmem:s0+$0x50]  }
0x229: {  	[tilespmem:s0+$0xFFFFFF10] =	vst v35;
	v27 =	vmul.f32 v22, v45;
	v33 =	vld [tilespmem:s0+$0x60]  }
0x22a: {  	[tilespmem:s0+$0xFFFFFF20] =	vst v39;
	v21 =	vmul.f32 v20, v41;
	v35 =	vld [tilespmem:s0+$0x70]  }
0x22b: {  	[tilespmem:s0+$0xFFFFFF30] =	vst v34;
	v24 =	vmul.f32 v15, v20;
	v34 =	vld [tilespmem:s0+$0x80]  }
0x22c: {  	[tilespmem:s0+$0xFFFFFF40] =	vst v40;
	v20 =	vmul.f32 v16, v19;
	v39 =	vld [tilespmem:s0+$0x90]  }
0x22d: {  	[tilespmem:s0+$0xFFFFFF50] =	vst v42;
	v22 =	vmul.f32 v23, v19;
	v40 =	vld [tilespmem:s0+$0xA0]  }
.Ltmp1:
0x22e: {  	[tilespmem:s0+$0xFFFFFF60] =	vst v43;
	v15 =	vmul.f32 v33, v18;
	v33 =	vld [tilespmem:s0+$0xB0];
	(pc) =	sbr.rel @p1 .LBB2_5-.Ltmp1, $4  }
0x22f: {  	[tilespmem:s0+$0xFFFFFF70] =	vst v37;
	v23 =	vmul.f32 v35, v18;
	v18 =	vld [tilespmem:s0+$0xC0]  }
0x230: {  	[tilespmem:s14+$0xFFFFFFE0] =	vst v13;
	v16 =	vmul.f32 v17, v34;
	v34 =	vld [tilespmem:s0+$0xD0]  }
0x231: {  	[tilespmem:s0+$0xFFFFFF80] =	vst v36;
	v19 =	vmul.f32 v17, v39;
	v35 =	vld [tilespmem:s0+$0xE0]  }
0x232: {  	s14 =	sadd.s32 $0x80, s14;
	[tilespmem:s0+$0xFFFFFF90] =	vst v38;
	v13 =	vmul.f32 v14, v40;
	v36 =	vld [tilespmem:s0+$0xF0]  }
0x233: {  	[tilespmem:s0+$0xFFFFFFA0] =	vst v25  }
0x234: {  	[tilespmem:s0+$0xFFFFFFB0] =	vst v28  }
0x235: {  	[tilespmem:s0+$0xFFFFFFC0] =	vst v29  }
0x236: {  	[tilespmem:s0+$0xFFFFFFD0] =	vst v30  }
0x237: {  	[tilespmem:s0+$0xFFFFFFE0] =	vst v31  }
0x238: {  	[tilespmem:s0+$0xFFFFFFF0] =	vst v32  }
0x239: {  	[tilespmem:s0+$0x0] =	vst v26  }
0x23a: {  	[tilespmem:s0+$0x10] =	vst v27  }
0x23b: {  	[tilespmem:s0+$0x20] =	vst v21  }
0x23c: {  	[tilespmem:s0+$0x30] =	vst v24  }
0x23d: {  	[tilespmem:s0+$0x40] =	vst v20  }
0x23e: {  	[tilespmem:s0+$0x50] =	vst v22  }
0x23f: {  	[tilespmem:s0+$0x60] =	vst v15  }
0x240: {  	[tilespmem:s0+$0x70] =	vst v23  }
0x241: {  	[tilespmem:s21+$0x80] =	vst v16  }
0x242: {  	[tilespmem:s21+$0x90] =	vst v19  }
0x243: {  	[tilespmem:s24+$0x170] =	vst v5  }
0x244: {  	[tilespmem:s25+$0xFFFFFFF0] =	vst v11  }
0x245: {  	[tilespmem:s25+$0x0] =	vst v9  }
0x246: {  	v9 =	vmul.f32 v33, v14;
	[tilespmem:s21+$0xA0] =	vst v13  }
0x247: {  	v11 =	vld [tilespmem:s0+$0x100];
	v14 =	vmul.f32 v18, v12;
	[tilespmem:s12+$0x20] =	vst v2  }
0x248: {  	v15 =	vld [tilespmem:s0+$0x110];
	v12 =	vmul.f32 v34, v12;
	[tilespmem:s21+$0xB0] =	vst v9  }
0x249: {  	v13 =	vld [tilespmem:s0+$0x120];
	v9 =	vmul.f32 v35, v10;
	[tilespmem:s21+$0xC0] =	vst v14  }
0x24a: {  	v16 =	vld [tilespmem:s0+$0x130];
	v10 =	vmul.f32 v36, v10;
	[tilespmem:s21+$0xD0] =	vst v12  }
0x24b: {  	v14 =	vld [tilespmem:s0+$0x140];
	[tilespmem:s21+$0xE0] =	vst v9  }
0x24c: {  	v12 =	vld [tilespmem:s0+$0x150];
	v11 =	vmul.f32 v8, v11;
	[tilespmem:s21+$0xF0] =	vst v10  }
0x24d: {  	v9 =	vld [tilespmem:s0+$0x160];
	v8 =	vmul.f32 v8, v15;
	[tilespmem:s25+$0x10] =	vst v4  }
0x24e: {  	v10 =	vld [tilespmem:s0+$0x170];
	v4 =	vmul.f32 v7, v13;
	[tilespmem:s21+$0x100] =	vst v11  }
0x24f: {  	v7 =	vmul.f32 v16, v7;
	[tilespmem:s21+$0x110] =	vst v8  }
0x250: {  	v8 =	vmul.f32 v14, v6;
	[tilespmem:s21+$0x120] =	vst v4  }
0x251: {  	v4 =	vmul.f32 v12, v6;
	[tilespmem:s21+$0x130] =	vst v7  }
0x252: {  	v6 =	vmul.f32 v9, v1;
	[tilespmem:s21+$0x140] =	vst v8  }
0x253: {  	[tilespmem:s21+$0x150] =	vst v4;
	v1 =	vmul.f32 v10, v1  }
0x254: {  	s12 =	smul.u32 $0xA0, s29;
	[tilespmem:s21+$0x160] =	vst v6  }
0x255: {  	[tilespmem:s21+$0x170] =	vst v1  }
0x256: {  	s24 =	sadd.s32 s12, s13;
	[tilespmem:s25+$0x20] =	vst v3  }
0x257: {  	[spmem:s4] =	stream.indirect.scatter.add.f32 [tilespmem:s22], [sflag:$0x5], $0x10, s10, s31, $0xb8;
	[tilespmem:$0x1BCB0] =	vst v63  }
0x258: {  	s0 =	sshrl.u32 s24, $0x3  }
0x259: {  	[spmem:s3] =	stream.indirect.scatter.add.f32 [tilespmem:s20], [sflag:$0x5], $0x80, s10, s31, $0xb8;
	[tilespmem:$0x1BCB0] =	vst v63  }
0x25a: {  	s1 =	sadd.s32 s7, s0  }
0x25b: {  	[tilespmem:s23], [sflag:$0x1] =	stream.linear.gather [hbm4b:s1+s5], $0x50, $0x38;
	[tilespmem:$0x1BCB0] =	vst v63  }
0x25c: {  	s2 =	simm.s32 $0x16030;
	s14 =	rddreg [dreg:$0x2];
	s25 =	sadd.s32 s8, s0  }
0x25d: {  	[tilespmem:s2], [sflag:$0x1] =	stream.linear.gather [hbm4b:s25+s5], $0x50, $0x38;
	[tilespmem:$0x1BCB0] =	vst v63  }
0x25e: {  	s21 =	simm.s32 $0x160D0;
	s0 =	sadd.s32 s14, s0  }
0x25f: {  	[tilespmem:s21], [sflag:$0x1] =	stream.linear.gather [hbm4b:s0+s5], $0x50, $0x38;
	[tilespmem:$0x1BCB0] =	vst v63  }
0x260: {  	_ =	swait.ge [sflag:s30], $0x50  }
0x261: {  	[sflag:s30] =	ssyncset.done $0x0  }
0x262: {  	[sflag:s30] =	ssyncadd.s32 $0xFFFFFFB0  }
0x263: {  	_ =	swait.ge [sflag:s30], $0x50  }
0x264: {  	[sflag:s30] =	ssyncset.done $0x0  }
0x265: {  	[sflag:s30] =	ssyncadd.s32 $0xFFFFFFB0  }
0x266: {  	_ =	swait.ge [sflag:s30], $0x50  }
0x267: {  	[sflag:s30] =	ssyncset.done $0x0  }
0x268: {  	[sflag:s30] =	ssyncadd.s32 $0xFFFFFFB0  }
0x269: {  	_ =	swait.ge [sflag:s11], $0x500  }
0x26a: {  	[sflag:s11] =	ssyncset.done $0x0  }
0x26b: {  	[sflag:s11] =	ssyncadd.s32 $0xFFFFFB00  }
0x26c: {  	_ =	swait.ge [sflag:s11], $0x2800  }
0x26d: {  	[sflag:s11] =	ssyncset.done $0x0  }
0x26e: {  	[sflag:s11] =	ssyncadd.s32 $0xFFFFD800  }
0x26f: {  	v1 =	vld [tilespmem:$0x15F90]  }
0x270: {  	v2 =	vld [tilespmem:$0x160D0]  }
0x271: {  	v3 =	vld [tilespmem:$0x16030]  }
0x272: {  	v4 =	vld [tilespmem:$0x15FA0]  }
0x273: {  	v7 =	vld [tilespmem:$0x15FB0]  }
0x274: {  	v5 =	vld [tilespmem:$0x160E0]  }
0x275: {  	v8 =	vld [tilespmem:$0x160F0]  }
0x276: {  	v6 =	vld [tilespmem:$0x16040]  }
0x277: {  	v9 =	vld [tilespmem:$0x16050];
	v1 =	vmul.u32 $0x30, v1  }
0x278: {  	v10 =	vld [tilespmem:$0x15FC0];
	[tilespmem:$0x16210] =	vst v3;
	v3 =	vmul.u32 $0x30, v7  }
0x279: {  	v1 =	vadd.s32 v2, v1;
	v2 =	vmul.u32 $0x30, v4;
	v4 =	vld [tilespmem:$0x16100]  }
0x27a: {  	v3 =	vadd.s32 v8, v3;
	[tilespmem:$0x16170] =	vst v1;
	v1 =	vld [tilespmem:$0x15FD0]  }
0x27b: {  	[tilespmem:$0x16190] =	vst v3;
	v3 =	vld [tilespmem:$0x16070]  }
0x27c: {  	[tilespmem:$0x16220] =	vst v6;
	v2 =	vadd.s32 v5, v2;
	v5 =	vld [tilespmem:$0x16060]  }
0x27d: {  	v6 =	vmul.u32 $0x30, v10;
	[tilespmem:$0x16180] =	vst v2;
	v2 =	vld [tilespmem:$0x16110];
	_ =	sdelay $0x1  }
0x27e: {  	[tilespmem:$0x16230] =	vst v9;
	v4 =	vadd.s32 v4, v6  }
0x27f: {  	v1 =	vmul.u32 $0x30, v1;
	[tilespmem:$0x161A0] =	vst v4  }
0x280: {  	[tilespmem:$0x16250] =	vst v3  }
0x281: {  	[tilespmem:$0x16240] =	vst v5;
	v1 =	vadd.s32 v2, v1  }
0x282: {  	s24 =	simm.s32 $0x16170;
	[tilespmem:$0x161B0] =	vst v1  }
0x283: {  	[tilespmem:s22], [sflag:$0x3] =	stream.indirect.gather [hbm4b:s6+s31], $0x10, s24, s31, $0xb8;
	[tilespmem:$0x1BCB0] =	vst v63  }
0x284: {  	s25 =	rddreg [dreg:$0x1]  }
0x285: {  	[tilespmem:s20], [sflag:$0x3] =	stream.indirect.gather [hbm4b:s25+s31], $0x80, s23, s31, $0xb8;
	[tilespmem:$0x1BCB0] =	vst v63  }
0x286: {  	_ =	swait.ge [sflag:s18], $0x500  }
0x287: {  	[sflag:s18] =	ssyncset.done $0x0  }
0x288: {  	[sflag:s18] =	ssyncadd.s32 $0xFFFFFB00  }
0x289: {  	_ =	swait.ge [sflag:s18], $0x2800  }
0x28a: {  	[sflag:s18] =	ssyncset.done $0x0  }
0x28b: {  	s24 =	simm.s32 $0x167F0;
	[sflag:s18] =	ssyncadd.s32 $0xFFFFD800  }
0x28c: {  	v9 =	vld [tilespmem:s24+$0x30];
	_ =	sdelay $0x4  }
0x28d: {  	v1 =	vmul.f32 $2.000000030e-01, v9;
	_ =	sdelay $0x1  }
0x28e: {  	v1 =	vmax.f32 v9, v1  }
0x28f: {  	v4 =	vld [tilespmem:s24+$0xFFFFFFD0];
	v1 =	vmul.f32 $1.442695020e+00, v1  }
0x290: {  	v3 =	vld [tilespmem:s24+$0xFFFFFFE0]  }
0x291: {  	v6 =	vld [tilespmem:s24+$0xFFFFFFF0];
	(erf) = vpow2.f32 v1  }
0x292: {  	v5 =	vld [tilespmem:s24+$0x0]  }
0x293: {  	s25 =	simm.s32 $0x196B0;
	v10 =	vld [tilespmem:s24+$0xFFFFFFC0]  }
0x294: {  	v2 =	vld [tilespmem:s25+$0x180]  }
0x295: {  	v7 =	vld [tilespmem:s25+$0x190]  }
0x296: {  	v8 =	vld [tilespmem:s25+$0x1A0]  }
0x297: {  	v13 =	vld [tilespmem:s25+$0x1B0]  }
0x298: {  	v14 =	vld [tilespmem:s25+$0x1C0]  }
0x299: {  	v16 =	vld [tilespmem:s25+$0x1D0]  }
0x29a: {  	v17 =	vld [tilespmem:s25+$0x1E0];
	v11 =	vpop (erf)  }
0x29b: {  	v18 =	vld [tilespmem:s25+$0x1F0];
	v12 =	vbroadcast v11, $0x0  }
0x29c: {  	v20 =	vld [tilespmem:s25+$0xFFFFFE00]  }
0x29d: {  	v22 =	vld [tilespmem:s25+$0xFFFFFE10];
	v15 =	vmul.f32 v12, v2  }
0x29e: {  	v24 =	vld [tilespmem:s25+$0xFFFFFE20]  }
0x29f: {  	v25 =	vld [tilespmem:s25+$0xFFFFFE30];
	[tilespmem:s25+$0x180] =	vst v15;
	v15 =	vmul.f32 $2.000000030e-01, v4  }
0x2a0: {  	v26 =	vld [tilespmem:s25+$0xFFFFFE80];
	v19 =	vmul.f32 $2.000000030e-01, v3  }
0x2a1: {  	v27 =	vld [tilespmem:s25+$0xFFFFFE90];
	v21 =	vmul.f32 $2.000000030e-01, v6;
	v15 =	vmax.f32 v4, v15  }
0x2a2: {  	v29 =	vld [tilespmem:s25+$0xFFFFFEA0];
	v23 =	vmul.f32 $2.000000030e-01, v10;
	v19 =	vmax.f32 v3, v19;
	v15 =	vmul.f32 $1.442695020e+00, v15  }
0x2a3: {  	v55 =	vld [tilespmem:s25+$0xFFFFFEC0];
	v21 =	vmax.f32 v6, v21;
	v19 =	vmul.f32 $1.442695020e+00, v19  }
0x2a4: {  	v57 =	vld [tilespmem:s25+$0xFFFFFEE0];
	v23 =	vmax.f32 v10, v23;
	v21 =	vmul.f32 $1.442695020e+00, v21;
	(erf) = vpow2.f32 v15  }
0x2a5: {  	v61 =	vld [tilespmem:s25+$0xFFFFFFD0];
	v23 =	vmul.f32 $1.442695020e+00, v23;
	(erf) = vpow2.f32 v19  }
0x2a6: {  	v63 =	vld [tilespmem:s25+$0x50];
	(erf) = vpow2.f32 v21  }
0x2a7: {  	v48 =	vld [tilespmem:s25+$0x70];
	(erf) = vpow2.f32 v23  }
0x2a8: {  	v49 =	vld [tilespmem:s25+$0x80];
	v28 =	vbroadcast v11, $0x1  }
0x2a9: {  	v50 =	vld [tilespmem:s25+$0xA0];
	v7 =	vmul.f32 v12, v7  }
0x2aa: {  	v39 =	vld [tilespmem:s25+$0xB0];
	v31 =	vbroadcast v11, $0x2;
	v30 =	vmul.f32 v28, v8  }
0x2ab: {  	v43 =	vld [tilespmem:s25+$0xD0];
	v13 =	vmul.f32 v13, v28;
	[tilespmem:s25+$0x190] =	vst v7  }
0x2ac: {  	v45 =	vld [tilespmem:s25+$0xE0];
	v14 =	vmul.f32 v14, v31;
	[tilespmem:s25+$0x1A0] =	vst v30;
	v30 =	vbroadcast v11, $0x3  }
0x2ad: {  	v1 =	vld [tilespmem:s24+$0x10];
	[tilespmem:s25+$0x1B0] =	vst v13;
	v13 =	vmul.f32 v16, v31;
	v56 =	vpop (erf)  }
0x2ae: {  	v2 =	vld [tilespmem:s24+$0x20];
	[tilespmem:s25+$0x1C0] =	vst v14;
	v14 =	vmul.f32 v17, v30;
	v8 =	vpop (erf)  }
0x2af: {  	v12 =	vld [tilespmem:s25+$0xFFFFFEB0];
	[tilespmem:s25+$0x1D0] =	vst v13;
	v13 =	vmul.f32 v18, v30;
	v60 =	vbroadcast v56, $0x0;
	v7 =	vpop (erf)  }
0x2b0: {  	v28 =	vld [tilespmem:s25+$0xFFFFFED0];
	[tilespmem:s25+$0x1E0] =	vst v14;
	v31 =	vpop (erf)  }
0x2b1: {  	v9 =	vsel vm0, v11, v9;
	v16 =	vld [tilespmem:s25+$0xFFFFFEF0];
	[tilespmem:s25+$0x1F0] =	vst v13;
	v26 =	vmul.f32 v60, v26;
	v58 =	vbroadcast v31, $0x0  }
0x2b2: {  	v15 =	vld [tilespmem:s25+$0xFFFFFE40];
	[tilespmem:s24+$0x30] =	vst v9;
	v27 =	vmul.f32 v60, v27  }
0x2b3: {  	v19 =	vld [tilespmem:s25+$0xFFFFFE50];
	v30 =	vbroadcast v31, $0x1;
	[tilespmem:s25+$0xFFFFFE80] =	vst v26;
	v11 =	vmul.f32 v58, v20  }
0x2b4: {  	v59 =	vmul.f32 $2.000000030e-01, v5;
	v21 =	vld [tilespmem:s25+$0xFFFFFE60];
	[tilespmem:s25+$0xFFFFFE90] =	vst v27;
	v9 =	vmul.f32 v58, v22  }
0x2b5: {  	v23 =	vld [tilespmem:s25+$0xFFFFFE70];
	v22 =	vbroadcast v31, $0x2;
	v24 =	vmul.f32 v30, v24;
	[tilespmem:s25+$0xFFFFFE00] =	vst v11  }
0x2b6: {  	v17 =	vld [tilespmem:s25+$0xFFFFFF00];
	v25 =	vmul.f32 v25, v30;
	[tilespmem:s25+$0xFFFFFE10] =	vst v9  }
0x2b7: {  	v35 =	vmax.f32 v5, v59;
	v18 =	vld [tilespmem:s25+$0xFFFFFF10];
	v30 =	vbroadcast v31, $0x3;
	v15 =	vmul.f32 v15, v22;
	[tilespmem:s25+$0xFFFFFE20] =	vst v24  }
0x2b8: {  	v35 =	vmul.f32 $1.442695020e+00, v35;
	v14 =	vld [tilespmem:s25+$0xFFFFFF20];
	v19 =	vmul.f32 v19, v22;
	[tilespmem:s25+$0xFFFFFE30] =	vst v25  }
0x2b9: {  	s21 =	simm.s32 $0x19AB0;
	v13 =	vld [tilespmem:s25+$0xFFFFFF30];
	v10 =	vsel vm0, v31, v10;
	v31 =	vbroadcast v56, $0x1;
	v21 =	vmul.f32 v21, v30;
	[tilespmem:s25+$0xFFFFFE40] =	vst v15  }
0x2ba: {  	(erf) = vpow2.f32 v35;
	v35 =	vld [tilespmem:s21+$0xFFFFFF40];
	v23 =	vmul.f32 v23, v30;
	[tilespmem:s25+$0xFFFFFE50] =	vst v19  }
0x2bb: {  	v60 =	vld [tilespmem:s21+$0x1B0];
	v29 =	vmul.f32 v31, v29;
	[tilespmem:s25+$0xFFFFFE60] =	vst v21  }
0x2bc: {  	v26 =	vld [tilespmem:s25+$0xFFFFFFE0];
	v12 =	vmul.f32 v12, v31;
	v31 =	vbroadcast v56, $0x3;
	[tilespmem:s25+$0xFFFFFE70] =	vst v23  }
0x2bd: {  	v62 =	vbroadcast v8, $0x0;
	v27 =	vld [tilespmem:s25+$0xFFFFFFF0];
	v25 =	vmul.f32 $2.000000030e-01, v1;
	[tilespmem:s25+$0xFFFFFEA0] =	vst v29  }
0x2be: {  	v20 =	vld [tilespmem:s25+$0xFFFFFF40];
	v30 =	vmul.f32 $2.000000030e-01, v2;
	[tilespmem:s25+$0xFFFFFEB0] =	vst v12;
	v12 =	vmul.f32 v57, v31  }
0x2bf: {  	v38 =	vbroadcast v7, $0x3;
	v11 =	vld [tilespmem:s25+$0xFFFFFF50];
	v25 =	vmax.f32 v1, v25;
	v16 =	vmul.f32 v16, v31;
	[tilespmem:s24+$0xFFFFFFC0] =	vst v10  }
0x2c0: {  	v9 =	vld [tilespmem:s25+$0xFFFFFF60];
	v10 =	vmax.f32 v2, v30;
	v30 =	vbroadcast v56, $0x2;
	[tilespmem:s25+$0xFFFFFEE0] =	vst v12;
	v12 =	vmul.f32 v62, v17  }
0x2c1: {  	v24 =	vld [tilespmem:s25+$0xFFFFFF70];
	v25 =	vmul.f32 $1.442695020e+00, v25;
	[tilespmem:s25+$0xFFFFFEF0] =	vst v16;
	v17 =	vmul.f32 v62, v18  }
0x2c2: {  	v29 =	vld [tilespmem:s25+$0x0];
	v10 =	vmul.f32 $1.442695020e+00, v10;
	v32 =	vmul.f32 v55, v30;
	[tilespmem:s25+$0xFFFFFF00] =	vst v12  }
0x2c3: {  	v22 =	vld [tilespmem:s25+$0xFFFFFF80];
	v37 =	vpop (erf);
	v16 =	vbroadcast v8, $0x2;
	v28 =	vmul.f32 v28, v30;
	[tilespmem:s25+$0xFFFFFF10] =	vst v17  }
0x2c4: {  	v15 =	vld [tilespmem:s25+$0xFFFFFF90];
	v40 =	vbroadcast v37, $0x0;
	(erf) = vpow2.f32 v25;
	[tilespmem:s25+$0xFFFFFEC0] =	vst v32  }
0x2c5: {  	v4 =	vsel vm0, v56, v4;
	v19 =	vld [tilespmem:s25+$0xFFFFFFA0];
	(erf) = vpow2.f32 v10;
	v17 =	vmul.f32 v20, v16;
	[tilespmem:s25+$0xFFFFFED0] =	vst v28  }
0x2c6: {  	v21 =	vld [tilespmem:s25+$0xFFFFFFB0];
	v10 =	vbroadcast v8, $0x1;
	v11 =	vmul.f32 v11, v16;
	[tilespmem:s24+$0xFFFFFFD0] =	vst v4  }
0x2c7: {  	v31 =	vld [tilespmem:s25+$0x40];
	v41 =	vbroadcast v37, $0x1;
	v29 =	vmul.f32 v40, v29;
	[tilespmem:s25+$0xFFFFFF40] =	vst v17  }
0x2c8: {  	v23 =	vld [tilespmem:s25+$0xFFFFFFC0];
	v42 =	vbroadcast v37, $0x2;
	v14 =	vmul.f32 v10, v14;
	[tilespmem:s25+$0xFFFFFF50] =	vst v11  }
0x2c9: {  	v44 =	vbroadcast v37, $0x3;
	v18 =	vld [tilespmem:s25+$0x60];
	v10 =	vmul.f32 v13, v10;
	[tilespmem:s25+$0x0] =	vst v29  }
0x2ca: {  	v30 =	vld [tilespmem:s25+$0x10];
	v12 =	vbroadcast v7, $0x0;
	v17 =	vmul.f32 v26, v38;
	[tilespmem:s25+$0xFFFFFF20] =	vst v14  }
0x2cb: {  	s0 =	simm.s32 $0x16870;
	v25 =	vld [tilespmem:s25+$0x20];
	v4 =	vbroadcast v8, $0x3;
	v26 =	vmul.f32 v27, v38;
	[tilespmem:s25+$0xFFFFFF30] =	vst v10  }
0x2cc: {  	v20 =	vbroadcast v7, $0x2;
	v16 =	vld [tilespmem:s0+$0xFFFFFFD0];
	v29 =	vmul.f32 v31, v42;
	[tilespmem:s25+$0xFFFFFFE0] =	vst v17  }
0x2cd: {  	v57 =	vld [tilespmem:s21+$0x1A0];
	v13 =	vbroadcast v7, $0x1;
	v9 =	vmul.f32 v9, v4;
	[tilespmem:s25+$0xFFFFFFF0] =	vst v26  }
0x2ce: {  	v28 =	vld [tilespmem:s25+$0x30];
	v18 =	vmul.f32 v18, v44;
	v4 =	vmul.f32 v24, v4;
	[tilespmem:s25+$0x40] =	vst v29  }
0x2cf: {  	v32 =	vld [tilespmem:s21+$0xFFFFFF10];
	v31 =	vmul.f32 v48, v44;
	v26 =	vmul.f32 v40, v30;
	[tilespmem:s25+$0xFFFFFF60] =	vst v9  }
0x2d0: {  	v3 =	vsel vm0, v8, v3;
	v11 =	vld [tilespmem:s0+$0xFFFFFFE0];
	v25 =	vmul.f32 v41, v25;
	v9 =	vmul.f32 v12, v22;
	[tilespmem:s25+$0xFFFFFF70] =	vst v4  }
0x2d1: {  	v7 =	vsel vm0, v7, v6;
	v6 =	vld [tilespmem:s0+$0xFFFFFFC0];
	v53 =	vmul.f32 $2.000000030e-01, v16;
	v4 =	vmul.f32 v12, v15;
	[tilespmem:s24+$0xFFFFFFE0] =	vst v3  }
0x2d2: {  	v10 =	vld [tilespmem:s0+$0x30];
	v30 =	vmul.f32 v63, v42;
	v3 =	vmul.f32 v13, v19;
	[tilespmem:s25+$0xFFFFFF80] =	vst v9  }
0x2d3: {  	v14 =	vld [tilespmem:s25+$0x90];
	v34 =	vmax.f32 v16, v53;
	v8 =	vpop (erf);
	v9 =	vmul.f32 v21, v13;
	[tilespmem:s25+$0xFFFFFF90] =	vst v4;
	v4 =	vmul.f32 v23, v20  }
0x2d4: {  	v24 =	vld [tilespmem:s25+$0xC0];
	[tilespmem:s25+$0x60] =	vst v18;
	v34 =	vmul.f32 $1.442695020e+00, v34;
	v22 =	vbroadcast v8, $0x0  }
0x2d5: {  	v29 =	vld [tilespmem:s25+$0x150];
	[tilespmem:s25+$0x70] =	vst v31;
	v46 =	vbroadcast v8, $0x1;
	v47 =	vbroadcast v8, $0x2  }
0x2d6: {  	v18 =	vld [tilespmem:s21+$0x180];
	v21 =	vbroadcast v8, $0x3;
	[tilespmem:s25+$0xFFFFFFA0] =	vst v3;
	v3 =	vmul.f32 v61, v20  }
0x2d7: {  	[tilespmem:s25+$0x10] =	vst v26;
	v26 =	vld [tilespmem:s25+$0x120];
	v15 =	vpop (erf);
	v12 =	vmul.f32 $2.000000030e-01, v10;
	v61 =	vmul.f32 $2.000000030e-01, v6  }
0x2d8: {  	[tilespmem:s25+$0x20] =	vst v25;
	v25 =	vld [tilespmem:s25+$0x130];
	v20 =	vbroadcast v15, $0x0;
	v23 =	vbroadcast v15, $0x1  }
0x2d9: {  	[tilespmem:s25+$0x50] =	vst v30;
	v19 =	vld [tilespmem:s25+$0xF0];
	v17 =	vbroadcast v15, $0x3;
	v27 =	vmax.f32 v10, v12;
	v12 =	vbroadcast v15, $0x2  }
0x2da: {  	v30 =	vld [tilespmem:s25+$0x160];
	[tilespmem:s25+$0xFFFFFFB0] =	vst v9;
	v51 =	vmul.f32 v22, v49;
	v14 =	vmul.f32 v22, v14  }
0x2db: {  	v13 =	vld [tilespmem:s0+$0x0];
	[tilespmem:s25+$0xFFFFFFC0] =	vst v4;
	v52 =	vmul.f32 v39, v46;
	v27 =	vmul.f32 $1.442695020e+00, v27  }
0x2dc: {  	v9 =	vld [tilespmem:s0+$0xFFFFFFF0];
	[tilespmem:s25+$0xFFFFFFD0] =	vst v3;
	v24 =	vmul.f32 v24, v47;
	v54 =	vmul.f32 v43, v47  }
0x2dd: {  	v3 =	vld [tilespmem:s0+$0x20];
	v55 =	vmul.f32 v45, v21;
	[tilespmem:s24+$0xFFFFFFF0] =	vst v7;
	(erf) = vpow2.f32 v27  }
0x2de: {  	v22 =	vld [tilespmem:s25+$0x140];
	v21 =	vmul.f32 v19, v21;
	v19 =	vmul.f32 $2.000000030e-01, v11;
	[tilespmem:s25+$0x80] =	vst v51  }
0x2df: {  	v4 =	vld [tilespmem:s0+$0x10];
	v26 =	vmul.f32 v23, v26;
	v23 =	vmul.f32 v25, v23;
	[tilespmem:s25+$0x90] =	vst v14  }
0x2e0: {  	v7 =	vld [tilespmem:s25+$0x100];
	v58 =	vmul.f32 $2.000000030e-01, v13;
	[tilespmem:s25+$0xB0] =	vst v52;
	v27 =	vmul.f32 v28, v41  }
0x2e1: {  	v5 =	vsel vm0, v37, v5;
	v31 =	vld [tilespmem:s21+$0x190];
	[tilespmem:s25+$0xC0] =	vst v24;
	v56 =	vmul.f32 $2.000000030e-01, v9;
	(erf) = vpow2.f32 v34  }
0x2e2: {  	v47 =	vld [tilespmem:s21+$0x1E0];
	v53 =	vmax.f32 v13, v58;
	[tilespmem:s25+$0x30] =	vst v27;
	v27 =	vmul.f32 v46, v50;
	v63 =	vmul.f32 $2.000000030e-01, v3  }
0x2e3: {  	v1 =	vsel vm0, v8, v1;
	[tilespmem:s25+$0xD0] =	vst v54;
	v28 =	vld [tilespmem:s25+$0x110];
	v34 =	vmul.f32 $1.442695020e+00, v53;
	v8 =	vmul.f32 v22, v12  }
0x2e4: {  	v49 =	vld [tilespmem:s21+$0xFFFFFE00];
	v12 =	vmul.f32 v29, v12;
	v22 =	vmul.f32 v30, v17;
	[tilespmem:s24+$0x0] =	vst v5;
	v5 =	vmax.f32 v11, v19  }
0x2e5: {  	v45 =	vld [tilespmem:s21+$0xFFFFFF00];
	[tilespmem:s25+$0xE0] =	vst v55;
	v19 =	vmul.f32 $2.000000030e-01, v4;
	v37 =	vmax.f32 v9, v56;
	v7 =	vmul.f32 v20, v7  }
0x2e6: {  	v14 =	vld [tilespmem:s21+$0x1C0];
	[tilespmem:s25+$0xF0] =	vst v21;
	v62 =	vmul.f32 $1.442695020e+00, v5;
	v37 =	vmul.f32 $1.442695020e+00, v37;
	v5 =	vmax.f32 v6, v61;
	v39 =	vpop (erf)  }
0x2e7: {  	v24 =	vld [tilespmem:s21+$0x1F0];
	[tilespmem:s25+$0x120] =	vst v26;
	v56 =	vmax.f32 v3, v63;
	v48 =	vmul.f32 $1.442695020e+00, v5;
	v59 =	vbroadcast v39, $0x0  }
0x2e8: {  	v52 =	vld [tilespmem:s21+$0xFFFFFE10];
	[tilespmem:s25+$0x130] =	vst v23;
	v36 =	vmul.f32 $1.442695020e+00, v56;
	v20 =	vmul.f32 v20, v28  }
0x2e9: {  	[tilespmem:s25+$0xA0] =	vst v27;
	v5 =	vld [tilespmem:s25+$0x170];
	v19 =	vmax.f32 v4, v19;
	(erf) = vpow2.f32 v62;
	v18 =	vmul.f32 v59, v18  }
0x2ea: {  	v27 =	vld [tilespmem:s21+$0x1D0];
	[tilespmem:s25+$0x140] =	vst v8;
	v19 =	vmul.f32 $1.442695020e+00, v19;
	(erf) = vpow2.f32 v37  }
0x2eb: {  	v55 =	vld [tilespmem:s21+$0xFFFFFE30];
	(erf) = vpow2.f32 v48;
	[tilespmem:s21+$0x180] =	vst v18;
	v18 =	vbroadcast v39, $0x1  }
0x2ec: {  	v21 =	vld [tilespmem:s21+$0xFFFFFEA0];
	[tilespmem:s25+$0x150] =	vst v12;
	v51 =	vbroadcast v39, $0x2;
	v54 =	vbroadcast v39, $0x3  }
0x2ed: {  	v26 =	vld [tilespmem:s21+$0xFFFFFEE0];
	[tilespmem:s24+$0x10] =	vst v1;
	v50 =	vmul.f32 v18, v57;
	v18 =	vmul.f32 v60, v18  }
0x2ee: {  	v1 =	vld [tilespmem:s21+$0xFFFFFEB0];
	[tilespmem:s25+$0x110] =	vst v20;
	(erf) = vpow2.f32 v34;
	v5 =	vmul.f32 v5, v17  }
0x2ef: {  	v20 =	vld [tilespmem:s21+$0xFFFFFED0];
	v28 =	vpop (erf);
	(erf) = vpow2.f32 v19;
	[tilespmem:s21+$0x1B0] =	vst v18;
	v18 =	vmul.f32 v27, v51  }
0x2f0: {  	v23 =	vld [tilespmem:s21+$0xFFFFFEF0];
	[tilespmem:s25+$0x160] =	vst v22;
	v29 =	vbroadcast v28, $0x0;
	v62 =	vbroadcast v28, $0x1  }
0x2f1: {  	v58 =	vld [tilespmem:s21+$0xFFFFFE80];
	v31 =	vmul.f32 v59, v31;
	[tilespmem:s21+$0x1D0] =	vst v18;
	v18 =	vmul.f32 v24, v54  }
0x2f2: {  	v22 =	vld [tilespmem:s21+$0xFFFFFF20];
	[tilespmem:s25+$0x100] =	vst v7;
	v63 =	vbroadcast v28, $0x2;
	v14 =	vmul.f32 v14, v51  }
0x2f3: {  	v7 =	vld [tilespmem:s21+$0xFFFFFEC0];
	v42 =	vbroadcast v28, $0x3;
	(erf) = vpow2.f32 v36;
	[tilespmem:s21+$0x190] =	vst v31  }
0x2f4: {  	v37 =	vld [tilespmem:s21+$0xFFFFFF30];
	v1 =	vmul.f32 v1, v62;
	v20 =	vmul.f32 v20, v63;
	[tilespmem:s21+$0x1C0] =	vst v14  }
0x2f5: {  	v17 =	vld [tilespmem:s21+$0x60];
	v26 =	vmul.f32 v26, v42;
	v23 =	vmul.f32 v23, v42;
	[tilespmem:s21+$0x1F0] =	vst v18;
	v18 =	vpop (erf)  }
0x2f6: {  	v42 =	vld [tilespmem:s21+$0x20];
	v14 =	vmul.f32 v47, v54;
	[tilespmem:s21+$0xFFFFFEB0] =	vst v1;
	v43 =	vbroadcast v18, $0x0  }
0x2f7: {  	v31 =	vld [tilespmem:s21+$0xFFFFFE20];
	[tilespmem:s21+$0xFFFFFED0] =	vst v20;
	v19 =	vpop (erf);
	v44 =	vbroadcast v18, $0x1;
	v46 =	vbroadcast v18, $0x2  }
0x2f8: {  	v20 =	vld [tilespmem:s21+$0x10];
	[tilespmem:s21+$0xFFFFFEF0] =	vst v23;
	v47 =	vbroadcast v18, $0x3;
	v48 =	vbroadcast v19, $0x1  }
0x2f9: {  	v23 =	vld [tilespmem:s21+$0x30];
	[tilespmem:s21+$0x1A0] =	vst v50;
	v25 =	vpop (erf);
	v38 =	vbroadcast v19, $0x2;
	v50 =	vbroadcast v19, $0x3  }
0x2fa: {  	[tilespmem:s21+$0xFFFFFEE0] =	vst v26;
	v57 =	vld [tilespmem:s21+$0xFFFFFE50];
	v30 =	vbroadcast v25, $0x0;
	v59 =	vbroadcast v25, $0x1  }
0x2fb: {  	v10 =	vsel vm0, v39, v10;
	[tilespmem:s21+$0x1E0] =	vst v14;
	v14 =	vld [tilespmem:s21+$0xFFFFFE70];
	v60 =	vbroadcast v25, $0x2;
	v32 =	vmul.f32 v43, v32  }
0x2fc: {  	v27 =	vld [tilespmem:s21+$0xFFFFFE40];
	[tilespmem:s0+$0x30] =	vst v10;
	v61 =	vbroadcast v25, $0x3;
	v22 =	vmul.f32 v44, v22  }
0x2fd: {  	v24 =	vld [tilespmem:s21+$0xFFFFFE60];
	v26 =	vmul.f32 v37, v44;
	v35 =	vmul.f32 v35, v46;
	[tilespmem:s21+$0xFFFFFF10] =	vst v32  }
0x2fe: {  	v54 =	vld [tilespmem:s21+$0xFFFFFF90];
	v8 =	vmul.f32 v30, v49;
	v12 =	vmul.f32 v30, v52;
	[tilespmem:s21+$0xFFFFFF20] =	vst v22  }
0x2ff: {  	v10 =	vld [tilespmem:s21+$0xFFFFFE90];
	v30 =	vbroadcast v19, $0x0;
	v31 =	vmul.f32 v59, v31;
	v49 =	vpop (erf);
	[tilespmem:s21+$0xFFFFFF30] =	vst v26  }
0x300: {  	v6 =	vsel vm0, v25, v6;
	v25 =	vld [tilespmem:s21+$0xFFFFFFA0];
	v36 =	vbroadcast v49, $0x0;
	v51 =	vbroadcast v49, $0x1;
	[tilespmem:s21+$0xFFFFFE00] =	vst v8  }
0x301: {  	v52 =	vbroadcast v49, $0x2;
	[tilespmem:s21+$0xFFFFFE10] =	vst v12;
	v12 =	vmul.f32 v27, v60;
	v27 =	vld [tilespmem:s21+$0xFFFFFF50]  }
0x302: {  	v39 =	vpop (erf);
	v8 =	vmul.f32 v55, v59;
	[tilespmem:s21+$0xFFFFFE20] =	vst v31;
	v31 =	vmul.f32 v57, v60;
	v60 =	vld [tilespmem:s21+$0xFFFFFF60]  }
0x303: {  	[tilespmem:s21+$0xFFFFFF40] =	vst v35;
	v53 =	vbroadcast v49, $0x3;
	v55 =	vbroadcast v39, $0x0;
	v56 =	vpop (erf);
	v57 =	vld [tilespmem:s21+$0xFFFFFFE0]  }
0x304: {  	v54 =	vmul.f32 v30, v54;
	v59 =	vld [tilespmem:s21+$0x70];
	v1 =	vbroadcast v56, $0x3;
	[tilespmem:s21+$0xFFFFFE30] =	vst v8  }
0x305: {  	v25 =	vmul.f32 v48, v25;
	v8 =	vmul.f32 v24, v61;
	[tilespmem:s21+$0xFFFFFE40] =	vst v12;
	v24 =	vld [tilespmem:s21+$0xFFFFFF70]  }
0x306: {  	v2 =	vsel vm0, v15, v2;
	v15 =	vmul.f32 v17, v53;
	v12 =	vmul.f32 v14, v61;
	[tilespmem:s21+$0xFFFFFE50] =	vst v31;
	v31 =	vld [tilespmem:s21+$0xFFFFFF80]  }
0x307: {  	v14 =	vbroadcast v39, $0x1;
	v61 =	vld [tilespmem:s21+$0xFFFFFFB0];
	[tilespmem:s21+$0xFFFFFE60] =	vst v8;
	v8 =	vmul.f32 v29, v58  }
0x308: {  	[tilespmem:s21+$0xFFFFFE70] =	vst v12;
	v29 =	vmul.f32 v29, v10;
	v12 =	vbroadcast v39, $0x2;
	v58 =	vld [tilespmem:s21+$0x0]  }
0x309: {  	v10 =	vbroadcast v39, $0x3;
	[tilespmem:s0+$0xFFFFFFC0] =	vst v6;
	v6 =	vmul.f32 v62, v21;
	v21 =	vld [tilespmem:s21+$0xFFFFFFC0]  }
0x30a: {  	v62 =	vld [tilespmem:s21+$0xFFFFFFD0];
	v27 =	vmul.f32 v27, v46;
	v33 =	vmul.f32 v60, v47;
	[tilespmem:s21+$0xFFFFFE80] =	vst v8  }
0x30b: {  	v60 =	vld [tilespmem:s21+$0x80];
	[tilespmem:s21+$0xFFFFFE90] =	vst v29;
	v8 =	vbroadcast v56, $0x0;
	v29 =	vmul.f32 v7, v63  }
0x30c: {  	v7 =	vbroadcast v56, $0x1;
	v63 =	vld [tilespmem:s21+$0xFFFFFFF0];
	[tilespmem:s21+$0xFFFFFEA0] =	vst v6;
	v6 =	vbroadcast v56, $0x2  }
0x30d: {  	v16 =	vsel vm0, v28, v16;
	v37 =	vmul.f32 v24, v47;
	v28 =	vmul.f32 v61, v48;
	v61 =	vld [tilespmem:s21+$0x90];
	[tilespmem:s21+$0xFFFFFF50] =	vst v27  }
0x30e: {  	v44 =	vmul.f32 v30, v31;
	[tilespmem:s21+$0xFFFFFEC0] =	vst v29;
	v29 =	vmul.f32 v43, v45;
	v43 =	vld [tilespmem:s21+$0x50]  }
0x30f: {  	v31 =	vmul.f32 v57, v50;
	v27 =	vmul.f32 v36, v20;
	[tilespmem:s0+$0xFFFFFFD0] =	vst v16;
	v16 =	vld [tilespmem:s21+$0x40]  }
0x310: {  	[tilespmem:s21+$0xFFFFFF90] =	vst v54;
	v24 =	vmul.f32 v23, v51;
	v30 =	vmul.f32 v62, v38;
	v62 =	vld [tilespmem:s21+$0xA0]  }
0x311: {  	v4 =	vsel vm0, v39, v4;
	[tilespmem:s21+$0xFFFFFF60] =	vst v33;
	v33 =	vld [tilespmem:s21+$0xB0];
	v23 =	vmul.f32 v59, v53;
	v26 =	vmul.f32 v36, v58  }
0x312: {  	[tilespmem:s21+$0xFFFFFF00] =	vst v29;
	v29 =	vmul.f32 v21, v38;
	v32 =	vmul.f32 v63, v50;
	v63 =	vsel vm0, v18, v11;
	v18 =	vld [tilespmem:s21+$0xC0]  }
0x313: {  	v34 =	vld [tilespmem:s21+$0xD0];
	[tilespmem:s21+$0xFFFFFF70] =	vst v37;
	v21 =	vmul.f32 v51, v42;
	v11 =	vsel vm0, v19, v9;
	v19 =	vmul.f32 v55, v61  }
0x314: {  	v35 =	vld [tilespmem:s21+$0xE0];
	v3 =	vsel vm0, v56, v3;
	[tilespmem:s21+$0xFFFFFF80] =	vst v44;
	v22 =	vmul.f32 v43, v52;
	v20 =	vmul.f32 v16, v52  }
0x315: {  	s14 =	simm.s32 $0x8;
	s1 =	simm.s32 $0x168F0;
	s2 =	simm.s32 $0x19AB0;
	v36 =	vld [tilespmem:s21+$0xF0];
	v9 =	vsel vm0, v49, v13;
	[tilespmem:s0+$0xFFFFFFE0] =	vst v63;
	v16 =	vmul.f32 v55, v60;
	v13 =	vmul.f32 v14, v62  }
.LBB2_7:
0x316: {  	v17 =	vld [tilespmem:s1+$0x30];
	[tilespmem:s21+$0xFFFFFFA0] =	vst v25;
	v25 =	vmul.f32 v33, v14  }
0x317: {  	v33 =	vld [tilespmem:s1+$0xFFFFFFD0];
	[tilespmem:s21+$0xFFFFFFB0] =	vst v28;
	v28 =	vmul.f32 v18, v12  }
0x318: {  	v37 =	vld [tilespmem:s1+$0xFFFFFFE0];
	[tilespmem:s21+$0xFFFFFFC0] =	vst v29;
	v29 =	vmul.f32 v34, v12  }
0x319: {  	v34 =	vld [tilespmem:s1+$0xFFFFFFF0];
	[tilespmem:s21+$0xFFFFFFD0] =	vst v30;
	v30 =	vmul.f32 v35, v10  }
0x31a: {  	v18 =	vld [tilespmem:s1+$0x0];
	[tilespmem:s21+$0xFFFFFFE0] =	vst v31;
	v10 =	vmul.f32 v36, v10  }
0x31b: {  	v14 =	vld [tilespmem:s1+$0x10];
	v31 =	vmul.f32 $2.000000030e-01, v17;
	[tilespmem:s21+$0xFFFFFFF0] =	vst v32  }
0x31c: {  	s14 =	sadd.s32 $0x8, s14;
	v32 =	vmul.f32 $2.000000030e-01, v33;
	v12 =	vld [tilespmem:s1+$0x20];
	[tilespmem:s0+$0xFFFFFFF0] =	vst v11  }
0x31d: {  	p1 =	slt.u32 s14, $0x48;
	v35 =	vld [tilespmem:s1+$0xFFFFFFC0];
	v11 =	vmul.f32 $2.000000030e-01, v37;
	v31 =	vmax.f32 v17, v31;
	[tilespmem:s21+$0x0] =	vst v26  }
0x31e: {  	v26 =	vmax.f32 v33, v32;
	v32 =	vmul.f32 $2.000000030e-01, v34;
	v31 =	vmul.f32 $1.442695020e+00, v31;
	[tilespmem:s21+$0x10] =	vst v27;
	v27 =	vld [tilespmem:s21+$0x100]  }
0x31f: {  	v26 =	vmul.f32 $1.442695020e+00, v26;
	v11 =	vmax.f32 v37, v11;
	v36 =	vmul.f32 $2.000000030e-01, v18;
	v38 =	vld [tilespmem:s21+$0x110]  }
0x320: {  	v32 =	vmax.f32 v34, v32;
	v39 =	vmul.f32 $2.000000030e-01, v14;
	(erf) = vpow2.f32 v31;
	[tilespmem:s21+$0x20] =	vst v21;
	v21 =	vld [tilespmem:s21+$0x120]  }
0x321: {  	v11 =	vmul.f32 $1.442695020e+00, v11;
	v31 =	vmax.f32 v18, v36;
	v36 =	vmul.f32 $2.000000030e-01, v12;
	[tilespmem:s21+$0x30] =	vst v24;
	v24 =	vld [tilespmem:s21+$0x130]  }
0x322: {  	v32 =	vmul.f32 $1.442695020e+00, v32;
	v40 =	vmul.f32 $2.000000030e-01, v35;
	v39 =	vmax.f32 v14, v39;
	[tilespmem:s21+$0x40] =	vst v20;
	v20 =	vld [tilespmem:s21+$0x140]  }
0x323: {  	v31 =	vmul.f32 $1.442695020e+00, v31;
	v39 =	vmul.f32 $1.442695020e+00, v39;
	v36 =	vmax.f32 v12, v36;
	[tilespmem:s21+$0x50] =	vst v22;
	v22 =	vld [tilespmem:s21+$0x150]  }
0x324: {  	v40 =	vmax.f32 v35, v40;
	v36 =	vmul.f32 $1.442695020e+00, v36;
	(erf) = vpow2.f32 v26;
	[tilespmem:s21+$0x60] =	vst v15;
	v26 =	vld [tilespmem:s21+$0x160]  }
0x325: {  	v40 =	vmul.f32 $1.442695020e+00, v40;
	(erf) = vpow2.f32 v11;
	[tilespmem:s21+$0x70] =	vst v23;
	v15 =	vld [tilespmem:s21+$0x170]  }
0x326: {  	v27 =	vmul.f32 v8, v27;
	s21 =	sadd.s32 $0x400, s21;
	(erf) = vpow2.f32 v32;
	[tilespmem:s0+$0x0] =	vst v9  }
0x327: {  	v8 =	vmul.f32 v8, v38;
	v9 =	vld [tilespmem:s21+$0x180];
	(erf) = vpow2.f32 v40;
	[tilespmem:s2+$0x80] =	vst v16  }
0x328: {  	v11 =	vld [tilespmem:s21+$0x190];
	(erf) = vpow2.f32 v31;
	[tilespmem:s2+$0x90] =	vst v19;
	v31 =	vmul.f32 v7, v21  }
0x329: {  	v7 =	vmul.f32 v24, v7;
	v19 =	vld [tilespmem:s21+$0x1A0];
	(erf) = vpow2.f32 v39;
	v23 =	vpop (erf);
	[tilespmem:s2+$0xA0] =	vst v13  }
0x32a: {  	v13 =	vbroadcast v23, $0x0;
	v21 =	vld [tilespmem:s21+$0x1B0];
	(erf) = vpow2.f32 v36;
	[tilespmem:s2+$0xB0] =	vst v25  }
0x32b: {  	v25 =	vmul.f32 v20, v6;
	v6 =	vmul.f32 v22, v6;
	v24 =	vld [tilespmem:s21+$0x1C0];
	[tilespmem:s2+$0xC0] =	vst v28  }
0x32c: {  	v20 =	vbroadcast v23, $0x1;
	v9 =	vmul.f32 v13, v9;
	v22 =	vld [tilespmem:s21+$0x1D0];
	[tilespmem:s2+$0xD0] =	vst v29  }
0x32d: {  	v26 =	vmul.f32 v26, v1;
	v11 =	vmul.f32 v13, v11;
	v28 =	vld [tilespmem:s21+$0x1E0];
	v29 =	vpop (erf);
	[tilespmem:s2+$0xE0] =	vst v30  }
0x32e: {  	v16 =	vsel vm0, v29, v33;
	[tilespmem:s21+$0x180] =	vst v9;
	v9 =	vmul.f32 v20, v19;
	v19 =	vbroadcast v23, $0x2;
	v30 =	vld [tilespmem:s21+$0x1F0];
	v32 =	vpop (erf)  }
0x32f: {  	v36 =	vbroadcast v29, $0x0;
	v33 =	vld [tilespmem:s21+$0xFFFFFE00];
	v13 =	vsel vm0, v32, v37;
	[tilespmem:s21+$0x190] =	vst v11;
	v20 =	vmul.f32 v21, v20;
	v37 =	vpop (erf)  }
0x330: {  	v38 =	vld [tilespmem:s21+$0xFFFFFE10];
	v11 =	vsel vm0, v37, v34;
	[tilespmem:s21+$0x1A0] =	vst v9;
	v44 =	vmul.f32 v24, v19;
	v34 =	vbroadcast v23, $0x3;
	v39 =	vpop (erf)  }
0x331: {  	v21 =	vsel vm0, v39, v35;
	v35 =	vbroadcast v39, $0x0;
	v40 =	vld [tilespmem:s21+$0xFFFFFE20];
	[tilespmem:s21+$0x1B0] =	vst v20;
	v19 =	vmul.f32 v22, v19;
	v41 =	vpop (erf)  }
0x332: {  	v42 =	vbroadcast v39, $0x1;
	v43 =	vld [tilespmem:s21+$0xFFFFFE30];
	v9 =	vsel vm0, v41, v18;
	[tilespmem:s21+$0x1C0] =	vst v44;
	v18 =	vmul.f32 v28, v34;
	v24 =	vpop (erf)  }
0x333: {  	v44 =	vbroadcast v39, $0x2;
	v28 =	vld [tilespmem:s21+$0xFFFFFE40];
	v14 =	vsel vm0, v24, v14;
	[tilespmem:s21+$0x1D0] =	vst v19;
	v19 =	vmul.f32 v30, v34;
	v30 =	vpop (erf)  }
0x334: {  	v45 =	vbroadcast v29, $0x1;
	v39 =	vbroadcast v39, $0x3;
	v34 =	vld [tilespmem:s21+$0xFFFFFE50];
	v46 =	vsel vm0, v30, v12;
	[tilespmem:s21+$0x1E0] =	vst v18  }
0x335: {  	v48 =	vbroadcast v29, $0x2;
	v29 =	vbroadcast v29, $0x3;
	v12 =	vsel vm0, v23, v17;
	v47 =	vld [tilespmem:s21+$0xFFFFFE60];
	[tilespmem:s21+$0x1F0] =	vst v19  }
0x336: {  	v50 =	vbroadcast v32, $0x0;
	v51 =	vbroadcast v32, $0x1;
	v49 =	vld [tilespmem:s21+$0xFFFFFE70];
	[tilespmem:s1+$0x30] =	vst v12  }
0x337: {  	v53 =	vbroadcast v32, $0x2;
	v32 =	vbroadcast v32, $0x3;
	v52 =	vld [tilespmem:s21+$0xFFFFFE80];
	[tilespmem:s2+$0xF0] =	vst v10  }
0x338: {  	v55 =	vbroadcast v37, $0x0;
	v56 =	vbroadcast v37, $0x1;
	v54 =	vld [tilespmem:s21+$0xFFFFFE90];
	[tilespmem:s0+$0x10] =	vst v4;
	v4 =	vmov v14  }
0x339: {  	v58 =	vbroadcast v37, $0x2;
	v23 =	vbroadcast v37, $0x3;
	v57 =	vld [tilespmem:s21+$0xFFFFFEA0];
	[tilespmem:s2+$0x100] =	vst v27  }
0x33a: {  	v22 =	vbroadcast v41, $0x0;
	v20 =	vbroadcast v41, $0x1;
	v27 =	vld [tilespmem:s21+$0xFFFFFEB0];
	[tilespmem:s2+$0x110] =	vst v8  }
0x33b: {  	v18 =	vbroadcast v41, $0x3;
	v19 =	vbroadcast v41, $0x2;
	v37 =	vld [tilespmem:s21+$0xFFFFFEC0];
	[tilespmem:s2+$0x120] =	vst v31  }
0x33c: {  	v17 =	vbroadcast v24, $0x0;
	v14 =	vbroadcast v24, $0x1;
	v31 =	vld [tilespmem:s21+$0xFFFFFED0];
	[tilespmem:s2+$0x130] =	vst v7  }
0x33d: {  	v12 =	vbroadcast v24, $0x2;
	v10 =	vbroadcast v24, $0x3;
	v41 =	vld [tilespmem:s21+$0xFFFFFEE0];
	[tilespmem:s2+$0x140] =	vst v25  }
0x33e: {  	v8 =	vbroadcast v30, $0x0;
	v7 =	vbroadcast v30, $0x1;
	v24 =	vld [tilespmem:s21+$0xFFFFFEF0];
	[tilespmem:s2+$0x150] =	vst v6  }
0x33f: {  	v6 =	vbroadcast v30, $0x2;
	v30 =	vbroadcast v30, $0x3;
	v25 =	vld [tilespmem:s21+$0xFFFFFF00];
	[tilespmem:s2+$0x160] =	vst v26  }
0x340: {  	v26 =	vmul.f32 v35, v33;
	v33 =	vmul.f32 v35, v38;
	v35 =	vld [tilespmem:s21+$0xFFFFFF10];
	[tilespmem:s25+$0x170] =	vst v5;
	s25 =	smov.u32 s2;
	s2 =	smov.u32 s21  }
0x341: {  	v38 =	vmul.f32 v43, v42;
	v5 =	vmul.f32 v42, v40;
	v40 =	vld [tilespmem:s21+$0xFFFFFF20];
	[tilespmem:s24+$0x20] =	vst v2;
	v2 =	vmovc v3;
	v3 =	vmov v46;
	s24 =	smov.u32 s0;
	s0 =	smov.u32 s1  }
0x342: {  	[tilespmem:s21+$0xFFFFFE00] =	vst v26;
	v26 =	vmul.f32 v28, v44;
	v28 =	vmul.f32 v34, v44;
	v34 =	vld [tilespmem:s21+$0xFFFFFF30]  }
0x343: {  	[tilespmem:s21+$0xFFFFFE10] =	vst v33;
	v33 =	vmul.f32 v47, v39;
	v39 =	vmul.f32 v49, v39;
	v42 =	vld [tilespmem:s21+$0xFFFFFF40]  }
0x344: {  	[tilespmem:s21+$0xFFFFFE20] =	vst v5;
	v5 =	vmul.f32 v36, v52;
	v36 =	vmul.f32 v36, v54;
	v43 =	vld [tilespmem:s21+$0xFFFFFF50]  }
0x345: {  	v27 =	vmul.f32 v27, v45;
	[tilespmem:s21+$0xFFFFFE30] =	vst v38;
	v38 =	vmul.f32 v45, v57;
	v44 =	vld [tilespmem:s21+$0xFFFFFF60]  }
0x346: {  	v31 =	vmul.f32 v31, v48;
	[tilespmem:s21+$0xFFFFFE40] =	vst v26;
	v26 =	vmul.f32 v37, v48;
	v37 =	vld [tilespmem:s21+$0xFFFFFF70]  }
0x347: {  	v41 =	vmul.f32 v41, v29;
	v24 =	vmul.f32 v24, v29;
	[tilespmem:s21+$0xFFFFFE50] =	vst v28;
	v28 =	vld [tilespmem:s21+$0xFFFFFF80]  }
0x348: {  	v35 =	vmul.f32 v50, v35;
	[tilespmem:s21+$0xFFFFFE60] =	vst v33;
	v33 =	vmul.f32 v50, v25;
	v25 =	vld [tilespmem:s21+$0xFFFFFF90]  }
0x349: {  	v34 =	vmul.f32 v34, v51;
	[tilespmem:s21+$0xFFFFFE70] =	vst v39;
	v39 =	vmul.f32 v51, v40;
	v29 =	vld [tilespmem:s21+$0xFFFFFFA0]  }
0x34a: {  	v40 =	vmul.f32 v42, v53;
	v42 =	vmul.f32 v43, v53;
	[tilespmem:s1+$0xFFFFFFC0] =	vst v21;
	v21 =	vld [tilespmem:s21+$0xFFFFFFB0]  }
0x34b: {  	v43 =	vmul.f32 v44, v32;
	[tilespmem:s21+$0xFFFFFE80] =	vst v5;
	v37 =	vmul.f32 v37, v32;
	v32 =	vld [tilespmem:s21+$0xFFFFFFC0]  }
0x34c: {  	v5 =	vmul.f32 v15, v1;
	v1 =	vmov v30;
	[tilespmem:s21+$0xFFFFFE90] =	vst v36;
	v36 =	vmul.f32 v55, v28;
	v44 =	vld [tilespmem:s21+$0xFFFFFFD0]  }
0x34d: {  	[tilespmem:s21+$0xFFFFFEA0] =	vst v38;
	v38 =	vmul.f32 v55, v25;
	v15 =	vld [tilespmem:s21+$0xFFFFFFE0]  }
0x34e: {  	[tilespmem:s21+$0xFFFFFEB0] =	vst v27;
	v25 =	vmul.f32 v56, v29;
	v27 =	vld [tilespmem:s21+$0xFFFFFFF0]  }
0x34f: {  	[tilespmem:s21+$0xFFFFFEC0] =	vst v26;
	v28 =	vmul.f32 v21, v56;
	v21 =	vld [tilespmem:s21+$0x0]  }
0x350: {  	[tilespmem:s21+$0xFFFFFED0] =	vst v31;
	v29 =	vmul.f32 v32, v58;
	v45 =	vld [tilespmem:s21+$0x10]  }
0x351: {  	[tilespmem:s21+$0xFFFFFEE0] =	vst v41;
	v30 =	vmul.f32 v44, v58;
	v41 =	vld [tilespmem:s21+$0x20]  }
0x352: {  	[tilespmem:s21+$0xFFFFFEF0] =	vst v24;
	v31 =	vmul.f32 v15, v23;
	v15 =	vld [tilespmem:s21+$0x30]  }
0x353: {  	[tilespmem:s1+$0xFFFFFFD0] =	vst v16;
	v32 =	vmul.f32 v27, v23;
	v16 =	vld [tilespmem:s21+$0x40]  }
0x354: {  	[tilespmem:s21+$0xFFFFFF00] =	vst v33;
	v26 =	vmul.f32 v22, v21;
	v23 =	vld [tilespmem:s21+$0x50]  }
0x355: {  	[tilespmem:s21+$0xFFFFFF10] =	vst v35;
	v27 =	vmul.f32 v22, v45;
	v33 =	vld [tilespmem:s21+$0x60]  }
0x356: {  	[tilespmem:s21+$0xFFFFFF20] =	vst v39;
	v21 =	vmul.f32 v20, v41;
	v35 =	vld [tilespmem:s21+$0x70]  }
0x357: {  	[tilespmem:s21+$0xFFFFFF30] =	vst v34;
	v24 =	vmul.f32 v15, v20;
	v34 =	vld [tilespmem:s21+$0x80]  }
0x358: {  	[tilespmem:s21+$0xFFFFFF40] =	vst v40;
	v20 =	vmul.f32 v16, v19;
	v39 =	vld [tilespmem:s21+$0x90]  }
0x359: {  	[tilespmem:s21+$0xFFFFFF50] =	vst v42;
	v22 =	vmul.f32 v23, v19;
	v40 =	vld [tilespmem:s21+$0xA0]  }
.Ltmp2:
0x35a: {  	[tilespmem:s21+$0xFFFFFF60] =	vst v43;
	v15 =	vmul.f32 v33, v18;
	v33 =	vld [tilespmem:s21+$0xB0];
	(pc) =	sbr.rel @p1 .LBB2_7-.Ltmp2, $4  }
0x35b: {  	[tilespmem:s21+$0xFFFFFF70] =	vst v37;
	v23 =	vmul.f32 v35, v18;
	v18 =	vld [tilespmem:s21+$0xC0]  }
0x35c: {  	[tilespmem:s1+$0xFFFFFFE0] =	vst v13;
	v16 =	vmul.f32 v17, v34;
	v34 =	vld [tilespmem:s21+$0xD0]  }
0x35d: {  	[tilespmem:s21+$0xFFFFFF80] =	vst v36;
	v19 =	vmul.f32 v17, v39;
	v35 =	vld [tilespmem:s21+$0xE0]  }
0x35e: {  	s1 =	sadd.s32 $0x80, s1;
	[tilespmem:s21+$0xFFFFFF90] =	vst v38;
	v13 =	vmul.f32 v14, v40;
	v36 =	vld [tilespmem:s21+$0xF0]  }
0x35f: {  	[tilespmem:s21+$0xFFFFFFA0] =	vst v25  }
0x360: {  	[tilespmem:s21+$0xFFFFFFB0] =	vst v28  }
0x361: {  	[tilespmem:s21+$0xFFFFFFC0] =	vst v29  }
0x362: {  	[tilespmem:s21+$0xFFFFFFD0] =	vst v30  }
0x363: {  	[tilespmem:s21+$0xFFFFFFE0] =	vst v31  }
0x364: {  	[tilespmem:s21+$0xFFFFFFF0] =	vst v32  }
0x365: {  	[tilespmem:s21+$0x0] =	vst v26  }
0x366: {  	[tilespmem:s21+$0x10] =	vst v27  }
0x367: {  	[tilespmem:s21+$0x20] =	vst v21  }
0x368: {  	[tilespmem:s21+$0x30] =	vst v24  }
0x369: {  	[tilespmem:s21+$0x40] =	vst v20  }
0x36a: {  	[tilespmem:s21+$0x50] =	vst v22  }
0x36b: {  	[tilespmem:s21+$0x60] =	vst v15  }
0x36c: {  	[tilespmem:s21+$0x70] =	vst v23  }
0x36d: {  	[tilespmem:s2+$0x80] =	vst v16  }
0x36e: {  	[tilespmem:s2+$0x90] =	vst v19  }
0x36f: {  	[tilespmem:s25+$0x170] =	vst v5  }
0x370: {  	[tilespmem:s0+$0xFFFFFFF0] =	vst v11  }
0x371: {  	[tilespmem:s0+$0x0] =	vst v9  }
0x372: {  	v45 =	vmul.f32 v33, v14;
	[tilespmem:s2+$0xA0] =	vst v13  }
0x373: {  	v46 =	vld [tilespmem:s21+$0x100];
	v47 =	vmul.f32 v18, v12;
	[tilespmem:s24+$0x20] =	vst v2  }
0x374: {  	v48 =	vld [tilespmem:s21+$0x110];
	v49 =	vmul.f32 v34, v12;
	[tilespmem:s2+$0xB0] =	vst v45  }
0x375: {  	v50 =	vld [tilespmem:s21+$0x120];
	v51 =	vmul.f32 v35, v10;
	[tilespmem:s2+$0xC0] =	vst v47  }
0x376: {  	v52 =	vld [tilespmem:s21+$0x130];
	v53 =	vmul.f32 v36, v10;
	[tilespmem:s2+$0xD0] =	vst v49  }
0x377: {  	v54 =	vld [tilespmem:s21+$0x140];
	[tilespmem:s2+$0xE0] =	vst v51  }
0x378: {  	v55 =	vld [tilespmem:s21+$0x150];
	v11 =	vmul.f32 v8, v46;
	[tilespmem:s2+$0xF0] =	vst v53  }
0x379: {  	v56 =	vld [tilespmem:s21+$0x160];
	v58 =	vmul.f32 v8, v48;
	[tilespmem:s0+$0x10] =	vst v4  }
0x37a: {  	v57 =	vld [tilespmem:s21+$0x170];
	v59 =	vmul.f32 v7, v50;
	[tilespmem:s2+$0x100] =	vst v11  }
0x37b: {  	v60 =	vmul.f32 v52, v7;
	[tilespmem:s2+$0x110] =	vst v58  }
0x37c: {  	v61 =	vmul.f32 v54, v6;
	[tilespmem:s2+$0x120] =	vst v59  }
0x37d: {  	v62 =	vmul.f32 v55, v6;
	[tilespmem:s2+$0x130] =	vst v60  }
0x37e: {  	v63 =	vmul.f32 v56, v1;
	[tilespmem:s2+$0x140] =	vst v61  }
0x37f: {  	v1 =	vmul.f32 v57, v1;
	[tilespmem:s2+$0x150] =	vst v62  }
0x380: {  	p1 =	seq.s32 s29, $0x3D;
	[tilespmem:s2+$0x160] =	vst v63  }
.Ltmp3:
0x381: {  	[tilespmem:s2+$0x170] =	vst v1;
	(pc) =	sbr.rel @p1 .LBB2_10-.Ltmp3, $4  }
0x382: {  	[tilespmem:s0+$0x20] =	vst v3  }
0x383: {  	[spmem:s4] =	stream.indirect.scatter.add.f32 [tilespmem:s15], [sflag:$0x6], $0x10, s19, s31, $0xb8;
	[tilespmem:$0x1BCB0] =	vst v63  }
0x384: {  	_ = 	snop  }
0x385: {  	[spmem:s3] =	stream.indirect.scatter.add.f32 [tilespmem:s16], [sflag:$0x6], $0x80, s19, s31, $0xb8;
	[tilespmem:$0x1BCB0] =	vst v63  }
0x386: {  	s0 =	rddreg [dreg:$0x1e]  }
0x387: {  	s0 =	sadd.s32 s12, s0  }
0x388: {  	s0 =	sshrl.u32 s0, $0x3  }
0x389: {  	s1 =	sadd.s32 s7, s0  }
0x38a: {  	[tilespmem:s26], [sflag:$0x2] =	stream.linear.gather [hbm4b:s1+s5], $0x50, $0x38;
	[tilespmem:$0x1BCB0] =	vst v63  }
0x38b: {  	s2 =	simm.s32 $0x16080;
	s14 =	rddreg [dreg:$0x2];
	s12 =	sadd.s32 s8, s0  }
0x38c: {  	[tilespmem:s2], [sflag:$0x2] =	stream.linear.gather [hbm4b:s12+s5], $0x50, $0x38;
	[tilespmem:$0x1BCB0] =	vst v63  }
0x38d: {  	s21 =	simm.s32 $0x16120;
	s0 =	sadd.s32 s14, s0  }
0x38e: {  	[tilespmem:s21], [sflag:$0x2] =	stream.linear.gather [hbm4b:s0+s5], $0x50, $0x38;
	[tilespmem:$0x1BCB0] =	vst v63  }
0x38f: {  	_ =	swait.ge [sflag:s9], $0x50  }
0x390: {  	[sflag:s9] =	ssyncset.done $0x0  }
0x391: {  	[sflag:s9] =	ssyncadd.s32 $0xFFFFFFB0  }
0x392: {  	_ =	swait.ge [sflag:s9], $0x50  }
0x393: {  	[sflag:s9] =	ssyncset.done $0x0  }
0x394: {  	[sflag:s9] =	ssyncadd.s32 $0xFFFFFFB0  }
0x395: {  	_ =	swait.ge [sflag:s9], $0x50  }
0x396: {  	[sflag:s9] =	ssyncset.done $0x0  }
0x397: {  	[sflag:s9] =	ssyncadd.s32 $0xFFFFFFB0  }
0x398: {  	_ =	swait.ge [sflag:s28], $0x500  }
0x399: {  	[sflag:s28] =	ssyncset.done $0x0  }
0x39a: {  	[sflag:s28] =	ssyncadd.s32 $0xFFFFFB00  }
0x39b: {  	_ =	swait.ge [sflag:s28], $0x2800  }
0x39c: {  	[sflag:s28] =	ssyncset.done $0x0  }
0x39d: {  	[sflag:s28] =	ssyncadd.s32 $0xFFFFD800  }
0x39e: {  	v1 =	vld [tilespmem:$0x15FE0]  }
0x39f: {  	v2 =	vld [tilespmem:$0x16120]  }
0x3a0: {  	v3 =	vld [tilespmem:$0x16080]  }
0x3a1: {  	v4 =	vld [tilespmem:$0x15FF0]  }
0x3a2: {  	v5 =	vld [tilespmem:$0x16130]  }
0x3a3: {  	v7 =	vld [tilespmem:$0x16000]  }
0x3a4: {  	v6 =	vld [tilespmem:$0x16090]  }
0x3a5: {  	v8 =	vld [tilespmem:$0x16140]  }
0x3a6: {  	v9 =	vld [tilespmem:$0x160A0]  }
0x3a7: {  	v10 =	vld [tilespmem:$0x16010];
	v1 =	vmul.u32 $0x30, v1  }
0x3a8: {  	v61 =	vld [tilespmem:$0x16150];
	[tilespmem:$0x16260] =	vst v3;
	v3 =	vmul.u32 $0x30, v7  }
0x3a9: {  	v62 =	vld [tilespmem:$0x160B0];
	v1 =	vadd.s32 v2, v1;
	v2 =	vmul.u32 $0x30, v4  }
0x3aa: {  	v3 =	vadd.s32 v8, v3;
	[tilespmem:$0x161C0] =	vst v1;
	v1 =	vld [tilespmem:$0x16020]  }
0x3ab: {  	[tilespmem:$0x161E0] =	vst v3;
	v3 =	vld [tilespmem:$0x160C0];
	v2 =	vadd.s32 v5, v2  }
0x3ac: {  	[tilespmem:$0x161D0] =	vst v2;
	v2 =	vld [tilespmem:$0x16160]  }
0x3ad: {  	[tilespmem:$0x16270] =	vst v6;
	v63 =	vmul.u32 $0x30, v10  }
0x3ae: {  	[tilespmem:$0x16280] =	vst v9  }
0x3af: {  	[tilespmem:$0x16290] =	vst v62;
	v4 =	vadd.s32 v61, v63;
	v1 =	vmul.u32 $0x30, v1  }
0x3b0: {  	[tilespmem:$0x161F0] =	vst v4  }
.Ltmp4:
0x3b1: {  	[tilespmem:$0x162A0] =	vst v3;
	v1 =	vadd.s32 v2, v1;
	(pc) =	sbr.rel .LBB2_4-.Ltmp4, $4  }
0x3b2: {  	s24 =	simm.s32 $0x161C0;
	[tilespmem:$0x16200] =	vst v1  }
0x3b3: {  	[tilespmem:s15], [sflag:$0x4] =	stream.indirect.gather [hbm4b:s6+s31], $0x10, s24, s31, $0xb8;
	[tilespmem:$0x1BCB0] =	vst v63  }
0x3b4: {  	s29 =	sadd.s32 $0x1, s29;
	s25 =	rddreg [dreg:$0x1]  }
0x3b5: {  	[tilespmem:s16], [sflag:$0x4] =	stream.indirect.gather [hbm4b:s25+s31], $0x80, s26, s31, $0xb8;
	[tilespmem:$0x1BCB0] =	vst v63  }
.LBB2_10:
0x3b6: {  	_ =	swait.ge [sflag:s17], $0x500  }
0x3b7: {  	[sflag:s17] =	ssyncset.done $0x0  }
0x3b8: {  	[sflag:s17] =	ssyncadd.s32 $0xFFFFFB00  }
0x3b9: {  	_ =	swait.ge [sflag:s17], $0x2800  }
0x3ba: {  	[sflag:s17] =	ssyncset.done $0x0  }
0x3bb: {  	s12 =	simm.s32 $0x162F0;
	[sflag:s17] =	ssyncadd.s32 $0xFFFFD800  }
0x3bc: {  	v9 =	vld [tilespmem:s12+$0x30];
	_ =	sdelay $0x4  }
0x3bd: {  	v1 =	vmul.f32 $2.000000030e-01, v9;
	_ =	sdelay $0x1  }
0x3be: {  	v1 =	vmax.f32 v9, v1  }
0x3bf: {  	v4 =	vld [tilespmem:s12+$0xFFFFFFD0];
	v1 =	vmul.f32 $1.442695020e+00, v1  }
0x3c0: {  	v3 =	vld [tilespmem:s12+$0xFFFFFFE0]  }
0x3c1: {  	v6 =	vld [tilespmem:s12+$0xFFFFFFF0];
	(erf) = vpow2.f32 v1  }
0x3c2: {  	v5 =	vld [tilespmem:s12+$0x0]  }
0x3c3: {  	s24 =	simm.s32 $0x16EB0;
	v10 =	vld [tilespmem:s12+$0xFFFFFFC0]  }
0x3c4: {  	v2 =	vld [tilespmem:s24+$0x180]  }
0x3c5: {  	v7 =	vld [tilespmem:s24+$0x190]  }
0x3c6: {  	v8 =	vld [tilespmem:s24+$0x1A0]  }
0x3c7: {  	v13 =	vld [tilespmem:s24+$0x1B0]  }
0x3c8: {  	v14 =	vld [tilespmem:s24+$0x1C0]  }
0x3c9: {  	v16 =	vld [tilespmem:s24+$0x1D0]  }
0x3ca: {  	v17 =	vld [tilespmem:s24+$0x1E0];
	v11 =	vpop (erf)  }
0x3cb: {  	v18 =	vld [tilespmem:s24+$0x1F0];
	v12 =	vbroadcast v11, $0x0  }
0x3cc: {  	v20 =	vld [tilespmem:s24+$0xFFFFFE00]  }
0x3cd: {  	v22 =	vld [tilespmem:s24+$0xFFFFFE10];
	v15 =	vmul.f32 v12, v2  }
0x3ce: {  	v24 =	vld [tilespmem:s24+$0xFFFFFE20]  }
0x3cf: {  	v25 =	vld [tilespmem:s24+$0xFFFFFE30];
	[tilespmem:s24+$0x180] =	vst v15;
	v15 =	vmul.f32 $2.000000030e-01, v4  }
0x3d0: {  	v26 =	vld [tilespmem:s24+$0xFFFFFE80];
	v19 =	vmul.f32 $2.000000030e-01, v3  }
0x3d1: {  	v27 =	vld [tilespmem:s24+$0xFFFFFE90];
	v21 =	vmul.f32 $2.000000030e-01, v6;
	v15 =	vmax.f32 v4, v15  }
0x3d2: {  	v29 =	vld [tilespmem:s24+$0xFFFFFEA0];
	v23 =	vmul.f32 $2.000000030e-01, v10;
	v19 =	vmax.f32 v3, v19;
	v15 =	vmul.f32 $1.442695020e+00, v15  }
0x3d3: {  	v32 =	vld [tilespmem:s24+$0xFFFFFEC0];
	v21 =	vmax.f32 v6, v21;
	v19 =	vmul.f32 $1.442695020e+00, v19  }
0x3d4: {  	v34 =	vld [tilespmem:s24+$0xFFFFFEE0];
	v23 =	vmax.f32 v10, v23;
	v21 =	vmul.f32 $1.442695020e+00, v21;
	(erf) = vpow2.f32 v15  }
0x3d5: {  	v61 =	vld [tilespmem:s24+$0xFFFFFFD0];
	v23 =	vmul.f32 $1.442695020e+00, v23;
	(erf) = vpow2.f32 v19  }
0x3d6: {  	v63 =	vld [tilespmem:s24+$0x50];
	(erf) = vpow2.f32 v21  }
0x3d7: {  	v48 =	vld [tilespmem:s24+$0x70];
	(erf) = vpow2.f32 v23  }
0x3d8: {  	v49 =	vld [tilespmem:s24+$0x80];
	v28 =	vbroadcast v11, $0x1  }
0x3d9: {  	v50 =	vld [tilespmem:s24+$0xA0];
	v7 =	vmul.f32 v12, v7  }
0x3da: {  	v39 =	vld [tilespmem:s24+$0xB0];
	v31 =	vbroadcast v11, $0x2;
	v30 =	vmul.f32 v28, v8  }
0x3db: {  	v43 =	vld [tilespmem:s24+$0xD0];
	v13 =	vmul.f32 v13, v28;
	[tilespmem:s24+$0x190] =	vst v7  }
0x3dc: {  	s21 =	simm.s32 $0x172B0;
	v45 =	vld [tilespmem:s24+$0xE0];
	v14 =	vmul.f32 v14, v31;
	[tilespmem:s24+$0x1A0] =	vst v30;
	v30 =	vbroadcast v11, $0x3  }
0x3dd: {  	v57 =	vld [tilespmem:s21+$0x1A0];
	[tilespmem:s24+$0x1B0] =	vst v13;
	v13 =	vmul.f32 v16, v31;
	v33 =	vpop (erf)  }
0x3de: {  	v1 =	vld [tilespmem:s12+$0x10];
	[tilespmem:s24+$0x1C0] =	vst v14;
	v14 =	vmul.f32 v17, v30;
	v8 =	vpop (erf)  }
0x3df: {  	v2 =	vld [tilespmem:s12+$0x20];
	[tilespmem:s24+$0x1D0] =	vst v13;
	v13 =	vmul.f32 v18, v30;
	v36 =	vbroadcast v33, $0x0;
	v7 =	vpop (erf)  }
0x3e0: {  	v12 =	vld [tilespmem:s24+$0xFFFFFEB0];
	[tilespmem:s24+$0x1E0] =	vst v14;
	v31 =	vpop (erf)  }
0x3e1: {  	v9 =	vsel vm0, v11, v9;
	v28 =	vld [tilespmem:s24+$0xFFFFFED0];
	[tilespmem:s24+$0x1F0] =	vst v13;
	v26 =	vmul.f32 v36, v26;
	v35 =	vbroadcast v31, $0x0  }
0x3e2: {  	v15 =	vld [tilespmem:s24+$0xFFFFFE40];
	[tilespmem:s12+$0x30] =	vst v9;
	v27 =	vmul.f32 v36, v27  }
0x3e3: {  	v19 =	vld [tilespmem:s24+$0xFFFFFE50];
	v30 =	vbroadcast v31, $0x1;
	[tilespmem:s24+$0xFFFFFE80] =	vst v26;
	v11 =	vmul.f32 v35, v20  }
0x3e4: {  	v21 =	vld [tilespmem:s24+$0xFFFFFE60];
	[tilespmem:s24+$0xFFFFFE90] =	vst v27;
	v9 =	vmul.f32 v35, v22  }
0x3e5: {  	v23 =	vld [tilespmem:s24+$0xFFFFFE70];
	v22 =	vbroadcast v31, $0x2;
	v24 =	vmul.f32 v30, v24;
	[tilespmem:s24+$0xFFFFFE00] =	vst v11  }
0x3e6: {  	v60 =	vmul.f32 $2.000000030e-01, v5;
	v16 =	vld [tilespmem:s24+$0xFFFFFEF0];
	v25 =	vmul.f32 v25, v30;
	[tilespmem:s24+$0xFFFFFE10] =	vst v9  }
0x3e7: {  	v17 =	vld [tilespmem:s24+$0xFFFFFF00];
	v30 =	vbroadcast v31, $0x3;
	v15 =	vmul.f32 v15, v22;
	[tilespmem:s24+$0xFFFFFE20] =	vst v24  }
0x3e8: {  	v18 =	vld [tilespmem:s24+$0xFFFFFF10];
	v10 =	vsel vm0, v31, v10;
	v19 =	vmul.f32 v19, v22;
	[tilespmem:s24+$0xFFFFFE30] =	vst v25  }
0x3e9: {  	v14 =	vld [tilespmem:s24+$0xFFFFFF20];
	v35 =	vmax.f32 v5, v60;
	v31 =	vbroadcast v33, $0x1;
	v21 =	vmul.f32 v21, v30;
	[tilespmem:s24+$0xFFFFFE40] =	vst v15  }
0x3ea: {  	v13 =	vld [tilespmem:s24+$0xFFFFFF30];
	v35 =	vmul.f32 $1.442695020e+00, v35;
	v23 =	vmul.f32 v23, v30;
	[tilespmem:s24+$0xFFFFFE50] =	vst v19  }
0x3eb: {  	v26 =	vld [tilespmem:s24+$0xFFFFFFE0];
	v25 =	vmul.f32 $2.000000030e-01, v1;
	v29 =	vmul.f32 v31, v29;
	[tilespmem:s24+$0xFFFFFE60] =	vst v21  }
0x3ec: {  	v27 =	vld [tilespmem:s24+$0xFFFFFFF0];
	v12 =	vmul.f32 v12, v31;
	v31 =	vbroadcast v33, $0x3;
	[tilespmem:s24+$0xFFFFFE70] =	vst v23  }
0x3ed: {  	v62 =	vbroadcast v8, $0x0;
	v20 =	vld [tilespmem:s24+$0xFFFFFF40];
	v30 =	vmul.f32 $2.000000030e-01, v2;
	[tilespmem:s24+$0xFFFFFEA0] =	vst v29  }
0x3ee: {  	v60 =	vld [tilespmem:s21+$0x1B0];
	(erf) = vpow2.f32 v35;
	v25 =	vmax.f32 v1, v25;
	[tilespmem:s24+$0xFFFFFEB0] =	vst v12;
	v12 =	vmul.f32 v34, v31  }
0x3ef: {  	v11 =	vld [tilespmem:s24+$0xFFFFFF50];
	v16 =	vmul.f32 v16, v31;
	v25 =	vmul.f32 $1.442695020e+00, v25;
	[tilespmem:s12+$0xFFFFFFC0] =	vst v10  }
0x3f0: {  	v9 =	vld [tilespmem:s24+$0xFFFFFF60];
	v10 =	vmax.f32 v2, v30;
	v30 =	vbroadcast v33, $0x2;
	[tilespmem:s24+$0xFFFFFEE0] =	vst v12;
	v12 =	vmul.f32 v62, v17  }
0x3f1: {  	v24 =	vld [tilespmem:s24+$0xFFFFFF70];
	v10 =	vmul.f32 $1.442695020e+00, v10;
	[tilespmem:s24+$0xFFFFFEF0] =	vst v16;
	v17 =	vmul.f32 v62, v18  }
0x3f2: {  	v22 =	vld [tilespmem:s24+$0xFFFFFF80];
	v16 =	vbroadcast v8, $0x2;
	v32 =	vmul.f32 v32, v30;
	[tilespmem:s24+$0xFFFFFF00] =	vst v12  }
0x3f3: {  	v35 =	vld [tilespmem:s21+$0xFFFFFF40];
	v28 =	vmul.f32 v28, v30;
	(erf) = vpow2.f32 v25;
	[tilespmem:s24+$0xFFFFFF10] =	vst v17  }
0x3f4: {  	v38 =	vbroadcast v7, $0x3;
	v15 =	vld [tilespmem:s24+$0xFFFFFF90];
	(erf) = vpow2.f32 v10;
	[tilespmem:s24+$0xFFFFFEC0] =	vst v32  }
0x3f5: {  	v4 =	vsel vm0, v33, v4;
	v19 =	vld [tilespmem:s24+$0xFFFFFFA0];
	v10 =	vbroadcast v8, $0x1;
	v17 =	vmul.f32 v20, v16;
	[tilespmem:s24+$0xFFFFFED0] =	vst v28  }
0x3f6: {  	v21 =	vld [tilespmem:s24+$0xFFFFFFB0];
	v12 =	vbroadcast v7, $0x0;
	v11 =	vmul.f32 v11, v16;
	[tilespmem:s12+$0xFFFFFFD0] =	vst v4  }
0x3f7: {  	s0 =	simm.s32 $0x16370;
	v23 =	vld [tilespmem:s24+$0xFFFFFFC0];
	v20 =	vbroadcast v7, $0x2;
	v14 =	vmul.f32 v10, v14;
	[tilespmem:s24+$0xFFFFFF40] =	vst v17  }
0x3f8: {  	v16 =	vld [tilespmem:s0+$0xFFFFFFD0];
	v4 =	vbroadcast v8, $0x3;
	v10 =	vmul.f32 v13, v10;
	[tilespmem:s24+$0xFFFFFF50] =	vst v11  }
0x3f9: {  	v29 =	vld [tilespmem:s24+$0x0];
	v13 =	vbroadcast v7, $0x1;
	v17 =	vmul.f32 v26, v38;
	[tilespmem:s24+$0xFFFFFF20] =	vst v14  }
0x3fa: {  	v30 =	vld [tilespmem:s24+$0x10];
	v26 =	vmul.f32 v27, v38;
	[tilespmem:s24+$0xFFFFFF30] =	vst v10;
	v37 =	vpop (erf);
	v9 =	vmul.f32 v9, v4  }
0x3fb: {  	v25 =	vld [tilespmem:s24+$0x20];
	v4 =	vmul.f32 v24, v4;
	[tilespmem:s24+$0xFFFFFFE0] =	vst v17;
	v40 =	vbroadcast v37, $0x0  }
0x3fc: {  	v18 =	vld [tilespmem:s24+$0x60];
	[tilespmem:s24+$0xFFFFFFF0] =	vst v26;
	v41 =	vbroadcast v37, $0x1;
	v42 =	vbroadcast v37, $0x2  }
0x3fd: {  	v31 =	vld [tilespmem:s24+$0x40];
	v44 =	vbroadcast v37, $0x3;
	v53 =	vmul.f32 $2.000000030e-01, v16;
	[tilespmem:s24+$0xFFFFFF60] =	vst v9  }
0x3fe: {  	v3 =	vsel vm0, v8, v3;
	v28 =	vld [tilespmem:s24+$0x30];
	v9 =	vmul.f32 v12, v22;
	[tilespmem:s24+$0xFFFFFF70] =	vst v4;
	v4 =	vmul.f32 v12, v15  }
0x3ff: {  	v32 =	vld [tilespmem:s21+$0xFFFFFF10];
	[tilespmem:s12+$0xFFFFFFE0] =	vst v3;
	v3 =	vmul.f32 v13, v19;
	v29 =	vmul.f32 v40, v29  }
0x400: {  	v11 =	vld [tilespmem:s0+$0xFFFFFFE0];
	v26 =	vmul.f32 v40, v30;
	v25 =	vmul.f32 v41, v25;
	[tilespmem:s24+$0xFFFFFF80] =	vst v9  }
0x401: {  	v7 =	vsel vm0, v7, v6;
	v10 =	vld [tilespmem:s0+$0x30];
	v30 =	vmul.f32 v63, v42;
	v18 =	vmul.f32 v18, v44;
	[tilespmem:s24+$0xFFFFFF90] =	vst v4  }
0x402: {  	v6 =	vld [tilespmem:s0+$0xFFFFFFC0];
	v34 =	vmax.f32 v16, v53;
	v8 =	vpop (erf);
	v9 =	vmul.f32 v21, v13;
	v4 =	vmul.f32 v23, v20;
	[tilespmem:s24+$0xFFFFFFA0] =	vst v3  }
0x403: {  	v14 =	vld [tilespmem:s24+$0x90];
	v34 =	vmul.f32 $1.442695020e+00, v34;
	v22 =	vbroadcast v8, $0x0;
	[tilespmem:s24+$0x0] =	vst v29  }
0x404: {  	v24 =	vld [tilespmem:s24+$0xC0];
	v46 =	vbroadcast v8, $0x1;
	v47 =	vbroadcast v8, $0x2;
	[tilespmem:s24+$0x10] =	vst v26  }
0x405: {  	v19 =	vld [tilespmem:s24+$0xF0];
	v21 =	vbroadcast v8, $0x3;
	v3 =	vmul.f32 v61, v20;
	[tilespmem:s24+$0x20] =	vst v25  }
0x406: {  	v13 =	vld [tilespmem:s0+$0x0];
	v12 =	vmul.f32 $2.000000030e-01, v10;
	v29 =	vmul.f32 v31, v42;
	[tilespmem:s24+$0x50] =	vst v30  }
0x407: {  	v15 =	vpop (erf);
	v26 =	vld [tilespmem:s24+$0x120];
	v31 =	vmul.f32 v48, v44;
	[tilespmem:s24+$0x60] =	vst v18;
	v61 =	vmul.f32 $2.000000030e-01, v6  }
0x408: {  	v25 =	vld [tilespmem:s24+$0x130];
	[tilespmem:s24+$0xFFFFFFB0] =	vst v9;
	v20 =	vbroadcast v15, $0x0;
	v23 =	vbroadcast v15, $0x1  }
0x409: {  	v30 =	vld [tilespmem:s24+$0x160];
	[tilespmem:s24+$0xFFFFFFC0] =	vst v4;
	v17 =	vbroadcast v15, $0x3;
	v27 =	vmax.f32 v10, v12;
	v12 =	vbroadcast v15, $0x2  }
0x40a: {  	v18 =	vld [tilespmem:s21+$0x180];
	[tilespmem:s24+$0xFFFFFFD0] =	vst v3;
	v51 =	vmul.f32 v22, v49;
	v14 =	vmul.f32 v22, v14  }
0x40b: {  	v9 =	vld [tilespmem:s0+$0xFFFFFFF0];
	v52 =	vmul.f32 v39, v46;
	[tilespmem:s24+$0x40] =	vst v29;
	v27 =	vmul.f32 $1.442695020e+00, v27  }
0x40c: {  	v4 =	vld [tilespmem:s0+$0x10];
	v24 =	vmul.f32 v24, v47;
	v54 =	vmul.f32 v43, v47;
	[tilespmem:s24+$0x70] =	vst v31  }
0x40d: {  	v3 =	vld [tilespmem:s0+$0x20];
	v55 =	vmul.f32 v45, v21;
	[tilespmem:s12+$0xFFFFFFF0] =	vst v7;
	(erf) = vpow2.f32 v27  }
0x40e: {  	v22 =	vld [tilespmem:s24+$0x140];
	v21 =	vmul.f32 v19, v21;
	v19 =	vmul.f32 $2.000000030e-01, v11;
	[tilespmem:s24+$0x80] =	vst v51  }
0x40f: {  	v29 =	vld [tilespmem:s24+$0x150];
	v58 =	vmul.f32 $2.000000030e-01, v13;
	[tilespmem:s24+$0x90] =	vst v14;
	v27 =	vmul.f32 v28, v41  }
0x410: {  	v7 =	vld [tilespmem:s24+$0x100];
	[tilespmem:s24+$0xB0] =	vst v52;
	v26 =	vmul.f32 v23, v26;
	v23 =	vmul.f32 v25, v23  }
0x411: {  	v5 =	vsel vm0, v37, v5;
	v31 =	vld [tilespmem:s21+$0x190];
	[tilespmem:s24+$0xC0] =	vst v24;
	v56 =	vmul.f32 $2.000000030e-01, v9;
	(erf) = vpow2.f32 v34  }
0x412: {  	v47 =	vld [tilespmem:s21+$0x1E0];
	v53 =	vmax.f32 v13, v58;
	[tilespmem:s24+$0x30] =	vst v27;
	v27 =	vmul.f32 v46, v50;
	v63 =	vmul.f32 $2.000000030e-01, v3  }
0x413: {  	v1 =	vsel vm0, v8, v1;
	[tilespmem:s24+$0xD0] =	vst v54;
	v28 =	vld [tilespmem:s24+$0x110];
	v34 =	vmul.f32 $1.442695020e+00, v53;
	v8 =	vmul.f32 v22, v12  }
0x414: {  	v49 =	vld [tilespmem:s21+$0xFFFFFE00];
	v12 =	vmul.f32 v29, v12;
	v22 =	vmul.f32 v30, v17;
	[tilespmem:s12+$0x0] =	vst v5;
	v5 =	vmax.f32 v11, v19  }
0x415: {  	v45 =	vld [tilespmem:s21+$0xFFFFFF00];
	[tilespmem:s24+$0xE0] =	vst v55;
	v19 =	vmul.f32 $2.000000030e-01, v4;
	v37 =	vmax.f32 v9, v56;
	v7 =	vmul.f32 v20, v7  }
0x416: {  	v14 =	vld [tilespmem:s21+$0x1C0];
	[tilespmem:s24+$0xF0] =	vst v21;
	v62 =	vmul.f32 $1.442695020e+00, v5;
	v37 =	vmul.f32 $1.442695020e+00, v37;
	v5 =	vmax.f32 v6, v61;
	v39 =	vpop (erf)  }
0x417: {  	v24 =	vld [tilespmem:s21+$0x1F0];
	[tilespmem:s24+$0x120] =	vst v26;
	v56 =	vmax.f32 v3, v63;
	v48 =	vmul.f32 $1.442695020e+00, v5;
	v59 =	vbroadcast v39, $0x0  }
0x418: {  	v52 =	vld [tilespmem:s21+$0xFFFFFE10];
	[tilespmem:s24+$0x130] =	vst v23;
	v36 =	vmul.f32 $1.442695020e+00, v56;
	v20 =	vmul.f32 v20, v28  }
0x419: {  	[tilespmem:s24+$0xA0] =	vst v27;
	v5 =	vld [tilespmem:s24+$0x170];
	v19 =	vmax.f32 v4, v19;
	(erf) = vpow2.f32 v62;
	v18 =	vmul.f32 v59, v18  }
0x41a: {  	v27 =	vld [tilespmem:s21+$0x1D0];
	[tilespmem:s24+$0x140] =	vst v8;
	v19 =	vmul.f32 $1.442695020e+00, v19;
	(erf) = vpow2.f32 v37  }
0x41b: {  	v55 =	vld [tilespmem:s21+$0xFFFFFE30];
	(erf) = vpow2.f32 v48;
	[tilespmem:s21+$0x180] =	vst v18;
	v18 =	vbroadcast v39, $0x1  }
0x41c: {  	v21 =	vld [tilespmem:s21+$0xFFFFFEA0];
	[tilespmem:s24+$0x150] =	vst v12;
	v51 =	vbroadcast v39, $0x2;
	v54 =	vbroadcast v39, $0x3  }
0x41d: {  	v26 =	vld [tilespmem:s21+$0xFFFFFEE0];
	[tilespmem:s12+$0x10] =	vst v1;
	v50 =	vmul.f32 v18, v57;
	v18 =	vmul.f32 v60, v18  }
0x41e: {  	v1 =	vld [tilespmem:s21+$0xFFFFFEB0];
	[tilespmem:s24+$0x110] =	vst v20;
	(erf) = vpow2.f32 v34;
	v5 =	vmul.f32 v5, v17  }
0x41f: {  	v20 =	vld [tilespmem:s21+$0xFFFFFED0];
	v28 =	vpop (erf);
	(erf) = vpow2.f32 v19;
	[tilespmem:s21+$0x1B0] =	vst v18;
	v18 =	vmul.f32 v27, v51  }
0x420: {  	v23 =	vld [tilespmem:s21+$0xFFFFFEF0];
	[tilespmem:s24+$0x160] =	vst v22;
	v29 =	vbroadcast v28, $0x0;
	v62 =	vbroadcast v28, $0x1  }
0x421: {  	v58 =	vld [tilespmem:s21+$0xFFFFFE80];
	v31 =	vmul.f32 v59, v31;
	[tilespmem:s21+$0x1D0] =	vst v18;
	v18 =	vmul.f32 v24, v54  }
0x422: {  	v22 =	vld [tilespmem:s21+$0xFFFFFF20];
	[tilespmem:s24+$0x100] =	vst v7;
	v63 =	vbroadcast v28, $0x2;
	v14 =	vmul.f32 v14, v51  }
0x423: {  	v7 =	vld [tilespmem:s21+$0xFFFFFEC0];
	v42 =	vbroadcast v28, $0x3;
	(erf) = vpow2.f32 v36;
	[tilespmem:s21+$0x190] =	vst v31  }
0x424: {  	v37 =	vld [tilespmem:s21+$0xFFFFFF30];
	v1 =	vmul.f32 v1, v62;
	v20 =	vmul.f32 v20, v63;
	[tilespmem:s21+$0x1C0] =	vst v14  }
0x425: {  	v17 =	vld [tilespmem:s21+$0x60];
	v26 =	vmul.f32 v26, v42;
	v23 =	vmul.f32 v23, v42;
	[tilespmem:s21+$0x1F0] =	vst v18;
	v18 =	vpop (erf)  }
0x426: {  	v42 =	vld [tilespmem:s21+$0x20];
	v14 =	vmul.f32 v47, v54;
	[tilespmem:s21+$0xFFFFFEB0] =	vst v1;
	v43 =	vbroadcast v18, $0x0  }
0x427: {  	v31 =	vld [tilespmem:s21+$0xFFFFFE20];
	[tilespmem:s21+$0xFFFFFED0] =	vst v20;
	v19 =	vpop (erf);
	v44 =	vbroadcast v18, $0x1;
	v46 =	vbroadcast v18, $0x2  }
0x428: {  	v20 =	vld [tilespmem:s21+$0x10];
	[tilespmem:s21+$0xFFFFFEF0] =	vst v23;
	v47 =	vbroadcast v18, $0x3;
	v48 =	vbroadcast v19, $0x1  }
0x429: {  	v23 =	vld [tilespmem:s21+$0x30];
	[tilespmem:s21+$0x1A0] =	vst v50;
	v25 =	vpop (erf);
	v38 =	vbroadcast v19, $0x2;
	v50 =	vbroadcast v19, $0x3  }
0x42a: {  	[tilespmem:s21+$0xFFFFFEE0] =	vst v26;
	v57 =	vld [tilespmem:s21+$0xFFFFFE50];
	v30 =	vbroadcast v25, $0x0;
	v59 =	vbroadcast v25, $0x1  }
0x42b: {  	v10 =	vsel vm0, v39, v10;
	[tilespmem:s21+$0x1E0] =	vst v14;
	v14 =	vld [tilespmem:s21+$0xFFFFFE70];
	v60 =	vbroadcast v25, $0x2;
	v32 =	vmul.f32 v43, v32  }
0x42c: {  	v27 =	vld [tilespmem:s21+$0xFFFFFE40];
	[tilespmem:s0+$0x30] =	vst v10;
	v61 =	vbroadcast v25, $0x3;
	v22 =	vmul.f32 v44, v22  }
0x42d: {  	v24 =	vld [tilespmem:s21+$0xFFFFFE60];
	v26 =	vmul.f32 v37, v44;
	v35 =	vmul.f32 v35, v46;
	[tilespmem:s21+$0xFFFFFF10] =	vst v32  }
0x42e: {  	v54 =	vld [tilespmem:s21+$0xFFFFFF90];
	v8 =	vmul.f32 v30, v49;
	v12 =	vmul.f32 v30, v52;
	[tilespmem:s21+$0xFFFFFF20] =	vst v22  }
0x42f: {  	v10 =	vld [tilespmem:s21+$0xFFFFFE90];
	v30 =	vbroadcast v19, $0x0;
	v31 =	vmul.f32 v59, v31;
	v49 =	vpop (erf);
	[tilespmem:s21+$0xFFFFFF30] =	vst v26  }
0x430: {  	v6 =	vsel vm0, v25, v6;
	v25 =	vld [tilespmem:s21+$0xFFFFFFA0];
	v36 =	vbroadcast v49, $0x0;
	v51 =	vbroadcast v49, $0x1;
	[tilespmem:s21+$0xFFFFFE00] =	vst v8  }
0x431: {  	v52 =	vbroadcast v49, $0x2;
	[tilespmem:s21+$0xFFFFFE10] =	vst v12;
	v12 =	vmul.f32 v27, v60;
	v27 =	vld [tilespmem:s21+$0xFFFFFF50]  }
0x432: {  	v39 =	vpop (erf);
	v8 =	vmul.f32 v55, v59;
	[tilespmem:s21+$0xFFFFFE20] =	vst v31;
	v31 =	vmul.f32 v57, v60;
	v60 =	vld [tilespmem:s21+$0xFFFFFF60]  }
0x433: {  	[tilespmem:s21+$0xFFFFFF40] =	vst v35;
	v53 =	vbroadcast v49, $0x3;
	v55 =	vbroadcast v39, $0x0;
	v56 =	vpop (erf);
	v57 =	vld [tilespmem:s21+$0xFFFFFFE0]  }
0x434: {  	v54 =	vmul.f32 v30, v54;
	v59 =	vld [tilespmem:s21+$0x70];
	v1 =	vbroadcast v56, $0x3;
	[tilespmem:s21+$0xFFFFFE30] =	vst v8  }
0x435: {  	v25 =	vmul.f32 v48, v25;
	v8 =	vmul.f32 v24, v61;
	[tilespmem:s21+$0xFFFFFE40] =	vst v12;
	v24 =	vld [tilespmem:s21+$0xFFFFFF70]  }
0x436: {  	v2 =	vsel vm0, v15, v2;
	v15 =	vmul.f32 v17, v53;
	v12 =	vmul.f32 v14, v61;
	[tilespmem:s21+$0xFFFFFE50] =	vst v31;
	v31 =	vld [tilespmem:s21+$0xFFFFFF80]  }
0x437: {  	v14 =	vbroadcast v39, $0x1;
	v61 =	vld [tilespmem:s21+$0xFFFFFFB0];
	[tilespmem:s21+$0xFFFFFE60] =	vst v8;
	v8 =	vmul.f32 v29, v58  }
0x438: {  	[tilespmem:s21+$0xFFFFFE70] =	vst v12;
	v29 =	vmul.f32 v29, v10;
	v12 =	vbroadcast v39, $0x2;
	v58 =	vld [tilespmem:s21+$0x0]  }
0x439: {  	v10 =	vbroadcast v39, $0x3;
	[tilespmem:s0+$0xFFFFFFC0] =	vst v6;
	v6 =	vmul.f32 v62, v21;
	v21 =	vld [tilespmem:s21+$0xFFFFFFC0]  }
0x43a: {  	v62 =	vld [tilespmem:s21+$0xFFFFFFD0];
	v27 =	vmul.f32 v27, v46;
	v33 =	vmul.f32 v60, v47;
	[tilespmem:s21+$0xFFFFFE80] =	vst v8  }
0x43b: {  	v60 =	vld [tilespmem:s21+$0x80];
	[tilespmem:s21+$0xFFFFFE90] =	vst v29;
	v8 =	vbroadcast v56, $0x0;
	v29 =	vmul.f32 v7, v63  }
0x43c: {  	v7 =	vbroadcast v56, $0x1;
	v63 =	vld [tilespmem:s21+$0xFFFFFFF0];
	[tilespmem:s21+$0xFFFFFEA0] =	vst v6;
	v6 =	vbroadcast v56, $0x2  }
0x43d: {  	v16 =	vsel vm0, v28, v16;
	v37 =	vmul.f32 v24, v47;
	v28 =	vmul.f32 v61, v48;
	v61 =	vld [tilespmem:s21+$0x90];
	[tilespmem:s21+$0xFFFFFF50] =	vst v27  }
0x43e: {  	v44 =	vmul.f32 v30, v31;
	[tilespmem:s21+$0xFFFFFEC0] =	vst v29;
	v29 =	vmul.f32 v43, v45;
	v43 =	vld [tilespmem:s21+$0x50]  }
0x43f: {  	v31 =	vmul.f32 v57, v50;
	v27 =	vmul.f32 v36, v20;
	[tilespmem:s0+$0xFFFFFFD0] =	vst v16;
	v16 =	vld [tilespmem:s21+$0x40]  }
0x440: {  	[tilespmem:s21+$0xFFFFFF90] =	vst v54;
	v24 =	vmul.f32 v23, v51;
	v30 =	vmul.f32 v62, v38;
	v62 =	vld [tilespmem:s21+$0xA0]  }
0x441: {  	v4 =	vsel vm0, v39, v4;
	[tilespmem:s21+$0xFFFFFF60] =	vst v33;
	v33 =	vld [tilespmem:s21+$0xB0];
	v23 =	vmul.f32 v59, v53;
	v26 =	vmul.f32 v36, v58  }
0x442: {  	[tilespmem:s21+$0xFFFFFF00] =	vst v29;
	v29 =	vmul.f32 v21, v38;
	v32 =	vmul.f32 v63, v50;
	v63 =	vsel vm0, v18, v11;
	v18 =	vld [tilespmem:s21+$0xC0]  }
0x443: {  	v34 =	vld [tilespmem:s21+$0xD0];
	[tilespmem:s21+$0xFFFFFF70] =	vst v37;
	v21 =	vmul.f32 v51, v42;
	v11 =	vsel vm0, v19, v9;
	v19 =	vmul.f32 v55, v61  }
0x444: {  	v35 =	vld [tilespmem:s21+$0xE0];
	v3 =	vsel vm0, v56, v3;
	[tilespmem:s21+$0xFFFFFF80] =	vst v44;
	v22 =	vmul.f32 v43, v52;
	v20 =	vmul.f32 v16, v52  }
0x445: {  	s14 =	simm.s32 $0x8;
	s1 =	simm.s32 $0x163F0;
	s2 =	simm.s32 $0x172B0;
	v36 =	vld [tilespmem:s21+$0xF0];
	v9 =	vsel vm0, v49, v13;
	[tilespmem:s0+$0xFFFFFFE0] =	vst v63;
	v16 =	vmul.f32 v55, v60;
	v13 =	vmul.f32 v14, v62  }
.LBB2_11:
0x446: {  	v17 =	vld [tilespmem:s1+$0x30];
	[tilespmem:s21+$0xFFFFFFA0] =	vst v25;
	v25 =	vmul.f32 v33, v14  }
0x447: {  	v33 =	vld [tilespmem:s1+$0xFFFFFFD0];
	[tilespmem:s21+$0xFFFFFFB0] =	vst v28;
	v28 =	vmul.f32 v18, v12  }
0x448: {  	v37 =	vld [tilespmem:s1+$0xFFFFFFE0];
	[tilespmem:s21+$0xFFFFFFC0] =	vst v29;
	v29 =	vmul.f32 v34, v12  }
0x449: {  	v34 =	vld [tilespmem:s1+$0xFFFFFFF0];
	[tilespmem:s21+$0xFFFFFFD0] =	vst v30;
	v30 =	vmul.f32 v35, v10  }
0x44a: {  	v18 =	vld [tilespmem:s1+$0x0];
	[tilespmem:s21+$0xFFFFFFE0] =	vst v31;
	v10 =	vmul.f32 v36, v10  }
0x44b: {  	v14 =	vld [tilespmem:s1+$0x10];
	v31 =	vmul.f32 $2.000000030e-01, v17;
	[tilespmem:s21+$0xFFFFFFF0] =	vst v32  }
0x44c: {  	s14 =	sadd.s32 $0x8, s14;
	v32 =	vmul.f32 $2.000000030e-01, v33;
	v12 =	vld [tilespmem:s1+$0x20];
	[tilespmem:s0+$0xFFFFFFF0] =	vst v11  }
0x44d: {  	p1 =	slt.u32 s14, $0x48;
	v35 =	vld [tilespmem:s1+$0xFFFFFFC0];
	v11 =	vmul.f32 $2.000000030e-01, v37;
	v31 =	vmax.f32 v17, v31;
	[tilespmem:s21+$0x0] =	vst v26  }
0x44e: {  	v26 =	vmax.f32 v33, v32;
	v32 =	vmul.f32 $2.000000030e-01, v34;
	v31 =	vmul.f32 $1.442695020e+00, v31;
	[tilespmem:s21+$0x10] =	vst v27;
	v27 =	vld [tilespmem:s21+$0x100]  }
0x44f: {  	v26 =	vmul.f32 $1.442695020e+00, v26;
	v11 =	vmax.f32 v37, v11;
	v36 =	vmul.f32 $2.000000030e-01, v18;
	v38 =	vld [tilespmem:s21+$0x110]  }
0x450: {  	v32 =	vmax.f32 v34, v32;
	v39 =	vmul.f32 $2.000000030e-01, v14;
	(erf) = vpow2.f32 v31;
	[tilespmem:s21+$0x20] =	vst v21;
	v21 =	vld [tilespmem:s21+$0x120]  }
0x451: {  	v11 =	vmul.f32 $1.442695020e+00, v11;
	v31 =	vmax.f32 v18, v36;
	v36 =	vmul.f32 $2.000000030e-01, v12;
	[tilespmem:s21+$0x30] =	vst v24;
	v24 =	vld [tilespmem:s21+$0x130]  }
0x452: {  	v32 =	vmul.f32 $1.442695020e+00, v32;
	v40 =	vmul.f32 $2.000000030e-01, v35;
	v39 =	vmax.f32 v14, v39;
	[tilespmem:s21+$0x40] =	vst v20;
	v20 =	vld [tilespmem:s21+$0x140]  }
0x453: {  	v31 =	vmul.f32 $1.442695020e+00, v31;
	v39 =	vmul.f32 $1.442695020e+00, v39;
	v36 =	vmax.f32 v12, v36;
	[tilespmem:s21+$0x50] =	vst v22;
	v22 =	vld [tilespmem:s21+$0x150]  }
0x454: {  	v40 =	vmax.f32 v35, v40;
	v36 =	vmul.f32 $1.442695020e+00, v36;
	(erf) = vpow2.f32 v26;
	[tilespmem:s21+$0x60] =	vst v15;
	v26 =	vld [tilespmem:s21+$0x160]  }
0x455: {  	v40 =	vmul.f32 $1.442695020e+00, v40;
	(erf) = vpow2.f32 v11;
	[tilespmem:s21+$0x70] =	vst v23;
	v15 =	vld [tilespmem:s21+$0x170]  }
0x456: {  	v27 =	vmul.f32 v8, v27;
	s21 =	sadd.s32 $0x400, s21;
	(erf) = vpow2.f32 v32;
	[tilespmem:s0+$0x0] =	vst v9  }
0x457: {  	v8 =	vmul.f32 v8, v38;
	v9 =	vld [tilespmem:s21+$0x180];
	(erf) = vpow2.f32 v40;
	[tilespmem:s2+$0x80] =	vst v16  }
0x458: {  	v11 =	vld [tilespmem:s21+$0x190];
	(erf) = vpow2.f32 v31;
	[tilespmem:s2+$0x90] =	vst v19;
	v31 =	vmul.f32 v7, v21  }
0x459: {  	v7 =	vmul.f32 v24, v7;
	v19 =	vld [tilespmem:s21+$0x1A0];
	(erf) = vpow2.f32 v39;
	v23 =	vpop (erf);
	[tilespmem:s2+$0xA0] =	vst v13  }
0x45a: {  	v13 =	vbroadcast v23, $0x0;
	v21 =	vld [tilespmem:s21+$0x1B0];
	(erf) = vpow2.f32 v36;
	[tilespmem:s2+$0xB0] =	vst v25  }
0x45b: {  	v25 =	vmul.f32 v20, v6;
	v6 =	vmul.f32 v22, v6;
	v24 =	vld [tilespmem:s21+$0x1C0];
	[tilespmem:s2+$0xC0] =	vst v28  }
0x45c: {  	v20 =	vbroadcast v23, $0x1;
	v9 =	vmul.f32 v13, v9;
	v22 =	vld [tilespmem:s21+$0x1D0];
	[tilespmem:s2+$0xD0] =	vst v29  }
0x45d: {  	v26 =	vmul.f32 v26, v1;
	v11 =	vmul.f32 v13, v11;
	v28 =	vld [tilespmem:s21+$0x1E0];
	v29 =	vpop (erf);
	[tilespmem:s2+$0xE0] =	vst v30  }
0x45e: {  	v16 =	vsel vm0, v29, v33;
	[tilespmem:s21+$0x180] =	vst v9;
	v9 =	vmul.f32 v20, v19;
	v19 =	vbroadcast v23, $0x2;
	v30 =	vld [tilespmem:s21+$0x1F0];
	v32 =	vpop (erf)  }
0x45f: {  	v36 =	vbroadcast v29, $0x0;
	v33 =	vld [tilespmem:s21+$0xFFFFFE00];
	v13 =	vsel vm0, v32, v37;
	[tilespmem:s21+$0x190] =	vst v11;
	v20 =	vmul.f32 v21, v20;
	v37 =	vpop (erf)  }
0x460: {  	v38 =	vld [tilespmem:s21+$0xFFFFFE10];
	v11 =	vsel vm0, v37, v34;
	[tilespmem:s21+$0x1A0] =	vst v9;
	v44 =	vmul.f32 v24, v19;
	v34 =	vbroadcast v23, $0x3;
	v39 =	vpop (erf)  }
0x461: {  	v21 =	vsel vm0, v39, v35;
	v35 =	vbroadcast v39, $0x0;
	v40 =	vld [tilespmem:s21+$0xFFFFFE20];
	[tilespmem:s21+$0x1B0] =	vst v20;
	v19 =	vmul.f32 v22, v19;
	v41 =	vpop (erf)  }
0x462: {  	v42 =	vbroadcast v39, $0x1;
	v43 =	vld [tilespmem:s21+$0xFFFFFE30];
	v9 =	vsel vm0, v41, v18;
	[tilespmem:s21+$0x1C0] =	vst v44;
	v18 =	vmul.f32 v28, v34;
	v24 =	vpop (erf)  }
0x463: {  	v44 =	vbroadcast v39, $0x2;
	v28 =	vld [tilespmem:s21+$0xFFFFFE40];
	v14 =	vsel vm0, v24, v14;
	[tilespmem:s21+$0x1D0] =	vst v19;
	v19 =	vmul.f32 v30, v34;
	v30 =	vpop (erf)  }
0x464: {  	v45 =	vbroadcast v29, $0x1;
	v39 =	vbroadcast v39, $0x3;
	v34 =	vld [tilespmem:s21+$0xFFFFFE50];
	v46 =	vsel vm0, v30, v12;
	[tilespmem:s21+$0x1E0] =	vst v18  }
0x465: {  	v48 =	vbroadcast v29, $0x2;
	v29 =	vbroadcast v29, $0x3;
	v12 =	vsel vm0, v23, v17;
	v47 =	vld [tilespmem:s21+$0xFFFFFE60];
	[tilespmem:s21+$0x1F0] =	vst v19  }
0x466: {  	v50 =	vbroadcast v32, $0x0;
	v51 =	vbroadcast v32, $0x1;
	v49 =	vld [tilespmem:s21+$0xFFFFFE70];
	[tilespmem:s1+$0x30] =	vst v12  }
0x467: {  	v53 =	vbroadcast v32, $0x2;
	v32 =	vbroadcast v32, $0x3;
	v52 =	vld [tilespmem:s21+$0xFFFFFE80];
	[tilespmem:s2+$0xF0] =	vst v10  }
0x468: {  	v55 =	vbroadcast v37, $0x0;
	v56 =	vbroadcast v37, $0x1;
	v54 =	vld [tilespmem:s21+$0xFFFFFE90];
	[tilespmem:s0+$0x10] =	vst v4;
	v4 =	vmov v14  }
0x469: {  	v58 =	vbroadcast v37, $0x2;
	v23 =	vbroadcast v37, $0x3;
	v57 =	vld [tilespmem:s21+$0xFFFFFEA0];
	[tilespmem:s2+$0x100] =	vst v27  }
0x46a: {  	v22 =	vbroadcast v41, $0x0;
	v20 =	vbroadcast v41, $0x1;
	v27 =	vld [tilespmem:s21+$0xFFFFFEB0];
	[tilespmem:s2+$0x110] =	vst v8  }
0x46b: {  	v18 =	vbroadcast v41, $0x3;
	v19 =	vbroadcast v41, $0x2;
	v37 =	vld [tilespmem:s21+$0xFFFFFEC0];
	[tilespmem:s2+$0x120] =	vst v31  }
0x46c: {  	v17 =	vbroadcast v24, $0x0;
	v14 =	vbroadcast v24, $0x1;
	v31 =	vld [tilespmem:s21+$0xFFFFFED0];
	[tilespmem:s2+$0x130] =	vst v7  }
0x46d: {  	v12 =	vbroadcast v24, $0x2;
	v10 =	vbroadcast v24, $0x3;
	v41 =	vld [tilespmem:s21+$0xFFFFFEE0];
	[tilespmem:s2+$0x140] =	vst v25  }
0x46e: {  	v8 =	vbroadcast v30, $0x0;
	v7 =	vbroadcast v30, $0x1;
	v24 =	vld [tilespmem:s21+$0xFFFFFEF0];
	[tilespmem:s2+$0x150] =	vst v6  }
0x46f: {  	v6 =	vbroadcast v30, $0x2;
	v30 =	vbroadcast v30, $0x3;
	v25 =	vld [tilespmem:s21+$0xFFFFFF00];
	[tilespmem:s2+$0x160] =	vst v26  }
0x470: {  	v26 =	vmul.f32 v35, v33;
	v33 =	vmul.f32 v35, v38;
	v35 =	vld [tilespmem:s21+$0xFFFFFF10];
	[tilespmem:s24+$0x170] =	vst v5;
	s24 =	smov.u32 s2;
	s2 =	smov.u32 s21  }
0x471: {  	v38 =	vmul.f32 v43, v42;
	v5 =	vmul.f32 v42, v40;
	v40 =	vld [tilespmem:s21+$0xFFFFFF20];
	[tilespmem:s12+$0x20] =	vst v2;
	v2 =	vmovc v3;
	v3 =	vmov v46;
	s12 =	smov.u32 s0;
	s0 =	smov.u32 s1  }
0x472: {  	[tilespmem:s21+$0xFFFFFE00] =	vst v26;
	v26 =	vmul.f32 v28, v44;
	v28 =	vmul.f32 v34, v44;
	v34 =	vld [tilespmem:s21+$0xFFFFFF30]  }
0x473: {  	[tilespmem:s21+$0xFFFFFE10] =	vst v33;
	v33 =	vmul.f32 v47, v39;
	v39 =	vmul.f32 v49, v39;
	v42 =	vld [tilespmem:s21+$0xFFFFFF40]  }
0x474: {  	[tilespmem:s21+$0xFFFFFE20] =	vst v5;
	v5 =	vmul.f32 v36, v52;
	v36 =	vmul.f32 v36, v54;
	v43 =	vld [tilespmem:s21+$0xFFFFFF50]  }
0x475: {  	v27 =	vmul.f32 v27, v45;
	[tilespmem:s21+$0xFFFFFE30] =	vst v38;
	v38 =	vmul.f32 v45, v57;
	v44 =	vld [tilespmem:s21+$0xFFFFFF60]  }
0x476: {  	v31 =	vmul.f32 v31, v48;
	[tilespmem:s21+$0xFFFFFE40] =	vst v26;
	v26 =	vmul.f32 v37, v48;
	v37 =	vld [tilespmem:s21+$0xFFFFFF70]  }
0x477: {  	v41 =	vmul.f32 v41, v29;
	v24 =	vmul.f32 v24, v29;
	[tilespmem:s21+$0xFFFFFE50] =	vst v28;
	v28 =	vld [tilespmem:s21+$0xFFFFFF80]  }
0x478: {  	v35 =	vmul.f32 v50, v35;
	[tilespmem:s21+$0xFFFFFE60] =	vst v33;
	v33 =	vmul.f32 v50, v25;
	v25 =	vld [tilespmem:s21+$0xFFFFFF90]  }
0x479: {  	v34 =	vmul.f32 v34, v51;
	[tilespmem:s21+$0xFFFFFE70] =	vst v39;
	v39 =	vmul.f32 v51, v40;
	v29 =	vld [tilespmem:s21+$0xFFFFFFA0]  }
0x47a: {  	v40 =	vmul.f32 v42, v53;
	v42 =	vmul.f32 v43, v53;
	[tilespmem:s1+$0xFFFFFFC0] =	vst v21;
	v21 =	vld [tilespmem:s21+$0xFFFFFFB0]  }
0x47b: {  	v43 =	vmul.f32 v44, v32;
	[tilespmem:s21+$0xFFFFFE80] =	vst v5;
	v37 =	vmul.f32 v37, v32;
	v32 =	vld [tilespmem:s21+$0xFFFFFFC0]  }
0x47c: {  	v5 =	vmul.f32 v15, v1;
	v1 =	vmov v30;
	[tilespmem:s21+$0xFFFFFE90] =	vst v36;
	v36 =	vmul.f32 v55, v28;
	v44 =	vld [tilespmem:s21+$0xFFFFFFD0]  }
0x47d: {  	[tilespmem:s21+$0xFFFFFEA0] =	vst v38;
	v38 =	vmul.f32 v55, v25;
	v15 =	vld [tilespmem:s21+$0xFFFFFFE0]  }
0x47e: {  	[tilespmem:s21+$0xFFFFFEB0] =	vst v27;
	v25 =	vmul.f32 v56, v29;
	v27 =	vld [tilespmem:s21+$0xFFFFFFF0]  }
0x47f: {  	[tilespmem:s21+$0xFFFFFEC0] =	vst v26;
	v28 =	vmul.f32 v21, v56;
	v21 =	vld [tilespmem:s21+$0x0]  }
0x480: {  	[tilespmem:s21+$0xFFFFFED0] =	vst v31;
	v29 =	vmul.f32 v32, v58;
	v45 =	vld [tilespmem:s21+$0x10]  }
0x481: {  	[tilespmem:s21+$0xFFFFFEE0] =	vst v41;
	v30 =	vmul.f32 v44, v58;
	v41 =	vld [tilespmem:s21+$0x20]  }
0x482: {  	[tilespmem:s21+$0xFFFFFEF0] =	vst v24;
	v31 =	vmul.f32 v15, v23;
	v15 =	vld [tilespmem:s21+$0x30]  }
0x483: {  	[tilespmem:s1+$0xFFFFFFD0] =	vst v16;
	v32 =	vmul.f32 v27, v23;
	v16 =	vld [tilespmem:s21+$0x40]  }
0x484: {  	[tilespmem:s21+$0xFFFFFF00] =	vst v33;
	v26 =	vmul.f32 v22, v21;
	v23 =	vld [tilespmem:s21+$0x50]  }
0x485: {  	[tilespmem:s21+$0xFFFFFF10] =	vst v35;
	v27 =	vmul.f32 v22, v45;
	v33 =	vld [tilespmem:s21+$0x60]  }
0x486: {  	[tilespmem:s21+$0xFFFFFF20] =	vst v39;
	v21 =	vmul.f32 v20, v41;
	v35 =	vld [tilespmem:s21+$0x70]  }
0x487: {  	[tilespmem:s21+$0xFFFFFF30] =	vst v34;
	v24 =	vmul.f32 v15, v20;
	v34 =	vld [tilespmem:s21+$0x80]  }
0x488: {  	[tilespmem:s21+$0xFFFFFF40] =	vst v40;
	v20 =	vmul.f32 v16, v19;
	v39 =	vld [tilespmem:s21+$0x90]  }
0x489: {  	[tilespmem:s21+$0xFFFFFF50] =	vst v42;
	v22 =	vmul.f32 v23, v19;
	v40 =	vld [tilespmem:s21+$0xA0]  }
.Ltmp5:
0x48a: {  	[tilespmem:s21+$0xFFFFFF60] =	vst v43;
	v15 =	vmul.f32 v33, v18;
	v33 =	vld [tilespmem:s21+$0xB0];
	(pc) =	sbr.rel @p1 .LBB2_11-.Ltmp5, $4  }
0x48b: {  	[tilespmem:s21+$0xFFFFFF70] =	vst v37;
	v23 =	vmul.f32 v35, v18;
	v18 =	vld [tilespmem:s21+$0xC0]  }
0x48c: {  	[tilespmem:s1+$0xFFFFFFE0] =	vst v13;
	v16 =	vmul.f32 v17, v34;
	v34 =	vld [tilespmem:s21+$0xD0]  }
0x48d: {  	[tilespmem:s21+$0xFFFFFF80] =	vst v36;
	v19 =	vmul.f32 v17, v39;
	v35 =	vld [tilespmem:s21+$0xE0]  }
0x48e: {  	s1 =	sadd.s32 $0x80, s1;
	[tilespmem:s21+$0xFFFFFF90] =	vst v38;
	v13 =	vmul.f32 v14, v40;
	v36 =	vld [tilespmem:s21+$0xF0]  }
0x48f: {  	[tilespmem:s21+$0xFFFFFFA0] =	vst v25  }
0x490: {  	[tilespmem:s21+$0xFFFFFFB0] =	vst v28  }
0x491: {  	[tilespmem:s21+$0xFFFFFFC0] =	vst v29  }
0x492: {  	[tilespmem:s21+$0xFFFFFFD0] =	vst v30  }
0x493: {  	[tilespmem:s21+$0xFFFFFFE0] =	vst v31  }
0x494: {  	[tilespmem:s21+$0xFFFFFFF0] =	vst v32  }
0x495: {  	[tilespmem:s21+$0x0] =	vst v26  }
0x496: {  	[tilespmem:s21+$0x10] =	vst v27  }
0x497: {  	[tilespmem:s21+$0x20] =	vst v21  }
0x498: {  	[tilespmem:s21+$0x30] =	vst v24  }
0x499: {  	[tilespmem:s21+$0x40] =	vst v20  }
0x49a: {  	[tilespmem:s21+$0x50] =	vst v22  }
0x49b: {  	[tilespmem:s21+$0x60] =	vst v15  }
0x49c: {  	[tilespmem:s21+$0x70] =	vst v23  }
0x49d: {  	[tilespmem:s2+$0x80] =	vst v16  }
0x49e: {  	[tilespmem:s2+$0x90] =	vst v19  }
0x49f: {  	[tilespmem:s24+$0x170] =	vst v5  }
0x4a0: {  	[tilespmem:s0+$0xFFFFFFF0] =	vst v11  }
0x4a1: {  	[tilespmem:s0+$0x0] =	vst v9  }
0x4a2: {  	v45 =	vmul.f32 v33, v14;
	[tilespmem:s2+$0xA0] =	vst v13  }
0x4a3: {  	v46 =	vld [tilespmem:s21+$0x100];
	v47 =	vmul.f32 v18, v12;
	[tilespmem:s12+$0x20] =	vst v2  }
0x4a4: {  	v48 =	vld [tilespmem:s21+$0x110];
	v49 =	vmul.f32 v34, v12;
	[tilespmem:s2+$0xB0] =	vst v45  }
0x4a5: {  	v50 =	vld [tilespmem:s21+$0x120];
	v51 =	vmul.f32 v35, v10;
	[tilespmem:s2+$0xC0] =	vst v47  }
0x4a6: {  	v52 =	vld [tilespmem:s21+$0x130];
	v53 =	vmul.f32 v36, v10;
	[tilespmem:s2+$0xD0] =	vst v49  }
0x4a7: {  	v54 =	vld [tilespmem:s21+$0x140];
	[tilespmem:s2+$0xE0] =	vst v51  }
0x4a8: {  	v55 =	vld [tilespmem:s21+$0x150];
	v11 =	vmul.f32 v8, v46;
	[tilespmem:s2+$0xF0] =	vst v53  }
0x4a9: {  	v56 =	vld [tilespmem:s21+$0x160];
	v58 =	vmul.f32 v8, v48;
	[tilespmem:s0+$0x10] =	vst v4  }
0x4aa: {  	v57 =	vld [tilespmem:s21+$0x170];
	v59 =	vmul.f32 v7, v50;
	[tilespmem:s2+$0x100] =	vst v11  }
0x4ab: {  	v60 =	vmul.f32 v52, v7;
	[tilespmem:s2+$0x110] =	vst v58  }
0x4ac: {  	v61 =	vmul.f32 v54, v6;
	[tilespmem:s2+$0x120] =	vst v59  }
0x4ad: {  	v62 =	vmul.f32 v55, v6;
	[tilespmem:s2+$0x130] =	vst v60  }
0x4ae: {  	v63 =	vmul.f32 v56, v1;
	[tilespmem:s2+$0x140] =	vst v61  }
0x4af: {  	v1 =	vmul.f32 v57, v1;
	[tilespmem:s2+$0x150] =	vst v62  }
0x4b0: {  	[tilespmem:s2+$0x160] =	vst v63  }
0x4b1: {  	[tilespmem:s2+$0x170] =	vst v1  }
0x4b2: {  	[tilespmem:s0+$0x20] =	vst v3  }
0x4b3: {  	[spmem:s4] =	stream.indirect.scatter.add.f32 [tilespmem:s22], [sflag:$0x5], $0x10, s10, s31, $0xb8;
	[tilespmem:$0x1BCB0] =	vst v63  }
0x4b4: {  	_ = 	snop  }
0x4b5: {  	[spmem:s3] =	stream.indirect.scatter.add.f32 [tilespmem:s20], [sflag:$0x5], $0x80, s10, s31, $0xb8;
	[tilespmem:$0x1BCB0] =	vst v63  }
0x4b6: {  	_ =	swait.ge [sflag:s11], $0x500  }
0x4b7: {  	[sflag:s11] =	ssyncset.done $0x0  }
0x4b8: {  	[sflag:s11] =	ssyncadd.s32 $0xFFFFFB00  }
0x4b9: {  	_ =	swait.ge [sflag:s11], $0x2800  }
0x4ba: {  	[sflag:s11] =	ssyncset.done $0x0  }
0x4bb: {  	[sflag:s11] =	ssyncadd.s32 $0xFFFFD800  }
0x4bc: {  	_ =	swait.ge [sflag:s28], $0x500  }
0x4bd: {  	[sflag:s28] =	ssyncset.done $0x0  }
0x4be: {  	[sflag:s28] =	ssyncadd.s32 $0xFFFFFB00  }
0x4bf: {  	_ =	swait.ge [sflag:s28], $0x2800  }
0x4c0: {  	[sflag:s28] =	ssyncset.done $0x0  }
0x4c1: {  	[sflag:s28] =	ssyncadd.s32 $0xFFFFD800  }
0x4c2: {  	s2 =	stileid.u32;
	[bflag:$0x0] =	sbarrier.arrive $0xFFFF  }
0x4c3: {  	s29 =	simm.s32 $0x7;
	s0 =	sshll.u32 s2, $0x6;
	s21 =	rddreg [dreg:$0x6]  }
0x4c4: {  	s0 =	sor.u32 $0x1C07, s0;
	s12 =	rddreg [dreg:$0xb];
	s1 =	sshrl.u32 s21, $0x3  }
0x4c5: {  	[hbm:s12], [sflag:s0] =	dma.local [spmem:s1], $0x2700  }
0x4c6: {  	_ =	swait.ge [sflag:s29], $0x2700  }
0x4c7: {  	[sflag:s29] =	ssyncset.done $0x0;
	s24 =	rddreg [dreg:$0x7]  }
0x4c8: {  	s25 =	rddreg [dreg:$0xe];
	[sflag:s29] =	ssyncadd.s32 $0xFFFFD900;
	s14 =	sshrl.u32 s24, $0x3  }
0x4c9: {  	[hbm:s25], [sflag:s0] =	dma.local [spmem:s14], $0x4E0  }
0x4ca: {  	_ =	swait.ge [sflag:s29], $0x4E0  }
0x4cb: {  	s14 =	sld [smem:$0x7FC];
	_ =	sdelay $0x1  }
0x4cc: {  	[sflag:s29] =	ssyncset.done $0x0  }
0x4cd: {  	s2 =	rddreg [dreg:$0x1f];
	[sflag:s29] =	ssyncadd.s32 $0xFFFFFB20;
	s1 =	sshrl.u32 @!p0 s14, $0x3  }
0x4ce: {  	[hbm:s2], [sflag:s0] =	dma.local @!p0 [spmem:s1], $0x100  }
0x4cf: {  	s1 =	simm.s32 @!p0 $0x7  }
0x4d0: {  	_ =	swait.ge @!p0 [sflag:s1], $0x100  }
0x4d1: {  	s25 =	sld [smem:$0x7FD]  }
0x4d2: {  	s12 =	sld [smem:$0x7FA]  }
0x4d3: {  	[sflag:s1] =	ssyncset.done @!p0 $0x0  }
0x4d4: {  	[sflag:s1] =	ssyncadd.s32 @!p0 $0xFFFFFF00;
	s2 =	sshrl.u32 @!p0 s25, $0x3  }
0x4d5: {  	[hbm:s12], [sflag:s0] =	dma.local @!p0 [spmem:s2], $0x20  }
0x4d6: {  	_ =	swait.ge @!p0 [sflag:s1], $0x20  }
0x4d7: {  	s0 =	sld [smem:$0x7F9]  }
0x4d8: {  	s12 =	sld [smem:$0x7FB];
	_ =	sdelay $0x1  }
0x4d9: {  	s2 =	sadd.s32 $0x1, s0  }
0x4da: {  	p1 =	sne.s32 s2, s12  }
.Ltmp6:
0x4db: {  	_ = 	snop;
	(pc) =	sbr.rel @p1 .LBB2_1-.Ltmp6, $3  }
0x4dc: {  	_ =	sdelay $0x1  }
0x4dd: {  	[sflag:s1] =	ssyncset.done @!p0 $0x0  }
0x4de: {  	[sflag:s1] =	ssyncadd.s32 @!p0 $0xFFFFFFE0  }
0x4df: {  	_ =	sfence.sel $0x180000  }
0x4e0: {  	[bflag:$0x0] =	sbarrier.arrive $0xFFFF  }
0x4e1: {  	_ =	strace $0x90000047  }
0x4e2: {  	[bflag:$0x2] =	sbarrier.arrive $0xFFFF  }
0x4e3: {  	s0 =	rddreg [dreg:$0x5]  }
0x4e4: {  	s0 =	sadd.s32 @!p0 $0x100000, s0  }
0x4e5: {  	[sflag:s0] =	ssyncadd.tile.s32 @!p0 $0x1;
	_ =	shalt  }
.Lfunc_end2:
_tile_overlayer_lowered:
.L_overlay_start_2:
0x4e6: {  	(tag) =	ssettag $0x2  }
0x4e7: {  	s0 =	rddreg [dreg:$0x0];
	s2 =	stileid.u32  }
0x4e8: {  	s1 =	rddreg [dreg:$0x1];
	p0 =	sne.s32 s2, $0x0  }
0x4e9: {  	s3 =	rddreg [dreg:$0x2];
	[bflag:$0x3] =	sbarrier.arrive $0xFFFF;
	s2 =	simm.s32 @!p0 $0x1C07  }
0x4ea: {  	[timem:s3], [sflag:s2] =	dma.local @!p0 [hbm:s0], s1  }
0x4eb: {  	s0 =	simm.s32 @!p0 $0x7  }
0x4ec: {  	_ =	swait.ge @!p0 [sflag:s0], s1  }
0x4ed: {  	s1 =	ssub.s32 @!p0 $0x0, s1;
	[sflag:s0] =	ssyncset.done @!p0 $0x0  }
0x4ee: {  	[sflag:s0] =	ssyncadd.s32 @!p0 s1  }
0x4ef: {  	[bflag:$0x3] =	sbarrier.arrive $0xFFFF  }
0x4f0: {  	_ =	shalt  }

</sc_bundles>
